<compile_context>
chip_gen: v7x
topology: tpu7x:2x2x1
jax: 0.10.2.dev20260603
libtpu: 0.0.44.dev20260713+nightly
codegen_flags: <defaults>
</compile_context>

<pallas_src>
import functools

import jax
import jax.numpy as jnp
from jax import lax
from jax.experimental import pallas as pl
from jax.experimental.pallas import tpu as pltpu
from jax.experimental.pallas import tpu_sc as plsc

N_TILES = 64
HGRID = 8
CIN = 768
COUT = 768
B_TOKENS = 8192
A_SCALE = 16.0
A_BIAS = 0.5

R = 128
NBLK = 128
NSUP = NBLK // 2
PB = NBLK * R
DCH = 128

NC = 2
NS = 16
NW = NC * NS
TOK_W = B_TOKENS // NW
NVEC = TOK_W // 16

_MESH = plsc.VectorSubcoreMesh(core_axis_name="c", subcore_axis_name="s",
                               num_cores=NC, num_subcores=NS)
_SC_PARAMS = pltpu.CompilerParams(needs_layout_passes=False)


def _worker_id():
    return lax.axis_index("s") * NC + lax.axis_index("c")


def _floor_i32(v):
    t = v.astype(jnp.int32)
    return jnp.where(t.astype(jnp.float32) > v, t - 1, t)



@functools.partial(
    pl.kernel,
    out_type=(
        jax.ShapeDtypeStruct((B_TOKENS,), jnp.int32),
        jax.ShapeDtypeStruct((B_TOKENS,), jnp.int32),
        jax.ShapeDtypeStruct((NW, N_TILES), jnp.int32),
    ),
    mesh=_MESH,
    compiler_params=_SC_PARAMS,
    scratch_types=(
        pltpu.VMEM((TOK_W, 2), jnp.float32),
        pltpu.VMEM((TOK_W,), jnp.int32),
        pltpu.VMEM((TOK_W,), jnp.int32),
        pltpu.VMEM((N_TILES,), jnp.int32),
    ),
)
def _route(coords, tiles_h, ranks_h, lcounts_h, cc_v, tl_v, rk_v, cnt_v):
    w = _worker_id()
    base = w * TOK_W
    pltpu.sync_copy(coords.at[pl.ds(base, TOK_W)], cc_v)
    for c in range(N_TILES // 16):
        cnt_v[pl.ds(c * 16, 16)] = jnp.zeros((16,), jnp.int32)

    lane = lax.iota(jnp.int32, 16)
    zeros16 = jnp.zeros((16,), jnp.int32)

    def body(k, _):
        sl = pl.ds(k * 16, 16)
        tok = lane + k * 16
        cx = plsc.load_gather(cc_v, [tok, zeros16])
        cy = plsc.load_gather(cc_v, [tok, zeros16 + 1])
        mx = _floor_i32(cx * A_SCALE + A_BIAS) & (HGRID - 1)
        my = _floor_i32(cy * A_SCALE + A_BIAS) & (HGRID - 1)
        tile = mx * HGRID + my
        old = plsc.load_gather(cnt_v, [tile])
        rank = jnp.zeros((16,), jnp.int32)
        total = jnp.zeros((16,), jnp.int32)
        for l in range(16):
            tl = jnp.sum(jnp.where(lane == l, tile, 0))
            eq = tile == tl
            rank = rank + jnp.where(eq & (lane > l), 1, 0)
            total = total + jnp.where(eq, 1, 0)
        tl_v[sl] = tile
        rk_v[sl] = old + rank
        plsc.store_scatter(cnt_v, [tile], old + total)
        return 0

    lax.fori_loop(0, NVEC, body, 0)
    pltpu.sync_copy(tl_v, tiles_h.at[pl.ds(base, TOK_W)])
    pltpu.sync_copy(rk_v, ranks_h.at[pl.ds(base, TOK_W)])
    pltpu.sync_copy(cnt_v, lcounts_h.at[w])



@functools.partial(
    pl.kernel,
    out_type=(
        jax.ShapeDtypeStruct((PB, CIN), jnp.float32),
        jax.ShapeDtypeStruct((NW * 2, DCH), jnp.int32),
        jax.ShapeDtypeStruct((3, NBLK), jnp.int32),
    ),
    mesh=_MESH,
    compiler_params=_SC_PARAMS,
    scratch_types=(
        pltpu.VMEM((NW, N_TILES), jnp.int32),
        pltpu.VMEM((N_TILES,), jnp.int32),
        pltpu.VMEM((TOK_W,), jnp.int32),
        pltpu.VMEM((TOK_W,), jnp.int32),
        pltpu.VMEM((2, DCH), jnp.int32),
        pltpu.VMEM((NBLK,), jnp.int32),
        pltpu.VMEM((3, NBLK), jnp.int32),
        pltpu.VMEM((DCH, CIN), jnp.float32),
        pltpu.SemaphoreType.DMA,
    ),
)
def _dispatch(in_feats, tiles_h, ranks_h, lcounts_h,
              xpad_h, pos_h, meta_h,
              lc_v, base_v, tl_v, rk_v, pos_v, tm_v, meta_v, xb_v, sem):
    w = _worker_id()
    base = w * TOK_W
    pltpu.sync_copy(lcounts_h, lc_v)
    pltpu.sync_copy(tiles_h.at[pl.ds(base, TOK_W)], tl_v)
    pltpu.sync_copy(ranks_h.at[pl.ds(base, TOK_W)], rk_v)

    lane = lax.iota(jnp.int32, 16)
    for c in range(NBLK // 16):
        tm_v[pl.ds(c * 16, 16)] = jnp.zeros((16,), jnp.int32)
    used = jnp.int32(0)
    carry = jnp.int32(0)
    for c in range(N_TILES // 16):
        sl = pl.ds(c * 16, 16)

        def red(wp, acc):
            tot, pre = acc
            v = lc_v[wp, sl]
            tot = tot + v
            pre = pre + jnp.where(wp < w, v, 0)
            return (tot, pre)

        tot, pre = lax.fori_loop(
            0, NW, red, (jnp.zeros((16,), jnp.int32), jnp.zeros((16,), jnp.int32)))
        nb = (tot + (R - 1)) // R
        bstart = jnp.cumsum(nb) - nb + carry
        carry = carry + jnp.sum(nb)
        base_v[sl] = bstart * R + pre
        tvec = lane + c * 16
        plsc.store_scatter(tm_v, [jnp.minimum(bstart, NBLK - 1)],
                           tvec, mask=nb > 0)
        used = used + jnp.sum(nb)

    for k in range(NVEC):
        sl = pl.ds((k % (NVEC // 2)) * 16, 16)
        t = tl_v[pl.ds(k * 16, 16)]
        p = plsc.load_gather(base_v, [t]) + rk_v[pl.ds(k * 16, 16)]
        pos_v[k // (NVEC // 2), sl] = p

    for c in range(2):
        pltpu.sync_copy(in_feats.at[pl.ds(base + c * DCH, DCH)], xb_v)
        pltpu.async_copy(xb_v, xpad_h.at[pos_v.at[c]], sem).wait()
        pltpu.sync_copy(pos_v.at[c], pos_h.at[w * 2 + c])

    @pl.when(w == 0)
    def _():
        cmax = jnp.int32(0)
        for c in range(NBLK // 16):
            sl = pl.ds(c * 16, 16)
            v = jnp.maximum(plsc.cummax(tm_v[sl]), cmax)
            meta_v[0, sl] = v
            tm_v[sl] = v
            cmax = jnp.max(v)
        for c in range(NSUP // 16):
            sl = pl.ds(c * 16, 16)
            blk = lane + c * 16
            meta_v[1, sl] = jnp.where(2 * blk < used, blk, NSUP - 1)
        fcarry = jnp.int32(0)
        for c in range(NBLK // 16):
            sl = pl.ds(c * 16, 16)
            blk = lane + c * 16
            cur = tm_v[sl]
            prev = plsc.load_gather(tm_v, [jnp.maximum(blk - 1, 0)])
            diff = jnp.where((cur != prev) & (blk > 0), 1, 0)
            fid = jnp.cumsum(diff) + fcarry
            meta_v[2, sl] = fid
            fcarry = jnp.max(fid)
        pltpu.sync_copy(meta_v, meta_h)



NSLOT = 6


def _matmul_body(meta_ref, x_ref, w_hbm, b_ref, o_ref, wbuf, sems):
    i = pl.program_id(0)
    fa = meta_ref[2, 2 * i]
    fb = meta_ref[2, 2 * i + 1]
    sa = lax.rem(fa, NSLOT)
    sb = lax.rem(fb, NSLOT)

    def start_fetch(j):
        fj = meta_ref[2, j]
        s = lax.rem(fj, NSLOT)
        pltpu.make_async_copy(
            w_hbm.at[meta_ref[0, j]], wbuf.at[s], sems.at[s]).start()

    @pl.when(i == 0)
    def _():
        start_fetch(0)
        for j in range(1, 6):
            @pl.when(meta_ref[2, j] > meta_ref[2, j - 1])
            def _(j=j):
                start_fetch(j)

    @pl.when((i > 0) & (i + 2 < NSUP))
    def _():
        for jj in (2 * i + 4, 2 * i + 5):
            @pl.when(meta_ref[2, jj] > meta_ref[2, jj - 1])
            def _(jj=jj):
                start_fetch(jj)

    prev_f = meta_ref[2, jnp.maximum(2 * i - 1, 0)]

    @pl.when((i == 0) | (fa > prev_f))
    def _():
        pltpu.make_async_copy(
            w_hbm.at[meta_ref[0, 2 * i]], wbuf.at[sa], sems.at[sa]).wait()

    @pl.when(fb > fa)
    def _():
        pltpu.make_async_copy(
            w_hbm.at[meta_ref[0, 2 * i + 1]], wbuf.at[sb], sems.at[sb]).wait()

    x = x_ref[...]
    b = b_ref[...]
    dn = (((1,), (1,)), ((), ()))

    @pl.when(fa == fb)
    def _():
        acc = lax.dot_general(x, wbuf[sa], dn,
                              preferred_element_type=jnp.float32) + b
        o_ref[...] = jnp.where(acc >= 0, acc, 0.2 * acc)

    @pl.when(fa != fb)
    def _():
        a0 = lax.dot_general(x[:R], wbuf[sa], dn,
                             preferred_element_type=jnp.float32) + b
        o_ref[:R, :] = jnp.where(a0 >= 0, a0, 0.2 * a0)
        a1 = lax.dot_general(x[R:], wbuf[sb], dn,
                             preferred_element_type=jnp.float32) + b
        o_ref[R:, :] = jnp.where(a1 >= 0, a1, 0.2 * a1)


def _grouped_matmul(meta, x_padded, W, bias2d):
    grid_spec = pltpu.PrefetchScalarGridSpec(
        num_scalar_prefetch=1,
        grid=(NSUP,),
        in_specs=[
            pl.BlockSpec((2 * R, CIN), lambda i, m: (m[1, i], 0)),
            pl.BlockSpec(memory_space=pl.ANY),
            pl.BlockSpec((1, COUT), lambda i, m: (0, 0)),
        ],
        out_specs=pl.BlockSpec((2 * R, COUT), lambda i, m: (m[1, i], 0)),
        scratch_shapes=[
            pltpu.VMEM((NSLOT, COUT, CIN), jnp.float32),
            pltpu.SemaphoreType.DMA((NSLOT,)),
        ],
    )
    return pl.pallas_call(
        _matmul_body,
        grid_spec=grid_spec,
        out_shape=jax.ShapeDtypeStruct((PB, COUT), jnp.float32),
    )(meta, x_padded, W, bias2d)



@functools.partial(
    pl.kernel,
    out_type=jax.ShapeDtypeStruct((B_TOKENS, COUT), jnp.float32),
    mesh=_MESH,
    compiler_params=_SC_PARAMS,
    scratch_types=(
        pltpu.VMEM((2, DCH), jnp.int32),
        pltpu.VMEM((DCH, COUT), jnp.float32),
        pltpu.SemaphoreType.DMA,
    ),
)
def _unpermute(opad_h, pos_h, out_h, pos_v, ob_v, sem):
    w = _worker_id()
    pltpu.sync_copy(pos_h.at[pl.ds(w * 2, 2)], pos_v)
    for c in range(2):
        pltpu.async_copy(opad_h.at[pos_v.at[c]], ob_v, sem).wait()
        pltpu.sync_copy(ob_v, out_h.at[pl.ds(w * TOK_W + c * DCH, DCH)])


def kernel(in_feats, in_coords, W, bias):
    tiles_h, ranks_h, lcounts_h = _route(in_coords)
    x_padded, pos_h, meta = _dispatch(in_feats, tiles_h, ranks_h, lcounts_h)
    out_padded = _grouped_matmul(meta, x_padded, W, bias.reshape(1, COUT))
    return _unpermute(out_padded, pos_h)

# --- scband reference (transcript-rebuilt; emitter-appended) ---
"""Pipeline reference for scband-positional-dependent-layer-26156350832796 (READ-ONLY COPY).

The authoritative reference and input builder live on the scoring server;
editing this copy changes nothing except your own understanding.
"""

import jax, jax.numpy as jnp
import numpy as np
import math

N = 64
H = 8  # int(sqrt(N))
CIN = 768
COUT = 768
B = 8192
LAYER_NUM = 5  # == hidden_layers + 1, so forward returns a single tensor


def setup_inputs(seed: int = 0) -> dict:
    key = jax.random.key(seed)
    k1, k2, k3 = jax.random.split(key, 3)
    in_feats = jax.random.normal(k1, (B, CIN), dtype=jnp.float32)
    in_coords = jax.random.normal(k2, (B, 2), dtype=jnp.float32)
    # kaiming_uniform-like init for each of the N weight tiles (Cout, Cin)
    bound = math.sqrt(6.0 / CIN)
    W = jax.random.uniform(k3, (N, COUT, CIN), dtype=jnp.float32, minval=-bound, maxval=bound)
    bias = jnp.zeros((COUT,), dtype=jnp.float32)
    return {"in_feats": in_feats, "in_coords": in_coords, "W": W, "bias": bias}


def _tile_ids(in_coords):
    # gray_code arrangement, layer_num > 1: _A = 2**(layer_num-1), _b = 0.5
    A = 2 ** (LAYER_NUM - 1)
    b = 0.5
    aff = in_coords * A + b
    x = jnp.floor(aff[:, 0]).astype(jnp.int32) % H
    y = jnp.floor(aff[:, 1]).astype(jnp.int32) % H
    return H * x + y  # [B]


def reference(in_feats, in_coords, W, bias):
    # positional_dependent_linear_1d: per-token tile-indexed linear.
    # torch loops over tiles with masked_select/masked_scatter_; the math is
    # out[b] = W[tile_id[b]] @ in_feats[b] + bias, implemented as a SparseCore-
    # friendly gather of weight tiles followed by batched matvec.
    tile = _tile_ids(in_coords)                     # int32[B], constant w.r.t. grads
    W_sel = jnp.take(W, tile, axis=0)               # gather -> [B, Cout, Cin]
    out = jnp.einsum('boi,bi->bo', W_sel, in_feats) + bias
    # LeakyReLU(negative_slope=0.2)
    out = jnp.where(out >= 0, out, 0.2 * out)
    # layer_num == total_hidden_layers + 1 -> return output only
    return out

if __name__ == "__main__":
    import jax
    _d = setup_inputs()
    print(jax.jit(kernel)(*tuple(_d.values())))

</pallas_src>

<mosaic_0001>
#map = affine_map<(d0, d1) -> (0, 0)>
#map1 = affine_map<(d0, d1) -> (0)>
module attributes {stable_mosaic.version = 14 : i64} {
  func.func @_route(%arg0: i32, %arg1: i32, %arg2: memref<8192x2xf32, #tpu.memory_space<hbm>>, %arg3: memref<8192xi32, #tpu.memory_space<hbm>>, %arg4: memref<8192xi32, #tpu.memory_space<hbm>>, %arg5: memref<32x64xi32, #tpu.memory_space<hbm>>, %arg6: memref<256x2xf32, #tpu.memory_space<vmem>>, %arg7: memref<256xi32, #tpu.memory_space<vmem>>, %arg8: memref<256xi32, #tpu.memory_space<vmem>>, %arg9: memref<64xi32, #tpu.memory_space<vmem>>) attributes {dimension_semantics = [#tpu.dimension_semantics<core_parallel>, #tpu.dimension_semantics<subcore_parallel>], iteration_bounds = array<i64: 2, 16>, scalar_prefetch = 0 : i64, scratch_operands = 4 : i64, tpu.core_type = #tpu.core_type<sc_vector_subcore>, window_params = [{transform_indices = #map}, {transform_indices = #map1}, {transform_indices = #map1}, {transform_indices = #map}]} {
    %mul3A = arith.constant 2 : i32
    %mul3A_0 = arith.muli %arg1, %mul3A : i32
    %add3A = arith.addi %mul3A_0, %arg0 : i32
    %mul3A_1 = arith.constant 256 : i32
    %mul3A_2 = arith.muli %add3A, %mul3A_1 : i32
    "tpu.region"() ({
      %run_scoped3A = tpu.sem_alloc : memref<!tpu.dma_semaphore, #tpu.memory_space<semaphore_mem>>
      %dma_start3A = arith.constant 0 : i32
      %dma_start3A_25 = tpu.memref_slice %arg2[%mul3A_2, %dma_start3A] : memref<8192x2xf32, #tpu.memory_space<hbm>> -> memref<256x2xf32, #tpu.memory_space<hbm>>
      %dma_start3A_26 = arith.constant 0 : i32
      %dma_start3A_27 = tpu.memref_slice %arg2[%mul3A_2, %dma_start3A_26] : memref<8192x2xf32, #tpu.memory_space<hbm>> -> memref<256x2xf32, #tpu.memory_space<hbm>>
      tpu.enqueue_dma source(%dma_start3A_27 : memref<256x2xf32, #tpu.memory_space<hbm>>) target(%arg6 : memref<256x2xf32, #tpu.memory_space<vmem>>) target_semaphore(%run_scoped3A : memref<!tpu.dma_semaphore, #tpu.memory_space<semaphore_mem>>)
      %dma_wait3A = arith.constant 0 : i32
      %dma_wait3A_28 = tpu.memref_slice %arg2[%mul3A_2, %dma_wait3A] : memref<8192x2xf32, #tpu.memory_space<hbm>> -> memref<256x2xf32, #tpu.memory_space<hbm>>
      %dma_wait3A_29 = arith.constant 0 : i32
      %dma_wait3A_30 = tpu.memref_slice %arg2[%mul3A_2, %dma_wait3A_29] : memref<8192x2xf32, #tpu.memory_space<hbm>> -> memref<256x2xf32, #tpu.memory_space<hbm>>
      tpu.wait_dma2 semaphore(%run_scoped3A : memref<!tpu.dma_semaphore, #tpu.memory_space<semaphore_mem>>) src(%dma_wait3A_30 : memref<256x2xf32, #tpu.memory_space<hbm>>) dst(%arg6 : memref<256x2xf32, #tpu.memory_space<vmem>>)
      tpu.yield
    }) : () -> ()
    %broadcast_in_dim3A = arith.constant 0 : i32
    %broadcast_in_dim3A_3 = vector.broadcast %broadcast_in_dim3A : i32 to vector<16xi32>
    %swap3A = arith.constant 0 : index
    %swap3A_4 = tpu.vector_load %arg9[%swap3A] {strides = array<i32>} : memref<64xi32, #tpu.memory_space<vmem>>, vector<16xi32>,
    tpu.vector_store %arg9[%swap3A], %broadcast_in_dim3A_3 {strides = array<i32>} : memref<64xi32, #tpu.memory_space<vmem>>, vector<16xi32>,
    %broadcast_in_dim3A_5 = arith.constant 0 : i32
    %broadcast_in_dim3A_6 = vector.broadcast %broadcast_in_dim3A_5 : i32 to vector<16xi32>
    %swap3A_7 = arith.constant 16 : index
    %swap3A_8 = tpu.vector_load %arg9[%swap3A_7] {strides = array<i32>} : memref<64xi32, #tpu.memory_space<vmem>>, vector<16xi32>,
    tpu.vector_store %arg9[%swap3A_7], %broadcast_in_dim3A_6 {strides = array<i32>} : memref<64xi32, #tpu.memory_space<vmem>>, vector<16xi32>,
    %broadcast_in_dim3A_9 = arith.constant 0 : i32
    %broadcast_in_dim3A_10 = vector.broadcast %broadcast_in_dim3A_9 : i32 to vector<16xi32>
    %swap3A_11 = arith.constant 32 : index
    %swap3A_12 = tpu.vector_load %arg9[%swap3A_11] {strides = array<i32>} : memref<64xi32, #tpu.memory_space<vmem>>, vector<16xi32>,
    tpu.vector_store %arg9[%swap3A_11], %broadcast_in_dim3A_10 {strides = array<i32>} : memref<64xi32, #tpu.memory_space<vmem>>, vector<16xi32>,
    %broadcast_in_dim3A_13 = arith.constant 0 : i32
    %broadcast_in_dim3A_14 = vector.broadcast %broadcast_in_dim3A_13 : i32 to vector<16xi32>
    %swap3A_15 = arith.constant 48 : index
    %swap3A_16 = tpu.vector_load %arg9[%swap3A_15] {strides = array<i32>} : memref<64xi32, #tpu.memory_space<vmem>>, vector<16xi32>,
    tpu.vector_store %arg9[%swap3A_15], %broadcast_in_dim3A_14 {strides = array<i32>} : memref<64xi32, #tpu.memory_space<vmem>>, vector<16xi32>,
    %iota3A = tpu.iota {dimensions = array<i32: 0>} : vector<16xi32>
    %broadcast_in_dim3A_17 = arith.constant 0 : i32
    %broadcast_in_dim3A_18 = vector.broadcast %broadcast_in_dim3A_17 : i32 to vector<16xi32>
    %scan3A = arith.constant 0 : i32
    %scan3A_19 = arith.constant 0 : i32
    %scan3A_20 = arith.constant 16 : i32
    %scan3A_21 = arith.addi %scan3A_19, %scan3A_20 : i32
    %scan3A_22 = arith.constant 1 : i32
    %scan3A_23 = scf.for %scan3A_25 = %scan3A_19 to %scan3A_21 step %scan3A_22 iter_args(%scan3A_26 = %scan3A) -> (i32)  : i32 {
      %mul3A_27 = arith.constant 16 : i32
      %mul3A_28 = arith.muli %scan3A_25, %mul3A_27 : i32
      %mul3A_29 = arith.constant 16 : i32
      %mul3A_30 = arith.muli %scan3A_25, %mul3A_29 : i32
      %add3A_31 = vector.broadcast %mul3A_30 : i32 to vector<16xi32>
      %add3A_32 = arith.addi %iota3A, %add3A_31 : vector<16xi32>
      %gather3A = tpu.vector_load_idx %arg6[%add3A_32, %broadcast_in_dim3A_18] : memref<256x2xf32, #tpu.memory_space<vmem>>[vector<16xi32>, vector<16xi32>], vector<16xf32>,
      %add3A_33 = arith.constant 1 : i32
      %add3A_34 = vector.broadcast %add3A_33 : i32 to vector<16xi32>
      %add3A_35 = arith.addi %broadcast_in_dim3A_18, %add3A_34 : vector<16xi32>
      %gather3A_36 = tpu.vector_load_idx %arg6[%add3A_32, %add3A_35] : memref<256x2xf32, #tpu.memory_space<vmem>>[vector<16xi32>, vector<16xi32>], vector<16xf32>,
      %mul3A_37 = arith.constant 1.600000e+01 : f32
      %mul3A_38 = vector.broadcast %mul3A_37 : f32 to vector<16xf32>
      %mul3A_39 = arith.mulf %gather3A, %mul3A_38 : vector<16xf32>
      %add3A_40 = arith.constant 5.000000e-01 : f32
      %add3A_41 = vector.broadcast %add3A_40 : f32 to vector<16xf32>
      %add3A_42 = arith.addf %mul3A_39, %add3A_41 : vector<16xf32>
      %convert_element_type3A = arith.fptosi %add3A_42 : vector<16xf32> to vector<16xi32>
      %convert_element_type3A_43 = arith.sitofp %convert_element_type3A : vector<16xi32> to vector<16xf32>
      %gt3A = arith.cmpf ogt, %convert_element_type3A_43, %add3A_42 : vector<16xf32>
      %sub3A = arith.constant 1 : i32
      %sub3A_44 = vector.broadcast %sub3A : i32 to vector<16xi32>
      %sub3A_45 = arith.subi %convert_element_type3A, %sub3A_44 : vector<16xi32>
      %select_n3A = arith.select %gt3A, %sub3A_45, %convert_element_type3A : vector<16xi1>, vector<16xi32>
      %and3A = arith.constant 7 : i32
      %and3A_46 = vector.broadcast %and3A : i32 to vector<16xi32>
      %and3A_47 = arith.andi %select_n3A, %and3A_46 : vector<16xi32>
      %mul3A_48 = arith.constant 1.600000e+01 : f32
      %mul3A_49 = vector.broadcast %mul3A_48 : f32 to vector<16xf32>
      %mul3A_50 = arith.mulf %gather3A_36, %mul3A_49 : vector<16xf32>
      %add3A_51 = arith.constant 5.000000e-01 : f32
      %add3A_52 = vector.broadcast %add3A_51 : f32 to vector<16xf32>
      %add3A_53 = arith.addf %mul3A_50, %add3A_52 : vector<16xf32>
      %convert_element_type3A_54 = arith.fptosi %add3A_53 : vector<16xf32> to vector<16xi32>
      %convert_element_type3A_55 = arith.sitofp %convert_element_type3A_54 : vector<16xi32> to vector<16xf32>
      %gt3A_56 = arith.cmpf ogt, %convert_element_type3A_55, %add3A_53 : vector<16xf32>
      %sub3A_57 = arith.constant 1 : i32
      %sub3A_58 = vector.broadcast %sub3A_57 : i32 to vector<16xi32>
      %sub3A_59 = arith.subi %convert_element_type3A_54, %sub3A_58 : vector<16xi32>
      %select_n3A_60 = arith.select %gt3A_56, %sub3A_59, %convert_element_type3A_54 : vector<16xi1>, vector<16xi32>
      %and3A_61 = arith.constant 7 : i32
      %and3A_62 = vector.broadcast %and3A_61 : i32 to vector<16xi32>
      %and3A_63 = arith.andi %select_n3A_60, %and3A_62 : vector<16xi32>
      %mul3A_64 = arith.constant 8 : i32
      %mul3A_65 = vector.broadcast %mul3A_64 : i32 to vector<16xi32>
      %mul3A_66 = arith.muli %and3A_47, %mul3A_65 : vector<16xi32>
      %add3A_67 = arith.addi %mul3A_66, %and3A_63 : vector<16xi32>
      %gather3A_68 = tpu.vector_load_idx %arg9[%add3A_67] : memref<64xi32, #tpu.memory_space<vmem>>[vector<16xi32>], vector<16xi32>,
      %broadcast_in_dim3A_69 = arith.constant 0 : i32
      %broadcast_in_dim3A_70 = vector.broadcast %broadcast_in_dim3A_69 : i32 to vector<16xi32>
      %broadcast_in_dim3A_71 = arith.constant 0 : i32
      %broadcast_in_dim3A_72 = vector.broadcast %broadcast_in_dim3A_71 : i32 to vector<16xi32>
      %eq3A = arith.constant 0 : i32
      %eq3A_73 = vector.broadcast %eq3A : i32 to vector<16xi32>
      %eq3A_74 = arith.cmpi eq, %iota3A, %eq3A_73 : vector<16xi32>
      %jit3A = arith.constant 0 : i32
      %broadcast_in_dim3A_75 = vector.broadcast %jit3A : i32 to vector<16xi32>
      %select_n3A_76 = arith.select %eq3A_74, %add3A_67, %broadcast_in_dim3A_75 : vector<16xi1>, vector<16xi32>
      %reduce_sum3A = arith.constant true
      %reduce_sum3A_77 = vector.broadcast %reduce_sum3A : i1 to vector<16xi1>
      %reduce_sum3A_78 = tpu.scan <sum>, %select_n3A_76 masked %reduce_sum3A_77 : vector<16xi32>, vector<16xi1> -> vector<16xi32>
      %reduce_sum3A_79 = vector.extract %reduce_sum3A_78[15] : i32 from vector<16xi32>
      %eq3A_80 = vector.broadcast %reduce_sum3A_79 : i32 to vector<16xi32>
      %eq3A_81 = arith.cmpi eq, %add3A_67, %eq3A_80 : vector<16xi32>
      %gt3A_82 = arith.constant 0 : i32
      %gt3A_83 = vector.broadcast %gt3A_82 : i32 to vector<16xi32>
      %gt3A_84 = arith.cmpi sgt, %iota3A, %gt3A_83 : vector<16xi32>
      %and3A_85 = arith.andi %eq3A_81, %gt3A_84 : vector<16xi1>
      %jit3A_86 = arith.constant 1 : i32
      %jit3A_87 = arith.constant 0 : i32
      %broadcast_in_dim3A_88 = vector.broadcast %jit3A_86 : i32 to vector<16xi32>
      %broadcast_in_dim3A_89 = vector.broadcast %jit3A_87 : i32 to vector<16xi32>
      %select_n3A_90 = arith.select %and3A_85, %broadcast_in_dim3A_88, %broadcast_in_dim3A_89 : vector<16xi1>, vector<16xi32>
      %add3A_91 = arith.addi %broadcast_in_dim3A_70, %select_n3A_90 : vector<16xi32>
      %jit3A_92 = arith.constant 1 : i32
      %jit3A_93 = arith.constant 0 : i32
      %broadcast_in_dim3A_94 = vector.broadcast %jit3A_92 : i32 to vector<16xi32>
      %broadcast_in_dim3A_95 = vector.broadcast %jit3A_93 : i32 to vector<16xi32>
      %select_n3A_96 = arith.select %eq3A_81, %broadcast_in_dim3A_94, %broadcast_in_dim3A_95 : vector<16xi1>, vector<16xi32>
      %add3A_97 = arith.addi %broadcast_in_dim3A_72, %select_n3A_96 : vector<16xi32>
      %eq3A_98 = arith.constant 1 : i32
      %eq3A_99 = vector.broadcast %eq3A_98 : i32 to vector<16xi32>
      %eq3A_100 = arith.cmpi eq, %iota3A, %eq3A_99 : vector<16xi32>
      %jit3A_101 = arith.constant 0 : i32
      %broadcast_in_dim3A_102 = vector.broadcast %jit3A_101 : i32 to vector<16xi32>
      %select_n3A_103 = arith.select %eq3A_100, %add3A_67, %broadcast_in_dim3A_102 : vector<16xi1>, vector<16xi32>
      %reduce_sum3A_104 = arith.constant true
      %reduce_sum3A_105 = vector.broadcast %reduce_sum3A_104 : i1 to vector<16xi1>
      %reduce_sum3A_106 = tpu.scan <sum>, %select_n3A_103 masked %reduce_sum3A_105 : vector<16xi32>, vector<16xi1> -> vector<16xi32>
      %reduce_sum3A_107 = vector.extract %reduce_sum3A_106[15] : i32 from vector<16xi32>
      %eq3A_108 = vector.broadcast %reduce_sum3A_107 : i32 to vector<16xi32>
      %eq3A_109 = arith.cmpi eq, %add3A_67, %eq3A_108 : vector<16xi32>
      %gt3A_110 = arith.constant 1 : i32
      %gt3A_111 = vector.broadcast %gt3A_110 : i32 to vector<16xi32>
      %gt3A_112 = arith.cmpi sgt, %iota3A, %gt3A_111 : vector<16xi32>
      %and3A_113 = arith.andi %eq3A_109, %gt3A_112 : vector<16xi1>
      %jit3A_114 = arith.constant 1 : i32
      %jit3A_115 = arith.constant 0 : i32
      %broadcast_in_dim3A_116 = vector.broadcast %jit3A_114 : i32 to vector<16xi32>
      %broadcast_in_dim3A_117 = vector.broadcast %jit3A_115 : i32 to vector<16xi32>
      %select_n3A_118 = arith.select %and3A_113, %broadcast_in_dim3A_116, %broadcast_in_dim3A_117 : vector<16xi1>, vector<16xi32>
      %add3A_119 = arith.addi %add3A_91, %select_n3A_118 : vector<16xi32>
      %jit3A_120 = arith.constant 1 : i32
      %jit3A_121 = arith.constant 0 : i32
      %broadcast_in_dim3A_122 = vector.broadcast %jit3A_120 : i32 to vector<16xi32>
      %broadcast_in_dim3A_123 = vector.broadcast %jit3A_121 : i32 to vector<16xi32>
      %select_n3A_124 = arith.select %eq3A_109, %broadcast_in_dim3A_122, %broadcast_in_dim3A_123 : vector<16xi1>, vector<16xi32>
      %add3A_125 = arith.addi %add3A_97, %select_n3A_124 : vector<16xi32>
      %eq3A_126 = arith.constant 2 : i32
      %eq3A_127 = vector.broadcast %eq3A_126 : i32 to vector<16xi32>
      %eq3A_128 = arith.cmpi eq, %iota3A, %eq3A_127 : vector<16xi32>
      %jit3A_129 = arith.constant 0 : i32
      %broadcast_in_dim3A_130 = vector.broadcast %jit3A_129 : i32 to vector<16xi32>
      %select_n3A_131 = arith.select %eq3A_128, %add3A_67, %broadcast_in_dim3A_130 : vector<16xi1>, vector<16xi32>
      %reduce_sum3A_132 = arith.constant true
      %reduce_sum3A_133 = vector.broadcast %reduce_sum3A_132 : i1 to vector<16xi1>
      %reduce_sum3A_134 = tpu.scan <sum>, %select_n3A_131 masked %reduce_sum3A_133 : vector<16xi32>, vector<16xi1> -> vector<16xi32>
      %reduce_sum3A_135 = vector.extract %reduce_sum3A_134[15] : i32 from vector<16xi32>
      %eq3A_136 = vector.broadcast %reduce_sum3A_135 : i32 to vector<16xi32>
      %eq3A_137 = arith.cmpi eq, %add3A_67, %eq3A_136 : vector<16xi32>
      %gt3A_138 = arith.constant 2 : i32
      %gt3A_139 = vector.broadcast %gt3A_138 : i32 to vector<16xi32>
      %gt3A_140 = arith.cmpi sgt, %iota3A, %gt3A_139 : vector<16xi32>
      %and3A_141 = arith.andi %eq3A_137, %gt3A_140 : vector<16xi1>
      %jit3A_142 = arith.constant 1 : i32
      %jit3A_143 = arith.constant 0 : i32
      %broadcast_in_dim3A_144 = vector.broadcast %jit3A_142 : i32 to vector<16xi32>
      %broadcast_in_dim3A_145 = vector.broadcast %jit3A_143 : i32 to vector<16xi32>
      %select_n3A_146 = arith.select %and3A_141, %broadcast_in_dim3A_144, %broadcast_in_dim3A_145 : vector<16xi1>, vector<16xi32>
      %add3A_147 = arith.addi %add3A_119, %select_n3A_146 : vector<16xi32>
      %jit3A_148 = arith.constant 1 : i32
      %jit3A_149 = arith.constant 0 : i32
      %broadcast_in_dim3A_150 = vector.broadcast %jit3A_148 : i32 to vector<16xi32>
      %broadcast_in_dim3A_151 = vector.broadcast %jit3A_149 : i32 to vector<16xi32>
      %select_n3A_152 = arith.select %eq3A_137, %broadcast_in_dim3A_150, %broadcast_in_dim3A_151 : vector<16xi1>, vector<16xi32>
      %add3A_153 = arith.addi %add3A_125, %select_n3A_152 : vector<16xi32>
      %eq3A_154 = arith.constant 3 : i32
      %eq3A_155 = vector.broadcast %eq3A_154 : i32 to vector<16xi32>
      %eq3A_156 = arith.cmpi eq, %iota3A, %eq3A_155 : vector<16xi32>
      %jit3A_157 = arith.constant 0 : i32
      %broadcast_in_dim3A_158 = vector.broadcast %jit3A_157 : i32 to vector<16xi32>
      %select_n3A_159 = arith.select %eq3A_156, %add3A_67, %broadcast_in_dim3A_158 : vector<16xi1>, vector<16xi32>
      %reduce_sum3A_160 = arith.constant true
      %reduce_sum3A_161 = vector.broadcast %reduce_sum3A_160 : i1 to vector<16xi1>
      %reduce_sum3A_162 = tpu.scan <sum>, %select_n3A_159 masked %reduce_sum3A_161 : vector<16xi32>, vector<16xi1> -> vector<16xi32>
      %reduce_sum3A_163 = vector.extract %reduce_sum3A_162[15] : i32 from vector<16xi32>
      %eq3A_164 = vector.broadcast %reduce_sum3A_163 : i32 to vector<16xi32>
      %eq3A_165 = arith.cmpi eq, %add3A_67, %eq3A_164 : vector<16xi32>
      %gt3A_166 = arith.constant 3 : i32
      %gt3A_167 = vector.broadcast %gt3A_166 : i32 to vector<16xi32>
      %gt3A_168 = arith.cmpi sgt, %iota3A, %gt3A_167 : vector<16xi32>
      %and3A_169 = arith.andi %eq3A_165, %gt3A_168 : vector<16xi1>
      %jit3A_170 = arith.constant 1 : i32
      %jit3A_171 = arith.constant 0 : i32
      %broadcast_in_dim3A_172 = vector.broadcast %jit3A_170 : i32 to vector<16xi32>
      %broadcast_in_dim3A_173 = vector.broadcast %jit3A_171 : i32 to vector<16xi32>
      %select_n3A_174 = arith.select %and3A_169, %broadcast_in_dim3A_172, %broadcast_in_dim3A_173 : vector<16xi1>, vector<16xi32>
      %add3A_175 = arith.addi %add3A_147, %select_n3A_174 : vector<16xi32>
      %jit3A_176 = arith.constant 1 : i32
      %jit3A_177 = arith.constant 0 : i32
      %broadcast_in_dim3A_178 = vector.broadcast %jit3A_176 : i32 to vector<16xi32>
      %broadcast_in_dim3A_179 = vector.broadcast %jit3A_177 : i32 to vector<16xi32>
      %select_n3A_180 = arith.select %eq3A_165, %broadcast_in_dim3A_178, %broadcast_in_dim3A_179 : vector<16xi1>, vector<16xi32>
      %add3A_181 = arith.addi %add3A_153, %select_n3A_180 : vector<16xi32>
      %eq3A_182 = arith.constant 4 : i32
      %eq3A_183 = vector.broadcast %eq3A_182 : i32 to vector<16xi32>
      %eq3A_184 = arith.cmpi eq, %iota3A, %eq3A_183 : vector<16xi32>
      %jit3A_185 = arith.constant 0 : i32
      %broadcast_in_dim3A_186 = vector.broadcast %jit3A_185 : i32 to vector<16xi32>
      %select_n3A_187 = arith.select %eq3A_184, %add3A_67, %broadcast_in_dim3A_186 : vector<16xi1>, vector<16xi32>
      %reduce_sum3A_188 = arith.constant true
      %reduce_sum3A_189 = vector.broadcast %reduce_sum3A_188 : i1 to vector<16xi1>
      %reduce_sum3A_190 = tpu.scan <sum>, %select_n3A_187 masked %reduce_sum3A_189 : vector<16xi32>, vector<16xi1> -> vector<16xi32>
      %reduce_sum3A_191 = vector.extract %reduce_sum3A_190[15] : i32 from vector<16xi32>
      %eq3A_192 = vector.broadcast %reduce_sum3A_191 : i32 to vector<16xi32>
      %eq3A_193 = arith.cmpi eq, %add3A_67, %eq3A_192 : vector<16xi32>
      %gt3A_194 = arith.constant 4 : i32
      %gt3A_195 = vector.broadcast %gt3A_194 : i32 to vector<16xi32>
      %gt3A_196 = arith.cmpi sgt, %iota3A, %gt3A_195 : vector<16xi32>
      %and3A_197 = arith.andi %eq3A_193, %gt3A_196 : vector<16xi1>
      %jit3A_198 = arith.constant 1 : i32
      %jit3A_199 = arith.constant 0 : i32
      %broadcast_in_dim3A_200 = vector.broadcast %jit3A_198 : i32 to vector<16xi32>
      %broadcast_in_dim3A_201 = vector.broadcast %jit3A_199 : i32 to vector<16xi32>
      %select_n3A_202 = arith.select %and3A_197, %broadcast_in_dim3A_200, %broadcast_in_dim3A_201 : vector<16xi1>, vector<16xi32>
      %add3A_203 = arith.addi %add3A_175, %select_n3A_202 : vector<16xi32>
      %jit3A_204 = arith.constant 1 : i32
      %jit3A_205 = arith.constant 0 : i32
      %broadcast_in_dim3A_206 = vector.broadcast %jit3A_204 : i32 to vector<16xi32>
      %broadcast_in_dim3A_207 = vector.broadcast %jit3A_205 : i32 to vector<16xi32>
      %select_n3A_208 = arith.select %eq3A_193, %broadcast_in_dim3A_206, %broadcast_in_dim3A_207 : vector<16xi1>, vector<16xi32>
      %add3A_209 = arith.addi %add3A_181, %select_n3A_208 : vector<16xi32>
      %eq3A_210 = arith.constant 5 : i32
      %eq3A_211 = vector.broadcast %eq3A_210 : i32 to vector<16xi32>
      %eq3A_212 = arith.cmpi eq, %iota3A, %eq3A_211 : vector<16xi32>
      %jit3A_213 = arith.constant 0 : i32
      %broadcast_in_dim3A_214 = vector.broadcast %jit3A_213 : i32 to vector<16xi32>
      %select_n3A_215 = arith.select %eq3A_212, %add3A_67, %broadcast_in_dim3A_214 : vector<16xi1>, vector<16xi32>
      %reduce_sum3A_216 = arith.constant true
      %reduce_sum3A_217 = vector.broadcast %reduce_sum3A_216 : i1 to vector<16xi1>
      %reduce_sum3A_218 = tpu.scan <sum>, %select_n3A_215 masked %reduce_sum3A_217 : vector<16xi32>, vector<16xi1> -> vector<16xi32>
      %reduce_sum3A_219 = vector.extract %reduce_sum3A_218[15] : i32 from vector<16xi32>
      %eq3A_220 = vector.broadcast %reduce_sum3A_219 : i32 to vector<16xi32>
      %eq3A_221 = arith.cmpi eq, %add3A_67, %eq3A_220 : vector<16xi32>
      %gt3A_222 = arith.constant 5 : i32
      %gt3A_223 = vector.broadcast %gt3A_222 : i32 to vector<16xi32>
      %gt3A_224 = arith.cmpi sgt, %iota3A, %gt3A_223 : vector<16xi32>
      %and3A_225 = arith.andi %eq3A_221, %gt3A_224 : vector<16xi1>
      %jit3A_226 = arith.constant 1 : i32
      %jit3A_227 = arith.constant 0 : i32
      %broadcast_in_dim3A_228 = vector.broadcast %jit3A_226 : i32 to vector<16xi32>
      %broadcast_in_dim3A_229 = vector.broadcast %jit3A_227 : i32 to vector<16xi32>
      %select_n3A_230 = arith.select %and3A_225, %broadcast_in_dim3A_228, %broadcast_in_dim3A_229 : vector<16xi1>, vector<16xi32>
      %add3A_231 = arith.addi %add3A_203, %select_n3A_230 : vector<16xi32>
      %jit3A_232 = arith.constant 1 : i32
      %jit3A_233 = arith.constant 0 : i32
      %broadcast_in_dim3A_234 = vector.broadcast %jit3A_232 : i32 to vector<16xi32>
      %broadcast_in_dim3A_235 = vector.broadcast %jit3A_233 : i32 to vector<16xi32>
      %select_n3A_236 = arith.select %eq3A_221, %broadcast_in_dim3A_234, %broadcast_in_dim3A_235 : vector<16xi1>, vector<16xi32>
      %add3A_237 = arith.addi %add3A_209, %select_n3A_236 : vector<16xi32>
      %eq3A_238 = arith.constant 6 : i32
      %eq3A_239 = vector.broadcast %eq3A_238 : i32 to vector<16xi32>
      %eq3A_240 = arith.cmpi eq, %iota3A, %eq3A_239 : vector<16xi32>
      %jit3A_241 = arith.constant 0 : i32
      %broadcast_in_dim3A_242 = vector.broadcast %jit3A_241 : i32 to vector<16xi32>
      %select_n3A_243 = arith.select %eq3A_240, %add3A_67, %broadcast_in_dim3A_242 : vector<16xi1>, vector<16xi32>
      %reduce_sum3A_244 = arith.constant true
      %reduce_sum3A_245 = vector.broadcast %reduce_sum3A_244 : i1 to vector<16xi1>
      %reduce_sum3A_246 = tpu.scan <sum>, %select_n3A_243 masked %reduce_sum3A_245 : vector<16xi32>, vector<16xi1> -> vector<16xi32>
      %reduce_sum3A_247 = vector.extract %reduce_sum3A_246[15] : i32 from vector<16xi32>
      %eq3A_248 = vector.broadcast %reduce_sum3A_247 : i32 to vector<16xi32>
      %eq3A_249 = arith.cmpi eq, %add3A_67, %eq3A_248 : vector<16xi32>
      %gt3A_250 = arith.constant 6 : i32
      %gt3A_251 = vector.broadcast %gt3A_250 : i32 to vector<16xi32>
      %gt3A_252 = arith.cmpi sgt, %iota3A, %gt3A_251 : vector<16xi32>
      %and3A_253 = arith.andi %eq3A_249, %gt3A_252 : vector<16xi1>
      %jit3A_254 = arith.constant 1 : i32
      %jit3A_255 = arith.constant 0 : i32
      %broadcast_in_dim3A_256 = vector.broadcast %jit3A_254 : i32 to vector<16xi32>
      %broadcast_in_dim3A_257 = vector.broadcast %jit3A_255 : i32 to vector<16xi32>
      %select_n3A_258 = arith.select %and3A_253, %broadcast_in_dim3A_256, %broadcast_in_dim3A_257 : vector<16xi1>, vector<16xi32>
      %add3A_259 = arith.addi %add3A_231, %select_n3A_258 : vector<16xi32>
      %jit3A_260 = arith.constant 1 : i32
      %jit3A_261 = arith.constant 0 : i32
      %broadcast_in_dim3A_262 = vector.broadcast %jit3A_260 : i32 to vector<16xi32>
      %broadcast_in_dim3A_263 = vector.broadcast %jit3A_261 : i32 to vector<16xi32>
      %select_n3A_264 = arith.select %eq3A_249, %broadcast_in_dim3A_262, %broadcast_in_dim3A_263 : vector<16xi1>, vector<16xi32>
      %add3A_265 = arith.addi %add3A_237, %select_n3A_264 : vector<16xi32>
      %eq3A_266 = arith.constant 7 : i32
      %eq3A_267 = vector.broadcast %eq3A_266 : i32 to vector<16xi32>
      %eq3A_268 = arith.cmpi eq, %iota3A, %eq3A_267 : vector<16xi32>
      %jit3A_269 = arith.constant 0 : i32
      %broadcast_in_dim3A_270 = vector.broadcast %jit3A_269 : i32 to vector<16xi32>
      %select_n3A_271 = arith.select %eq3A_268, %add3A_67, %broadcast_in_dim3A_270 : vector<16xi1>, vector<16xi32>
      %reduce_sum3A_272 = arith.constant true
      %reduce_sum3A_273 = vector.broadcast %reduce_sum3A_272 : i1 to vector<16xi1>
      %reduce_sum3A_274 = tpu.scan <sum>, %select_n3A_271 masked %reduce_sum3A_273 : vector<16xi32>, vector<16xi1> -> vector<16xi32>
      %reduce_sum3A_275 = vector.extract %reduce_sum3A_274[15] : i32 from vector<16xi32>
      %eq3A_276 = vector.broadcast %reduce_sum3A_275 : i32 to vector<16xi32>
      %eq3A_277 = arith.cmpi eq, %add3A_67, %eq3A_276 : vector<16xi32>
      %gt3A_278 = arith.constant 7 : i32
      %gt3A_279 = vector.broadcast %gt3A_278 : i32 to vector<16xi32>
      %gt3A_280 = arith.cmpi sgt, %iota3A, %gt3A_279 : vector<16xi32>
      %and3A_281 = arith.andi %eq3A_277, %gt3A_280 : vector<16xi1>
      %jit3A_282 = arith.constant 1 : i32
      %jit3A_283 = arith.constant 0 : i32
      %broadcast_in_dim3A_284 = vector.broadcast %jit3A_282 : i32 to vector<16xi32>
      %broadcast_in_dim3A_285 = vector.broadcast %jit3A_283 : i32 to vector<16xi32>
      %select_n3A_286 = arith.select %and3A_281, %broadcast_in_dim3A_284, %broadcast_in_dim3A_285 : vector<16xi1>, vector<16xi32>
      %add3A_287 = arith.addi %add3A_259, %select_n3A_286 : vector<16xi32>
      %jit3A_288 = arith.constant 1 : i32
      %jit3A_289 = arith.constant 0 : i32
      %broadcast_in_dim3A_290 = vector.broadcast %jit3A_288 : i32 to vector<16xi32>
      %broadcast_in_dim3A_291 = vector.broadcast %jit3A_289 : i32 to vector<16xi32>
      %select_n3A_292 = arith.select %eq3A_277, %broadcast_in_dim3A_290, %broadcast_in_dim3A_291 : vector<16xi1>, vector<16xi32>
      %add3A_293 = arith.addi %add3A_265, %select_n3A_292 : vector<16xi32>
      %eq3A_294 = arith.constant 8 : i32
      %eq3A_295 = vector.broadcast %eq3A_294 : i32 to vector<16xi32>
      %eq3A_296 = arith.cmpi eq, %iota3A, %eq3A_295 : vector<16xi32>
      %jit3A_297 = arith.constant 0 : i32
      %broadcast_in_dim3A_298 = vector.broadcast %jit3A_297 : i32 to vector<16xi32>
      %select_n3A_299 = arith.select %eq3A_296, %add3A_67, %broadcast_in_dim3A_298 : vector<16xi1>, vector<16xi32>
      %reduce_sum3A_300 = arith.constant true
      %reduce_sum3A_301 = vector.broadcast %reduce_sum3A_300 : i1 to vector<16xi1>
      %reduce_sum3A_302 = tpu.scan <sum>, %select_n3A_299 masked %reduce_sum3A_301 : vector<16xi32>, vector<16xi1> -> vector<16xi32>
      %reduce_sum3A_303 = vector.extract %reduce_sum3A_302[15] : i32 from vector<16xi32>
      %eq3A_304 = vector.broadcast %reduce_sum3A_303 : i32 to vector<16xi32>
      %eq3A_305 = arith.cmpi eq, %add3A_67, %eq3A_304 : vector<16xi32>
      %gt3A_306 = arith.constant 8 : i32
      %gt3A_307 = vector.broadcast %gt3A_306 : i32 to vector<16xi32>
      %gt3A_308 = arith.cmpi sgt, %iota3A, %gt3A_307 : vector<16xi32>
      %and3A_309 = arith.andi %eq3A_305, %gt3A_308 : vector<16xi1>
      %jit3A_310 = arith.constant 1 : i32
      %jit3A_311 = arith.constant 0 : i32
      %broadcast_in_dim3A_312 = vector.broadcast %jit3A_310 : i32 to vector<16xi32>
      %broadcast_in_dim3A_313 = vector.broadcast %jit3A_311 : i32 to vector<16xi32>
      %select_n3A_314 = arith.select %and3A_309, %broadcast_in_dim3A_312, %broadcast_in_dim3A_313 : vector<16xi1>, vector<16xi32>
      %add3A_315 = arith.addi %add3A_287, %select_n3A_314 : vector<16xi32>
      %jit3A_316 = arith.constant 1 : i32
      %jit3A_317 = arith.constant 0 : i32
      %broadcast_in_dim3A_318 = vector.broadcast %jit3A_316 : i32 to vector<16xi32>
      %broadcast_in_dim3A_319 = vector.broadcast %jit3A_317 : i32 to vector<16xi32>
      %select_n3A_320 = arith.select %eq3A_305, %broadcast_in_dim3A_318, %broadcast_in_dim3A_319 : vector<16xi1>, vector<16xi32>
      %add3A_321 = arith.addi %add3A_293, %select_n3A_320 : vector<16xi32>
      %eq3A_322 = arith.constant 9 : i32
      %eq3A_323 = vector.broadcast %eq3A_322 : i32 to vector<16xi32>
      %eq3A_324 = arith.cmpi eq, %iota3A, %eq3A_323 : vector<16xi32>
      %jit3A_325 = arith.constant 0 : i32
      %broadcast_in_dim3A_326 = vector.broadcast %jit3A_325 : i32 to vector<16xi32>
      %select_n3A_327 = arith.select %eq3A_324, %add3A_67, %broadcast_in_dim3A_326 : vector<16xi1>, vector<16xi32>
      %reduce_sum3A_328 = arith.constant true
      %reduce_sum3A_329 = vector.broadcast %reduce_sum3A_328 : i1 to vector<16xi1>
      %reduce_sum3A_330 = tpu.scan <sum>, %select_n3A_327 masked %reduce_sum3A_329 : vector<16xi32>, vector<16xi1> -> vector<16xi32>
      %reduce_sum3A_331 = vector.extract %reduce_sum3A_330[15] : i32 from vector<16xi32>
      %eq3A_332 = vector.broadcast %reduce_sum3A_331 : i32 to vector<16xi32>
      %eq3A_333 = arith.cmpi eq, %add3A_67, %eq3A_332 : vector<16xi32>
      %gt3A_334 = arith.constant 9 : i32
      %gt3A_335 = vector.broadcast %gt3A_334 : i32 to vector<16xi32>
      %gt3A_336 = arith.cmpi sgt, %iota3A, %gt3A_335 : vector<16xi32>
      %and3A_337 = arith.andi %eq3A_333, %gt3A_336 : vector<16xi1>
      %jit3A_338 = arith.constant 1 : i32
      %jit3A_339 = arith.constant 0 : i32
      %broadcast_in_dim3A_340 = vector.broadcast %jit3A_338 : i32 to vector<16xi32>
      %broadcast_in_dim3A_341 = vector.broadcast %jit3A_339 : i32 to vector<16xi32>
      %select_n3A_342 = arith.select %and3A_337, %broadcast_in_dim3A_340, %broadcast_in_dim3A_341 : vector<16xi1>, vector<16xi32>
      %add3A_343 = arith.addi %add3A_315, %select_n3A_342 : vector<16xi32>
      %jit3A_344 = arith.constant 1 : i32
      %jit3A_345 = arith.constant 0 : i32
      %broadcast_in_dim3A_346 = vector.broadcast %jit3A_344 : i32 to vector<16xi32>
      %broadcast_in_dim3A_347 = vector.broadcast %jit3A_345 : i32 to vector<16xi32>
      %select_n3A_348 = arith.select %eq3A_333, %broadcast_in_dim3A_346, %broadcast_in_dim3A_347 : vector<16xi1>, vector<16xi32>
      %add3A_349 = arith.addi %add3A_321, %select_n3A_348 : vector<16xi32>
      %eq3A_350 = arith.constant 10 : i32
      %eq3A_351 = vector.broadcast %eq3A_350 : i32 to vector<16xi32>
      %eq3A_352 = arith.cmpi eq, %iota3A, %eq3A_351 : vector<16xi32>
      %jit3A_353 = arith.constant 0 : i32
      %broadcast_in_dim3A_354 = vector.broadcast %jit3A_353 : i32 to vector<16xi32>
      %select_n3A_355 = arith.select %eq3A_352, %add3A_67, %broadcast_in_dim3A_354 : vector<16xi1>, vector<16xi32>
      %reduce_sum3A_356 = arith.constant true
      %reduce_sum3A_357 = vector.broadcast %reduce_sum3A_356 : i1 to vector<16xi1>
      %reduce_sum3A_358 = tpu.scan <sum>, %select_n3A_355 masked %reduce_sum3A_357 : vector<16xi32>, vector<16xi1> -> vector<16xi32>
      %reduce_sum3A_359 = vector.extract %reduce_sum3A_358[15] : i32 from vector<16xi32>
      %eq3A_360 = vector.broadcast %reduce_sum3A_359 : i32 to vector<16xi32>
      %eq3A_361 = arith.cmpi eq, %add3A_67, %eq3A_360 : vector<16xi32>
      %gt3A_362 = arith.constant 10 : i32
      %gt3A_363 = vector.broadcast %gt3A_362 : i32 to vector<16xi32>
      %gt3A_364 = arith.cmpi sgt, %iota3A, %gt3A_363 : vector<16xi32>
      %and3A_365 = arith.andi %eq3A_361, %gt3A_364 : vector<16xi1>
      %jit3A_366 = arith.constant 1 : i32
      %jit3A_367 = arith.constant 0 : i32
      %broadcast_in_dim3A_368 = vector.broadcast %jit3A_366 : i32 to vector<16xi32>
      %broadcast_in_dim3A_369 = vector.broadcast %jit3A_367 : i32 to vector<16xi32>
      %select_n3A_370 = arith.select %and3A_365, %broadcast_in_dim3A_368, %broadcast_in_dim3A_369 : vector<16xi1>, vector<16xi32>
      %add3A_371 = arith.addi %add3A_343, %select_n3A_370 : vector<16xi32>
      %jit3A_372 = arith.constant 1 : i32
      %jit3A_373 = arith.constant 0 : i32
      %broadcast_in_dim3A_374 = vector.broadcast %jit3A_372 : i32 to vector<16xi32>
      %broadcast_in_dim3A_375 = vector.broadcast %jit3A_373 : i32 to vector<16xi32>
      %select_n3A_376 = arith.select %eq3A_361, %broadcast_in_dim3A_374, %broadcast_in_dim3A_375 : vector<16xi1>, vector<16xi32>
      %add3A_377 = arith.addi %add3A_349, %select_n3A_376 : vector<16xi32>
      %eq3A_378 = arith.constant 11 : i32
      %eq3A_379 = vector.broadcast %eq3A_378 : i32 to vector<16xi32>
      %eq3A_380 = arith.cmpi eq, %iota3A, %eq3A_379 : vector<16xi32>
      %jit3A_381 = arith.constant 0 : i32
      %broadcast_in_dim3A_382 = vector.broadcast %jit3A_381 : i32 to vector<16xi32>
      %select_n3A_383 = arith.select %eq3A_380, %add3A_67, %broadcast_in_dim3A_382 : vector<16xi1>, vector<16xi32>
      %reduce_sum3A_384 = arith.constant true
      %reduce_sum3A_385 = vector.broadcast %reduce_sum3A_384 : i1 to vector<16xi1>
      %reduce_sum3A_386 = tpu.scan <sum>, %select_n3A_383 masked %reduce_sum3A_385 : vector<16xi32>, vector<16xi1> -> vector<16xi32>
      %reduce_sum3A_387 = vector.extract %reduce_sum3A_386[15] : i32 from vector<16xi32>
      %eq3A_388 = vector.broadcast %reduce_sum3A_387 : i32 to vector<16xi32>
      %eq3A_389 = arith.cmpi eq, %add3A_67, %eq3A_388 : vector<16xi32>
      %gt3A_390 = arith.constant 11 : i32
      %gt3A_391 = vector.broadcast %gt3A_390 : i32 to vector<16xi32>
      %gt3A_392 = arith.cmpi sgt, %iota3A, %gt3A_391 : vector<16xi32>
      %and3A_393 = arith.andi %eq3A_389, %gt3A_392 : vector<16xi1>
      %jit3A_394 = arith.constant 1 : i32
      %jit3A_395 = arith.constant 0 : i32
      %broadcast_in_dim3A_396 = vector.broadcast %jit3A_394 : i32 to vector<16xi32>
      %broadcast_in_dim3A_397 = vector.broadcast %jit3A_395 : i32 to vector<16xi32>
      %select_n3A_398 = arith.select %and3A_393, %broadcast_in_dim3A_396, %broadcast_in_dim3A_397 : vector<16xi1>, vector<16xi32>
      %add3A_399 = arith.addi %add3A_371, %select_n3A_398 : vector<16xi32>
      %jit3A_400 = arith.constant 1 : i32
      %jit3A_401 = arith.constant 0 : i32
      %broadcast_in_dim3A_402 = vector.broadcast %jit3A_400 : i32 to vector<16xi32>
      %broadcast_in_dim3A_403 = vector.broadcast %jit3A_401 : i32 to vector<16xi32>
      %select_n3A_404 = arith.select %eq3A_389, %broadcast_in_dim3A_402, %broadcast_in_dim3A_403 : vector<16xi1>, vector<16xi32>
      %add3A_405 = arith.addi %add3A_377, %select_n3A_404 : vector<16xi32>
      %eq3A_406 = arith.constant 12 : i32
      %eq3A_407 = vector.broadcast %eq3A_406 : i32 to vector<16xi32>
      %eq3A_408 = arith.cmpi eq, %iota3A, %eq3A_407 : vector<16xi32>
      %jit3A_409 = arith.constant 0 : i32
      %broadcast_in_dim3A_410 = vector.broadcast %jit3A_409 : i32 to vector<16xi32>
      %select_n3A_411 = arith.select %eq3A_408, %add3A_67, %broadcast_in_dim3A_410 : vector<16xi1>, vector<16xi32>
      %reduce_sum3A_412 = arith.constant true
      %reduce_sum3A_413 = vector.broadcast %reduce_sum3A_412 : i1 to vector<16xi1>
      %reduce_sum3A_414 = tpu.scan <sum>, %select_n3A_411 masked %reduce_sum3A_413 : vector<16xi32>, vector<16xi1> -> vector<16xi32>
      %reduce_sum3A_415 = vector.extract %reduce_sum3A_414[15] : i32 from vector<16xi32>
      %eq3A_416 = vector.broadcast %reduce_sum3A_415 : i32 to vector<16xi32>
      %eq3A_417 = arith.cmpi eq, %add3A_67, %eq3A_416 : vector<16xi32>
      %gt3A_418 = arith.constant 12 : i32
      %gt3A_419 = vector.broadcast %gt3A_418 : i32 to vector<16xi32>
      %gt3A_420 = arith.cmpi sgt, %iota3A, %gt3A_419 : vector<16xi32>
      %and3A_421 = arith.andi %eq3A_417, %gt3A_420 : vector<16xi1>
      %jit3A_422 = arith.constant 1 : i32
      %jit3A_423 = arith.constant 0 : i32
      %broadcast_in_dim3A_424 = vector.broadcast %jit3A_422 : i32 to vector<16xi32>
      %broadcast_in_dim3A_425 = vector.broadcast %jit3A_423 : i32 to vector<16xi32>
      %select_n3A_426 = arith.select %and3A_421, %broadcast_in_dim3A_424, %broadcast_in_dim3A_425 : vector<16xi1>, vector<16xi32>
      %add3A_427 = arith.addi %add3A_399, %select_n3A_426 : vector<16xi32>
      %jit3A_428 = arith.constant 1 : i32
      %jit3A_429 = arith.constant 0 : i32
      %broadcast_in_dim3A_430 = vector.broadcast %jit3A_428 : i32 to vector<16xi32>
      %broadcast_in_dim3A_431 = vector.broadcast %jit3A_429 : i32 to vector<16xi32>
      %select_n3A_432 = arith.select %eq3A_417, %broadcast_in_dim3A_430, %broadcast_in_dim3A_431 : vector<16xi1>, vector<16xi32>
      %add3A_433 = arith.addi %add3A_405, %select_n3A_432 : vector<16xi32>
      %eq3A_434 = arith.constant 13 : i32
      %eq3A_435 = vector.broadcast %eq3A_434 : i32 to vector<16xi32>
      %eq3A_436 = arith.cmpi eq, %iota3A, %eq3A_435 : vector<16xi32>
      %jit3A_437 = arith.constant 0 : i32
      %broadcast_in_dim3A_438 = vector.broadcast %jit3A_437 : i32 to vector<16xi32>
      %select_n3A_439 = arith.select %eq3A_436, %add3A_67, %broadcast_in_dim3A_438 : vector<16xi1>, vector<16xi32>
      %reduce_sum3A_440 = arith.constant true
      %reduce_sum3A_441 = vector.broadcast %reduce_sum3A_440 : i1 to vector<16xi1>
      %reduce_sum3A_442 = tpu.scan <sum>, %select_n3A_439 masked %reduce_sum3A_441 : vector<16xi32>, vector<16xi1> -> vector<16xi32>
      %reduce_sum3A_443 = vector.extract %reduce_sum3A_442[15] : i32 from vector<16xi32>
      %eq3A_444 = vector.broadcast %reduce_sum3A_443 : i32 to vector<16xi32>
      %eq3A_445 = arith.cmpi eq, %add3A_67, %eq3A_444 : vector<16xi32>
      %gt3A_446 = arith.constant 13 : i32
      %gt3A_447 = vector.broadcast %gt3A_446 : i32 to vector<16xi32>
      %gt3A_448 = arith.cmpi sgt, %iota3A, %gt3A_447 : vector<16xi32>
      %and3A_449 = arith.andi %eq3A_445, %gt3A_448 : vector<16xi1>
      %jit3A_450 = arith.constant 1 : i32
      %jit3A_451 = arith.constant 0 : i32
      %broadcast_in_dim3A_452 = vector.broadcast %jit3A_450 : i32 to vector<16xi32>
      %broadcast_in_dim3A_453 = vector.broadcast %jit3A_451 : i32 to vector<16xi32>
      %select_n3A_454 = arith.select %and3A_449, %broadcast_in_dim3A_452, %broadcast_in_dim3A_453 : vector<16xi1>, vector<16xi32>
      %add3A_455 = arith.addi %add3A_427, %select_n3A_454 : vector<16xi32>
      %jit3A_456 = arith.constant 1 : i32
      %jit3A_457 = arith.constant 0 : i32
      %broadcast_in_dim3A_458 = vector.broadcast %jit3A_456 : i32 to vector<16xi32>
      %broadcast_in_dim3A_459 = vector.broadcast %jit3A_457 : i32 to vector<16xi32>
      %select_n3A_460 = arith.select %eq3A_445, %broadcast_in_dim3A_458, %broadcast_in_dim3A_459 : vector<16xi1>, vector<16xi32>
      %add3A_461 = arith.addi %add3A_433, %select_n3A_460 : vector<16xi32>
      %eq3A_462 = arith.constant 14 : i32
      %eq3A_463 = vector.broadcast %eq3A_462 : i32 to vector<16xi32>
      %eq3A_464 = arith.cmpi eq, %iota3A, %eq3A_463 : vector<16xi32>
      %jit3A_465 = arith.constant 0 : i32
      %broadcast_in_dim3A_466 = vector.broadcast %jit3A_465 : i32 to vector<16xi32>
      %select_n3A_467 = arith.select %eq3A_464, %add3A_67, %broadcast_in_dim3A_466 : vector<16xi1>, vector<16xi32>
      %reduce_sum3A_468 = arith.constant true
      %reduce_sum3A_469 = vector.broadcast %reduce_sum3A_468 : i1 to vector<16xi1>
      %reduce_sum3A_470 = tpu.scan <sum>, %select_n3A_467 masked %reduce_sum3A_469 : vector<16xi32>, vector<16xi1> -> vector<16xi32>
      %reduce_sum3A_471 = vector.extract %reduce_sum3A_470[15] : i32 from vector<16xi32>
      %eq3A_472 = vector.broadcast %reduce_sum3A_471 : i32 to vector<16xi32>
      %eq3A_473 = arith.cmpi eq, %add3A_67, %eq3A_472 : vector<16xi32>
      %gt3A_474 = arith.constant 14 : i32
      %gt3A_475 = vector.broadcast %gt3A_474 : i32 to vector<16xi32>
      %gt3A_476 = arith.cmpi sgt, %iota3A, %gt3A_475 : vector<16xi32>
      %and3A_477 = arith.andi %eq3A_473, %gt3A_476 : vector<16xi1>
      %jit3A_478 = arith.constant 1 : i32
      %jit3A_479 = arith.constant 0 : i32
      %broadcast_in_dim3A_480 = vector.broadcast %jit3A_478 : i32 to vector<16xi32>
      %broadcast_in_dim3A_481 = vector.broadcast %jit3A_479 : i32 to vector<16xi32>
      %select_n3A_482 = arith.select %and3A_477, %broadcast_in_dim3A_480, %broadcast_in_dim3A_481 : vector<16xi1>, vector<16xi32>
      %add3A_483 = arith.addi %add3A_455, %select_n3A_482 : vector<16xi32>
      %jit3A_484 = arith.constant 1 : i32
      %jit3A_485 = arith.constant 0 : i32
      %broadcast_in_dim3A_486 = vector.broadcast %jit3A_484 : i32 to vector<16xi32>
      %broadcast_in_dim3A_487 = vector.broadcast %jit3A_485 : i32 to vector<16xi32>
      %select_n3A_488 = arith.select %eq3A_473, %broadcast_in_dim3A_486, %broadcast_in_dim3A_487 : vector<16xi1>, vector<16xi32>
      %add3A_489 = arith.addi %add3A_461, %select_n3A_488 : vector<16xi32>
      %eq3A_490 = arith.constant 15 : i32
      %eq3A_491 = vector.broadcast %eq3A_490 : i32 to vector<16xi32>
      %eq3A_492 = arith.cmpi eq, %iota3A, %eq3A_491 : vector<16xi32>
      %jit3A_493 = arith.constant 0 : i32
      %broadcast_in_dim3A_494 = vector.broadcast %jit3A_493 : i32 to vector<16xi32>
      %select_n3A_495 = arith.select %eq3A_492, %add3A_67, %broadcast_in_dim3A_494 : vector<16xi1>, vector<16xi32>
      %reduce_sum3A_496 = arith.constant true
      %reduce_sum3A_497 = vector.broadcast %reduce_sum3A_496 : i1 to vector<16xi1>
      %reduce_sum3A_498 = tpu.scan <sum>, %select_n3A_495 masked %reduce_sum3A_497 : vector<16xi32>, vector<16xi1> -> vector<16xi32>
      %reduce_sum3A_499 = vector.extract %reduce_sum3A_498[15] : i32 from vector<16xi32>
      %eq3A_500 = vector.broadcast %reduce_sum3A_499 : i32 to vector<16xi32>
      %eq3A_501 = arith.cmpi eq, %add3A_67, %eq3A_500 : vector<16xi32>
      %gt3A_502 = arith.constant 15 : i32
      %gt3A_503 = vector.broadcast %gt3A_502 : i32 to vector<16xi32>
      %gt3A_504 = arith.cmpi sgt, %iota3A, %gt3A_503 : vector<16xi32>
      %and3A_505 = arith.andi %eq3A_501, %gt3A_504 : vector<16xi1>
      %jit3A_506 = arith.constant 1 : i32
      %jit3A_507 = arith.constant 0 : i32
      %broadcast_in_dim3A_508 = vector.broadcast %jit3A_506 : i32 to vector<16xi32>
      %broadcast_in_dim3A_509 = vector.broadcast %jit3A_507 : i32 to vector<16xi32>
      %select_n3A_510 = arith.select %and3A_505, %broadcast_in_dim3A_508, %broadcast_in_dim3A_509 : vector<16xi1>, vector<16xi32>
      %add3A_511 = arith.addi %add3A_483, %select_n3A_510 : vector<16xi32>
      %jit3A_512 = arith.constant 1 : i32
      %jit3A_513 = arith.constant 0 : i32
      %broadcast_in_dim3A_514 = vector.broadcast %jit3A_512 : i32 to vector<16xi32>
      %broadcast_in_dim3A_515 = vector.broadcast %jit3A_513 : i32 to vector<16xi32>
      %select_n3A_516 = arith.select %eq3A_501, %broadcast_in_dim3A_514, %broadcast_in_dim3A_515 : vector<16xi1>, vector<16xi32>
      %add3A_517 = arith.addi %add3A_489, %select_n3A_516 : vector<16xi32>
      %swap3A_518 = arith.index_cast %mul3A_28 : i32 to index
      %swap3A_519 = tpu.vector_load %arg7[%swap3A_518] {strides = array<i32>} : memref<256xi32, #tpu.memory_space<vmem>>, vector<16xi32>,
      tpu.vector_store %arg7[%swap3A_518], %add3A_67 {strides = array<i32>} : memref<256xi32, #tpu.memory_space<vmem>>, vector<16xi32>,
      %add3A_520 = arith.addi %gather3A_68, %add3A_511 : vector<16xi32>
      %swap3A_521 = arith.index_cast %mul3A_28 : i32 to index
      %swap3A_522 = tpu.vector_load %arg8[%swap3A_521] {strides = array<i32>} : memref<256xi32, #tpu.memory_space<vmem>>, vector<16xi32>,
      tpu.vector_store %arg8[%swap3A_521], %add3A_520 {strides = array<i32>} : memref<256xi32, #tpu.memory_space<vmem>>, vector<16xi32>,
      %add3A_523 = arith.addi %gather3A_68, %add3A_517 : vector<16xi32>
      tpu.vector_store_idx %arg9[%add3A_67], %add3A_523 : memref<64xi32, #tpu.memory_space<vmem>>[vector<16xi32>], vector<16xi32>,
      %scan3A_524 = arith.constant 0 : i32
      scf.yield %scan3A_524 : i32
    }
    %scan3A_24 = arith.constant 16 : i32
    "tpu.region"() ({
      %run_scoped3A = tpu.sem_alloc : memref<!tpu.dma_semaphore, #tpu.memory_space<semaphore_mem>>
      %dma_start3A = tpu.memref_slice %arg3[%mul3A_2] : memref<8192xi32, #tpu.memory_space<hbm>> -> memref<256xi32, #tpu.memory_space<hbm>>
      %dma_start3A_25 = tpu.memref_slice %arg3[%mul3A_2] : memref<8192xi32, #tpu.memory_space<hbm>> -> memref<256xi32, #tpu.memory_space<hbm>>
      tpu.enqueue_dma source(%arg7 : memref<256xi32, #tpu.memory_space<vmem>>) target(%dma_start3A_25 : memref<256xi32, #tpu.memory_space<hbm>>) target_semaphore(%run_scoped3A : memref<!tpu.dma_semaphore, #tpu.memory_space<semaphore_mem>>)
      %dma_wait3A = tpu.memref_slice %arg3[%mul3A_2] : memref<8192xi32, #tpu.memory_space<hbm>> -> memref<256xi32, #tpu.memory_space<hbm>>
      %dma_wait3A_26 = tpu.memref_slice %arg3[%mul3A_2] : memref<8192xi32, #tpu.memory_space<hbm>> -> memref<256xi32, #tpu.memory_space<hbm>>
      tpu.wait_dma2 semaphore(%run_scoped3A : memref<!tpu.dma_semaphore, #tpu.memory_space<semaphore_mem>>) src(%arg7 : memref<256xi32, #tpu.memory_space<vmem>>) dst(%dma_wait3A_26 : memref<256xi32, #tpu.memory_space<hbm>>)
      tpu.yield
    }) : () -> ()
    "tpu.region"() ({
      %run_scoped3A = tpu.sem_alloc : memref<!tpu.dma_semaphore, #tpu.memory_space<semaphore_mem>>
      %dma_start3A = tpu.memref_slice %arg4[%mul3A_2] : memref<8192xi32, #tpu.memory_space<hbm>> -> memref<256xi32, #tpu.memory_space<hbm>>
      %dma_start3A_25 = tpu.memref_slice %arg4[%mul3A_2] : memref<8192xi32, #tpu.memory_space<hbm>> -> memref<256xi32, #tpu.memory_space<hbm>>
      tpu.enqueue_dma source(%arg8 : memref<256xi32, #tpu.memory_space<vmem>>) target(%dma_start3A_25 : memref<256xi32, #tpu.memory_space<hbm>>) target_semaphore(%run_scoped3A : memref<!tpu.dma_semaphore, #tpu.memory_space<semaphore_mem>>)
      %dma_wait3A = tpu.memref_slice %arg4[%mul3A_2] : memref<8192xi32, #tpu.memory_space<hbm>> -> memref<256xi32, #tpu.memory_space<hbm>>
      %dma_wait3A_26 = tpu.memref_slice %arg4[%mul3A_2] : memref<8192xi32, #tpu.memory_space<hbm>> -> memref<256xi32, #tpu.memory_space<hbm>>
      tpu.wait_dma2 semaphore(%run_scoped3A : memref<!tpu.dma_semaphore, #tpu.memory_space<semaphore_mem>>) src(%arg8 : memref<256xi32, #tpu.memory_space<vmem>>) dst(%dma_wait3A_26 : memref<256xi32, #tpu.memory_space<hbm>>)
      tpu.yield
    }) : () -> ()
    "tpu.region"() ({
      %run_scoped3A = tpu.sem_alloc : memref<!tpu.dma_semaphore, #tpu.memory_space<semaphore_mem>>
      %dma_start3A = arith.constant 0 : i32
      %dma_start3A_25 = tpu.memref_slice %arg5[%add3A, %dma_start3A] : memref<32x64xi32, #tpu.memory_space<hbm>> -> memref<1x64xi32, #tpu.memory_space<hbm>>
      %dma_start3A_26 = tpu.memref_squeeze %dma_start3A_25 : memref<1x64xi32, #tpu.memory_space<hbm>> -> memref<64xi32, #tpu.memory_space<hbm>>
      %dma_start3A_27 = arith.constant 0 : i32
      %dma_start3A_28 = tpu.memref_slice %arg5[%add3A, %dma_start3A_27] : memref<32x64xi32, #tpu.memory_space<hbm>> -> memref<1x64xi32, #tpu.memory_space<hbm>>
      %dma_start3A_29 = tpu.memref_squeeze %dma_start3A_28 : memref<1x64xi32, #tpu.memory_space<hbm>> -> memref<64xi32, #tpu.memory_space<hbm>>
      tpu.enqueue_dma source(%arg9 : memref<64xi32, #tpu.memory_space<vmem>>) target(%dma_start3A_29 : memref<64xi32, #tpu.memory_space<hbm>>) target_semaphore(%run_scoped3A : memref<!tpu.dma_semaphore, #tpu.memory_space<semaphore_mem>>)
      %dma_wait3A = arith.constant 0 : i32
      %dma_wait3A_30 = tpu.memref_slice %arg5[%add3A, %dma_wait3A] : memref<32x64xi32, #tpu.memory_space<hbm>> -> memref<1x64xi32, #tpu.memory_space<hbm>>
      %dma_wait3A_31 = tpu.memref_squeeze %dma_wait3A_30 : memref<1x64xi32, #tpu.memory_space<hbm>> -> memref<64xi32, #tpu.memory_space<hbm>>
      %dma_wait3A_32 = arith.constant 0 : i32
      %dma_wait3A_33 = tpu.memref_slice %arg5[%add3A, %dma_wait3A_32] : memref<32x64xi32, #tpu.memory_space<hbm>> -> memref<1x64xi32, #tpu.memory_space<hbm>>
      %dma_wait3A_34 = tpu.memref_squeeze %dma_wait3A_33 : memref<1x64xi32, #tpu.memory_space<hbm>> -> memref<64xi32, #tpu.memory_space<hbm>>
      tpu.wait_dma2 semaphore(%run_scoped3A : memref<!tpu.dma_semaphore, #tpu.memory_space<semaphore_mem>>) src(%arg9 : memref<64xi32, #tpu.memory_space<vmem>>) dst(%dma_wait3A_34 : memref<64xi32, #tpu.memory_space<hbm>>)
      tpu.yield
    }) : () -> ()
    return
  }
}

#map = affine_map<(d0, d1) -> (0, 0)>
#map1 = affine_map<(d0, d1) -> (0)>
module attributes {stable_mosaic.version = 14 : i64} {
  func.func @_dispatch(%arg0: i32, %arg1: i32, %arg2: memref<8192x768xf32, #tpu.memory_space<hbm>>, %arg3: memref<8192xi32, #tpu.memory_space<hbm>>, %arg4: memref<8192xi32, #tpu.memory_space<hbm>>, %arg5: memref<32x64xi32, #tpu.memory_space<hbm>>, %arg6: memref<16384x768xf32, #tpu.memory_space<hbm>>, %arg7: memref<64x128xi32, #tpu.memory_space<hbm>>, %arg8: memref<3x128xi32, #tpu.memory_space<hbm>>, %arg9: memref<32x64xi32, #tpu.memory_space<vmem>>, %arg10: memref<64xi32, #tpu.memory_space<vmem>>, %arg11: memref<256xi32, #tpu.memory_space<vmem>>, %arg12: memref<256xi32, #tpu.memory_space<vmem>>, %arg13: memref<2x128xi32, #tpu.memory_space<vmem>>, %arg14: memref<128xi32, #tpu.memory_space<vmem>>, %arg15: memref<3x128xi32, #tpu.memory_space<vmem>>, %arg16: memref<128x768xf32, #tpu.memory_space<vmem>>, %arg17: memref<!tpu.dma_semaphore, #tpu.memory_space<semaphore_mem>>) attributes {dimension_semantics = [#tpu.dimension_semantics<core_parallel>, #tpu.dimension_semantics<subcore_parallel>], iteration_bounds = array<i64: 2, 16>, scalar_prefetch = 0 : i64, scratch_operands = 9 : i64, tpu.core_type = #tpu.core_type<sc_vector_subcore>, window_params = [{transform_indices = #map}, {transform_indices = #map1}, {transform_indices = #map1}, {transform_indices = #map}, {transform_indices = #map}, {transform_indices = #map}, {transform_indices = #map}]} {
    %mul3A = arith.constant 2 : i32
    %mul3A_0 = arith.muli %arg1, %mul3A : i32
    %add3A = arith.addi %mul3A_0, %arg0 : i32
    %mul3A_1 = arith.constant 256 : i32
    %mul3A_2 = arith.muli %add3A, %mul3A_1 : i32
    "tpu.region"() ({
      %run_scoped3A_522 = tpu.sem_alloc : memref<!tpu.dma_semaphore, #tpu.memory_space<semaphore_mem>>
      tpu.enqueue_dma source(%arg5 : memref<32x64xi32, #tpu.memory_space<hbm>>) target(%arg9 : memref<32x64xi32, #tpu.memory_space<vmem>>) target_semaphore(%run_scoped3A_522 : memref<!tpu.dma_semaphore, #tpu.memory_space<semaphore_mem>>)
      tpu.wait_dma2 semaphore(%run_scoped3A_522 : memref<!tpu.dma_semaphore, #tpu.memory_space<semaphore_mem>>) src(%arg5 : memref<32x64xi32, #tpu.memory_space<hbm>>) dst(%arg9 : memref<32x64xi32, #tpu.memory_space<vmem>>)
      tpu.yield
    }) : () -> ()
    "tpu.region"() ({
      %run_scoped3A_522 = tpu.sem_alloc : memref<!tpu.dma_semaphore, #tpu.memory_space<semaphore_mem>>
      %dma_start3A_523 = tpu.memref_slice %arg3[%mul3A_2] : memref<8192xi32, #tpu.memory_space<hbm>> -> memref<256xi32, #tpu.memory_space<hbm>>
      %dma_start3A_524 = tpu.memref_slice %arg3[%mul3A_2] : memref<8192xi32, #tpu.memory_space<hbm>> -> memref<256xi32, #tpu.memory_space<hbm>>
      tpu.enqueue_dma source(%dma_start3A_524 : memref<256xi32, #tpu.memory_space<hbm>>) target(%arg11 : memref<256xi32, #tpu.memory_space<vmem>>) target_semaphore(%run_scoped3A_522 : memref<!tpu.dma_semaphore, #tpu.memory_space<semaphore_mem>>)
      %dma_wait3A_525 = tpu.memref_slice %arg3[%mul3A_2] : memref<8192xi32, #tpu.memory_space<hbm>> -> memref<256xi32, #tpu.memory_space<hbm>>
      %dma_wait3A_526 = tpu.memref_slice %arg3[%mul3A_2] : memref<8192xi32, #tpu.memory_space<hbm>> -> memref<256xi32, #tpu.memory_space<hbm>>
      tpu.wait_dma2 semaphore(%run_scoped3A_522 : memref<!tpu.dma_semaphore, #tpu.memory_space<semaphore_mem>>) src(%dma_wait3A_526 : memref<256xi32, #tpu.memory_space<hbm>>) dst(%arg11 : memref<256xi32, #tpu.memory_space<vmem>>)
      tpu.yield
    }) : () -> ()
    "tpu.region"() ({
      %run_scoped3A_522 = tpu.sem_alloc : memref<!tpu.dma_semaphore, #tpu.memory_space<semaphore_mem>>
      %dma_start3A_523 = tpu.memref_slice %arg4[%mul3A_2] : memref<8192xi32, #tpu.memory_space<hbm>> -> memref<256xi32, #tpu.memory_space<hbm>>
      %dma_start3A_524 = tpu.memref_slice %arg4[%mul3A_2] : memref<8192xi32, #tpu.memory_space<hbm>> -> memref<256xi32, #tpu.memory_space<hbm>>
      tpu.enqueue_dma source(%dma_start3A_524 : memref<256xi32, #tpu.memory_space<hbm>>) target(%arg12 : memref<256xi32, #tpu.memory_space<vmem>>) target_semaphore(%run_scoped3A_522 : memref<!tpu.dma_semaphore, #tpu.memory_space<semaphore_mem>>)
      %dma_wait3A_525 = tpu.memref_slice %arg4[%mul3A_2] : memref<8192xi32, #tpu.memory_space<hbm>> -> memref<256xi32, #tpu.memory_space<hbm>>
      %dma_wait3A_526 = tpu.memref_slice %arg4[%mul3A_2] : memref<8192xi32, #tpu.memory_space<hbm>> -> memref<256xi32, #tpu.memory_space<hbm>>
      tpu.wait_dma2 semaphore(%run_scoped3A_522 : memref<!tpu.dma_semaphore, #tpu.memory_space<semaphore_mem>>) src(%dma_wait3A_526 : memref<256xi32, #tpu.memory_space<hbm>>) dst(%arg12 : memref<256xi32, #tpu.memory_space<vmem>>)
      tpu.yield
    }) : () -> ()
    %iota3A = tpu.iota {dimensions = array<i32: 0>} : vector<16xi32>
    %broadcast_in_dim3A = arith.constant 0 : i32
    %broadcast_in_dim3A_3 = vector.broadcast %broadcast_in_dim3A : i32 to vector<16xi32>
    %swap3A = arith.constant 0 : index
    %swap3A_4 = tpu.vector_load %arg14[%swap3A] {strides = array<i32>} : memref<128xi32, #tpu.memory_space<vmem>>, vector<16xi32>,
    tpu.vector_store %arg14[%swap3A], %broadcast_in_dim3A_3 {strides = array<i32>} : memref<128xi32, #tpu.memory_space<vmem>>, vector<16xi32>,
    %broadcast_in_dim3A_5 = arith.constant 0 : i32
    %broadcast_in_dim3A_6 = vector.broadcast %broadcast_in_dim3A_5 : i32 to vector<16xi32>
    %swap3A_7 = arith.constant 16 : index
    %swap3A_8 = tpu.vector_load %arg14[%swap3A_7] {strides = array<i32>} : memref<128xi32, #tpu.memory_space<vmem>>, vector<16xi32>,
    tpu.vector_store %arg14[%swap3A_7], %broadcast_in_dim3A_6 {strides = array<i32>} : memref<128xi32, #tpu.memory_space<vmem>>, vector<16xi32>,
    %broadcast_in_dim3A_9 = arith.constant 0 : i32
    %broadcast_in_dim3A_10 = vector.broadcast %broadcast_in_dim3A_9 : i32 to vector<16xi32>
    %swap3A_11 = arith.constant 32 : index
    %swap3A_12 = tpu.vector_load %arg14[%swap3A_11] {strides = array<i32>} : memref<128xi32, #tpu.memory_space<vmem>>, vector<16xi32>,
    tpu.vector_store %arg14[%swap3A_11], %broadcast_in_dim3A_10 {strides = array<i32>} : memref<128xi32, #tpu.memory_space<vmem>>, vector<16xi32>,
    %broadcast_in_dim3A_13 = arith.constant 0 : i32
    %broadcast_in_dim3A_14 = vector.broadcast %broadcast_in_dim3A_13 : i32 to vector<16xi32>
    %swap3A_15 = arith.constant 48 : index
    %swap3A_16 = tpu.vector_load %arg14[%swap3A_15] {strides = array<i32>} : memref<128xi32, #tpu.memory_space<vmem>>, vector<16xi32>,
    tpu.vector_store %arg14[%swap3A_15], %broadcast_in_dim3A_14 {strides = array<i32>} : memref<128xi32, #tpu.memory_space<vmem>>, vector<16xi32>,
    %broadcast_in_dim3A_17 = arith.constant 0 : i32
    %broadcast_in_dim3A_18 = vector.broadcast %broadcast_in_dim3A_17 : i32 to vector<16xi32>
    %swap3A_19 = arith.constant 64 : index
    %swap3A_20 = tpu.vector_load %arg14[%swap3A_19] {strides = array<i32>} : memref<128xi32, #tpu.memory_space<vmem>>, vector<16xi32>,
    tpu.vector_store %arg14[%swap3A_19], %broadcast_in_dim3A_18 {strides = array<i32>} : memref<128xi32, #tpu.memory_space<vmem>>, vector<16xi32>,
    %broadcast_in_dim3A_21 = arith.constant 0 : i32
    %broadcast_in_dim3A_22 = vector.broadcast %broadcast_in_dim3A_21 : i32 to vector<16xi32>
    %swap3A_23 = arith.constant 80 : index
    %swap3A_24 = tpu.vector_load %arg14[%swap3A_23] {strides = array<i32>} : memref<128xi32, #tpu.memory_space<vmem>>, vector<16xi32>,
    tpu.vector_store %arg14[%swap3A_23], %broadcast_in_dim3A_22 {strides = array<i32>} : memref<128xi32, #tpu.memory_space<vmem>>, vector<16xi32>,
    %broadcast_in_dim3A_25 = arith.constant 0 : i32
    %broadcast_in_dim3A_26 = vector.broadcast %broadcast_in_dim3A_25 : i32 to vector<16xi32>
    %swap3A_27 = arith.constant 96 : index
    %swap3A_28 = tpu.vector_load %arg14[%swap3A_27] {strides = array<i32>} : memref<128xi32, #tpu.memory_space<vmem>>, vector<16xi32>,
    tpu.vector_store %arg14[%swap3A_27], %broadcast_in_dim3A_26 {strides = array<i32>} : memref<128xi32, #tpu.memory_space<vmem>>, vector<16xi32>,
    %broadcast_in_dim3A_29 = arith.constant 0 : i32
    %broadcast_in_dim3A_30 = vector.broadcast %broadcast_in_dim3A_29 : i32 to vector<16xi32>
    %swap3A_31 = arith.constant 112 : index
    %swap3A_32 = tpu.vector_load %arg14[%swap3A_31] {strides = array<i32>} : memref<128xi32, #tpu.memory_space<vmem>>, vector<16xi32>,
    tpu.vector_store %arg14[%swap3A_31], %broadcast_in_dim3A_30 {strides = array<i32>} : memref<128xi32, #tpu.memory_space<vmem>>, vector<16xi32>,
    %broadcast_in_dim3A_33 = arith.constant 0 : i32
    %broadcast_in_dim3A_34 = vector.broadcast %broadcast_in_dim3A_33 : i32 to vector<16xi32>
    %broadcast_in_dim3A_35 = arith.constant 0 : i32
    %broadcast_in_dim3A_36 = vector.broadcast %broadcast_in_dim3A_35 : i32 to vector<16xi32>
    %scan3A = arith.constant 0 : i32
    %scan3A_37 = arith.constant 32 : i32
    %scan3A_38 = arith.addi %scan3A, %scan3A_37 : i32
    %scan3A_39 = arith.constant 1 : i32
    %scan3A_40:2 = scf.for %scan3A_522 = %scan3A to %scan3A_38 step %scan3A_39 iter_args(%scan3A_523 = %broadcast_in_dim3A_34, %scan3A_524 = %broadcast_in_dim3A_36) -> (vector<16xi32>, vector<16xi32>)  : i32 {
      %get3A_525 = arith.index_cast %scan3A_522 : i32 to index
      %get3A_526 = arith.constant 0 : index
      %get3A_527 = tpu.vector_load %arg9[%get3A_525, %get3A_526] {strides = array<i32>} : memref<32x64xi32, #tpu.memory_space<vmem>>, vector<16xi32>,
      %add3A_528 = arith.addi %scan3A_523, %get3A_527 : vector<16xi32>
      %lt3A = arith.cmpi slt, %scan3A_522, %add3A : i32
      %jit3A_529 = arith.constant 0 : i32
      %broadcast_in_dim3A_530 = vector.broadcast %jit3A_529 : i32 to vector<16xi32>
      %select_n3A_531 = arith.select %lt3A, %get3A_527, %broadcast_in_dim3A_530 : vector<16xi32>
      %add3A_532 = arith.addi %scan3A_524, %select_n3A_531 : vector<16xi32>
      scf.yield %add3A_528, %add3A_532 : vector<16xi32>, vector<16xi32>
    }
    %scan3A_41 = arith.constant 32 : i32
    %add3A_42 = arith.constant 127 : i32
    %add3A_43 = vector.broadcast %add3A_42 : i32 to vector<16xi32>
    %add3A_44 = arith.addi %scan3A_40#0, %add3A_43 : vector<16xi32>
    %jit3A = arith.constant 128 : i32
    %div3A = vector.broadcast %jit3A : i32 to vector<16xi32>
    %div3A_45 = arith.divsi %add3A_44, %div3A : vector<16xi32>
    %sign3A = arith.constant 0 : i32
    %sign3A_46 = vector.broadcast %sign3A : i32 to vector<16xi32>
    %sign3A_47 = arith.cmpi sgt, %add3A_44, %sign3A_46 : vector<16xi32>
    %sign3A_48 = arith.extui %sign3A_47 : vector<16xi1> to vector<16xi32>
    %sign3A_49 = arith.constant 0 : i32
    %sign3A_50 = vector.broadcast %sign3A_49 : i32 to vector<16xi32>
    %sign3A_51 = arith.cmpi slt, %add3A_44, %sign3A_50 : vector<16xi32>
    %sign3A_52 = arith.extui %sign3A_51 : vector<16xi1> to vector<16xi32>
    %sign3A_53 = arith.subi %sign3A_48, %sign3A_52 : vector<16xi32>
    %sign3A_54 = arith.constant 0 : i32
    %sign3A_55 = arith.cmpi sgt, %jit3A, %sign3A_54 : i32
    %sign3A_56 = arith.extui %sign3A_55 : i1 to i32
    %sign3A_57 = arith.constant 0 : i32
    %sign3A_58 = arith.cmpi slt, %jit3A, %sign3A_57 : i32
    %sign3A_59 = arith.extui %sign3A_58 : i1 to i32
    %sign3A_60 = arith.subi %sign3A_56, %sign3A_59 : i32
    %ne3A = vector.broadcast %sign3A_60 : i32 to vector<16xi32>
    %ne3A_61 = arith.cmpi ne, %sign3A_53, %ne3A : vector<16xi32>
    %rem3A = vector.broadcast %jit3A : i32 to vector<16xi32>
    %rem3A_62 = arith.remsi %add3A_44, %rem3A : vector<16xi32>
    %ne3A_63 = arith.constant 0 : i32
    %ne3A_64 = vector.broadcast %ne3A_63 : i32 to vector<16xi32>
    %ne3A_65 = arith.cmpi ne, %rem3A_62, %ne3A_64 : vector<16xi32>
    %and3A = arith.andi %ne3A_61, %ne3A_65 : vector<16xi1>
    %sub3A = arith.constant 1 : i32
    %sub3A_66 = vector.broadcast %sub3A : i32 to vector<16xi32>
    %sub3A_67 = arith.subi %div3A_45, %sub3A_66 : vector<16xi32>
    %select_n3A = arith.select %and3A, %sub3A_67, %div3A_45 : vector<16xi1>, vector<16xi32>
    %cumsum3A = arith.constant true
    %cumsum3A_68 = vector.broadcast %cumsum3A : i1 to vector<16xi1>
    %cumsum3A_69 = tpu.scan <sum>, %select_n3A masked %cumsum3A_68 : vector<16xi32>, vector<16xi1> -> vector<16xi32>
    %sub3A_70 = arith.subi %cumsum3A_69, %select_n3A : vector<16xi32>
    %add3A_71 = arith.constant 0 : i32
    %add3A_72 = vector.broadcast %add3A_71 : i32 to vector<16xi32>
    %add3A_73 = arith.addi %sub3A_70, %add3A_72 : vector<16xi32>
    %reduce_sum3A = arith.constant true
    %reduce_sum3A_74 = vector.broadcast %reduce_sum3A : i1 to vector<16xi1>
    %reduce_sum3A_75 = tpu.scan <sum>, %select_n3A masked %reduce_sum3A_74 : vector<16xi32>, vector<16xi1> -> vector<16xi32>
    %reduce_sum3A_76 = vector.extract %reduce_sum3A_75[15] : i32 from vector<16xi32>
    %add3A_77 = arith.constant 0 : i32
    %add3A_78 = arith.addi %add3A_77, %reduce_sum3A_76 : i32
    %mul3A_79 = arith.constant 128 : i32
    %mul3A_80 = vector.broadcast %mul3A_79 : i32 to vector<16xi32>
    %mul3A_81 = arith.muli %add3A_73, %mul3A_80 : vector<16xi32>
    %add3A_82 = arith.addi %mul3A_81, %scan3A_40#1 : vector<16xi32>
    %swap3A_83 = arith.constant 0 : index
    %swap3A_84 = tpu.vector_load %arg10[%swap3A_83] {strides = array<i32>} : memref<64xi32, #tpu.memory_space<vmem>>, vector<16xi32>,
    tpu.vector_store %arg10[%swap3A_83], %add3A_82 {strides = array<i32>} : memref<64xi32, #tpu.memory_space<vmem>>, vector<16xi32>,
    %add3A_85 = arith.constant 0 : i32
    %add3A_86 = vector.broadcast %add3A_85 : i32 to vector<16xi32>
    %add3A_87 = arith.addi %iota3A, %add3A_86 : vector<16xi32>
    %min3A = arith.constant 127 : i32
    %min3A_88 = vector.broadcast %min3A : i32 to vector<16xi32>
    %min3A_89 = arith.minsi %add3A_73, %min3A_88 : vector<16xi32>
    %gt3A = arith.constant 0 : i32
    %gt3A_90 = vector.broadcast %gt3A : i32 to vector<16xi32>
    %gt3A_91 = arith.cmpi sgt, %select_n3A, %gt3A_90 : vector<16xi32>
    tpu.vector_store_idx %arg14[%min3A_89], %add3A_87 masked %gt3A_91 : memref<128xi32, #tpu.memory_space<vmem>>[vector<16xi32>], vector<16xi32>, vector<16xi1>
    %reduce_sum3A_92 = arith.constant true
    %reduce_sum3A_93 = vector.broadcast %reduce_sum3A_92 : i1 to vector<16xi1>
    %reduce_sum3A_94 = tpu.scan <sum>, %select_n3A masked %reduce_sum3A_93 : vector<16xi32>, vector<16xi1> -> vector<16xi32>
    %reduce_sum3A_95 = vector.extract %reduce_sum3A_94[15] : i32 from vector<16xi32>
    %add3A_96 = arith.constant 0 : i32
    %add3A_97 = arith.addi %add3A_96, %reduce_sum3A_95 : i32
    %broadcast_in_dim3A_98 = arith.constant 0 : i32
    %broadcast_in_dim3A_99 = vector.broadcast %broadcast_in_dim3A_98 : i32 to vector<16xi32>
    %broadcast_in_dim3A_100 = arith.constant 0 : i32
    %broadcast_in_dim3A_101 = vector.broadcast %broadcast_in_dim3A_100 : i32 to vector<16xi32>
    %scan3A_102 = arith.constant 0 : i32
    %scan3A_103 = arith.constant 32 : i32
    %scan3A_104 = arith.addi %scan3A_102, %scan3A_103 : i32
    %scan3A_105 = arith.constant 1 : i32
    %scan3A_106:2 = scf.for %scan3A_522 = %scan3A_102 to %scan3A_104 step %scan3A_105 iter_args(%scan3A_523 = %broadcast_in_dim3A_99, %scan3A_524 = %broadcast_in_dim3A_101) -> (vector<16xi32>, vector<16xi32>)  : i32 {
      %get3A_525 = arith.index_cast %scan3A_522 : i32 to index
      %get3A_526 = arith.constant 16 : index
      %get3A_527 = tpu.vector_load %arg9[%get3A_525, %get3A_526] {strides = array<i32>} : memref<32x64xi32, #tpu.memory_space<vmem>>, vector<16xi32>,
      %add3A_528 = arith.addi %scan3A_523, %get3A_527 : vector<16xi32>
      %lt3A = arith.cmpi slt, %scan3A_522, %add3A : i32
      %jit3A_529 = arith.constant 0 : i32
      %broadcast_in_dim3A_530 = vector.broadcast %jit3A_529 : i32 to vector<16xi32>
      %select_n3A_531 = arith.select %lt3A, %get3A_527, %broadcast_in_dim3A_530 : vector<16xi32>
      %add3A_532 = arith.addi %scan3A_524, %select_n3A_531 : vector<16xi32>
      scf.yield %add3A_528, %add3A_532 : vector<16xi32>, vector<16xi32>
    }
    %scan3A_107 = arith.constant 32 : i32
    %add3A_108 = arith.constant 127 : i32
    %add3A_109 = vector.broadcast %add3A_108 : i32 to vector<16xi32>
    %add3A_110 = arith.addi %scan3A_106#0, %add3A_109 : vector<16xi32>
    %jit3A_111 = arith.constant 128 : i32
    %div3A_112 = vector.broadcast %jit3A_111 : i32 to vector<16xi32>
    %div3A_113 = arith.divsi %add3A_110, %div3A_112 : vector<16xi32>
    %sign3A_114 = arith.constant 0 : i32
    %sign3A_115 = vector.broadcast %sign3A_114 : i32 to vector<16xi32>
    %sign3A_116 = arith.cmpi sgt, %add3A_110, %sign3A_115 : vector<16xi32>
    %sign3A_117 = arith.extui %sign3A_116 : vector<16xi1> to vector<16xi32>
    %sign3A_118 = arith.constant 0 : i32
    %sign3A_119 = vector.broadcast %sign3A_118 : i32 to vector<16xi32>
    %sign3A_120 = arith.cmpi slt, %add3A_110, %sign3A_119 : vector<16xi32>
    %sign3A_121 = arith.extui %sign3A_120 : vector<16xi1> to vector<16xi32>
    %sign3A_122 = arith.subi %sign3A_117, %sign3A_121 : vector<16xi32>
    %sign3A_123 = arith.constant 0 : i32
    %sign3A_124 = arith.cmpi sgt, %jit3A_111, %sign3A_123 : i32
    %sign3A_125 = arith.extui %sign3A_124 : i1 to i32
    %sign3A_126 = arith.constant 0 : i32
    %sign3A_127 = arith.cmpi slt, %jit3A_111, %sign3A_126 : i32
    %sign3A_128 = arith.extui %sign3A_127 : i1 to i32
    %sign3A_129 = arith.subi %sign3A_125, %sign3A_128 : i32
    %ne3A_130 = vector.broadcast %sign3A_129 : i32 to vector<16xi32>
    %ne3A_131 = arith.cmpi ne, %sign3A_122, %ne3A_130 : vector<16xi32>
    %rem3A_132 = vector.broadcast %jit3A_111 : i32 to vector<16xi32>
    %rem3A_133 = arith.remsi %add3A_110, %rem3A_132 : vector<16xi32>
    %ne3A_134 = arith.constant 0 : i32
    %ne3A_135 = vector.broadcast %ne3A_134 : i32 to vector<16xi32>
    %ne3A_136 = arith.cmpi ne, %rem3A_133, %ne3A_135 : vector<16xi32>
    %and3A_137 = arith.andi %ne3A_131, %ne3A_136 : vector<16xi1>
    %sub3A_138 = arith.constant 1 : i32
    %sub3A_139 = vector.broadcast %sub3A_138 : i32 to vector<16xi32>
    %sub3A_140 = arith.subi %div3A_113, %sub3A_139 : vector<16xi32>
    %select_n3A_141 = arith.select %and3A_137, %sub3A_140, %div3A_113 : vector<16xi1>, vector<16xi32>
    %cumsum3A_142 = arith.constant true
    %cumsum3A_143 = vector.broadcast %cumsum3A_142 : i1 to vector<16xi1>
    %cumsum3A_144 = tpu.scan <sum>, %select_n3A_141 masked %cumsum3A_143 : vector<16xi32>, vector<16xi1> -> vector<16xi32>
    %sub3A_145 = arith.subi %cumsum3A_144, %select_n3A_141 : vector<16xi32>
    %add3A_146 = vector.broadcast %add3A_78 : i32 to vector<16xi32>
    %add3A_147 = arith.addi %sub3A_145, %add3A_146 : vector<16xi32>
    %reduce_sum3A_148 = arith.constant true
    %reduce_sum3A_149 = vector.broadcast %reduce_sum3A_148 : i1 to vector<16xi1>
    %reduce_sum3A_150 = tpu.scan <sum>, %select_n3A_141 masked %reduce_sum3A_149 : vector<16xi32>, vector<16xi1> -> vector<16xi32>
    %reduce_sum3A_151 = vector.extract %reduce_sum3A_150[15] : i32 from vector<16xi32>
    %add3A_152 = arith.addi %add3A_78, %reduce_sum3A_151 : i32
    %mul3A_153 = arith.constant 128 : i32
    %mul3A_154 = vector.broadcast %mul3A_153 : i32 to vector<16xi32>
    %mul3A_155 = arith.muli %add3A_147, %mul3A_154 : vector<16xi32>
    %add3A_156 = arith.addi %mul3A_155, %scan3A_106#1 : vector<16xi32>
    %swap3A_157 = arith.constant 16 : index
    %swap3A_158 = tpu.vector_load %arg10[%swap3A_157] {strides = array<i32>} : memref<64xi32, #tpu.memory_space<vmem>>, vector<16xi32>,
    tpu.vector_store %arg10[%swap3A_157], %add3A_156 {strides = array<i32>} : memref<64xi32, #tpu.memory_space<vmem>>, vector<16xi32>,
    %add3A_159 = arith.constant 16 : i32
    %add3A_160 = vector.broadcast %add3A_159 : i32 to vector<16xi32>
    %add3A_161 = arith.addi %iota3A, %add3A_160 : vector<16xi32>
    %min3A_162 = arith.constant 127 : i32
    %min3A_163 = vector.broadcast %min3A_162 : i32 to vector<16xi32>
    %min3A_164 = arith.minsi %add3A_147, %min3A_163 : vector<16xi32>
    %gt3A_165 = arith.constant 0 : i32
    %gt3A_166 = vector.broadcast %gt3A_165 : i32 to vector<16xi32>
    %gt3A_167 = arith.cmpi sgt, %select_n3A_141, %gt3A_166 : vector<16xi32>
    tpu.vector_store_idx %arg14[%min3A_164], %add3A_161 masked %gt3A_167 : memref<128xi32, #tpu.memory_space<vmem>>[vector<16xi32>], vector<16xi32>, vector<16xi1>
    %reduce_sum3A_168 = arith.constant true
    %reduce_sum3A_169 = vector.broadcast %reduce_sum3A_168 : i1 to vector<16xi1>
    %reduce_sum3A_170 = tpu.scan <sum>, %select_n3A_141 masked %reduce_sum3A_169 : vector<16xi32>, vector<16xi1> -> vector<16xi32>
    %reduce_sum3A_171 = vector.extract %reduce_sum3A_170[15] : i32 from vector<16xi32>
    %add3A_172 = arith.addi %add3A_97, %reduce_sum3A_171 : i32
    %broadcast_in_dim3A_173 = arith.constant 0 : i32
    %broadcast_in_dim3A_174 = vector.broadcast %broadcast_in_dim3A_173 : i32 to vector<16xi32>
    %broadcast_in_dim3A_175 = arith.constant 0 : i32
    %broadcast_in_dim3A_176 = vector.broadcast %broadcast_in_dim3A_175 : i32 to vector<16xi32>
    %scan3A_177 = arith.constant 0 : i32
    %scan3A_178 = arith.constant 32 : i32
    %scan3A_179 = arith.addi %scan3A_177, %scan3A_178 : i32
    %scan3A_180 = arith.constant 1 : i32
    %scan3A_181:2 = scf.for %scan3A_522 = %scan3A_177 to %scan3A_179 step %scan3A_180 iter_args(%scan3A_523 = %broadcast_in_dim3A_174, %scan3A_524 = %broadcast_in_dim3A_176) -> (vector<16xi32>, vector<16xi32>)  : i32 {
      %get3A_525 = arith.index_cast %scan3A_522 : i32 to index
      %get3A_526 = arith.constant 32 : index
      %get3A_527 = tpu.vector_load %arg9[%get3A_525, %get3A_526] {strides = array<i32>} : memref<32x64xi32, #tpu.memory_space<vmem>>, vector<16xi32>,
      %add3A_528 = arith.addi %scan3A_523, %get3A_527 : vector<16xi32>
      %lt3A = arith.cmpi slt, %scan3A_522, %add3A : i32
      %jit3A_529 = arith.constant 0 : i32
      %broadcast_in_dim3A_530 = vector.broadcast %jit3A_529 : i32 to vector<16xi32>
      %select_n3A_531 = arith.select %lt3A, %get3A_527, %broadcast_in_dim3A_530 : vector<16xi32>
      %add3A_532 = arith.addi %scan3A_524, %select_n3A_531 : vector<16xi32>
      scf.yield %add3A_528, %add3A_532 : vector<16xi32>, vector<16xi32>
    }
    %scan3A_182 = arith.constant 32 : i32
    %add3A_183 = arith.constant 127 : i32
    %add3A_184 = vector.broadcast %add3A_183 : i32 to vector<16xi32>
    %add3A_185 = arith.addi %scan3A_181#0, %add3A_184 : vector<16xi32>
    %jit3A_186 = arith.constant 128 : i32
    %div3A_187 = vector.broadcast %jit3A_186 : i32 to vector<16xi32>
    %div3A_188 = arith.divsi %add3A_185, %div3A_187 : vector<16xi32>
    %sign3A_189 = arith.constant 0 : i32
    %sign3A_190 = vector.broadcast %sign3A_189 : i32 to vector<16xi32>
    %sign3A_191 = arith.cmpi sgt, %add3A_185, %sign3A_190 : vector<16xi32>
    %sign3A_192 = arith.extui %sign3A_191 : vector<16xi1> to vector<16xi32>
    %sign3A_193 = arith.constant 0 : i32
    %sign3A_194 = vector.broadcast %sign3A_193 : i32 to vector<16xi32>
    %sign3A_195 = arith.cmpi slt, %add3A_185, %sign3A_194 : vector<16xi32>
    %sign3A_196 = arith.extui %sign3A_195 : vector<16xi1> to vector<16xi32>
    %sign3A_197 = arith.subi %sign3A_192, %sign3A_196 : vector<16xi32>
    %sign3A_198 = arith.constant 0 : i32
    %sign3A_199 = arith.cmpi sgt, %jit3A_186, %sign3A_198 : i32
    %sign3A_200 = arith.extui %sign3A_199 : i1 to i32
    %sign3A_201 = arith.constant 0 : i32
    %sign3A_202 = arith.cmpi slt, %jit3A_186, %sign3A_201 : i32
    %sign3A_203 = arith.extui %sign3A_202 : i1 to i32
    %sign3A_204 = arith.subi %sign3A_200, %sign3A_203 : i32
    %ne3A_205 = vector.broadcast %sign3A_204 : i32 to vector<16xi32>
    %ne3A_206 = arith.cmpi ne, %sign3A_197, %ne3A_205 : vector<16xi32>
    %rem3A_207 = vector.broadcast %jit3A_186 : i32 to vector<16xi32>
    %rem3A_208 = arith.remsi %add3A_185, %rem3A_207 : vector<16xi32>
    %ne3A_209 = arith.constant 0 : i32
    %ne3A_210 = vector.broadcast %ne3A_209 : i32 to vector<16xi32>
    %ne3A_211 = arith.cmpi ne, %rem3A_208, %ne3A_210 : vector<16xi32>
    %and3A_212 = arith.andi %ne3A_206, %ne3A_211 : vector<16xi1>
    %sub3A_213 = arith.constant 1 : i32
    %sub3A_214 = vector.broadcast %sub3A_213 : i32 to vector<16xi32>
    %sub3A_215 = arith.subi %div3A_188, %sub3A_214 : vector<16xi32>
    %select_n3A_216 = arith.select %and3A_212, %sub3A_215, %div3A_188 : vector<16xi1>, vector<16xi32>
    %cumsum3A_217 = arith.constant true
    %cumsum3A_218 = vector.broadcast %cumsum3A_217 : i1 to vector<16xi1>
    %cumsum3A_219 = tpu.scan <sum>, %select_n3A_216 masked %cumsum3A_218 : vector<16xi32>, vector<16xi1> -> vector<16xi32>
    %sub3A_220 = arith.subi %cumsum3A_219, %select_n3A_216 : vector<16xi32>
    %add3A_221 = vector.broadcast %add3A_152 : i32 to vector<16xi32>
    %add3A_222 = arith.addi %sub3A_220, %add3A_221 : vector<16xi32>
    %reduce_sum3A_223 = arith.constant true
    %reduce_sum3A_224 = vector.broadcast %reduce_sum3A_223 : i1 to vector<16xi1>
    %reduce_sum3A_225 = tpu.scan <sum>, %select_n3A_216 masked %reduce_sum3A_224 : vector<16xi32>, vector<16xi1> -> vector<16xi32>
    %reduce_sum3A_226 = vector.extract %reduce_sum3A_225[15] : i32 from vector<16xi32>
    %add3A_227 = arith.addi %add3A_152, %reduce_sum3A_226 : i32
    %mul3A_228 = arith.constant 128 : i32
    %mul3A_229 = vector.broadcast %mul3A_228 : i32 to vector<16xi32>
    %mul3A_230 = arith.muli %add3A_222, %mul3A_229 : vector<16xi32>
    %add3A_231 = arith.addi %mul3A_230, %scan3A_181#1 : vector<16xi32>
    %swap3A_232 = arith.constant 32 : index
    %swap3A_233 = tpu.vector_load %arg10[%swap3A_232] {strides = array<i32>} : memref<64xi32, #tpu.memory_space<vmem>>, vector<16xi32>,
    tpu.vector_store %arg10[%swap3A_232], %add3A_231 {strides = array<i32>} : memref<64xi32, #tpu.memory_space<vmem>>, vector<16xi32>,
    %add3A_234 = arith.constant 32 : i32
    %add3A_235 = vector.broadcast %add3A_234 : i32 to vector<16xi32>
    %add3A_236 = arith.addi %iota3A, %add3A_235 : vector<16xi32>
    %min3A_237 = arith.constant 127 : i32
    %min3A_238 = vector.broadcast %min3A_237 : i32 to vector<16xi32>
    %min3A_239 = arith.minsi %add3A_222, %min3A_238 : vector<16xi32>
    %gt3A_240 = arith.constant 0 : i32
    %gt3A_241 = vector.broadcast %gt3A_240 : i32 to vector<16xi32>
    %gt3A_242 = arith.cmpi sgt, %select_n3A_216, %gt3A_241 : vector<16xi32>
    tpu.vector_store_idx %arg14[%min3A_239], %add3A_236 masked %gt3A_242 : memref<128xi32, #tpu.memory_space<vmem>>[vector<16xi32>], vector<16xi32>, vector<16xi1>
    %reduce_sum3A_243 = arith.constant true
    %reduce_sum3A_244 = vector.broadcast %reduce_sum3A_243 : i1 to vector<16xi1>
    %reduce_sum3A_245 = tpu.scan <sum>, %select_n3A_216 masked %reduce_sum3A_244 : vector<16xi32>, vector<16xi1> -> vector<16xi32>
    %reduce_sum3A_246 = vector.extract %reduce_sum3A_245[15] : i32 from vector<16xi32>
    %add3A_247 = arith.addi %add3A_172, %reduce_sum3A_246 : i32
    %broadcast_in_dim3A_248 = arith.constant 0 : i32
    %broadcast_in_dim3A_249 = vector.broadcast %broadcast_in_dim3A_248 : i32 to vector<16xi32>
    %broadcast_in_dim3A_250 = arith.constant 0 : i32
    %broadcast_in_dim3A_251 = vector.broadcast %broadcast_in_dim3A_250 : i32 to vector<16xi32>
    %scan3A_252 = arith.constant 0 : i32
    %scan3A_253 = arith.constant 32 : i32
    %scan3A_254 = arith.addi %scan3A_252, %scan3A_253 : i32
    %scan3A_255 = arith.constant 1 : i32
    %scan3A_256:2 = scf.for %scan3A_522 = %scan3A_252 to %scan3A_254 step %scan3A_255 iter_args(%scan3A_523 = %broadcast_in_dim3A_249, %scan3A_524 = %broadcast_in_dim3A_251) -> (vector<16xi32>, vector<16xi32>)  : i32 {
      %get3A_525 = arith.index_cast %scan3A_522 : i32 to index
      %get3A_526 = arith.constant 48 : index
      %get3A_527 = tpu.vector_load %arg9[%get3A_525, %get3A_526] {strides = array<i32>} : memref<32x64xi32, #tpu.memory_space<vmem>>, vector<16xi32>,
      %add3A_528 = arith.addi %scan3A_523, %get3A_527 : vector<16xi32>
      %lt3A = arith.cmpi slt, %scan3A_522, %add3A : i32
      %jit3A_529 = arith.constant 0 : i32
      %broadcast_in_dim3A_530 = vector.broadcast %jit3A_529 : i32 to vector<16xi32>
      %select_n3A_531 = arith.select %lt3A, %get3A_527, %broadcast_in_dim3A_530 : vector<16xi32>
      %add3A_532 = arith.addi %scan3A_524, %select_n3A_531 : vector<16xi32>
      scf.yield %add3A_528, %add3A_532 : vector<16xi32>, vector<16xi32>
    }
    %scan3A_257 = arith.constant 32 : i32
    %add3A_258 = arith.constant 127 : i32
    %add3A_259 = vector.broadcast %add3A_258 : i32 to vector<16xi32>
    %add3A_260 = arith.addi %scan3A_256#0, %add3A_259 : vector<16xi32>
    %jit3A_261 = arith.constant 128 : i32
    %div3A_262 = vector.broadcast %jit3A_261 : i32 to vector<16xi32>
    %div3A_263 = arith.divsi %add3A_260, %div3A_262 : vector<16xi32>
    %sign3A_264 = arith.constant 0 : i32
    %sign3A_265 = vector.broadcast %sign3A_264 : i32 to vector<16xi32>
    %sign3A_266 = arith.cmpi sgt, %add3A_260, %sign3A_265 : vector<16xi32>
    %sign3A_267 = arith.extui %sign3A_266 : vector<16xi1> to vector<16xi32>
    %sign3A_268 = arith.constant 0 : i32
    %sign3A_269 = vector.broadcast %sign3A_268 : i32 to vector<16xi32>
    %sign3A_270 = arith.cmpi slt, %add3A_260, %sign3A_269 : vector<16xi32>
    %sign3A_271 = arith.extui %sign3A_270 : vector<16xi1> to vector<16xi32>
    %sign3A_272 = arith.subi %sign3A_267, %sign3A_271 : vector<16xi32>
    %sign3A_273 = arith.constant 0 : i32
    %sign3A_274 = arith.cmpi sgt, %jit3A_261, %sign3A_273 : i32
    %sign3A_275 = arith.extui %sign3A_274 : i1 to i32
    %sign3A_276 = arith.constant 0 : i32
    %sign3A_277 = arith.cmpi slt, %jit3A_261, %sign3A_276 : i32
    %sign3A_278 = arith.extui %sign3A_277 : i1 to i32
    %sign3A_279 = arith.subi %sign3A_275, %sign3A_278 : i32
    %ne3A_280 = vector.broadcast %sign3A_279 : i32 to vector<16xi32>
    %ne3A_281 = arith.cmpi ne, %sign3A_272, %ne3A_280 : vector<16xi32>
    %rem3A_282 = vector.broadcast %jit3A_261 : i32 to vector<16xi32>
    %rem3A_283 = arith.remsi %add3A_260, %rem3A_282 : vector<16xi32>
    %ne3A_284 = arith.constant 0 : i32
    %ne3A_285 = vector.broadcast %ne3A_284 : i32 to vector<16xi32>
    %ne3A_286 = arith.cmpi ne, %rem3A_283, %ne3A_285 : vector<16xi32>
    %and3A_287 = arith.andi %ne3A_281, %ne3A_286 : vector<16xi1>
    %sub3A_288 = arith.constant 1 : i32
    %sub3A_289 = vector.broadcast %sub3A_288 : i32 to vector<16xi32>
    %sub3A_290 = arith.subi %div3A_263, %sub3A_289 : vector<16xi32>
    %select_n3A_291 = arith.select %and3A_287, %sub3A_290, %div3A_263 : vector<16xi1>, vector<16xi32>
    %cumsum3A_292 = arith.constant true
    %cumsum3A_293 = vector.broadcast %cumsum3A_292 : i1 to vector<16xi1>
    %cumsum3A_294 = tpu.scan <sum>, %select_n3A_291 masked %cumsum3A_293 : vector<16xi32>, vector<16xi1> -> vector<16xi32>
    %sub3A_295 = arith.subi %cumsum3A_294, %select_n3A_291 : vector<16xi32>
    %add3A_296 = vector.broadcast %add3A_227 : i32 to vector<16xi32>
    %add3A_297 = arith.addi %sub3A_295, %add3A_296 : vector<16xi32>
    %reduce_sum3A_298 = arith.constant true
    %reduce_sum3A_299 = vector.broadcast %reduce_sum3A_298 : i1 to vector<16xi1>
    %reduce_sum3A_300 = tpu.scan <sum>, %select_n3A_291 masked %reduce_sum3A_299 : vector<16xi32>, vector<16xi1> -> vector<16xi32>
    %reduce_sum3A_301 = vector.extract %reduce_sum3A_300[15] : i32 from vector<16xi32>
    %add3A_302 = arith.addi %add3A_227, %reduce_sum3A_301 : i32
    %mul3A_303 = arith.constant 128 : i32
    %mul3A_304 = vector.broadcast %mul3A_303 : i32 to vector<16xi32>
    %mul3A_305 = arith.muli %add3A_297, %mul3A_304 : vector<16xi32>
    %add3A_306 = arith.addi %mul3A_305, %scan3A_256#1 : vector<16xi32>
    %swap3A_307 = arith.constant 48 : index
    %swap3A_308 = tpu.vector_load %arg10[%swap3A_307] {strides = array<i32>} : memref<64xi32, #tpu.memory_space<vmem>>, vector<16xi32>,
    tpu.vector_store %arg10[%swap3A_307], %add3A_306 {strides = array<i32>} : memref<64xi32, #tpu.memory_space<vmem>>, vector<16xi32>,
    %add3A_309 = arith.constant 48 : i32
    %add3A_310 = vector.broadcast %add3A_309 : i32 to vector<16xi32>
    %add3A_311 = arith.addi %iota3A, %add3A_310 : vector<16xi32>
    %min3A_312 = arith.constant 127 : i32
    %min3A_313 = vector.broadcast %min3A_312 : i32 to vector<16xi32>
    %min3A_314 = arith.minsi %add3A_297, %min3A_313 : vector<16xi32>
    %gt3A_315 = arith.constant 0 : i32
    %gt3A_316 = vector.broadcast %gt3A_315 : i32 to vector<16xi32>
    %gt3A_317 = arith.cmpi sgt, %select_n3A_291, %gt3A_316 : vector<16xi32>
    tpu.vector_store_idx %arg14[%min3A_314], %add3A_311 masked %gt3A_317 : memref<128xi32, #tpu.memory_space<vmem>>[vector<16xi32>], vector<16xi32>, vector<16xi1>
    %reduce_sum3A_318 = arith.constant true
    %reduce_sum3A_319 = vector.broadcast %reduce_sum3A_318 : i1 to vector<16xi1>
    %reduce_sum3A_320 = tpu.scan <sum>, %select_n3A_291 masked %reduce_sum3A_319 : vector<16xi32>, vector<16xi1> -> vector<16xi32>
    %reduce_sum3A_321 = vector.extract %reduce_sum3A_320[15] : i32 from vector<16xi32>
    %add3A_322 = arith.addi %add3A_247, %reduce_sum3A_321 : i32
    %get3A = arith.constant 0 : index
    %get3A_323 = tpu.vector_load %arg11[%get3A] {strides = array<i32>} : memref<256xi32, #tpu.memory_space<vmem>>, vector<16xi32>,
    %gather3A = tpu.vector_load_idx %arg10[%get3A_323] : memref<64xi32, #tpu.memory_space<vmem>>[vector<16xi32>], vector<16xi32>,
    %get3A_324 = arith.constant 0 : index
    %get3A_325 = tpu.vector_load %arg12[%get3A_324] {strides = array<i32>} : memref<256xi32, #tpu.memory_space<vmem>>, vector<16xi32>,
    %add3A_326 = arith.addi %gather3A, %get3A_325 : vector<16xi32>
    %swap3A_327 = arith.constant 0 : i32
    %swap3A_328 = arith.index_cast %swap3A_327 : i32 to index
    %swap3A_329 = arith.constant 0 : index
    %swap3A_330 = tpu.vector_load %arg13[%swap3A_328, %swap3A_329] {strides = array<i32>} : memref<2x128xi32, #tpu.memory_space<vmem>>, vector<16xi32>,
    tpu.vector_store %arg13[%swap3A_328, %swap3A_329], %add3A_326 {strides = array<i32>} : memref<2x128xi32, #tpu.memory_space<vmem>>, vector<16xi32>,
    %get3A_331 = arith.constant 16 : index
    %get3A_332 = tpu.vector_load %arg11[%get3A_331] {strides = array<i32>} : memref<256xi32, #tpu.memory_space<vmem>>, vector<16xi32>,
    %gather3A_333 = tpu.vector_load_idx %arg10[%get3A_332] : memref<64xi32, #tpu.memory_space<vmem>>[vector<16xi32>], vector<16xi32>,
    %get3A_334 = arith.constant 16 : index
    %get3A_335 = tpu.vector_load %arg12[%get3A_334] {strides = array<i32>} : memref<256xi32, #tpu.memory_space<vmem>>, vector<16xi32>,
    %add3A_336 = arith.addi %gather3A_333, %get3A_335 : vector<16xi32>
    %swap3A_337 = arith.constant 0 : i32
    %swap3A_338 = arith.index_cast %swap3A_337 : i32 to index
    %swap3A_339 = arith.constant 16 : index
    %swap3A_340 = tpu.vector_load %arg13[%swap3A_338, %swap3A_339] {strides = array<i32>} : memref<2x128xi32, #tpu.memory_space<vmem>>, vector<16xi32>,
    tpu.vector_store %arg13[%swap3A_338, %swap3A_339], %add3A_336 {strides = array<i32>} : memref<2x128xi32, #tpu.memory_space<vmem>>, vector<16xi32>,
    %get3A_341 = arith.constant 32 : index
    %get3A_342 = tpu.vector_load %arg11[%get3A_341] {strides = array<i32>} : memref<256xi32, #tpu.memory_space<vmem>>, vector<16xi32>,
    %gather3A_343 = tpu.vector_load_idx %arg10[%get3A_342] : memref<64xi32, #tpu.memory_space<vmem>>[vector<16xi32>], vector<16xi32>,
    %get3A_344 = arith.constant 32 : index
    %get3A_345 = tpu.vector_load %arg12[%get3A_344] {strides = array<i32>} : memref<256xi32, #tpu.memory_space<vmem>>, vector<16xi32>,
    %add3A_346 = arith.addi %gather3A_343, %get3A_345 : vector<16xi32>
    %swap3A_347 = arith.constant 0 : i32
    %swap3A_348 = arith.index_cast %swap3A_347 : i32 to index
    %swap3A_349 = arith.constant 32 : index
    %swap3A_350 = tpu.vector_load %arg13[%swap3A_348, %swap3A_349] {strides = array<i32>} : memref<2x128xi32, #tpu.memory_space<vmem>>, vector<16xi32>,
    tpu.vector_store %arg13[%swap3A_348, %swap3A_349], %add3A_346 {strides = array<i32>} : memref<2x128xi32, #tpu.memory_space<vmem>>, vector<16xi32>,
    %get3A_351 = arith.constant 48 : index
    %get3A_352 = tpu.vector_load %arg11[%get3A_351] {strides = array<i32>} : memref<256xi32, #tpu.memory_space<vmem>>, vector<16xi32>,
    %gather3A_353 = tpu.vector_load_idx %arg10[%get3A_352] : memref<64xi32, #tpu.memory_space<vmem>>[vector<16xi32>], vector<16xi32>,
    %get3A_354 = arith.constant 48 : index
    %get3A_355 = tpu.vector_load %arg12[%get3A_354] {strides = array<i32>} : memref<256xi32, #tpu.memory_space<vmem>>, vector<16xi32>,
    %add3A_356 = arith.addi %gather3A_353, %get3A_355 : vector<16xi32>
    %swap3A_357 = arith.constant 0 : i32
    %swap3A_358 = arith.index_cast %swap3A_357 : i32 to index
    %swap3A_359 = arith.constant 48 : index
    %swap3A_360 = tpu.vector_load %arg13[%swap3A_358, %swap3A_359] {strides = array<i32>} : memref<2x128xi32, #tpu.memory_space<vmem>>, vector<16xi32>,
    tpu.vector_store %arg13[%swap3A_358, %swap3A_359], %add3A_356 {strides = array<i32>} : memref<2x128xi32, #tpu.memory_space<vmem>>, vector<16xi32>,
    %get3A_361 = arith.constant 64 : index
    %get3A_362 = tpu.vector_load %arg11[%get3A_361] {strides = array<i32>} : memref<256xi32, #tpu.memory_space<vmem>>, vector<16xi32>,
    %gather3A_363 = tpu.vector_load_idx %arg10[%get3A_362] : memref<64xi32, #tpu.memory_space<vmem>>[vector<16xi32>], vector<16xi32>,
    %get3A_364 = arith.constant 64 : index
    %get3A_365 = tpu.vector_load %arg12[%get3A_364] {strides = array<i32>} : memref<256xi32, #tpu.memory_space<vmem>>, vector<16xi32>,
    %add3A_366 = arith.addi %gather3A_363, %get3A_365 : vector<16xi32>
    %swap3A_367 = arith.constant 0 : i32
    %swap3A_368 = arith.index_cast %swap3A_367 : i32 to index
    %swap3A_369 = arith.constant 64 : index
    %swap3A_370 = tpu.vector_load %arg13[%swap3A_368, %swap3A_369] {strides = array<i32>} : memref<2x128xi32, #tpu.memory_space<vmem>>, vector<16xi32>,
    tpu.vector_store %arg13[%swap3A_368, %swap3A_369], %add3A_366 {strides = array<i32>} : memref<2x128xi32, #tpu.memory_space<vmem>>, vector<16xi32>,
    %get3A_371 = arith.constant 80 : index
    %get3A_372 = tpu.vector_load %arg11[%get3A_371] {strides = array<i32>} : memref<256xi32, #tpu.memory_space<vmem>>, vector<16xi32>,
    %gather3A_373 = tpu.vector_load_idx %arg10[%get3A_372] : memref<64xi32, #tpu.memory_space<vmem>>[vector<16xi32>], vector<16xi32>,
    %get3A_374 = arith.constant 80 : index
    %get3A_375 = tpu.vector_load %arg12[%get3A_374] {strides = array<i32>} : memref<256xi32, #tpu.memory_space<vmem>>, vector<16xi32>,
    %add3A_376 = arith.addi %gather3A_373, %get3A_375 : vector<16xi32>
    %swap3A_377 = arith.constant 0 : i32
    %swap3A_378 = arith.index_cast %swap3A_377 : i32 to index
    %swap3A_379 = arith.constant 80 : index
    %swap3A_380 = tpu.vector_load %arg13[%swap3A_378, %swap3A_379] {strides = array<i32>} : memref<2x128xi32, #tpu.memory_space<vmem>>, vector<16xi32>,
    tpu.vector_store %arg13[%swap3A_378, %swap3A_379], %add3A_376 {strides = array<i32>} : memref<2x128xi32, #tpu.memory_space<vmem>>, vector<16xi32>,
    %get3A_381 = arith.constant 96 : index
    %get3A_382 = tpu.vector_load %arg11[%get3A_381] {strides = array<i32>} : memref<256xi32, #tpu.memory_space<vmem>>, vector<16xi32>,
    %gather3A_383 = tpu.vector_load_idx %arg10[%get3A_382] : memref<64xi32, #tpu.memory_space<vmem>>[vector<16xi32>], vector<16xi32>,
    %get3A_384 = arith.constant 96 : index
    %get3A_385 = tpu.vector_load %arg12[%get3A_384] {strides = array<i32>} : memref<256xi32, #tpu.memory_space<vmem>>, vector<16xi32>,
    %add3A_386 = arith.addi %gather3A_383, %get3A_385 : vector<16xi32>
    %swap3A_387 = arith.constant 0 : i32
    %swap3A_388 = arith.index_cast %swap3A_387 : i32 to index
    %swap3A_389 = arith.constant 96 : index
    %swap3A_390 = tpu.vector_load %arg13[%swap3A_388, %swap3A_389] {strides = array<i32>} : memref<2x128xi32, #tpu.memory_space<vmem>>, vector<16xi32>,
    tpu.vector_store %arg13[%swap3A_388, %swap3A_389], %add3A_386 {strides = array<i32>} : memref<2x128xi32, #tpu.memory_space<vmem>>, vector<16xi32>,
    %get3A_391 = arith.constant 112 : index
    %get3A_392 = tpu.vector_load %arg11[%get3A_391] {strides = array<i32>} : memref<256xi32, #tpu.memory_space<vmem>>, vector<16xi32>,
    %gather3A_393 = tpu.vector_load_idx %arg10[%get3A_392] : memref<64xi32, #tpu.memory_space<vmem>>[vector<16xi32>], vector<16xi32>,
    %get3A_394 = arith.constant 112 : index
    %get3A_395 = tpu.vector_load %arg12[%get3A_394] {strides = array<i32>} : memref<256xi32, #tpu.memory_space<vmem>>, vector<16xi32>,
    %add3A_396 = arith.addi %gather3A_393, %get3A_395 : vector<16xi32>
    %swap3A_397 = arith.constant 0 : i32
    %swap3A_398 = arith.index_cast %swap3A_397 : i32 to index
    %swap3A_399 = arith.constant 112 : index
    %swap3A_400 = tpu.vector_load %arg13[%swap3A_398, %swap3A_399] {strides = array<i32>} : memref<2x128xi32, #tpu.memory_space<vmem>>, vector<16xi32>,
    tpu.vector_store %arg13[%swap3A_398, %swap3A_399], %add3A_396 {strides = array<i32>} : memref<2x128xi32, #tpu.memory_space<vmem>>, vector<16xi32>,
    %get3A_401 = arith.constant 128 : index
    %get3A_402 = tpu.vector_load %arg11[%get3A_401] {strides = array<i32>} : memref<256xi32, #tpu.memory_space<vmem>>, vector<16xi32>,
    %gather3A_403 = tpu.vector_load_idx %arg10[%get3A_402] : memref<64xi32, #tpu.memory_space<vmem>>[vector<16xi32>], vector<16xi32>,
    %get3A_404 = arith.constant 128 : index
    %get3A_405 = tpu.vector_load %arg12[%get3A_404] {strides = array<i32>} : memref<256xi32, #tpu.memory_space<vmem>>, vector<16xi32>,
    %add3A_406 = arith.addi %gather3A_403, %get3A_405 : vector<16xi32>
    %swap3A_407 = arith.constant 1 : i32
    %swap3A_408 = arith.index_cast %swap3A_407 : i32 to index
    %swap3A_409 = arith.constant 0 : index
    %swap3A_410 = tpu.vector_load %arg13[%swap3A_408, %swap3A_409] {strides = array<i32>} : memref<2x128xi32, #tpu.memory_space<vmem>>, vector<16xi32>,
    tpu.vector_store %arg13[%swap3A_408, %swap3A_409], %add3A_406 {strides = array<i32>} : memref<2x128xi32, #tpu.memory_space<vmem>>, vector<16xi32>,
    %get3A_411 = arith.constant 144 : index
    %get3A_412 = tpu.vector_load %arg11[%get3A_411] {strides = array<i32>} : memref<256xi32, #tpu.memory_space<vmem>>, vector<16xi32>,
    %gather3A_413 = tpu.vector_load_idx %arg10[%get3A_412] : memref<64xi32, #tpu.memory_space<vmem>>[vector<16xi32>], vector<16xi32>,
    %get3A_414 = arith.constant 144 : index
    %get3A_415 = tpu.vector_load %arg12[%get3A_414] {strides = array<i32>} : memref<256xi32, #tpu.memory_space<vmem>>, vector<16xi32>,
    %add3A_416 = arith.addi %gather3A_413, %get3A_415 : vector<16xi32>
    %swap3A_417 = arith.constant 1 : i32
    %swap3A_418 = arith.index_cast %swap3A_417 : i32 to index
    %swap3A_419 = arith.constant 16 : index
    %swap3A_420 = tpu.vector_load %arg13[%swap3A_418, %swap3A_419] {strides = array<i32>} : memref<2x128xi32, #tpu.memory_space<vmem>>, vector<16xi32>,
    tpu.vector_store %arg13[%swap3A_418, %swap3A_419], %add3A_416 {strides = array<i32>} : memref<2x128xi32, #tpu.memory_space<vmem>>, vector<16xi32>,
    %get3A_421 = arith.constant 160 : index
    %get3A_422 = tpu.vector_load %arg11[%get3A_421] {strides = array<i32>} : memref<256xi32, #tpu.memory_space<vmem>>, vector<16xi32>,
    %gather3A_423 = tpu.vector_load_idx %arg10[%get3A_422] : memref<64xi32, #tpu.memory_space<vmem>>[vector<16xi32>], vector<16xi32>,
    %get3A_424 = arith.constant 160 : index
    %get3A_425 = tpu.vector_load %arg12[%get3A_424] {strides = array<i32>} : memref<256xi32, #tpu.memory_space<vmem>>, vector<16xi32>,
    %add3A_426 = arith.addi %gather3A_423, %get3A_425 : vector<16xi32>
    %swap3A_427 = arith.constant 1 : i32
    %swap3A_428 = arith.index_cast %swap3A_427 : i32 to index
    %swap3A_429 = arith.constant 32 : index
    %swap3A_430 = tpu.vector_load %arg13[%swap3A_428, %swap3A_429] {strides = array<i32>} : memref<2x128xi32, #tpu.memory_space<vmem>>, vector<16xi32>,
    tpu.vector_store %arg13[%swap3A_428, %swap3A_429], %add3A_426 {strides = array<i32>} : memref<2x128xi32, #tpu.memory_space<vmem>>, vector<16xi32>,
    %get3A_431 = arith.constant 176 : index
    %get3A_432 = tpu.vector_load %arg11[%get3A_431] {strides = array<i32>} : memref<256xi32, #tpu.memory_space<vmem>>, vector<16xi32>,
    %gather3A_433 = tpu.vector_load_idx %arg10[%get3A_432] : memref<64xi32, #tpu.memory_space<vmem>>[vector<16xi32>], vector<16xi32>,
    %get3A_434 = arith.constant 176 : index
    %get3A_435 = tpu.vector_load %arg12[%get3A_434] {strides = array<i32>} : memref<256xi32, #tpu.memory_space<vmem>>, vector<16xi32>,
    %add3A_436 = arith.addi %gather3A_433, %get3A_435 : vector<16xi32>
    %swap3A_437 = arith.constant 1 : i32
    %swap3A_438 = arith.index_cast %swap3A_437 : i32 to index
    %swap3A_439 = arith.constant 48 : index
    %swap3A_440 = tpu.vector_load %arg13[%swap3A_438, %swap3A_439] {strides = array<i32>} : memref<2x128xi32, #tpu.memory_space<vmem>>, vector<16xi32>,
    tpu.vector_store %arg13[%swap3A_438, %swap3A_439], %add3A_436 {strides = array<i32>} : memref<2x128xi32, #tpu.memory_space<vmem>>, vector<16xi32>,
    %get3A_441 = arith.constant 192 : index
    %get3A_442 = tpu.vector_load %arg11[%get3A_441] {strides = array<i32>} : memref<256xi32, #tpu.memory_space<vmem>>, vector<16xi32>,
    %gather3A_443 = tpu.vector_load_idx %arg10[%get3A_442] : memref<64xi32, #tpu.memory_space<vmem>>[vector<16xi32>], vector<16xi32>,
    %get3A_444 = arith.constant 192 : index
    %get3A_445 = tpu.vector_load %arg12[%get3A_444] {strides = array<i32>} : memref<256xi32, #tpu.memory_space<vmem>>, vector<16xi32>,
    %add3A_446 = arith.addi %gather3A_443, %get3A_445 : vector<16xi32>
    %swap3A_447 = arith.constant 1 : i32
    %swap3A_448 = arith.index_cast %swap3A_447 : i32 to index
    %swap3A_449 = arith.constant 64 : index
    %swap3A_450 = tpu.vector_load %arg13[%swap3A_448, %swap3A_449] {strides = array<i32>} : memref<2x128xi32, #tpu.memory_space<vmem>>, vector<16xi32>,
    tpu.vector_store %arg13[%swap3A_448, %swap3A_449], %add3A_446 {strides = array<i32>} : memref<2x128xi32, #tpu.memory_space<vmem>>, vector<16xi32>,
    %get3A_451 = arith.constant 208 : index
    %get3A_452 = tpu.vector_load %arg11[%get3A_451] {strides = array<i32>} : memref<256xi32, #tpu.memory_space<vmem>>, vector<16xi32>,
    %gather3A_453 = tpu.vector_load_idx %arg10[%get3A_452] : memref<64xi32, #tpu.memory_space<vmem>>[vector<16xi32>], vector<16xi32>,
    %get3A_454 = arith.constant 208 : index
    %get3A_455 = tpu.vector_load %arg12[%get3A_454] {strides = array<i32>} : memref<256xi32, #tpu.memory_space<vmem>>, vector<16xi32>,
    %add3A_456 = arith.addi %gather3A_453, %get3A_455 : vector<16xi32>
    %swap3A_457 = arith.constant 1 : i32
    %swap3A_458 = arith.index_cast %swap3A_457 : i32 to index
    %swap3A_459 = arith.constant 80 : index
    %swap3A_460 = tpu.vector_load %arg13[%swap3A_458, %swap3A_459] {strides = array<i32>} : memref<2x128xi32, #tpu.memory_space<vmem>>, vector<16xi32>,
    tpu.vector_store %arg13[%swap3A_458, %swap3A_459], %add3A_456 {strides = array<i32>} : memref<2x128xi32, #tpu.memory_space<vmem>>, vector<16xi32>,
    %get3A_461 = arith.constant 224 : index
    %get3A_462 = tpu.vector_load %arg11[%get3A_461] {strides = array<i32>} : memref<256xi32, #tpu.memory_space<vmem>>, vector<16xi32>,
    %gather3A_463 = tpu.vector_load_idx %arg10[%get3A_462] : memref<64xi32, #tpu.memory_space<vmem>>[vector<16xi32>], vector<16xi32>,
    %get3A_464 = arith.constant 224 : index
    %get3A_465 = tpu.vector_load %arg12[%get3A_464] {strides = array<i32>} : memref<256xi32, #tpu.memory_space<vmem>>, vector<16xi32>,
    %add3A_466 = arith.addi %gather3A_463, %get3A_465 : vector<16xi32>
    %swap3A_467 = arith.constant 1 : i32
    %swap3A_468 = arith.index_cast %swap3A_467 : i32 to index
    %swap3A_469 = arith.constant 96 : index
    %swap3A_470 = tpu.vector_load %arg13[%swap3A_468, %swap3A_469] {strides = array<i32>} : memref<2x128xi32, #tpu.memory_space<vmem>>, vector<16xi32>,
    tpu.vector_store %arg13[%swap3A_468, %swap3A_469], %add3A_466 {strides = array<i32>} : memref<2x128xi32, #tpu.memory_space<vmem>>, vector<16xi32>,
    %get3A_471 = arith.constant 240 : index
    %get3A_472 = tpu.vector_load %arg11[%get3A_471] {strides = array<i32>} : memref<256xi32, #tpu.memory_space<vmem>>, vector<16xi32>,
    %gather3A_473 = tpu.vector_load_idx %arg10[%get3A_472] : memref<64xi32, #tpu.memory_space<vmem>>[vector<16xi32>], vector<16xi32>,
    %get3A_474 = arith.constant 240 : index
    %get3A_475 = tpu.vector_load %arg12[%get3A_474] {strides = array<i32>} : memref<256xi32, #tpu.memory_space<vmem>>, vector<16xi32>,
    %add3A_476 = arith.addi %gather3A_473, %get3A_475 : vector<16xi32>
    %swap3A_477 = arith.constant 1 : i32
    %swap3A_478 = arith.index_cast %swap3A_477 : i32 to index
    %swap3A_479 = arith.constant 112 : index
    %swap3A_480 = tpu.vector_load %arg13[%swap3A_478, %swap3A_479] {strides = array<i32>} : memref<2x128xi32, #tpu.memory_space<vmem>>, vector<16xi32>,
    tpu.vector_store %arg13[%swap3A_478, %swap3A_479], %add3A_476 {strides = array<i32>} : memref<2x128xi32, #tpu.memory_space<vmem>>, vector<16xi32>,
    %add3A_481 = arith.constant 0 : i32
    %add3A_482 = arith.addi %mul3A_2, %add3A_481 : i32
    "tpu.region"() ({
      %run_scoped3A_522 = tpu.sem_alloc : memref<!tpu.dma_semaphore, #tpu.memory_space<semaphore_mem>>
      %dma_start3A_523 = arith.constant 0 : i32
      %dma_start3A_524 = tpu.memref_slice %arg2[%add3A_482, %dma_start3A_523] : memref<8192x768xf32, #tpu.memory_space<hbm>> -> memref<128x768xf32, #tpu.memory_space<hbm>>
      %dma_start3A_525 = arith.constant 0 : i32
      %dma_start3A_526 = tpu.memref_slice %arg2[%add3A_482, %dma_start3A_525] : memref<8192x768xf32, #tpu.memory_space<hbm>> -> memref<128x768xf32, #tpu.memory_space<hbm>>
      tpu.enqueue_dma source(%dma_start3A_526 : memref<128x768xf32, #tpu.memory_space<hbm>>) target(%arg16 : memref<128x768xf32, #tpu.memory_space<vmem>>) target_semaphore(%run_scoped3A_522 : memref<!tpu.dma_semaphore, #tpu.memory_space<semaphore_mem>>)
      %dma_wait3A_527 = arith.constant 0 : i32
      %dma_wait3A_528 = tpu.memref_slice %arg2[%add3A_482, %dma_wait3A_527] : memref<8192x768xf32, #tpu.memory_space<hbm>> -> memref<128x768xf32, #tpu.memory_space<hbm>>
      %dma_wait3A_529 = arith.constant 0 : i32
      %dma_wait3A_530 = tpu.memref_slice %arg2[%add3A_482, %dma_wait3A_529] : memref<8192x768xf32, #tpu.memory_space<hbm>> -> memref<128x768xf32, #tpu.memory_space<hbm>>
      tpu.wait_dma2 semaphore(%run_scoped3A_522 : memref<!tpu.dma_semaphore, #tpu.memory_space<semaphore_mem>>) src(%dma_wait3A_530 : memref<128x768xf32, #tpu.memory_space<hbm>>) dst(%arg16 : memref<128x768xf32, #tpu.memory_space<vmem>>)
      tpu.yield
    }) : () -> ()
    %dma_start3A = arith.constant 0 : i32
    %dma_start3A_483 = arith.constant 0 : i32
    %dma_start3A_484 = tpu.memref_slice %arg13[%dma_start3A, %dma_start3A_483] : memref<2x128xi32, #tpu.memory_space<vmem>> -> memref<1x128xi32, #tpu.memory_space<vmem>>
    %dma_start3A_485 = tpu.memref_squeeze %dma_start3A_484 : memref<1x128xi32, #tpu.memory_space<vmem>> -> memref<128xi32, #tpu.memory_space<vmem>>
    %dma_start3A_486 = arith.constant 0 : i32
    %dma_start3A_487 = arith.constant 0 : i32
    %dma_start3A_488 = tpu.memref_slice %arg6[%dma_start3A_486, %dma_start3A_487] : memref<16384x768xf32, #tpu.memory_space<hbm>> -> memref<16384x768xf32, #tpu.memory_space<hbm>>
    tpu.enqueue_indirect_dma source(%arg16 : memref<128x768xf32, #tpu.memory_space<vmem>>) target(%dma_start3A_488 : memref<16384x768xf32, #tpu.memory_space<hbm>>) offsets(%dma_start3A_485 : memref<128xi32, #tpu.memory_space<vmem>>) semaphore(%arg17 : memref<!tpu.dma_semaphore, #tpu.memory_space<semaphore_mem>>)
    %dma_wait3A = arith.constant 0 : i32
    %dma_wait3A_489 = arith.constant 0 : i32
    %dma_wait3A_490 = tpu.memref_slice %arg13[%dma_wait3A, %dma_wait3A_489] : memref<2x128xi32, #tpu.memory_space<vmem>> -> memref<1x128xi32, #tpu.memory_space<vmem>>
    %dma_wait3A_491 = tpu.memref_squeeze %dma_wait3A_490 : memref<1x128xi32, #tpu.memory_space<vmem>> -> memref<128xi32, #tpu.memory_space<vmem>>
    %dma_wait3A_492 = arith.constant 0 : i32
    %dma_wait3A_493 = arith.constant 0 : i32
    %dma_wait3A_494 = tpu.memref_slice %arg6[%dma_wait3A_492, %dma_wait3A_493] : memref<16384x768xf32, #tpu.memory_space<hbm>> -> memref<16384x768xf32, #tpu.memory_space<hbm>>
    tpu.wait_indirect_dma semaphore(%arg17 : memref<!tpu.dma_semaphore, #tpu.memory_space<semaphore_mem>>) src(%arg16 : memref<128x768xf32, #tpu.memory_space<vmem>>) dst(%dma_wait3A_494 : memref<16384x768xf32, #tpu.memory_space<hbm>>)
    %mul3A_495 = arith.constant 2 : i32
    %mul3A_496 = arith.muli %add3A, %mul3A_495 : i32
    %add3A_497 = arith.constant 0 : i32
    %add3A_498 = arith.addi %mul3A_496, %add3A_497 : i32
    %run_scoped3A = arith.constant 0 : i32
    "tpu.region"() ({
      %run_scoped3A_522 = tpu.sem_alloc : memref<!tpu.dma_semaphore, #tpu.memory_space<semaphore_mem>>
      %dma_start3A_523 = arith.constant 0 : i32
      %dma_start3A_524 = tpu.memref_slice %arg13[%run_scoped3A, %dma_start3A_523] : memref<2x128xi32, #tpu.memory_space<vmem>> -> memref<1x128xi32, #tpu.memory_space<vmem>>
      %dma_start3A_525 = tpu.memref_squeeze %dma_start3A_524 : memref<1x128xi32, #tpu.memory_space<vmem>> -> memref<128xi32, #tpu.memory_space<vmem>>
      %dma_start3A_526 = arith.constant 0 : i32
      %dma_start3A_527 = tpu.memref_slice %arg7[%add3A_498, %dma_start3A_526] : memref<64x128xi32, #tpu.memory_space<hbm>> -> memref<1x128xi32, #tpu.memory_space<hbm>>
      %dma_start3A_528 = tpu.memref_squeeze %dma_start3A_527 : memref<1x128xi32, #tpu.memory_space<hbm>> -> memref<128xi32, #tpu.memory_space<hbm>>
      %dma_start3A_529 = arith.constant 0 : i32
      %dma_start3A_530 = tpu.memref_slice %arg7[%add3A_498, %dma_start3A_529] : memref<64x128xi32, #tpu.memory_space<hbm>> -> memref<1x128xi32, #tpu.memory_space<hbm>>
      %dma_start3A_531 = tpu.memref_squeeze %dma_start3A_530 : memref<1x128xi32, #tpu.memory_space<hbm>> -> memref<128xi32, #tpu.memory_space<hbm>>
      %dma_start3A_532 = arith.constant 0 : i32
      %dma_start3A_533 = tpu.memref_slice %arg13[%run_scoped3A, %dma_start3A_532] : memref<2x128xi32, #tpu.memory_space<vmem>> -> memref<1x128xi32, #tpu.memory_space<vmem>>
      %dma_start3A_534 = tpu.memref_squeeze %dma_start3A_533 : memref<1x128xi32, #tpu.memory_space<vmem>> -> memref<128xi32, #tpu.memory_space<vmem>>
      tpu.enqueue_dma source(%dma_start3A_534 : memref<128xi32, #tpu.memory_space<vmem>>) target(%dma_start3A_531 : memref<128xi32, #tpu.memory_space<hbm>>) target_semaphore(%run_scoped3A_522 : memref<!tpu.dma_semaphore, #tpu.memory_space<semaphore_mem>>)
      %dma_wait3A_535 = arith.constant 0 : i32
      %dma_wait3A_536 = tpu.memref_slice %arg13[%run_scoped3A, %dma_wait3A_535] : memref<2x128xi32, #tpu.memory_space<vmem>> -> memref<1x128xi32, #tpu.memory_space<vmem>>
      %dma_wait3A_537 = tpu.memref_squeeze %dma_wait3A_536 : memref<1x128xi32, #tpu.memory_space<vmem>> -> memref<128xi32, #tpu.memory_space<vmem>>
      %dma_wait3A_538 = arith.constant 0 : i32
      %dma_wait3A_539 = tpu.memref_slice %arg7[%add3A_498, %dma_wait3A_538] : memref<64x128xi32, #tpu.memory_space<hbm>> -> memref<1x128xi32, #tpu.memory_space<hbm>>
      %dma_wait3A_540 = tpu.memref_squeeze %dma_wait3A_539 : memref<1x128xi32, #tpu.memory_space<hbm>> -> memref<128xi32, #tpu.memory_space<hbm>>
      %dma_wait3A_541 = arith.constant 0 : i32
      %dma_wait3A_542 = tpu.memref_slice %arg7[%add3A_498, %dma_wait3A_541] : memref<64x128xi32, #tpu.memory_space<hbm>> -> memref<1x128xi32, #tpu.memory_space<hbm>>
      %dma_wait3A_543 = tpu.memref_squeeze %dma_wait3A_542 : memref<1x128xi32, #tpu.memory_space<hbm>> -> memref<128xi32, #tpu.memory_space<hbm>>
      %dma_wait3A_544 = arith.constant 0 : i32
      %dma_wait3A_545 = tpu.memref_slice %arg13[%run_scoped3A, %dma_wait3A_544] : memref<2x128xi32, #tpu.memory_space<vmem>> -> memref<1x128xi32, #tpu.memory_space<vmem>>
      %dma_wait3A_546 = tpu.memref_squeeze %dma_wait3A_545 : memref<1x128xi32, #tpu.memory_space<vmem>> -> memref<128xi32, #tpu.memory_space<vmem>>
      tpu.wait_dma2 semaphore(%run_scoped3A_522 : memref<!tpu.dma_semaphore, #tpu.memory_space<semaphore_mem>>) src(%dma_wait3A_546 : memref<128xi32, #tpu.memory_space<vmem>>) dst(%dma_wait3A_543 : memref<128xi32, #tpu.memory_space<hbm>>)
      tpu.yield
    }) : () -> ()
    %add3A_499 = arith.constant 128 : i32
    %add3A_500 = arith.addi %mul3A_2, %add3A_499 : i32
    "tpu.region"() ({
      %run_scoped3A_522 = tpu.sem_alloc : memref<!tpu.dma_semaphore, #tpu.memory_space<semaphore_mem>>
      %dma_start3A_523 = arith.constant 0 : i32
      %dma_start3A_524 = tpu.memref_slice %arg2[%add3A_500, %dma_start3A_523] : memref<8192x768xf32, #tpu.memory_space<hbm>> -> memref<128x768xf32, #tpu.memory_space<hbm>>
      %dma_start3A_525 = arith.constant 0 : i32
      %dma_start3A_526 = tpu.memref_slice %arg2[%add3A_500, %dma_start3A_525] : memref<8192x768xf32, #tpu.memory_space<hbm>> -> memref<128x768xf32, #tpu.memory_space<hbm>>
      tpu.enqueue_dma source(%dma_start3A_526 : memref<128x768xf32, #tpu.memory_space<hbm>>) target(%arg16 : memref<128x768xf32, #tpu.memory_space<vmem>>) target_semaphore(%run_scoped3A_522 : memref<!tpu.dma_semaphore, #tpu.memory_space<semaphore_mem>>)
      %dma_wait3A_527 = arith.constant 0 : i32
      %dma_wait3A_528 = tpu.memref_slice %arg2[%add3A_500, %dma_wait3A_527] : memref<8192x768xf32, #tpu.memory_space<hbm>> -> memref<128x768xf32, #tpu.memory_space<hbm>>
      %dma_wait3A_529 = arith.constant 0 : i32
      %dma_wait3A_530 = tpu.memref_slice %arg2[%add3A_500, %dma_wait3A_529] : memref<8192x768xf32, #tpu.memory_space<hbm>> -> memref<128x768xf32, #tpu.memory_space<hbm>>
      tpu.wait_dma2 semaphore(%run_scoped3A_522 : memref<!tpu.dma_semaphore, #tpu.memory_space<semaphore_mem>>) src(%dma_wait3A_530 : memref<128x768xf32, #tpu.memory_space<hbm>>) dst(%arg16 : memref<128x768xf32, #tpu.memory_space<vmem>>)
      tpu.yield
    }) : () -> ()
    %dma_start3A_501 = arith.constant 1 : i32
    %dma_start3A_502 = arith.constant 0 : i32
    %dma_start3A_503 = tpu.memref_slice %arg13[%dma_start3A_501, %dma_start3A_502] : memref<2x128xi32, #tpu.memory_space<vmem>> -> memref<1x128xi32, #tpu.memory_space<vmem>>
    %dma_start3A_504 = tpu.memref_squeeze %dma_start3A_503 : memref<1x128xi32, #tpu.memory_space<vmem>> -> memref<128xi32, #tpu.memory_space<vmem>>
    %dma_start3A_505 = arith.constant 0 : i32
    %dma_start3A_506 = arith.constant 0 : i32
    %dma_start3A_507 = tpu.memref_slice %arg6[%dma_start3A_505, %dma_start3A_506] : memref<16384x768xf32, #tpu.memory_space<hbm>> -> memref<16384x768xf32, #tpu.memory_space<hbm>>
    tpu.enqueue_indirect_dma source(%arg16 : memref<128x768xf32, #tpu.memory_space<vmem>>) target(%dma_start3A_507 : memref<16384x768xf32, #tpu.memory_space<hbm>>) offsets(%dma_start3A_504 : memref<128xi32, #tpu.memory_space<vmem>>) semaphore(%arg17 : memref<!tpu.dma_semaphore, #tpu.memory_space<semaphore_mem>>)
    %dma_wait3A_508 = arith.constant 1 : i32
    %dma_wait3A_509 = arith.constant 0 : i32
    %dma_wait3A_510 = tpu.memref_slice %arg13[%dma_wait3A_508, %dma_wait3A_509] : memref<2x128xi32, #tpu.memory_space<vmem>> -> memref<1x128xi32, #tpu.memory_space<vmem>>
    %dma_wait3A_511 = tpu.memref_squeeze %dma_wait3A_510 : memref<1x128xi32, #tpu.memory_space<vmem>> -> memref<128xi32, #tpu.memory_space<vmem>>
    %dma_wait3A_512 = arith.constant 0 : i32
    %dma_wait3A_513 = arith.constant 0 : i32
    %dma_wait3A_514 = tpu.memref_slice %arg6[%dma_wait3A_512, %dma_wait3A_513] : memref<16384x768xf32, #tpu.memory_space<hbm>> -> memref<16384x768xf32, #tpu.memory_space<hbm>>
    tpu.wait_indirect_dma semaphore(%arg17 : memref<!tpu.dma_semaphore, #tpu.memory_space<semaphore_mem>>) src(%arg16 : memref<128x768xf32, #tpu.memory_space<vmem>>) dst(%dma_wait3A_514 : memref<16384x768xf32, #tpu.memory_space<hbm>>)
    %mul3A_515 = arith.constant 2 : i32
    %mul3A_516 = arith.muli %add3A, %mul3A_515 : i32
    %add3A_517 = arith.constant 1 : i32
    %add3A_518 = arith.addi %mul3A_516, %add3A_517 : i32
    %run_scoped3A_519 = arith.constant 1 : i32
    "tpu.region"() ({
      %run_scoped3A_522 = tpu.sem_alloc : memref<!tpu.dma_semaphore, #tpu.memory_space<semaphore_mem>>
      %dma_start3A_523 = arith.constant 0 : i32
      %dma_start3A_524 = tpu.memref_slice %arg13[%run_scoped3A_519, %dma_start3A_523] : memref<2x128xi32, #tpu.memory_space<vmem>> -> memref<1x128xi32, #tpu.memory_space<vmem>>
      %dma_start3A_525 = tpu.memref_squeeze %dma_start3A_524 : memref<1x128xi32, #tpu.memory_space<vmem>> -> memref<128xi32, #tpu.memory_space<vmem>>
      %dma_start3A_526 = arith.constant 0 : i32
      %dma_start3A_527 = tpu.memref_slice %arg7[%add3A_518, %dma_start3A_526] : memref<64x128xi32, #tpu.memory_space<hbm>> -> memref<1x128xi32, #tpu.memory_space<hbm>>
      %dma_start3A_528 = tpu.memref_squeeze %dma_start3A_527 : memref<1x128xi32, #tpu.memory_space<hbm>> -> memref<128xi32, #tpu.memory_space<hbm>>
      %dma_start3A_529 = arith.constant 0 : i32
      %dma_start3A_530 = tpu.memref_slice %arg7[%add3A_518, %dma_start3A_529] : memref<64x128xi32, #tpu.memory_space<hbm>> -> memref<1x128xi32, #tpu.memory_space<hbm>>
      %dma_start3A_531 = tpu.memref_squeeze %dma_start3A_530 : memref<1x128xi32, #tpu.memory_space<hbm>> -> memref<128xi32, #tpu.memory_space<hbm>>
      %dma_start3A_532 = arith.constant 0 : i32
      %dma_start3A_533 = tpu.memref_slice %arg13[%run_scoped3A_519, %dma_start3A_532] : memref<2x128xi32, #tpu.memory_space<vmem>> -> memref<1x128xi32, #tpu.memory_space<vmem>>
      %dma_start3A_534 = tpu.memref_squeeze %dma_start3A_533 : memref<1x128xi32, #tpu.memory_space<vmem>> -> memref<128xi32, #tpu.memory_space<vmem>>
      tpu.enqueue_dma source(%dma_start3A_534 : memref<128xi32, #tpu.memory_space<vmem>>) target(%dma_start3A_531 : memref<128xi32, #tpu.memory_space<hbm>>) target_semaphore(%run_scoped3A_522 : memref<!tpu.dma_semaphore, #tpu.memory_space<semaphore_mem>>)
      %dma_wait3A_535 = arith.constant 0 : i32
      %dma_wait3A_536 = tpu.memref_slice %arg13[%run_scoped3A_519, %dma_wait3A_535] : memref<2x128xi32, #tpu.memory_space<vmem>> -> memref<1x128xi32, #tpu.memory_space<vmem>>
      %dma_wait3A_537 = tpu.memref_squeeze %dma_wait3A_536 : memref<1x128xi32, #tpu.memory_space<vmem>> -> memref<128xi32, #tpu.memory_space<vmem>>
      %dma_wait3A_538 = arith.constant 0 : i32
      %dma_wait3A_539 = tpu.memref_slice %arg7[%add3A_518, %dma_wait3A_538] : memref<64x128xi32, #tpu.memory_space<hbm>> -> memref<1x128xi32, #tpu.memory_space<hbm>>
      %dma_wait3A_540 = tpu.memref_squeeze %dma_wait3A_539 : memref<1x128xi32, #tpu.memory_space<hbm>> -> memref<128xi32, #tpu.memory_space<hbm>>
      %dma_wait3A_541 = arith.constant 0 : i32
      %dma_wait3A_542 = tpu.memref_slice %arg7[%add3A_518, %dma_wait3A_541] : memref<64x128xi32, #tpu.memory_space<hbm>> -> memref<1x128xi32, #tpu.memory_space<hbm>>
      %dma_wait3A_543 = tpu.memref_squeeze %dma_wait3A_542 : memref<1x128xi32, #tpu.memory_space<hbm>> -> memref<128xi32, #tpu.memory_space<hbm>>
      %dma_wait3A_544 = arith.constant 0 : i32
      %dma_wait3A_545 = tpu.memref_slice %arg13[%run_scoped3A_519, %dma_wait3A_544] : memref<2x128xi32, #tpu.memory_space<vmem>> -> memref<1x128xi32, #tpu.memory_space<vmem>>
      %dma_wait3A_546 = tpu.memref_squeeze %dma_wait3A_545 : memref<1x128xi32, #tpu.memory_space<vmem>> -> memref<128xi32, #tpu.memory_space<vmem>>
      tpu.wait_dma2 semaphore(%run_scoped3A_522 : memref<!tpu.dma_semaphore, #tpu.memory_space<semaphore_mem>>) src(%dma_wait3A_546 : memref<128xi32, #tpu.memory_space<vmem>>) dst(%dma_wait3A_543 : memref<128xi32, #tpu.memory_space<hbm>>)
      tpu.yield
    }) : () -> ()
    %eq3A = arith.constant 0 : i32
    %eq3A_520 = arith.cmpi eq, %add3A, %eq3A : i32
    %convert_element_type3A = arith.extui %eq3A_520 : i1 to i32
    %cond3A = arith.constant 0 : i32
    %cond3A_521 = arith.cmpi ne, %convert_element_type3A, %cond3A : i32
    scf.if %cond3A_521 {
      %get3A_522 = arith.constant 0 : index
      %get3A_523 = tpu.vector_load %arg14[%get3A_522] {strides = array<i32>} : memref<128xi32, #tpu.memory_space<vmem>>, vector<16xi32>,
      %broadcast_in_dim3A_524 = arith.constant true
      %broadcast_in_dim3A_525 = vector.broadcast %broadcast_in_dim3A_524 : i1 to vector<16xi1>
      %masked_cummax3A = arith.constant -2147483648 : i32
      %masked_cummax3A_526 = vector.broadcast %masked_cummax3A : i32 to vector<16xi32>
      %masked_cummax3A_527 = arith.xori %get3A_523, %masked_cummax3A_526 : vector<16xi32>
      %masked_cummax3A_528 = tpu.scan <max>, %masked_cummax3A_527 masked %broadcast_in_dim3A_525 : vector<16xi32>, vector<16xi1> -> vector<16xi32>
      %masked_cummax3A_529 = arith.xori %masked_cummax3A_528, %masked_cummax3A_526 : vector<16xi32>
      %max3A = arith.constant 0 : i32
      %max3A_530 = vector.broadcast %max3A : i32 to vector<16xi32>
      %max3A_531 = arith.maxsi %masked_cummax3A_529, %max3A_530 : vector<16xi32>
      %swap3A_532 = arith.constant 0 : i32
      %swap3A_533 = arith.index_cast %swap3A_532 : i32 to index
      %swap3A_534 = arith.constant 0 : index
      %swap3A_535 = tpu.vector_load %arg15[%swap3A_533, %swap3A_534] {strides = array<i32>} : memref<3x128xi32, #tpu.memory_space<vmem>>, vector<16xi32>,
      tpu.vector_store %arg15[%swap3A_533, %swap3A_534], %max3A_531 {strides = array<i32>} : memref<3x128xi32, #tpu.memory_space<vmem>>, vector<16xi32>,
      %swap3A_536 = arith.constant 0 : index
      %swap3A_537 = tpu.vector_load %arg14[%swap3A_536] {strides = array<i32>} : memref<128xi32, #tpu.memory_space<vmem>>, vector<16xi32>,
      tpu.vector_store %arg14[%swap3A_536], %max3A_531 {strides = array<i32>} : memref<128xi32, #tpu.memory_space<vmem>>, vector<16xi32>,
      %reduce_max3A = arith.constant true
      %reduce_max3A_538 = vector.broadcast %reduce_max3A : i1 to vector<16xi1>
      %reduce_max3A_539 = arith.constant -2147483648 : i32
      %reduce_max3A_540 = vector.broadcast %reduce_max3A_539 : i32 to vector<16xi32>
      %reduce_max3A_541 = arith.xori %max3A_531, %reduce_max3A_540 : vector<16xi32>
      %reduce_max3A_542 = tpu.scan <max>, %reduce_max3A_541 masked %reduce_max3A_538 : vector<16xi32>, vector<16xi1> -> vector<16xi32>
      %reduce_max3A_543 = arith.xori %reduce_max3A_542, %reduce_max3A_540 : vector<16xi32>
      %reduce_max3A_544 = vector.extract %reduce_max3A_543[15] : i32 from vector<16xi32>
      %get3A_545 = arith.constant 16 : index
      %get3A_546 = tpu.vector_load %arg14[%get3A_545] {strides = array<i32>} : memref<128xi32, #tpu.memory_space<vmem>>, vector<16xi32>,
      %broadcast_in_dim3A_547 = arith.constant true
      %broadcast_in_dim3A_548 = vector.broadcast %broadcast_in_dim3A_547 : i1 to vector<16xi1>
      %masked_cummax3A_549 = arith.constant -2147483648 : i32
      %masked_cummax3A_550 = vector.broadcast %masked_cummax3A_549 : i32 to vector<16xi32>
      %masked_cummax3A_551 = arith.xori %get3A_546, %masked_cummax3A_550 : vector<16xi32>
      %masked_cummax3A_552 = tpu.scan <max>, %masked_cummax3A_551 masked %broadcast_in_dim3A_548 : vector<16xi32>, vector<16xi1> -> vector<16xi32>
      %masked_cummax3A_553 = arith.xori %masked_cummax3A_552, %masked_cummax3A_550 : vector<16xi32>
      %max3A_554 = vector.broadcast %reduce_max3A_544 : i32 to vector<16xi32>
      %max3A_555 = arith.maxsi %masked_cummax3A_553, %max3A_554 : vector<16xi32>
      %swap3A_556 = arith.constant 0 : i32
      %swap3A_557 = arith.index_cast %swap3A_556 : i32 to index
      %swap3A_558 = arith.constant 16 : index
      %swap3A_559 = tpu.vector_load %arg15[%swap3A_557, %swap3A_558] {strides = array<i32>} : memref<3x128xi32, #tpu.memory_space<vmem>>, vector<16xi32>,
      tpu.vector_store %arg15[%swap3A_557, %swap3A_558], %max3A_555 {strides = array<i32>} : memref<3x128xi32, #tpu.memory_space<vmem>>, vector<16xi32>,
      %swap3A_560 = arith.constant 16 : index
      %swap3A_561 = tpu.vector_load %arg14[%swap3A_560] {strides = array<i32>} : memref<128xi32, #tpu.memory_space<vmem>>, vector<16xi32>,
      tpu.vector_store %arg14[%swap3A_560], %max3A_555 {strides = array<i32>} : memref<128xi32, #tpu.memory_space<vmem>>, vector<16xi32>,
      %reduce_max3A_562 = arith.constant true
      %reduce_max3A_563 = vector.broadcast %reduce_max3A_562 : i1 to vector<16xi1>
      %reduce_max3A_564 = arith.constant -2147483648 : i32
      %reduce_max3A_565 = vector.broadcast %reduce_max3A_564 : i32 to vector<16xi32>
      %reduce_max3A_566 = arith.xori %max3A_555, %reduce_max3A_565 : vector<16xi32>
      %reduce_max3A_567 = tpu.scan <max>, %reduce_max3A_566 masked %reduce_max3A_563 : vector<16xi32>, vector<16xi1> -> vector<16xi32>
      %reduce_max3A_568 = arith.xori %reduce_max3A_567, %reduce_max3A_565 : vector<16xi32>
      %reduce_max3A_569 = vector.extract %reduce_max3A_568[15] : i32 from vector<16xi32>
      %get3A_570 = arith.constant 32 : index
      %get3A_571 = tpu.vector_load %arg14[%get3A_570] {strides = array<i32>} : memref<128xi32, #tpu.memory_space<vmem>>, vector<16xi32>,
      %broadcast_in_dim3A_572 = arith.constant true
      %broadcast_in_dim3A_573 = vector.broadcast %broadcast_in_dim3A_572 : i1 to vector<16xi1>
      %masked_cummax3A_574 = arith.constant -2147483648 : i32
      %masked_cummax3A_575 = vector.broadcast %masked_cummax3A_574 : i32 to vector<16xi32>
      %masked_cummax3A_576 = arith.xori %get3A_571, %masked_cummax3A_575 : vector<16xi32>
      %masked_cummax3A_577 = tpu.scan <max>, %masked_cummax3A_576 masked %broadcast_in_dim3A_573 : vector<16xi32>, vector<16xi1> -> vector<16xi32>
      %masked_cummax3A_578 = arith.xori %masked_cummax3A_577, %masked_cummax3A_575 : vector<16xi32>
      %max3A_579 = vector.broadcast %reduce_max3A_569 : i32 to vector<16xi32>
      %max3A_580 = arith.maxsi %masked_cummax3A_578, %max3A_579 : vector<16xi32>
      %swap3A_581 = arith.constant 0 : i32
      %swap3A_582 = arith.index_cast %swap3A_581 : i32 to index
      %swap3A_583 = arith.constant 32 : index
      %swap3A_584 = tpu.vector_load %arg15[%swap3A_582, %swap3A_583] {strides = array<i32>} : memref<3x128xi32, #tpu.memory_space<vmem>>, vector<16xi32>,
      tpu.vector_store %arg15[%swap3A_582, %swap3A_583], %max3A_580 {strides = array<i32>} : memref<3x128xi32, #tpu.memory_space<vmem>>, vector<16xi32>,
      %swap3A_585 = arith.constant 32 : index
      %swap3A_586 = tpu.vector_load %arg14[%swap3A_585] {strides = array<i32>} : memref<128xi32, #tpu.memory_space<vmem>>, vector<16xi32>,
      tpu.vector_store %arg14[%swap3A_585], %max3A_580 {strides = array<i32>} : memref<128xi32, #tpu.memory_space<vmem>>, vector<16xi32>,
      %reduce_max3A_587 = arith.constant true
      %reduce_max3A_588 = vector.broadcast %reduce_max3A_587 : i1 to vector<16xi1>
      %reduce_max3A_589 = arith.constant -2147483648 : i32
      %reduce_max3A_590 = vector.broadcast %reduce_max3A_589 : i32 to vector<16xi32>
      %reduce_max3A_591 = arith.xori %max3A_580, %reduce_max3A_590 : vector<16xi32>
      %reduce_max3A_592 = tpu.scan <max>, %reduce_max3A_591 masked %reduce_max3A_588 : vector<16xi32>, vector<16xi1> -> vector<16xi32>
      %reduce_max3A_593 = arith.xori %reduce_max3A_592, %reduce_max3A_590 : vector<16xi32>
      %reduce_max3A_594 = vector.extract %reduce_max3A_593[15] : i32 from vector<16xi32>
      %get3A_595 = arith.constant 48 : index
      %get3A_596 = tpu.vector_load %arg14[%get3A_595] {strides = array<i32>} : memref<128xi32, #tpu.memory_space<vmem>>, vector<16xi32>,
      %broadcast_in_dim3A_597 = arith.constant true
      %broadcast_in_dim3A_598 = vector.broadcast %broadcast_in_dim3A_597 : i1 to vector<16xi1>
      %masked_cummax3A_599 = arith.constant -2147483648 : i32
      %masked_cummax3A_600 = vector.broadcast %masked_cummax3A_599 : i32 to vector<16xi32>
      %masked_cummax3A_601 = arith.xori %get3A_596, %masked_cummax3A_600 : vector<16xi32>
      %masked_cummax3A_602 = tpu.scan <max>, %masked_cummax3A_601 masked %broadcast_in_dim3A_598 : vector<16xi32>, vector<16xi1> -> vector<16xi32>
      %masked_cummax3A_603 = arith.xori %masked_cummax3A_602, %masked_cummax3A_600 : vector<16xi32>
      %max3A_604 = vector.broadcast %reduce_max3A_594 : i32 to vector<16xi32>
      %max3A_605 = arith.maxsi %masked_cummax3A_603, %max3A_604 : vector<16xi32>
      %swap3A_606 = arith.constant 0 : i32
      %swap3A_607 = arith.index_cast %swap3A_606 : i32 to index
      %swap3A_608 = arith.constant 48 : index
      %swap3A_609 = tpu.vector_load %arg15[%swap3A_607, %swap3A_608] {strides = array<i32>} : memref<3x128xi32, #tpu.memory_space<vmem>>, vector<16xi32>,
      tpu.vector_store %arg15[%swap3A_607, %swap3A_608], %max3A_605 {strides = array<i32>} : memref<3x128xi32, #tpu.memory_space<vmem>>, vector<16xi32>,
      %swap3A_610 = arith.constant 48 : index
      %swap3A_611 = tpu.vector_load %arg14[%swap3A_610] {strides = array<i32>} : memref<128xi32, #tpu.memory_space<vmem>>, vector<16xi32>,
      tpu.vector_store %arg14[%swap3A_610], %max3A_605 {strides = array<i32>} : memref<128xi32, #tpu.memory_space<vmem>>, vector<16xi32>,
      %reduce_max3A_612 = arith.constant true
      %reduce_max3A_613 = vector.broadcast %reduce_max3A_612 : i1 to vector<16xi1>
      %reduce_max3A_614 = arith.constant -2147483648 : i32
      %reduce_max3A_615 = vector.broadcast %reduce_max3A_614 : i32 to vector<16xi32>
      %reduce_max3A_616 = arith.xori %max3A_605, %reduce_max3A_615 : vector<16xi32>
      %reduce_max3A_617 = tpu.scan <max>, %reduce_max3A_616 masked %reduce_max3A_613 : vector<16xi32>, vector<16xi1> -> vector<16xi32>
      %reduce_max3A_618 = arith.xori %reduce_max3A_617, %reduce_max3A_615 : vector<16xi32>
      %reduce_max3A_619 = vector.extract %reduce_max3A_618[15] : i32 from vector<16xi32>
      %get3A_620 = arith.constant 64 : index
      %get3A_621 = tpu.vector_load %arg14[%get3A_620] {strides = array<i32>} : memref<128xi32, #tpu.memory_space<vmem>>, vector<16xi32>,
      %broadcast_in_dim3A_622 = arith.constant true
      %broadcast_in_dim3A_623 = vector.broadcast %broadcast_in_dim3A_622 : i1 to vector<16xi1>
      %masked_cummax3A_624 = arith.constant -2147483648 : i32
      %masked_cummax3A_625 = vector.broadcast %masked_cummax3A_624 : i32 to vector<16xi32>
      %masked_cummax3A_626 = arith.xori %get3A_621, %masked_cummax3A_625 : vector<16xi32>
      %masked_cummax3A_627 = tpu.scan <max>, %masked_cummax3A_626 masked %broadcast_in_dim3A_623 : vector<16xi32>, vector<16xi1> -> vector<16xi32>
      %masked_cummax3A_628 = arith.xori %masked_cummax3A_627, %masked_cummax3A_625 : vector<16xi32>
      %max3A_629 = vector.broadcast %reduce_max3A_619 : i32 to vector<16xi32>
      %max3A_630 = arith.maxsi %masked_cummax3A_628, %max3A_629 : vector<16xi32>
      %swap3A_631 = arith.constant 0 : i32
      %swap3A_632 = arith.index_cast %swap3A_631 : i32 to index
      %swap3A_633 = arith.constant 64 : index
      %swap3A_634 = tpu.vector_load %arg15[%swap3A_632, %swap3A_633] {strides = array<i32>} : memref<3x128xi32, #tpu.memory_space<vmem>>, vector<16xi32>,
      tpu.vector_store %arg15[%swap3A_632, %swap3A_633], %max3A_630 {strides = array<i32>} : memref<3x128xi32, #tpu.memory_space<vmem>>, vector<16xi32>,
      %swap3A_635 = arith.constant 64 : index
      %swap3A_636 = tpu.vector_load %arg14[%swap3A_635] {strides = array<i32>} : memref<128xi32, #tpu.memory_space<vmem>>, vector<16xi32>,
      tpu.vector_store %arg14[%swap3A_635], %max3A_630 {strides = array<i32>} : memref<128xi32, #tpu.memory_space<vmem>>, vector<16xi32>,
      %reduce_max3A_637 = arith.constant true
      %reduce_max3A_638 = vector.broadcast %reduce_max3A_637 : i1 to vector<16xi1>
      %reduce_max3A_639 = arith.constant -2147483648 : i32
      %reduce_max3A_640 = vector.broadcast %reduce_max3A_639 : i32 to vector<16xi32>
      %reduce_max3A_641 = arith.xori %max3A_630, %reduce_max3A_640 : vector<16xi32>
      %reduce_max3A_642 = tpu.scan <max>, %reduce_max3A_641 masked %reduce_max3A_638 : vector<16xi32>, vector<16xi1> -> vector<16xi32>
      %reduce_max3A_643 = arith.xori %reduce_max3A_642, %reduce_max3A_640 : vector<16xi32>
      %reduce_max3A_644 = vector.extract %reduce_max3A_643[15] : i32 from vector<16xi32>
      %get3A_645 = arith.constant 80 : index
      %get3A_646 = tpu.vector_load %arg14[%get3A_645] {strides = array<i32>} : memref<128xi32, #tpu.memory_space<vmem>>, vector<16xi32>,
      %broadcast_in_dim3A_647 = arith.constant true
      %broadcast_in_dim3A_648 = vector.broadcast %broadcast_in_dim3A_647 : i1 to vector<16xi1>
      %masked_cummax3A_649 = arith.constant -2147483648 : i32
      %masked_cummax3A_650 = vector.broadcast %masked_cummax3A_649 : i32 to vector<16xi32>
      %masked_cummax3A_651 = arith.xori %get3A_646, %masked_cummax3A_650 : vector<16xi32>
      %masked_cummax3A_652 = tpu.scan <max>, %masked_cummax3A_651 masked %broadcast_in_dim3A_648 : vector<16xi32>, vector<16xi1> -> vector<16xi32>
      %masked_cummax3A_653 = arith.xori %masked_cummax3A_652, %masked_cummax3A_650 : vector<16xi32>
      %max3A_654 = vector.broadcast %reduce_max3A_644 : i32 to vector<16xi32>
      %max3A_655 = arith.maxsi %masked_cummax3A_653, %max3A_654 : vector<16xi32>
      %swap3A_656 = arith.constant 0 : i32
      %swap3A_657 = arith.index_cast %swap3A_656 : i32 to index
      %swap3A_658 = arith.constant 80 : index
      %swap3A_659 = tpu.vector_load %arg15[%swap3A_657, %swap3A_658] {strides = array<i32>} : memref<3x128xi32, #tpu.memory_space<vmem>>, vector<16xi32>,
      tpu.vector_store %arg15[%swap3A_657, %swap3A_658], %max3A_655 {strides = array<i32>} : memref<3x128xi32, #tpu.memory_space<vmem>>, vector<16xi32>,
      %swap3A_660 = arith.constant 80 : index
      %swap3A_661 = tpu.vector_load %arg14[%swap3A_660] {strides = array<i32>} : memref<128xi32, #tpu.memory_space<vmem>>, vector<16xi32>,
      tpu.vector_store %arg14[%swap3A_660], %max3A_655 {strides = array<i32>} : memref<128xi32, #tpu.memory_space<vmem>>, vector<16xi32>,
      %reduce_max3A_662 = arith.constant true
      %reduce_max3A_663 = vector.broadcast %reduce_max3A_662 : i1 to vector<16xi1>
      %reduce_max3A_664 = arith.constant -2147483648 : i32
      %reduce_max3A_665 = vector.broadcast %reduce_max3A_664 : i32 to vector<16xi32>
      %reduce_max3A_666 = arith.xori %max3A_655, %reduce_max3A_665 : vector<16xi32>
      %reduce_max3A_667 = tpu.scan <max>, %reduce_max3A_666 masked %reduce_max3A_663 : vector<16xi32>, vector<16xi1> -> vector<16xi32>
      %reduce_max3A_668 = arith.xori %reduce_max3A_667, %reduce_max3A_665 : vector<16xi32>
      %reduce_max3A_669 = vector.extract %reduce_max3A_668[15] : i32 from vector<16xi32>
      %get3A_670 = arith.constant 96 : index
      %get3A_671 = tpu.vector_load %arg14[%get3A_670] {strides = array<i32>} : memref<128xi32, #tpu.memory_space<vmem>>, vector<16xi32>,
      %broadcast_in_dim3A_672 = arith.constant true
      %broadcast_in_dim3A_673 = vector.broadcast %broadcast_in_dim3A_672 : i1 to vector<16xi1>
      %masked_cummax3A_674 = arith.constant -2147483648 : i32
      %masked_cummax3A_675 = vector.broadcast %masked_cummax3A_674 : i32 to vector<16xi32>
      %masked_cummax3A_676 = arith.xori %get3A_671, %masked_cummax3A_675 : vector<16xi32>
      %masked_cummax3A_677 = tpu.scan <max>, %masked_cummax3A_676 masked %broadcast_in_dim3A_673 : vector<16xi32>, vector<16xi1> -> vector<16xi32>
      %masked_cummax3A_678 = arith.xori %masked_cummax3A_677, %masked_cummax3A_675 : vector<16xi32>
      %max3A_679 = vector.broadcast %reduce_max3A_669 : i32 to vector<16xi32>
      %max3A_680 = arith.maxsi %masked_cummax3A_678, %max3A_679 : vector<16xi32>
      %swap3A_681 = arith.constant 0 : i32
      %swap3A_682 = arith.index_cast %swap3A_681 : i32 to index
      %swap3A_683 = arith.constant 96 : index
      %swap3A_684 = tpu.vector_load %arg15[%swap3A_682, %swap3A_683] {strides = array<i32>} : memref<3x128xi32, #tpu.memory_space<vmem>>, vector<16xi32>,
      tpu.vector_store %arg15[%swap3A_682, %swap3A_683], %max3A_680 {strides = array<i32>} : memref<3x128xi32, #tpu.memory_space<vmem>>, vector<16xi32>,
      %swap3A_685 = arith.constant 96 : index
      %swap3A_686 = tpu.vector_load %arg14[%swap3A_685] {strides = array<i32>} : memref<128xi32, #tpu.memory_space<vmem>>, vector<16xi32>,
      tpu.vector_store %arg14[%swap3A_685], %max3A_680 {strides = array<i32>} : memref<128xi32, #tpu.memory_space<vmem>>, vector<16xi32>,
      %reduce_max3A_687 = arith.constant true
      %reduce_max3A_688 = vector.broadcast %reduce_max3A_687 : i1 to vector<16xi1>
      %reduce_max3A_689 = arith.constant -2147483648 : i32
      %reduce_max3A_690 = vector.broadcast %reduce_max3A_689 : i32 to vector<16xi32>
      %reduce_max3A_691 = arith.xori %max3A_680, %reduce_max3A_690 : vector<16xi32>
      %reduce_max3A_692 = tpu.scan <max>, %reduce_max3A_691 masked %reduce_max3A_688 : vector<16xi32>, vector<16xi1> -> vector<16xi32>
      %reduce_max3A_693 = arith.xori %reduce_max3A_692, %reduce_max3A_690 : vector<16xi32>
      %reduce_max3A_694 = vector.extract %reduce_max3A_693[15] : i32 from vector<16xi32>
      %get3A_695 = arith.constant 112 : index
      %get3A_696 = tpu.vector_load %arg14[%get3A_695] {strides = array<i32>} : memref<128xi32, #tpu.memory_space<vmem>>, vector<16xi32>,
      %broadcast_in_dim3A_697 = arith.constant true
      %broadcast_in_dim3A_698 = vector.broadcast %broadcast_in_dim3A_697 : i1 to vector<16xi1>
      %masked_cummax3A_699 = arith.constant -2147483648 : i32
      %masked_cummax3A_700 = vector.broadcast %masked_cummax3A_699 : i32 to vector<16xi32>
      %masked_cummax3A_701 = arith.xori %get3A_696, %masked_cummax3A_700 : vector<16xi32>
      %masked_cummax3A_702 = tpu.scan <max>, %masked_cummax3A_701 masked %broadcast_in_dim3A_698 : vector<16xi32>, vector<16xi1> -> vector<16xi32>
      %masked_cummax3A_703 = arith.xori %masked_cummax3A_702, %masked_cummax3A_700 : vector<16xi32>
      %max3A_704 = vector.broadcast %reduce_max3A_694 : i32 to vector<16xi32>
      %max3A_705 = arith.maxsi %masked_cummax3A_703, %max3A_704 : vector<16xi32>
      %swap3A_706 = arith.constant 0 : i32
      %swap3A_707 = arith.index_cast %swap3A_706 : i32 to index
      %swap3A_708 = arith.constant 112 : index
      %swap3A_709 = tpu.vector_load %arg15[%swap3A_707, %swap3A_708] {strides = array<i32>} : memref<3x128xi32, #tpu.memory_space<vmem>>, vector<16xi32>,
      tpu.vector_store %arg15[%swap3A_707, %swap3A_708], %max3A_705 {strides = array<i32>} : memref<3x128xi32, #tpu.memory_space<vmem>>, vector<16xi32>,
      %swap3A_710 = arith.constant 112 : index
      %swap3A_711 = tpu.vector_load %arg14[%swap3A_710] {strides = array<i32>} : memref<128xi32, #tpu.memory_space<vmem>>, vector<16xi32>,
      tpu.vector_store %arg14[%swap3A_710], %max3A_705 {strides = array<i32>} : memref<128xi32, #tpu.memory_space<vmem>>, vector<16xi32>,
      %reduce_max3A_712 = arith.constant true
      %reduce_max3A_713 = vector.broadcast %reduce_max3A_712 : i1 to vector<16xi1>
      %reduce_max3A_714 = arith.constant -2147483648 : i32
      %reduce_max3A_715 = vector.broadcast %reduce_max3A_714 : i32 to vector<16xi32>
      %reduce_max3A_716 = arith.xori %max3A_705, %reduce_max3A_715 : vector<16xi32>
      %reduce_max3A_717 = tpu.scan <max>, %reduce_max3A_716 masked %reduce_max3A_713 : vector<16xi32>, vector<16xi1> -> vector<16xi32>
      %reduce_max3A_718 = arith.xori %reduce_max3A_717, %reduce_max3A_715 : vector<16xi32>
      %reduce_max3A_719 = vector.extract %reduce_max3A_718[15] : i32 from vector<16xi32>
      %add3A_720 = arith.constant 0 : i32
      %add3A_721 = vector.broadcast %add3A_720 : i32 to vector<16xi32>
      %add3A_722 = arith.addi %iota3A, %add3A_721 : vector<16xi32>
      %mul3A_723 = arith.constant 2 : i32
      %mul3A_724 = vector.broadcast %mul3A_723 : i32 to vector<16xi32>
      %mul3A_725 = arith.muli %mul3A_724, %add3A_722 : vector<16xi32>
      %lt3A = vector.broadcast %add3A_322 : i32 to vector<16xi32>
      %lt3A_726 = arith.cmpi slt, %mul3A_725, %lt3A : vector<16xi32>
      %jit3A_727 = arith.constant 63 : i32
      %broadcast_in_dim3A_728 = vector.broadcast %jit3A_727 : i32 to vector<16xi32>
      %select_n3A_729 = arith.select %lt3A_726, %add3A_722, %broadcast_in_dim3A_728 : vector<16xi1>, vector<16xi32>
      %swap3A_730 = arith.constant 1 : i32
      %swap3A_731 = arith.index_cast %swap3A_730 : i32 to index
      %swap3A_732 = arith.constant 0 : index
      %swap3A_733 = tpu.vector_load %arg15[%swap3A_731, %swap3A_732] {strides = array<i32>} : memref<3x128xi32, #tpu.memory_space<vmem>>, vector<16xi32>,
      tpu.vector_store %arg15[%swap3A_731, %swap3A_732], %select_n3A_729 {strides = array<i32>} : memref<3x128xi32, #tpu.memory_space<vmem>>, vector<16xi32>,
      %add3A_734 = arith.constant 16 : i32
      %add3A_735 = vector.broadcast %add3A_734 : i32 to vector<16xi32>
      %add3A_736 = arith.addi %iota3A, %add3A_735 : vector<16xi32>
      %mul3A_737 = arith.constant 2 : i32
      %mul3A_738 = vector.broadcast %mul3A_737 : i32 to vector<16xi32>
      %mul3A_739 = arith.muli %mul3A_738, %add3A_736 : vector<16xi32>
      %lt3A_740 = vector.broadcast %add3A_322 : i32 to vector<16xi32>
      %lt3A_741 = arith.cmpi slt, %mul3A_739, %lt3A_740 : vector<16xi32>
      %jit3A_742 = arith.constant 63 : i32
      %broadcast_in_dim3A_743 = vector.broadcast %jit3A_742 : i32 to vector<16xi32>
      %select_n3A_744 = arith.select %lt3A_741, %add3A_736, %broadcast_in_dim3A_743 : vector<16xi1>, vector<16xi32>
      %swap3A_745 = arith.constant 1 : i32
      %swap3A_746 = arith.index_cast %swap3A_745 : i32 to index
      %swap3A_747 = arith.constant 16 : index
      %swap3A_748 = tpu.vector_load %arg15[%swap3A_746, %swap3A_747] {strides = array<i32>} : memref<3x128xi32, #tpu.memory_space<vmem>>, vector<16xi32>,
      tpu.vector_store %arg15[%swap3A_746, %swap3A_747], %select_n3A_744 {strides = array<i32>} : memref<3x128xi32, #tpu.memory_space<vmem>>, vector<16xi32>,
      %add3A_749 = arith.constant 32 : i32
      %add3A_750 = vector.broadcast %add3A_749 : i32 to vector<16xi32>
      %add3A_751 = arith.addi %iota3A, %add3A_750 : vector<16xi32>
      %mul3A_752 = arith.constant 2 : i32
      %mul3A_753 = vector.broadcast %mul3A_752 : i32 to vector<16xi32>
      %mul3A_754 = arith.muli %mul3A_753, %add3A_751 : vector<16xi32>
      %lt3A_755 = vector.broadcast %add3A_322 : i32 to vector<16xi32>
      %lt3A_756 = arith.cmpi slt, %mul3A_754, %lt3A_755 : vector<16xi32>
      %jit3A_757 = arith.constant 63 : i32
      %broadcast_in_dim3A_758 = vector.broadcast %jit3A_757 : i32 to vector<16xi32>
      %select_n3A_759 = arith.select %lt3A_756, %add3A_751, %broadcast_in_dim3A_758 : vector<16xi1>, vector<16xi32>
      %swap3A_760 = arith.constant 1 : i32
      %swap3A_761 = arith.index_cast %swap3A_760 : i32 to index
      %swap3A_762 = arith.constant 32 : index
      %swap3A_763 = tpu.vector_load %arg15[%swap3A_761, %swap3A_762] {strides = array<i32>} : memref<3x128xi32, #tpu.memory_space<vmem>>, vector<16xi32>,
      tpu.vector_store %arg15[%swap3A_761, %swap3A_762], %select_n3A_759 {strides = array<i32>} : memref<3x128xi32, #tpu.memory_space<vmem>>, vector<16xi32>,
      %add3A_764 = arith.constant 48 : i32
      %add3A_765 = vector.broadcast %add3A_764 : i32 to vector<16xi32>
      %add3A_766 = arith.addi %iota3A, %add3A_765 : vector<16xi32>
      %mul3A_767 = arith.constant 2 : i32
      %mul3A_768 = vector.broadcast %mul3A_767 : i32 to vector<16xi32>
      %mul3A_769 = arith.muli %mul3A_768, %add3A_766 : vector<16xi32>
      %lt3A_770 = vector.broadcast %add3A_322 : i32 to vector<16xi32>
      %lt3A_771 = arith.cmpi slt, %mul3A_769, %lt3A_770 : vector<16xi32>
      %jit3A_772 = arith.constant 63 : i32
      %broadcast_in_dim3A_773 = vector.broadcast %jit3A_772 : i32 to vector<16xi32>
      %select_n3A_774 = arith.select %lt3A_771, %add3A_766, %broadcast_in_dim3A_773 : vector<16xi1>, vector<16xi32>
      %swap3A_775 = arith.constant 1 : i32
      %swap3A_776 = arith.index_cast %swap3A_775 : i32 to index
      %swap3A_777 = arith.constant 48 : index
      %swap3A_778 = tpu.vector_load %arg15[%swap3A_776, %swap3A_777] {strides = array<i32>} : memref<3x128xi32, #tpu.memory_space<vmem>>, vector<16xi32>,
      tpu.vector_store %arg15[%swap3A_776, %swap3A_777], %select_n3A_774 {strides = array<i32>} : memref<3x128xi32, #tpu.memory_space<vmem>>, vector<16xi32>,
      %add3A_779 = arith.constant 0 : i32
      %add3A_780 = vector.broadcast %add3A_779 : i32 to vector<16xi32>
      %add3A_781 = arith.addi %iota3A, %add3A_780 : vector<16xi32>
      %get3A_782 = arith.constant 0 : index
      %get3A_783 = tpu.vector_load %arg14[%get3A_782] {strides = array<i32>} : memref<128xi32, #tpu.memory_space<vmem>>, vector<16xi32>,
      %sub3A_784 = arith.constant 1 : i32
      %sub3A_785 = vector.broadcast %sub3A_784 : i32 to vector<16xi32>
      %sub3A_786 = arith.subi %add3A_781, %sub3A_785 : vector<16xi32>
      %max3A_787 = arith.constant 0 : i32
      %max3A_788 = vector.broadcast %max3A_787 : i32 to vector<16xi32>
      %max3A_789 = arith.maxsi %sub3A_786, %max3A_788 : vector<16xi32>
      %gather3A_790 = tpu.vector_load_idx %arg14[%max3A_789] : memref<128xi32, #tpu.memory_space<vmem>>[vector<16xi32>], vector<16xi32>,
      %ne3A_791 = arith.cmpi ne, %get3A_783, %gather3A_790 : vector<16xi32>
      %gt3A_792 = arith.constant 0 : i32
      %gt3A_793 = vector.broadcast %gt3A_792 : i32 to vector<16xi32>
      %gt3A_794 = arith.cmpi sgt, %add3A_781, %gt3A_793 : vector<16xi32>
      %and3A_795 = arith.andi %ne3A_791, %gt3A_794 : vector<16xi1>
      %jit3A_796 = arith.constant 1 : i32
      %jit3A_797 = arith.constant 0 : i32
      %broadcast_in_dim3A_798 = vector.broadcast %jit3A_796 : i32 to vector<16xi32>
      %broadcast_in_dim3A_799 = vector.broadcast %jit3A_797 : i32 to vector<16xi32>
      %select_n3A_800 = arith.select %and3A_795, %broadcast_in_dim3A_798, %broadcast_in_dim3A_799 : vector<16xi1>, vector<16xi32>
      %cumsum3A_801 = arith.constant true
      %cumsum3A_802 = vector.broadcast %cumsum3A_801 : i1 to vector<16xi1>
      %cumsum3A_803 = tpu.scan <sum>, %select_n3A_800 masked %cumsum3A_802 : vector<16xi32>, vector<16xi1> -> vector<16xi32>
      %add3A_804 = arith.constant 0 : i32
      %add3A_805 = vector.broadcast %add3A_804 : i32 to vector<16xi32>
      %add3A_806 = arith.addi %cumsum3A_803, %add3A_805 : vector<16xi32>
      %swap3A_807 = arith.constant 2 : i32
      %swap3A_808 = arith.index_cast %swap3A_807 : i32 to index
      %swap3A_809 = arith.constant 0 : index
      %swap3A_810 = tpu.vector_load %arg15[%swap3A_808, %swap3A_809] {strides = array<i32>} : memref<3x128xi32, #tpu.memory_space<vmem>>, vector<16xi32>,
      tpu.vector_store %arg15[%swap3A_808, %swap3A_809], %add3A_806 {strides = array<i32>} : memref<3x128xi32, #tpu.memory_space<vmem>>, vector<16xi32>,
      %reduce_max3A_811 = arith.constant true
      %reduce_max3A_812 = vector.broadcast %reduce_max3A_811 : i1 to vector<16xi1>
      %reduce_max3A_813 = arith.constant -2147483648 : i32
      %reduce_max3A_814 = vector.broadcast %reduce_max3A_813 : i32 to vector<16xi32>
      %reduce_max3A_815 = arith.xori %add3A_806, %reduce_max3A_814 : vector<16xi32>
      %reduce_max3A_816 = tpu.scan <max>, %reduce_max3A_815 masked %reduce_max3A_812 : vector<16xi32>, vector<16xi1> -> vector<16xi32>
      %reduce_max3A_817 = arith.xori %reduce_max3A_816, %reduce_max3A_814 : vector<16xi32>
      %reduce_max3A_818 = vector.extract %reduce_max3A_817[15] : i32 from vector<16xi32>
      %add3A_819 = arith.constant 16 : i32
      %add3A_820 = vector.broadcast %add3A_819 : i32 to vector<16xi32>
      %add3A_821 = arith.addi %iota3A, %add3A_820 : vector<16xi32>
      %get3A_822 = arith.constant 16 : index
      %get3A_823 = tpu.vector_load %arg14[%get3A_822] {strides = array<i32>} : memref<128xi32, #tpu.memory_space<vmem>>, vector<16xi32>,
      %sub3A_824 = arith.constant 1 : i32
      %sub3A_825 = vector.broadcast %sub3A_824 : i32 to vector<16xi32>
      %sub3A_826 = arith.subi %add3A_821, %sub3A_825 : vector<16xi32>
      %max3A_827 = arith.constant 0 : i32
      %max3A_828 = vector.broadcast %max3A_827 : i32 to vector<16xi32>
      %max3A_829 = arith.maxsi %sub3A_826, %max3A_828 : vector<16xi32>
      %gather3A_830 = tpu.vector_load_idx %arg14[%max3A_829] : memref<128xi32, #tpu.memory_space<vmem>>[vector<16xi32>], vector<16xi32>,
      %ne3A_831 = arith.cmpi ne, %get3A_823, %gather3A_830 : vector<16xi32>
      %gt3A_832 = arith.constant 0 : i32
      %gt3A_833 = vector.broadcast %gt3A_832 : i32 to vector<16xi32>
      %gt3A_834 = arith.cmpi sgt, %add3A_821, %gt3A_833 : vector<16xi32>
      %and3A_835 = arith.andi %ne3A_831, %gt3A_834 : vector<16xi1>
      %jit3A_836 = arith.constant 1 : i32
      %jit3A_837 = arith.constant 0 : i32
      %broadcast_in_dim3A_838 = vector.broadcast %jit3A_836 : i32 to vector<16xi32>
      %broadcast_in_dim3A_839 = vector.broadcast %jit3A_837 : i32 to vector<16xi32>
      %select_n3A_840 = arith.select %and3A_835, %broadcast_in_dim3A_838, %broadcast_in_dim3A_839 : vector<16xi1>, vector<16xi32>
      %cumsum3A_841 = arith.constant true
      %cumsum3A_842 = vector.broadcast %cumsum3A_841 : i1 to vector<16xi1>
      %cumsum3A_843 = tpu.scan <sum>, %select_n3A_840 masked %cumsum3A_842 : vector<16xi32>, vector<16xi1> -> vector<16xi32>
      %add3A_844 = vector.broadcast %reduce_max3A_818 : i32 to vector<16xi32>
      %add3A_845 = arith.addi %cumsum3A_843, %add3A_844 : vector<16xi32>
      %swap3A_846 = arith.constant 2 : i32
      %swap3A_847 = arith.index_cast %swap3A_846 : i32 to index
      %swap3A_848 = arith.constant 16 : index
      %swap3A_849 = tpu.vector_load %arg15[%swap3A_847, %swap3A_848] {strides = array<i32>} : memref<3x128xi32, #tpu.memory_space<vmem>>, vector<16xi32>,
      tpu.vector_store %arg15[%swap3A_847, %swap3A_848], %add3A_845 {strides = array<i32>} : memref<3x128xi32, #tpu.memory_space<vmem>>, vector<16xi32>,
      %reduce_max3A_850 = arith.constant true
      %reduce_max3A_851 = vector.broadcast %reduce_max3A_850 : i1 to vector<16xi1>
      %reduce_max3A_852 = arith.constant -2147483648 : i32
      %reduce_max3A_853 = vector.broadcast %reduce_max3A_852 : i32 to vector<16xi32>
      %reduce_max3A_854 = arith.xori %add3A_845, %reduce_max3A_853 : vector<16xi32>
      %reduce_max3A_855 = tpu.scan <max>, %reduce_max3A_854 masked %reduce_max3A_851 : vector<16xi32>, vector<16xi1> -> vector<16xi32>
      %reduce_max3A_856 = arith.xori %reduce_max3A_855, %reduce_max3A_853 : vector<16xi32>
      %reduce_max3A_857 = vector.extract %reduce_max3A_856[15] : i32 from vector<16xi32>
      %add3A_858 = arith.constant 32 : i32
      %add3A_859 = vector.broadcast %add3A_858 : i32 to vector<16xi32>
      %add3A_860 = arith.addi %iota3A, %add3A_859 : vector<16xi32>
      %get3A_861 = arith.constant 32 : index
      %get3A_862 = tpu.vector_load %arg14[%get3A_861] {strides = array<i32>} : memref<128xi32, #tpu.memory_space<vmem>>, vector<16xi32>,
      %sub3A_863 = arith.constant 1 : i32
      %sub3A_864 = vector.broadcast %sub3A_863 : i32 to vector<16xi32>
      %sub3A_865 = arith.subi %add3A_860, %sub3A_864 : vector<16xi32>
      %max3A_866 = arith.constant 0 : i32
      %max3A_867 = vector.broadcast %max3A_866 : i32 to vector<16xi32>
      %max3A_868 = arith.maxsi %sub3A_865, %max3A_867 : vector<16xi32>
      %gather3A_869 = tpu.vector_load_idx %arg14[%max3A_868] : memref<128xi32, #tpu.memory_space<vmem>>[vector<16xi32>], vector<16xi32>,
      %ne3A_870 = arith.cmpi ne, %get3A_862, %gather3A_869 : vector<16xi32>
      %gt3A_871 = arith.constant 0 : i32
      %gt3A_872 = vector.broadcast %gt3A_871 : i32 to vector<16xi32>
      %gt3A_873 = arith.cmpi sgt, %add3A_860, %gt3A_872 : vector<16xi32>
      %and3A_874 = arith.andi %ne3A_870, %gt3A_873 : vector<16xi1>
      %jit3A_875 = arith.constant 1 : i32
      %jit3A_876 = arith.constant 0 : i32
      %broadcast_in_dim3A_877 = vector.broadcast %jit3A_875 : i32 to vector<16xi32>
      %broadcast_in_dim3A_878 = vector.broadcast %jit3A_876 : i32 to vector<16xi32>
      %select_n3A_879 = arith.select %and3A_874, %broadcast_in_dim3A_877, %broadcast_in_dim3A_878 : vector<16xi1>, vector<16xi32>
      %cumsum3A_880 = arith.constant true
      %cumsum3A_881 = vector.broadcast %cumsum3A_880 : i1 to vector<16xi1>
      %cumsum3A_882 = tpu.scan <sum>, %select_n3A_879 masked %cumsum3A_881 : vector<16xi32>, vector<16xi1> -> vector<16xi32>
      %add3A_883 = vector.broadcast %reduce_max3A_857 : i32 to vector<16xi32>
      %add3A_884 = arith.addi %cumsum3A_882, %add3A_883 : vector<16xi32>
      %swap3A_885 = arith.constant 2 : i32
      %swap3A_886 = arith.index_cast %swap3A_885 : i32 to index
      %swap3A_887 = arith.constant 32 : index
      %swap3A_888 = tpu.vector_load %arg15[%swap3A_886, %swap3A_887] {strides = array<i32>} : memref<3x128xi32, #tpu.memory_space<vmem>>, vector<16xi32>,
      tpu.vector_store %arg15[%swap3A_886, %swap3A_887], %add3A_884 {strides = array<i32>} : memref<3x128xi32, #tpu.memory_space<vmem>>, vector<16xi32>,
      %reduce_max3A_889 = arith.constant true
      %reduce_max3A_890 = vector.broadcast %reduce_max3A_889 : i1 to vector<16xi1>
      %reduce_max3A_891 = arith.constant -2147483648 : i32
      %reduce_max3A_892 = vector.broadcast %reduce_max3A_891 : i32 to vector<16xi32>
      %reduce_max3A_893 = arith.xori %add3A_884, %reduce_max3A_892 : vector<16xi32>
      %reduce_max3A_894 = tpu.scan <max>, %reduce_max3A_893 masked %reduce_max3A_890 : vector<16xi32>, vector<16xi1> -> vector<16xi32>
      %reduce_max3A_895 = arith.xori %reduce_max3A_894, %reduce_max3A_892 : vector<16xi32>
      %reduce_max3A_896 = vector.extract %reduce_max3A_895[15] : i32 from vector<16xi32>
      %add3A_897 = arith.constant 48 : i32
      %add3A_898 = vector.broadcast %add3A_897 : i32 to vector<16xi32>
      %add3A_899 = arith.addi %iota3A, %add3A_898 : vector<16xi32>
      %get3A_900 = arith.constant 48 : index
      %get3A_901 = tpu.vector_load %arg14[%get3A_900] {strides = array<i32>} : memref<128xi32, #tpu.memory_space<vmem>>, vector<16xi32>,
      %sub3A_902 = arith.constant 1 : i32
      %sub3A_903 = vector.broadcast %sub3A_902 : i32 to vector<16xi32>
      %sub3A_904 = arith.subi %add3A_899, %sub3A_903 : vector<16xi32>
      %max3A_905 = arith.constant 0 : i32
      %max3A_906 = vector.broadcast %max3A_905 : i32 to vector<16xi32>
      %max3A_907 = arith.maxsi %sub3A_904, %max3A_906 : vector<16xi32>
      %gather3A_908 = tpu.vector_load_idx %arg14[%max3A_907] : memref<128xi32, #tpu.memory_space<vmem>>[vector<16xi32>], vector<16xi32>,
      %ne3A_909 = arith.cmpi ne, %get3A_901, %gather3A_908 : vector<16xi32>
      %gt3A_910 = arith.constant 0 : i32
      %gt3A_911 = vector.broadcast %gt3A_910 : i32 to vector<16xi32>
      %gt3A_912 = arith.cmpi sgt, %add3A_899, %gt3A_911 : vector<16xi32>
      %and3A_913 = arith.andi %ne3A_909, %gt3A_912 : vector<16xi1>
      %jit3A_914 = arith.constant 1 : i32
      %jit3A_915 = arith.constant 0 : i32
      %broadcast_in_dim3A_916 = vector.broadcast %jit3A_914 : i32 to vector<16xi32>
      %broadcast_in_dim3A_917 = vector.broadcast %jit3A_915 : i32 to vector<16xi32>
      %select_n3A_918 = arith.select %and3A_913, %broadcast_in_dim3A_916, %broadcast_in_dim3A_917 : vector<16xi1>, vector<16xi32>
      %cumsum3A_919 = arith.constant true
      %cumsum3A_920 = vector.broadcast %cumsum3A_919 : i1 to vector<16xi1>
      %cumsum3A_921 = tpu.scan <sum>, %select_n3A_918 masked %cumsum3A_920 : vector<16xi32>, vector<16xi1> -> vector<16xi32>
      %add3A_922 = vector.broadcast %reduce_max3A_896 : i32 to vector<16xi32>
      %add3A_923 = arith.addi %cumsum3A_921, %add3A_922 : vector<16xi32>
      %swap3A_924 = arith.constant 2 : i32
      %swap3A_925 = arith.index_cast %swap3A_924 : i32 to index
      %swap3A_926 = arith.constant 48 : index
      %swap3A_927 = tpu.vector_load %arg15[%swap3A_925, %swap3A_926] {strides = array<i32>} : memref<3x128xi32, #tpu.memory_space<vmem>>, vector<16xi32>,
      tpu.vector_store %arg15[%swap3A_925, %swap3A_926], %add3A_923 {strides = array<i32>} : memref<3x128xi32, #tpu.memory_space<vmem>>, vector<16xi32>,
      %reduce_max3A_928 = arith.constant true
      %reduce_max3A_929 = vector.broadcast %reduce_max3A_928 : i1 to vector<16xi1>
      %reduce_max3A_930 = arith.constant -2147483648 : i32
      %reduce_max3A_931 = vector.broadcast %reduce_max3A_930 : i32 to vector<16xi32>
      %reduce_max3A_932 = arith.xori %add3A_923, %reduce_max3A_931 : vector<16xi32>
      %reduce_max3A_933 = tpu.scan <max>, %reduce_max3A_932 masked %reduce_max3A_929 : vector<16xi32>, vector<16xi1> -> vector<16xi32>
      %reduce_max3A_934 = arith.xori %reduce_max3A_933, %reduce_max3A_931 : vector<16xi32>
      %reduce_max3A_935 = vector.extract %reduce_max3A_934[15] : i32 from vector<16xi32>
      %add3A_936 = arith.constant 64 : i32
      %add3A_937 = vector.broadcast %add3A_936 : i32 to vector<16xi32>
      %add3A_938 = arith.addi %iota3A, %add3A_937 : vector<16xi32>
      %get3A_939 = arith.constant 64 : index
      %get3A_940 = tpu.vector_load %arg14[%get3A_939] {strides = array<i32>} : memref<128xi32, #tpu.memory_space<vmem>>, vector<16xi32>,
      %sub3A_941 = arith.constant 1 : i32
      %sub3A_942 = vector.broadcast %sub3A_941 : i32 to vector<16xi32>
      %sub3A_943 = arith.subi %add3A_938, %sub3A_942 : vector<16xi32>
      %max3A_944 = arith.constant 0 : i32
      %max3A_945 = vector.broadcast %max3A_944 : i32 to vector<16xi32>
      %max3A_946 = arith.maxsi %sub3A_943, %max3A_945 : vector<16xi32>
      %gather3A_947 = tpu.vector_load_idx %arg14[%max3A_946] : memref<128xi32, #tpu.memory_space<vmem>>[vector<16xi32>], vector<16xi32>,
      %ne3A_948 = arith.cmpi ne, %get3A_940, %gather3A_947 : vector<16xi32>
      %gt3A_949 = arith.constant 0 : i32
      %gt3A_950 = vector.broadcast %gt3A_949 : i32 to vector<16xi32>
      %gt3A_951 = arith.cmpi sgt, %add3A_938, %gt3A_950 : vector<16xi32>
      %and3A_952 = arith.andi %ne3A_948, %gt3A_951 : vector<16xi1>
      %jit3A_953 = arith.constant 1 : i32
      %jit3A_954 = arith.constant 0 : i32
      %broadcast_in_dim3A_955 = vector.broadcast %jit3A_953 : i32 to vector<16xi32>
      %broadcast_in_dim3A_956 = vector.broadcast %jit3A_954 : i32 to vector<16xi32>
      %select_n3A_957 = arith.select %and3A_952, %broadcast_in_dim3A_955, %broadcast_in_dim3A_956 : vector<16xi1>, vector<16xi32>
      %cumsum3A_958 = arith.constant true
      %cumsum3A_959 = vector.broadcast %cumsum3A_958 : i1 to vector<16xi1>
      %cumsum3A_960 = tpu.scan <sum>, %select_n3A_957 masked %cumsum3A_959 : vector<16xi32>, vector<16xi1> -> vector<16xi32>
      %add3A_961 = vector.broadcast %reduce_max3A_935 : i32 to vector<16xi32>
      %add3A_962 = arith.addi %cumsum3A_960, %add3A_961 : vector<16xi32>
      %swap3A_963 = arith.constant 2 : i32
      %swap3A_964 = arith.index_cast %swap3A_963 : i32 to index
      %swap3A_965 = arith.constant 64 : index
      %swap3A_966 = tpu.vector_load %arg15[%swap3A_964, %swap3A_965] {strides = array<i32>} : memref<3x128xi32, #tpu.memory_space<vmem>>, vector<16xi32>,
      tpu.vector_store %arg15[%swap3A_964, %swap3A_965], %add3A_962 {strides = array<i32>} : memref<3x128xi32, #tpu.memory_space<vmem>>, vector<16xi32>,
      %reduce_max3A_967 = arith.constant true
      %reduce_max3A_968 = vector.broadcast %reduce_max3A_967 : i1 to vector<16xi1>
      %reduce_max3A_969 = arith.constant -2147483648 : i32
      %reduce_max3A_970 = vector.broadcast %reduce_max3A_969 : i32 to vector<16xi32>
      %reduce_max3A_971 = arith.xori %add3A_962, %reduce_max3A_970 : vector<16xi32>
      %reduce_max3A_972 = tpu.scan <max>, %reduce_max3A_971 masked %reduce_max3A_968 : vector<16xi32>, vector<16xi1> -> vector<16xi32>
      %reduce_max3A_973 = arith.xori %reduce_max3A_972, %reduce_max3A_970 : vector<16xi32>
      %reduce_max3A_974 = vector.extract %reduce_max3A_973[15] : i32 from vector<16xi32>
      %add3A_975 = arith.constant 80 : i32
      %add3A_976 = vector.broadcast %add3A_975 : i32 to vector<16xi32>
      %add3A_977 = arith.addi %iota3A, %add3A_976 : vector<16xi32>
      %get3A_978 = arith.constant 80 : index
      %get3A_979 = tpu.vector_load %arg14[%get3A_978] {strides = array<i32>} : memref<128xi32, #tpu.memory_space<vmem>>, vector<16xi32>,
      %sub3A_980 = arith.constant 1 : i32
      %sub3A_981 = vector.broadcast %sub3A_980 : i32 to vector<16xi32>
      %sub3A_982 = arith.subi %add3A_977, %sub3A_981 : vector<16xi32>
      %max3A_983 = arith.constant 0 : i32
      %max3A_984 = vector.broadcast %max3A_983 : i32 to vector<16xi32>
      %max3A_985 = arith.maxsi %sub3A_982, %max3A_984 : vector<16xi32>
      %gather3A_986 = tpu.vector_load_idx %arg14[%max3A_985] : memref<128xi32, #tpu.memory_space<vmem>>[vector<16xi32>], vector<16xi32>,
      %ne3A_987 = arith.cmpi ne, %get3A_979, %gather3A_986 : vector<16xi32>
      %gt3A_988 = arith.constant 0 : i32
      %gt3A_989 = vector.broadcast %gt3A_988 : i32 to vector<16xi32>
      %gt3A_990 = arith.cmpi sgt, %add3A_977, %gt3A_989 : vector<16xi32>
      %and3A_991 = arith.andi %ne3A_987, %gt3A_990 : vector<16xi1>
      %jit3A_992 = arith.constant 1 : i32
      %jit3A_993 = arith.constant 0 : i32
      %broadcast_in_dim3A_994 = vector.broadcast %jit3A_992 : i32 to vector<16xi32>
      %broadcast_in_dim3A_995 = vector.broadcast %jit3A_993 : i32 to vector<16xi32>
      %select_n3A_996 = arith.select %and3A_991, %broadcast_in_dim3A_994, %broadcast_in_dim3A_995 : vector<16xi1>, vector<16xi32>
      %cumsum3A_997 = arith.constant true
      %cumsum3A_998 = vector.broadcast %cumsum3A_997 : i1 to vector<16xi1>
      %cumsum3A_999 = tpu.scan <sum>, %select_n3A_996 masked %cumsum3A_998 : vector<16xi32>, vector<16xi1> -> vector<16xi32>
      %add3A_1000 = vector.broadcast %reduce_max3A_974 : i32 to vector<16xi32>
      %add3A_1001 = arith.addi %cumsum3A_999, %add3A_1000 : vector<16xi32>
      %swap3A_1002 = arith.constant 2 : i32
      %swap3A_1003 = arith.index_cast %swap3A_1002 : i32 to index
      %swap3A_1004 = arith.constant 80 : index
      %swap3A_1005 = tpu.vector_load %arg15[%swap3A_1003, %swap3A_1004] {strides = array<i32>} : memref<3x128xi32, #tpu.memory_space<vmem>>, vector<16xi32>,
      tpu.vector_store %arg15[%swap3A_1003, %swap3A_1004], %add3A_1001 {strides = array<i32>} : memref<3x128xi32, #tpu.memory_space<vmem>>, vector<16xi32>,
      %reduce_max3A_1006 = arith.constant true
      %reduce_max3A_1007 = vector.broadcast %reduce_max3A_1006 : i1 to vector<16xi1>
      %reduce_max3A_1008 = arith.constant -2147483648 : i32
      %reduce_max3A_1009 = vector.broadcast %reduce_max3A_1008 : i32 to vector<16xi32>
      %reduce_max3A_1010 = arith.xori %add3A_1001, %reduce_max3A_1009 : vector<16xi32>
      %reduce_max3A_1011 = tpu.scan <max>, %reduce_max3A_1010 masked %reduce_max3A_1007 : vector<16xi32>, vector<16xi1> -> vector<16xi32>
      %reduce_max3A_1012 = arith.xori %reduce_max3A_1011, %reduce_max3A_1009 : vector<16xi32>
      %reduce_max3A_1013 = vector.extract %reduce_max3A_1012[15] : i32 from vector<16xi32>
      %add3A_1014 = arith.constant 96 : i32
      %add3A_1015 = vector.broadcast %add3A_1014 : i32 to vector<16xi32>
      %add3A_1016 = arith.addi %iota3A, %add3A_1015 : vector<16xi32>
      %get3A_1017 = arith.constant 96 : index
      %get3A_1018 = tpu.vector_load %arg14[%get3A_1017] {strides = array<i32>} : memref<128xi32, #tpu.memory_space<vmem>>, vector<16xi32>,
      %sub3A_1019 = arith.constant 1 : i32
      %sub3A_1020 = vector.broadcast %sub3A_1019 : i32 to vector<16xi32>
      %sub3A_1021 = arith.subi %add3A_1016, %sub3A_1020 : vector<16xi32>
      %max3A_1022 = arith.constant 0 : i32
      %max3A_1023 = vector.broadcast %max3A_1022 : i32 to vector<16xi32>
      %max3A_1024 = arith.maxsi %sub3A_1021, %max3A_1023 : vector<16xi32>
      %gather3A_1025 = tpu.vector_load_idx %arg14[%max3A_1024] : memref<128xi32, #tpu.memory_space<vmem>>[vector<16xi32>], vector<16xi32>,
      %ne3A_1026 = arith.cmpi ne, %get3A_1018, %gather3A_1025 : vector<16xi32>
      %gt3A_1027 = arith.constant 0 : i32
      %gt3A_1028 = vector.broadcast %gt3A_1027 : i32 to vector<16xi32>
      %gt3A_1029 = arith.cmpi sgt, %add3A_1016, %gt3A_1028 : vector<16xi32>
      %and3A_1030 = arith.andi %ne3A_1026, %gt3A_1029 : vector<16xi1>
      %jit3A_1031 = arith.constant 1 : i32
      %jit3A_1032 = arith.constant 0 : i32
      %broadcast_in_dim3A_1033 = vector.broadcast %jit3A_1031 : i32 to vector<16xi32>
      %broadcast_in_dim3A_1034 = vector.broadcast %jit3A_1032 : i32 to vector<16xi32>
      %select_n3A_1035 = arith.select %and3A_1030, %broadcast_in_dim3A_1033, %broadcast_in_dim3A_1034 : vector<16xi1>, vector<16xi32>
      %cumsum3A_1036 = arith.constant true
      %cumsum3A_1037 = vector.broadcast %cumsum3A_1036 : i1 to vector<16xi1>
      %cumsum3A_1038 = tpu.scan <sum>, %select_n3A_1035 masked %cumsum3A_1037 : vector<16xi32>, vector<16xi1> -> vector<16xi32>
      %add3A_1039 = vector.broadcast %reduce_max3A_1013 : i32 to vector<16xi32>
      %add3A_1040 = arith.addi %cumsum3A_1038, %add3A_1039 : vector<16xi32>
      %swap3A_1041 = arith.constant 2 : i32
      %swap3A_1042 = arith.index_cast %swap3A_1041 : i32 to index
      %swap3A_1043 = arith.constant 96 : index
      %swap3A_1044 = tpu.vector_load %arg15[%swap3A_1042, %swap3A_1043] {strides = array<i32>} : memref<3x128xi32, #tpu.memory_space<vmem>>, vector<16xi32>,
      tpu.vector_store %arg15[%swap3A_1042, %swap3A_1043], %add3A_1040 {strides = array<i32>} : memref<3x128xi32, #tpu.memory_space<vmem>>, vector<16xi32>,
      %reduce_max3A_1045 = arith.constant true
      %reduce_max3A_1046 = vector.broadcast %reduce_max3A_1045 : i1 to vector<16xi1>
      %reduce_max3A_1047 = arith.constant -2147483648 : i32
      %reduce_max3A_1048 = vector.broadcast %reduce_max3A_1047 : i32 to vector<16xi32>
      %reduce_max3A_1049 = arith.xori %add3A_1040, %reduce_max3A_1048 : vector<16xi32>
      %reduce_max3A_1050 = tpu.scan <max>, %reduce_max3A_1049 masked %reduce_max3A_1046 : vector<16xi32>, vector<16xi1> -> vector<16xi32>
      %reduce_max3A_1051 = arith.xori %reduce_max3A_1050, %reduce_max3A_1048 : vector<16xi32>
      %reduce_max3A_1052 = vector.extract %reduce_max3A_1051[15] : i32 from vector<16xi32>
      %add3A_1053 = arith.constant 112 : i32
      %add3A_1054 = vector.broadcast %add3A_1053 : i32 to vector<16xi32>
      %add3A_1055 = arith.addi %iota3A, %add3A_1054 : vector<16xi32>
      %get3A_1056 = arith.constant 112 : index
      %get3A_1057 = tpu.vector_load %arg14[%get3A_1056] {strides = array<i32>} : memref<128xi32, #tpu.memory_space<vmem>>, vector<16xi32>,
      %sub3A_1058 = arith.constant 1 : i32
      %sub3A_1059 = vector.broadcast %sub3A_1058 : i32 to vector<16xi32>
      %sub3A_1060 = arith.subi %add3A_1055, %sub3A_1059 : vector<16xi32>
      %max3A_1061 = arith.constant 0 : i32
      %max3A_1062 = vector.broadcast %max3A_1061 : i32 to vector<16xi32>
      %max3A_1063 = arith.maxsi %sub3A_1060, %max3A_1062 : vector<16xi32>
      %gather3A_1064 = tpu.vector_load_idx %arg14[%max3A_1063] : memref<128xi32, #tpu.memory_space<vmem>>[vector<16xi32>], vector<16xi32>,
      %ne3A_1065 = arith.cmpi ne, %get3A_1057, %gather3A_1064 : vector<16xi32>
      %gt3A_1066 = arith.constant 0 : i32
      %gt3A_1067 = vector.broadcast %gt3A_1066 : i32 to vector<16xi32>
      %gt3A_1068 = arith.cmpi sgt, %add3A_1055, %gt3A_1067 : vector<16xi32>
      %and3A_1069 = arith.andi %ne3A_1065, %gt3A_1068 : vector<16xi1>
      %jit3A_1070 = arith.constant 1 : i32
      %jit3A_1071 = arith.constant 0 : i32
      %broadcast_in_dim3A_1072 = vector.broadcast %jit3A_1070 : i32 to vector<16xi32>
      %broadcast_in_dim3A_1073 = vector.broadcast %jit3A_1071 : i32 to vector<16xi32>
      %select_n3A_1074 = arith.select %and3A_1069, %broadcast_in_dim3A_1072, %broadcast_in_dim3A_1073 : vector<16xi1>, vector<16xi32>
      %cumsum3A_1075 = arith.constant true
      %cumsum3A_1076 = vector.broadcast %cumsum3A_1075 : i1 to vector<16xi1>
      %cumsum3A_1077 = tpu.scan <sum>, %select_n3A_1074 masked %cumsum3A_1076 : vector<16xi32>, vector<16xi1> -> vector<16xi32>
      %add3A_1078 = vector.broadcast %reduce_max3A_1052 : i32 to vector<16xi32>
      %add3A_1079 = arith.addi %cumsum3A_1077, %add3A_1078 : vector<16xi32>
      %swap3A_1080 = arith.constant 2 : i32
      %swap3A_1081 = arith.index_cast %swap3A_1080 : i32 to index
      %swap3A_1082 = arith.constant 112 : index
      %swap3A_1083 = tpu.vector_load %arg15[%swap3A_1081, %swap3A_1082] {strides = array<i32>} : memref<3x128xi32, #tpu.memory_space<vmem>>, vector<16xi32>,
      tpu.vector_store %arg15[%swap3A_1081, %swap3A_1082], %add3A_1079 {strides = array<i32>} : memref<3x128xi32, #tpu.memory_space<vmem>>, vector<16xi32>,
      %reduce_max3A_1084 = arith.constant true
      %reduce_max3A_1085 = vector.broadcast %reduce_max3A_1084 : i1 to vector<16xi1>
      %reduce_max3A_1086 = arith.constant -2147483648 : i32
      %reduce_max3A_1087 = vector.broadcast %reduce_max3A_1086 : i32 to vector<16xi32>
      %reduce_max3A_1088 = arith.xori %add3A_1079, %reduce_max3A_1087 : vector<16xi32>
      %reduce_max3A_1089 = tpu.scan <max>, %reduce_max3A_1088 masked %reduce_max3A_1085 : vector<16xi32>, vector<16xi1> -> vector<16xi32>
      %reduce_max3A_1090 = arith.xori %reduce_max3A_1089, %reduce_max3A_1087 : vector<16xi32>
      %reduce_max3A_1091 = vector.extract %reduce_max3A_1090[15] : i32 from vector<16xi32>
      "tpu.region"() ({
        %run_scoped3A_1092 = tpu.sem_alloc : memref<!tpu.dma_semaphore, #tpu.memory_space<semaphore_mem>>
        tpu.enqueue_dma source(%arg15 : memref<3x128xi32, #tpu.memory_space<vmem>>) target(%arg8 : memref<3x128xi32, #tpu.memory_space<hbm>>) target_semaphore(%run_scoped3A_1092 : memref<!tpu.dma_semaphore, #tpu.memory_space<semaphore_mem>>)
        tpu.wait_dma2 semaphore(%run_scoped3A_1092 : memref<!tpu.dma_semaphore, #tpu.memory_space<semaphore_mem>>) src(%arg15 : memref<3x128xi32, #tpu.memory_space<vmem>>) dst(%arg8 : memref<3x128xi32, #tpu.memory_space<hbm>>)
        tpu.yield
      }) : () -> ()
    } else {
    }
    return
  }
}

#map = affine_map<(d0, d1) -> (0, 0)>
module attributes {stable_mosaic.version = 14 : i64} {
  func.func @_unpermute(%arg0: i32, %arg1: i32, %arg2: memref<16384x768xf32, #tpu.memory_space<hbm>>, %arg3: memref<64x128xi32, #tpu.memory_space<hbm>>, %arg4: memref<8192x768xf32, #tpu.memory_space<hbm>>, %arg5: memref<2x128xi32, #tpu.memory_space<vmem>>, %arg6: memref<128x768xf32, #tpu.memory_space<vmem>>, %arg7: memref<!tpu.dma_semaphore, #tpu.memory_space<semaphore_mem>>) attributes {dimension_semantics = [#tpu.dimension_semantics<core_parallel>, #tpu.dimension_semantics<subcore_parallel>], iteration_bounds = array<i64: 2, 16>, scalar_prefetch = 0 : i64, scratch_operands = 3 : i64, tpu.core_type = #tpu.core_type<sc_vector_subcore>, window_params = [{transform_indices = #map}, {transform_indices = #map}, {transform_indices = #map}]} {
    %mul3A = arith.constant 2 : i32
    %mul3A_0 = arith.muli %arg1, %mul3A : i32
    %add3A = arith.addi %mul3A_0, %arg0 : i32
    %mul3A_1 = arith.constant 2 : i32
    %mul3A_2 = arith.muli %add3A, %mul3A_1 : i32
    "tpu.region"() ({
      %run_scoped3A = tpu.sem_alloc : memref<!tpu.dma_semaphore, #tpu.memory_space<semaphore_mem>>
      %dma_start3A_37 = arith.constant 0 : i32
      %dma_start3A_38 = tpu.memref_slice %arg3[%mul3A_2, %dma_start3A_37] : memref<64x128xi32, #tpu.memory_space<hbm>> -> memref<2x128xi32, #tpu.memory_space<hbm>>
      %dma_start3A_39 = arith.constant 0 : i32
      %dma_start3A_40 = tpu.memref_slice %arg3[%mul3A_2, %dma_start3A_39] : memref<64x128xi32, #tpu.memory_space<hbm>> -> memref<2x128xi32, #tpu.memory_space<hbm>>
      tpu.enqueue_dma source(%dma_start3A_40 : memref<2x128xi32, #tpu.memory_space<hbm>>) target(%arg5 : memref<2x128xi32, #tpu.memory_space<vmem>>) target_semaphore(%run_scoped3A : memref<!tpu.dma_semaphore, #tpu.memory_space<semaphore_mem>>)
      %dma_wait3A_41 = arith.constant 0 : i32
      %dma_wait3A_42 = tpu.memref_slice %arg3[%mul3A_2, %dma_wait3A_41] : memref<64x128xi32, #tpu.memory_space<hbm>> -> memref<2x128xi32, #tpu.memory_space<hbm>>
      %dma_wait3A_43 = arith.constant 0 : i32
      %dma_wait3A_44 = tpu.memref_slice %arg3[%mul3A_2, %dma_wait3A_43] : memref<64x128xi32, #tpu.memory_space<hbm>> -> memref<2x128xi32, #tpu.memory_space<hbm>>
      tpu.wait_dma2 semaphore(%run_scoped3A : memref<!tpu.dma_semaphore, #tpu.memory_space<semaphore_mem>>) src(%dma_wait3A_44 : memref<2x128xi32, #tpu.memory_space<hbm>>) dst(%arg5 : memref<2x128xi32, #tpu.memory_space<vmem>>)
      tpu.yield
    }) : () -> ()
    %dma_start3A = arith.constant 0 : i32
    %dma_start3A_3 = arith.constant 0 : i32
    %dma_start3A_4 = tpu.memref_slice %arg5[%dma_start3A, %dma_start3A_3] : memref<2x128xi32, #tpu.memory_space<vmem>> -> memref<1x128xi32, #tpu.memory_space<vmem>>
    %dma_start3A_5 = tpu.memref_squeeze %dma_start3A_4 : memref<1x128xi32, #tpu.memory_space<vmem>> -> memref<128xi32, #tpu.memory_space<vmem>>
    %dma_start3A_6 = arith.constant 0 : i32
    %dma_start3A_7 = arith.constant 0 : i32
    %dma_start3A_8 = tpu.memref_slice %arg2[%dma_start3A_6, %dma_start3A_7] : memref<16384x768xf32, #tpu.memory_space<hbm>> -> memref<16384x768xf32, #tpu.memory_space<hbm>>
    tpu.enqueue_indirect_dma source(%dma_start3A_8 : memref<16384x768xf32, #tpu.memory_space<hbm>>) target(%arg6 : memref<128x768xf32, #tpu.memory_space<vmem>>) offsets(%dma_start3A_5 : memref<128xi32, #tpu.memory_space<vmem>>) semaphore(%arg7 : memref<!tpu.dma_semaphore, #tpu.memory_space<semaphore_mem>>)
    %dma_wait3A = arith.constant 0 : i32
    %dma_wait3A_9 = arith.constant 0 : i32
    %dma_wait3A_10 = tpu.memref_slice %arg5[%dma_wait3A, %dma_wait3A_9] : memref<2x128xi32, #tpu.memory_space<vmem>> -> memref<1x128xi32, #tpu.memory_space<vmem>>
    %dma_wait3A_11 = tpu.memref_squeeze %dma_wait3A_10 : memref<1x128xi32, #tpu.memory_space<vmem>> -> memref<128xi32, #tpu.memory_space<vmem>>
    %dma_wait3A_12 = arith.constant 0 : i32
    %dma_wait3A_13 = arith.constant 0 : i32
    %dma_wait3A_14 = tpu.memref_slice %arg2[%dma_wait3A_12, %dma_wait3A_13] : memref<16384x768xf32, #tpu.memory_space<hbm>> -> memref<16384x768xf32, #tpu.memory_space<hbm>>
    tpu.wait_indirect_dma semaphore(%arg7 : memref<!tpu.dma_semaphore, #tpu.memory_space<semaphore_mem>>) src(%dma_wait3A_14 : memref<16384x768xf32, #tpu.memory_space<hbm>>) dst(%arg6 : memref<128x768xf32, #tpu.memory_space<vmem>>)
    %mul3A_15 = arith.constant 256 : i32
    %mul3A_16 = arith.muli %add3A, %mul3A_15 : i32
    %add3A_17 = arith.constant 0 : i32
    %add3A_18 = arith.addi %mul3A_16, %add3A_17 : i32
    "tpu.region"() ({
      %run_scoped3A = tpu.sem_alloc : memref<!tpu.dma_semaphore, #tpu.memory_space<semaphore_mem>>
      %dma_start3A_37 = arith.constant 0 : i32
      %dma_start3A_38 = tpu.memref_slice %arg4[%add3A_18, %dma_start3A_37] : memref<8192x768xf32, #tpu.memory_space<hbm>> -> memref<128x768xf32, #tpu.memory_space<hbm>>
      %dma_start3A_39 = arith.constant 0 : i32
      %dma_start3A_40 = tpu.memref_slice %arg4[%add3A_18, %dma_start3A_39] : memref<8192x768xf32, #tpu.memory_space<hbm>> -> memref<128x768xf32, #tpu.memory_space<hbm>>
      tpu.enqueue_dma source(%arg6 : memref<128x768xf32, #tpu.memory_space<vmem>>) target(%dma_start3A_40 : memref<128x768xf32, #tpu.memory_space<hbm>>) target_semaphore(%run_scoped3A : memref<!tpu.dma_semaphore, #tpu.memory_space<semaphore_mem>>)
      %dma_wait3A_41 = arith.constant 0 : i32
      %dma_wait3A_42 = tpu.memref_slice %arg4[%add3A_18, %dma_wait3A_41] : memref<8192x768xf32, #tpu.memory_space<hbm>> -> memref<128x768xf32, #tpu.memory_space<hbm>>
      %dma_wait3A_43 = arith.constant 0 : i32
      %dma_wait3A_44 = tpu.memref_slice %arg4[%add3A_18, %dma_wait3A_43] : memref<8192x768xf32, #tpu.memory_space<hbm>> -> memref<128x768xf32, #tpu.memory_space<hbm>>
      tpu.wait_dma2 semaphore(%run_scoped3A : memref<!tpu.dma_semaphore, #tpu.memory_space<semaphore_mem>>) src(%arg6 : memref<128x768xf32, #tpu.memory_space<vmem>>) dst(%dma_wait3A_44 : memref<128x768xf32, #tpu.memory_space<hbm>>)
      tpu.yield
    }) : () -> ()
    %dma_start3A_19 = arith.constant 1 : i32
    %dma_start3A_20 = arith.constant 0 : i32
    %dma_start3A_21 = tpu.memref_slice %arg5[%dma_start3A_19, %dma_start3A_20] : memref<2x128xi32, #tpu.memory_space<vmem>> -> memref<1x128xi32, #tpu.memory_space<vmem>>
    %dma_start3A_22 = tpu.memref_squeeze %dma_start3A_21 : memref<1x128xi32, #tpu.memory_space<vmem>> -> memref<128xi32, #tpu.memory_space<vmem>>
    %dma_start3A_23 = arith.constant 0 : i32
    %dma_start3A_24 = arith.constant 0 : i32
    %dma_start3A_25 = tpu.memref_slice %arg2[%dma_start3A_23, %dma_start3A_24] : memref<16384x768xf32, #tpu.memory_space<hbm>> -> memref<16384x768xf32, #tpu.memory_space<hbm>>
    tpu.enqueue_indirect_dma source(%dma_start3A_25 : memref<16384x768xf32, #tpu.memory_space<hbm>>) target(%arg6 : memref<128x768xf32, #tpu.memory_space<vmem>>) offsets(%dma_start3A_22 : memref<128xi32, #tpu.memory_space<vmem>>) semaphore(%arg7 : memref<!tpu.dma_semaphore, #tpu.memory_space<semaphore_mem>>)
    %dma_wait3A_26 = arith.constant 1 : i32
    %dma_wait3A_27 = arith.constant 0 : i32
    %dma_wait3A_28 = tpu.memref_slice %arg5[%dma_wait3A_26, %dma_wait3A_27] : memref<2x128xi32, #tpu.memory_space<vmem>> -> memref<1x128xi32, #tpu.memory_space<vmem>>
    %dma_wait3A_29 = tpu.memref_squeeze %dma_wait3A_28 : memref<1x128xi32, #tpu.memory_space<vmem>> -> memref<128xi32, #tpu.memory_space<vmem>>
    %dma_wait3A_30 = arith.constant 0 : i32
    %dma_wait3A_31 = arith.constant 0 : i32
    %dma_wait3A_32 = tpu.memref_slice %arg2[%dma_wait3A_30, %dma_wait3A_31] : memref<16384x768xf32, #tpu.memory_space<hbm>> -> memref<16384x768xf32, #tpu.memory_space<hbm>>
    tpu.wait_indirect_dma semaphore(%arg7 : memref<!tpu.dma_semaphore, #tpu.memory_space<semaphore_mem>>) src(%dma_wait3A_32 : memref<16384x768xf32, #tpu.memory_space<hbm>>) dst(%arg6 : memref<128x768xf32, #tpu.memory_space<vmem>>)
    %mul3A_33 = arith.constant 256 : i32
    %mul3A_34 = arith.muli %add3A, %mul3A_33 : i32
    %add3A_35 = arith.constant 128 : i32
    %add3A_36 = arith.addi %mul3A_34, %add3A_35 : i32
    "tpu.region"() ({
      %run_scoped3A = tpu.sem_alloc : memref<!tpu.dma_semaphore, #tpu.memory_space<semaphore_mem>>
      %dma_start3A_37 = arith.constant 0 : i32
      %dma_start3A_38 = tpu.memref_slice %arg4[%add3A_36, %dma_start3A_37] : memref<8192x768xf32, #tpu.memory_space<hbm>> -> memref<128x768xf32, #tpu.memory_space<hbm>>
      %dma_start3A_39 = arith.constant 0 : i32
      %dma_start3A_40 = tpu.memref_slice %arg4[%add3A_36, %dma_start3A_39] : memref<8192x768xf32, #tpu.memory_space<hbm>> -> memref<128x768xf32, #tpu.memory_space<hbm>>
      tpu.enqueue_dma source(%arg6 : memref<128x768xf32, #tpu.memory_space<vmem>>) target(%dma_start3A_40 : memref<128x768xf32, #tpu.memory_space<hbm>>) target_semaphore(%run_scoped3A : memref<!tpu.dma_semaphore, #tpu.memory_space<semaphore_mem>>)
      %dma_wait3A_41 = arith.constant 0 : i32
      %dma_wait3A_42 = tpu.memref_slice %arg4[%add3A_36, %dma_wait3A_41] : memref<8192x768xf32, #tpu.memory_space<hbm>> -> memref<128x768xf32, #tpu.memory_space<hbm>>
      %dma_wait3A_43 = arith.constant 0 : i32
      %dma_wait3A_44 = tpu.memref_slice %arg4[%add3A_36, %dma_wait3A_43] : memref<8192x768xf32, #tpu.memory_space<hbm>> -> memref<128x768xf32, #tpu.memory_space<hbm>>
      tpu.wait_dma2 semaphore(%run_scoped3A : memref<!tpu.dma_semaphore, #tpu.memory_space<semaphore_mem>>) src(%arg6 : memref<128x768xf32, #tpu.memory_space<vmem>>) dst(%dma_wait3A_44 : memref<128x768xf32, #tpu.memory_space<hbm>>)
      tpu.yield
    }) : () -> ()
    return
  }
}

module attributes {stable_mosaic.version = 14 : i64} {
  func.func @_matmul_body(%arg0: i32, %arg1: memref<3x128xi32, #tpu.memory_space<smem>>, %arg2: memref<256x768xf32, #tpu.memory_space<vmem>>, %arg3: memref<64x768x768xf32, #tpu.memory_space<any>>, %arg4: memref<1x768xf32, #tpu.memory_space<vmem>>, %arg5: memref<256x768xf32, #tpu.memory_space<vmem>>, %arg6: memref<6x768x768xf32, #tpu.memory_space<vmem>>, %arg7: memref<6x!tpu.dma_semaphore, #tpu.memory_space<semaphore_mem>>) attributes {dimension_semantics = [#tpu.dimension_semantics<arbitrary>], iteration_bounds = array<i64: 64>, scalar_prefetch = 1 : i64, scratch_operands = 2 : i64, tpu.core_type = #tpu.core_type<tc>, window_params = [{transform_indices = @transform_0, window_bounds = array<i64: 256, 768>}, {}, {pipeline_mode = #tpu.pipeline_mode<synchronous>, transform_indices = @transform_2, window_bounds = array<i64: 1, 768>}, {transform_indices = @transform_3, window_bounds = array<i64: 256, 768>}]} {
    %mul3A = arith.constant 2 : i32
    %mul3A_0 = arith.muli %mul3A, %arg0 : i32
    %get3A = arith.constant 2 : index
    %get3A_1 = arith.index_cast %mul3A_0 : i32 to index
    %get3A_2 = memref.load %arg1[%get3A, %get3A_1] : memref<3x128xi32, #tpu.memory_space<smem>>
    %mul3A_3 = arith.constant 2 : i32
    %mul3A_4 = arith.muli %mul3A_3, %arg0 : i32
    %add3A = arith.constant 1 : i32
    %add3A_5 = arith.addi %mul3A_4, %add3A : i32
    %get3A_6 = arith.constant 2 : index
    %get3A_7 = arith.index_cast %add3A_5 : i32 to index
    %get3A_8 = memref.load %arg1[%get3A_6, %get3A_7] : memref<3x128xi32, #tpu.memory_space<smem>>
    %rem3A = arith.constant 6 : i32
    %rem3A_9 = arith.remsi %get3A_2, %rem3A : i32
    %rem3A_10 = arith.constant 6 : i32
    %rem3A_11 = arith.remsi %get3A_8, %rem3A_10 : i32
    %eq3A = arith.constant 0 : i32
    %eq3A_12 = arith.cmpi eq, %arg0, %eq3A : i32
    %convert_element_type3A = arith.extui %eq3A_12 : i1 to i32
    %cond3A = arith.constant 0 : i32
    %cond3A_13 = arith.cmpi ne, %convert_element_type3A, %cond3A : i32
    scf.if %cond3A_13 {
      %get3A_51 = arith.constant 2 : index
      %get3A_52 = arith.constant 0 : index
      %get3A_53 = memref.load %arg1[%get3A_51, %get3A_52] : memref<3x128xi32, #tpu.memory_space<smem>>
      %rem3A_54 = arith.constant 6 : i32
      %rem3A_55 = arith.remsi %get3A_53, %rem3A_54 : i32
      %get3A_56 = arith.constant 0 : index
      %get3A_57 = arith.constant 0 : index
      %get3A_58 = memref.load %arg1[%get3A_56, %get3A_57] : memref<3x128xi32, #tpu.memory_space<smem>>
      %dma_start3A = tpu.memref_slice %arg7[%rem3A_55] : memref<6x!tpu.dma_semaphore, #tpu.memory_space<semaphore_mem>> -> memref<1x!tpu.dma_semaphore, #tpu.memory_space<semaphore_mem>>
      %dma_start3A_59 = tpu.memref_squeeze %dma_start3A : memref<1x!tpu.dma_semaphore, #tpu.memory_space<semaphore_mem>> -> memref<!tpu.dma_semaphore, #tpu.memory_space<semaphore_mem>>
      %dma_start3A_60 = arith.constant 0 : i32
      %dma_start3A_61 = arith.constant 0 : i32
      %dma_start3A_62 = tpu.memref_slice %arg6[%rem3A_55, %dma_start3A_60, %dma_start3A_61] : memref<6x768x768xf32, #tpu.memory_space<vmem>> -> memref<1x768x768xf32, #tpu.memory_space<vmem>>
      %dma_start3A_63 = tpu.memref_squeeze %dma_start3A_62 : memref<1x768x768xf32, #tpu.memory_space<vmem>> -> memref<768x768xf32, #tpu.memory_space<vmem>>
      %dma_start3A_64 = arith.constant 0 : i32
      %dma_start3A_65 = arith.constant 0 : i32
      %dma_start3A_66 = tpu.memref_slice %arg3[%get3A_58, %dma_start3A_64, %dma_start3A_65] : memref<64x768x768xf32, #tpu.memory_space<any>> -> memref<1x768x768xf32, #tpu.memory_space<any>>
      %dma_start3A_67 = tpu.memref_squeeze %dma_start3A_66 : memref<1x768x768xf32, #tpu.memory_space<any>> -> memref<768x768xf32, #tpu.memory_space<any>>
      tpu.enqueue_dma source(%dma_start3A_67 : memref<768x768xf32, #tpu.memory_space<any>>) target(%dma_start3A_63 : memref<768x768xf32, #tpu.memory_space<vmem>>) target_semaphore(%dma_start3A_59 : memref<!tpu.dma_semaphore, #tpu.memory_space<semaphore_mem>>)
      %get3A_68 = arith.constant 2 : index
      %get3A_69 = arith.constant 1 : index
      %get3A_70 = memref.load %arg1[%get3A_68, %get3A_69] : memref<3x128xi32, #tpu.memory_space<smem>>
      %get3A_71 = arith.constant 2 : index
      %get3A_72 = arith.constant 0 : index
      %get3A_73 = memref.load %arg1[%get3A_71, %get3A_72] : memref<3x128xi32, #tpu.memory_space<smem>>
      %gt3A_74 = arith.cmpi sgt, %get3A_70, %get3A_73 : i32
      %convert_element_type3A_75 = arith.extui %gt3A_74 : i1 to i32
      %cond3A_76 = arith.constant 0 : i32
      %cond3A_77 = arith.cmpi ne, %convert_element_type3A_75, %cond3A_76 : i32
      scf.if %cond3A_77 {
        %get3A_118 = arith.constant 2 : index
        %get3A_119 = arith.constant 1 : index
        %get3A_120 = memref.load %arg1[%get3A_118, %get3A_119] : memref<3x128xi32, #tpu.memory_space<smem>>
        %rem3A_121 = arith.constant 6 : i32
        %rem3A_122 = arith.remsi %get3A_120, %rem3A_121 : i32
        %get3A_123 = arith.constant 0 : index
        %get3A_124 = arith.constant 1 : index
        %get3A_125 = memref.load %arg1[%get3A_123, %get3A_124] : memref<3x128xi32, #tpu.memory_space<smem>>
        %dma_start3A_126 = tpu.memref_slice %arg7[%rem3A_122] : memref<6x!tpu.dma_semaphore, #tpu.memory_space<semaphore_mem>> -> memref<1x!tpu.dma_semaphore, #tpu.memory_space<semaphore_mem>>
        %dma_start3A_127 = tpu.memref_squeeze %dma_start3A_126 : memref<1x!tpu.dma_semaphore, #tpu.memory_space<semaphore_mem>> -> memref<!tpu.dma_semaphore, #tpu.memory_space<semaphore_mem>>
        %dma_start3A_128 = arith.constant 0 : i32
        %dma_start3A_129 = arith.constant 0 : i32
        %dma_start3A_130 = tpu.memref_slice %arg6[%rem3A_122, %dma_start3A_128, %dma_start3A_129] : memref<6x768x768xf32, #tpu.memory_space<vmem>> -> memref<1x768x768xf32, #tpu.memory_space<vmem>>
        %dma_start3A_131 = tpu.memref_squeeze %dma_start3A_130 : memref<1x768x768xf32, #tpu.memory_space<vmem>> -> memref<768x768xf32, #tpu.memory_space<vmem>>
        %dma_start3A_132 = arith.constant 0 : i32
        %dma_start3A_133 = arith.constant 0 : i32
        %dma_start3A_134 = tpu.memref_slice %arg3[%get3A_125, %dma_start3A_132, %dma_start3A_133] : memref<64x768x768xf32, #tpu.memory_space<any>> -> memref<1x768x768xf32, #tpu.memory_space<any>>
        %dma_start3A_135 = tpu.memref_squeeze %dma_start3A_134 : memref<1x768x768xf32, #tpu.memory_space<any>> -> memref<768x768xf32, #tpu.memory_space<any>>
        tpu.enqueue_dma source(%dma_start3A_135 : memref<768x768xf32, #tpu.memory_space<any>>) target(%dma_start3A_131 : memref<768x768xf32, #tpu.memory_space<vmem>>) target_semaphore(%dma_start3A_127 : memref<!tpu.dma_semaphore, #tpu.memory_space<semaphore_mem>>)
      } else {
      }
      %get3A_78 = arith.constant 2 : index
      %get3A_79 = arith.constant 2 : index
      %get3A_80 = memref.load %arg1[%get3A_78, %get3A_79] : memref<3x128xi32, #tpu.memory_space<smem>>
      %get3A_81 = arith.constant 2 : index
      %get3A_82 = arith.constant 1 : index
      %get3A_83 = memref.load %arg1[%get3A_81, %get3A_82] : memref<3x128xi32, #tpu.memory_space<smem>>
      %gt3A_84 = arith.cmpi sgt, %get3A_80, %get3A_83 : i32
      %convert_element_type3A_85 = arith.extui %gt3A_84 : i1 to i32
      %cond3A_86 = arith.constant 0 : i32
      %cond3A_87 = arith.cmpi ne, %convert_element_type3A_85, %cond3A_86 : i32
      scf.if %cond3A_87 {
        %get3A_118 = arith.constant 2 : index
        %get3A_119 = arith.constant 2 : index
        %get3A_120 = memref.load %arg1[%get3A_118, %get3A_119] : memref<3x128xi32, #tpu.memory_space<smem>>
        %rem3A_121 = arith.constant 6 : i32
        %rem3A_122 = arith.remsi %get3A_120, %rem3A_121 : i32
        %get3A_123 = arith.constant 0 : index
        %get3A_124 = arith.constant 2 : index
        %get3A_125 = memref.load %arg1[%get3A_123, %get3A_124] : memref<3x128xi32, #tpu.memory_space<smem>>
        %dma_start3A_126 = tpu.memref_slice %arg7[%rem3A_122] : memref<6x!tpu.dma_semaphore, #tpu.memory_space<semaphore_mem>> -> memref<1x!tpu.dma_semaphore, #tpu.memory_space<semaphore_mem>>
        %dma_start3A_127 = tpu.memref_squeeze %dma_start3A_126 : memref<1x!tpu.dma_semaphore, #tpu.memory_space<semaphore_mem>> -> memref<!tpu.dma_semaphore, #tpu.memory_space<semaphore_mem>>
        %dma_start3A_128 = arith.constant 0 : i32
        %dma_start3A_129 = arith.constant 0 : i32
        %dma_start3A_130 = tpu.memref_slice %arg6[%rem3A_122, %dma_start3A_128, %dma_start3A_129] : memref<6x768x768xf32, #tpu.memory_space<vmem>> -> memref<1x768x768xf32, #tpu.memory_space<vmem>>
        %dma_start3A_131 = tpu.memref_squeeze %dma_start3A_130 : memref<1x768x768xf32, #tpu.memory_space<vmem>> -> memref<768x768xf32, #tpu.memory_space<vmem>>
        %dma_start3A_132 = arith.constant 0 : i32
        %dma_start3A_133 = arith.constant 0 : i32
        %dma_start3A_134 = tpu.memref_slice %arg3[%get3A_125, %dma_start3A_132, %dma_start3A_133] : memref<64x768x768xf32, #tpu.memory_space<any>> -> memref<1x768x768xf32, #tpu.memory_space<any>>
        %dma_start3A_135 = tpu.memref_squeeze %dma_start3A_134 : memref<1x768x768xf32, #tpu.memory_space<any>> -> memref<768x768xf32, #tpu.memory_space<any>>
        tpu.enqueue_dma source(%dma_start3A_135 : memref<768x768xf32, #tpu.memory_space<any>>) target(%dma_start3A_131 : memref<768x768xf32, #tpu.memory_space<vmem>>) target_semaphore(%dma_start3A_127 : memref<!tpu.dma_semaphore, #tpu.memory_space<semaphore_mem>>)
      } else {
      }
      %get3A_88 = arith.constant 2 : index
      %get3A_89 = arith.constant 3 : index
      %get3A_90 = memref.load %arg1[%get3A_88, %get3A_89] : memref<3x128xi32, #tpu.memory_space<smem>>
      %get3A_91 = arith.constant 2 : index
      %get3A_92 = arith.constant 2 : index
      %get3A_93 = memref.load %arg1[%get3A_91, %get3A_92] : memref<3x128xi32, #tpu.memory_space<smem>>
      %gt3A_94 = arith.cmpi sgt, %get3A_90, %get3A_93 : i32
      %convert_element_type3A_95 = arith.extui %gt3A_94 : i1 to i32
      %cond3A_96 = arith.constant 0 : i32
      %cond3A_97 = arith.cmpi ne, %convert_element_type3A_95, %cond3A_96 : i32
      scf.if %cond3A_97 {
        %get3A_118 = arith.constant 2 : index
        %get3A_119 = arith.constant 3 : index
        %get3A_120 = memref.load %arg1[%get3A_118, %get3A_119] : memref<3x128xi32, #tpu.memory_space<smem>>
        %rem3A_121 = arith.constant 6 : i32
        %rem3A_122 = arith.remsi %get3A_120, %rem3A_121 : i32
        %get3A_123 = arith.constant 0 : index
        %get3A_124 = arith.constant 3 : index
        %get3A_125 = memref.load %arg1[%get3A_123, %get3A_124] : memref<3x128xi32, #tpu.memory_space<smem>>
        %dma_start3A_126 = tpu.memref_slice %arg7[%rem3A_122] : memref<6x!tpu.dma_semaphore, #tpu.memory_space<semaphore_mem>> -> memref<1x!tpu.dma_semaphore, #tpu.memory_space<semaphore_mem>>
        %dma_start3A_127 = tpu.memref_squeeze %dma_start3A_126 : memref<1x!tpu.dma_semaphore, #tpu.memory_space<semaphore_mem>> -> memref<!tpu.dma_semaphore, #tpu.memory_space<semaphore_mem>>
        %dma_start3A_128 = arith.constant 0 : i32
        %dma_start3A_129 = arith.constant 0 : i32
        %dma_start3A_130 = tpu.memref_slice %arg6[%rem3A_122, %dma_start3A_128, %dma_start3A_129] : memref<6x768x768xf32, #tpu.memory_space<vmem>> -> memref<1x768x768xf32, #tpu.memory_space<vmem>>
        %dma_start3A_131 = tpu.memref_squeeze %dma_start3A_130 : memref<1x768x768xf32, #tpu.memory_space<vmem>> -> memref<768x768xf32, #tpu.memory_space<vmem>>
        %dma_start3A_132 = arith.constant 0 : i32
        %dma_start3A_133 = arith.constant 0 : i32
        %dma_start3A_134 = tpu.memref_slice %arg3[%get3A_125, %dma_start3A_132, %dma_start3A_133] : memref<64x768x768xf32, #tpu.memory_space<any>> -> memref<1x768x768xf32, #tpu.memory_space<any>>
        %dma_start3A_135 = tpu.memref_squeeze %dma_start3A_134 : memref<1x768x768xf32, #tpu.memory_space<any>> -> memref<768x768xf32, #tpu.memory_space<any>>
        tpu.enqueue_dma source(%dma_start3A_135 : memref<768x768xf32, #tpu.memory_space<any>>) target(%dma_start3A_131 : memref<768x768xf32, #tpu.memory_space<vmem>>) target_semaphore(%dma_start3A_127 : memref<!tpu.dma_semaphore, #tpu.memory_space<semaphore_mem>>)
      } else {
      }
      %get3A_98 = arith.constant 2 : index
      %get3A_99 = arith.constant 4 : index
      %get3A_100 = memref.load %arg1[%get3A_98, %get3A_99] : memref<3x128xi32, #tpu.memory_space<smem>>
      %get3A_101 = arith.constant 2 : index
      %get3A_102 = arith.constant 3 : index
      %get3A_103 = memref.load %arg1[%get3A_101, %get3A_102] : memref<3x128xi32, #tpu.memory_space<smem>>
      %gt3A_104 = arith.cmpi sgt, %get3A_100, %get3A_103 : i32
      %convert_element_type3A_105 = arith.extui %gt3A_104 : i1 to i32
      %cond3A_106 = arith.constant 0 : i32
      %cond3A_107 = arith.cmpi ne, %convert_element_type3A_105, %cond3A_106 : i32
      scf.if %cond3A_107 {
        %get3A_118 = arith.constant 2 : index
        %get3A_119 = arith.constant 4 : index
        %get3A_120 = memref.load %arg1[%get3A_118, %get3A_119] : memref<3x128xi32, #tpu.memory_space<smem>>
        %rem3A_121 = arith.constant 6 : i32
        %rem3A_122 = arith.remsi %get3A_120, %rem3A_121 : i32
        %get3A_123 = arith.constant 0 : index
        %get3A_124 = arith.constant 4 : index
        %get3A_125 = memref.load %arg1[%get3A_123, %get3A_124] : memref<3x128xi32, #tpu.memory_space<smem>>
        %dma_start3A_126 = tpu.memref_slice %arg7[%rem3A_122] : memref<6x!tpu.dma_semaphore, #tpu.memory_space<semaphore_mem>> -> memref<1x!tpu.dma_semaphore, #tpu.memory_space<semaphore_mem>>
        %dma_start3A_127 = tpu.memref_squeeze %dma_start3A_126 : memref<1x!tpu.dma_semaphore, #tpu.memory_space<semaphore_mem>> -> memref<!tpu.dma_semaphore, #tpu.memory_space<semaphore_mem>>
        %dma_start3A_128 = arith.constant 0 : i32
        %dma_start3A_129 = arith.constant 0 : i32
        %dma_start3A_130 = tpu.memref_slice %arg6[%rem3A_122, %dma_start3A_128, %dma_start3A_129] : memref<6x768x768xf32, #tpu.memory_space<vmem>> -> memref<1x768x768xf32, #tpu.memory_space<vmem>>
        %dma_start3A_131 = tpu.memref_squeeze %dma_start3A_130 : memref<1x768x768xf32, #tpu.memory_space<vmem>> -> memref<768x768xf32, #tpu.memory_space<vmem>>
        %dma_start3A_132 = arith.constant 0 : i32
        %dma_start3A_133 = arith.constant 0 : i32
        %dma_start3A_134 = tpu.memref_slice %arg3[%get3A_125, %dma_start3A_132, %dma_start3A_133] : memref<64x768x768xf32, #tpu.memory_space<any>> -> memref<1x768x768xf32, #tpu.memory_space<any>>
        %dma_start3A_135 = tpu.memref_squeeze %dma_start3A_134 : memref<1x768x768xf32, #tpu.memory_space<any>> -> memref<768x768xf32, #tpu.memory_space<any>>
        tpu.enqueue_dma source(%dma_start3A_135 : memref<768x768xf32, #tpu.memory_space<any>>) target(%dma_start3A_131 : memref<768x768xf32, #tpu.memory_space<vmem>>) target_semaphore(%dma_start3A_127 : memref<!tpu.dma_semaphore, #tpu.memory_space<semaphore_mem>>)
      } else {
      }
      %get3A_108 = arith.constant 2 : index
      %get3A_109 = arith.constant 5 : index
      %get3A_110 = memref.load %arg1[%get3A_108, %get3A_109] : memref<3x128xi32, #tpu.memory_space<smem>>
      %get3A_111 = arith.constant 2 : index
      %get3A_112 = arith.constant 4 : index
      %get3A_113 = memref.load %arg1[%get3A_111, %get3A_112] : memref<3x128xi32, #tpu.memory_space<smem>>
      %gt3A_114 = arith.cmpi sgt, %get3A_110, %get3A_113 : i32
      %convert_element_type3A_115 = arith.extui %gt3A_114 : i1 to i32
      %cond3A_116 = arith.constant 0 : i32
      %cond3A_117 = arith.cmpi ne, %convert_element_type3A_115, %cond3A_116 : i32
      scf.if %cond3A_117 {
        %get3A_118 = arith.constant 2 : index
        %get3A_119 = arith.constant 5 : index
        %get3A_120 = memref.load %arg1[%get3A_118, %get3A_119] : memref<3x128xi32, #tpu.memory_space<smem>>
        %rem3A_121 = arith.constant 6 : i32
        %rem3A_122 = arith.remsi %get3A_120, %rem3A_121 : i32
        %get3A_123 = arith.constant 0 : index
        %get3A_124 = arith.constant 5 : index
        %get3A_125 = memref.load %arg1[%get3A_123, %get3A_124] : memref<3x128xi32, #tpu.memory_space<smem>>
        %dma_start3A_126 = tpu.memref_slice %arg7[%rem3A_122] : memref<6x!tpu.dma_semaphore, #tpu.memory_space<semaphore_mem>> -> memref<1x!tpu.dma_semaphore, #tpu.memory_space<semaphore_mem>>
        %dma_start3A_127 = tpu.memref_squeeze %dma_start3A_126 : memref<1x!tpu.dma_semaphore, #tpu.memory_space<semaphore_mem>> -> memref<!tpu.dma_semaphore, #tpu.memory_space<semaphore_mem>>
        %dma_start3A_128 = arith.constant 0 : i32
        %dma_start3A_129 = arith.constant 0 : i32
        %dma_start3A_130 = tpu.memref_slice %arg6[%rem3A_122, %dma_start3A_128, %dma_start3A_129] : memref<6x768x768xf32, #tpu.memory_space<vmem>> -> memref<1x768x768xf32, #tpu.memory_space<vmem>>
        %dma_start3A_131 = tpu.memref_squeeze %dma_start3A_130 : memref<1x768x768xf32, #tpu.memory_space<vmem>> -> memref<768x768xf32, #tpu.memory_space<vmem>>
        %dma_start3A_132 = arith.constant 0 : i32
        %dma_start3A_133 = arith.constant 0 : i32
        %dma_start3A_134 = tpu.memref_slice %arg3[%get3A_125, %dma_start3A_132, %dma_start3A_133] : memref<64x768x768xf32, #tpu.memory_space<any>> -> memref<1x768x768xf32, #tpu.memory_space<any>>
        %dma_start3A_135 = tpu.memref_squeeze %dma_start3A_134 : memref<1x768x768xf32, #tpu.memory_space<any>> -> memref<768x768xf32, #tpu.memory_space<any>>
        tpu.enqueue_dma source(%dma_start3A_135 : memref<768x768xf32, #tpu.memory_space<any>>) target(%dma_start3A_131 : memref<768x768xf32, #tpu.memory_space<vmem>>) target_semaphore(%dma_start3A_127 : memref<!tpu.dma_semaphore, #tpu.memory_space<semaphore_mem>>)
      } else {
      }
    } else {
    }
    %gt3A = arith.constant 0 : i32
    %gt3A_14 = arith.cmpi sgt, %arg0, %gt3A : i32
    %add3A_15 = arith.constant 2 : i32
    %add3A_16 = arith.addi %arg0, %add3A_15 : i32
    %lt3A = arith.constant 64 : i32
    %lt3A_17 = arith.cmpi slt, %add3A_16, %lt3A : i32
    %and3A = arith.andi %gt3A_14, %lt3A_17 : i1
    %convert_element_type3A_18 = arith.extui %and3A : i1 to i32
    %cond3A_19 = arith.constant 0 : i32
    %cond3A_20 = arith.cmpi ne, %convert_element_type3A_18, %cond3A_19 : i32
    scf.if %cond3A_20 {
      %mul3A_51 = arith.constant 2 : i32
      %mul3A_52 = arith.muli %mul3A_51, %arg0 : i32
      %add3A_53 = arith.constant 4 : i32
      %add3A_54 = arith.addi %mul3A_52, %add3A_53 : i32
      %mul3A_55 = arith.constant 2 : i32
      %mul3A_56 = arith.muli %mul3A_55, %arg0 : i32
      %add3A_57 = arith.constant 5 : i32
      %add3A_58 = arith.addi %mul3A_56, %add3A_57 : i32
      %get3A_59 = arith.constant 2 : index
      %get3A_60 = arith.index_cast %add3A_54 : i32 to index
      %get3A_61 = memref.load %arg1[%get3A_59, %get3A_60] : memref<3x128xi32, #tpu.memory_space<smem>>
      %sub3A_62 = arith.constant 1 : i32
      %sub3A_63 = arith.subi %add3A_54, %sub3A_62 : i32
      %get3A_64 = arith.constant 2 : index
      %get3A_65 = arith.index_cast %sub3A_63 : i32 to index
      %get3A_66 = memref.load %arg1[%get3A_64, %get3A_65] : memref<3x128xi32, #tpu.memory_space<smem>>
      %gt3A_67 = arith.cmpi sgt, %get3A_61, %get3A_66 : i32
      %convert_element_type3A_68 = arith.extui %gt3A_67 : i1 to i32
      %cond3A_69 = arith.constant 0 : i32
      %cond3A_70 = arith.cmpi ne, %convert_element_type3A_68, %cond3A_69 : i32
      scf.if %cond3A_70 {
        %get3A_83 = arith.constant 2 : index
        %get3A_84 = arith.index_cast %add3A_54 : i32 to index
        %get3A_85 = memref.load %arg1[%get3A_83, %get3A_84] : memref<3x128xi32, #tpu.memory_space<smem>>
        %rem3A_86 = arith.constant 6 : i32
        %rem3A_87 = arith.remsi %get3A_85, %rem3A_86 : i32
        %get3A_88 = arith.constant 0 : index
        %get3A_89 = arith.index_cast %add3A_54 : i32 to index
        %get3A_90 = memref.load %arg1[%get3A_88, %get3A_89] : memref<3x128xi32, #tpu.memory_space<smem>>
        %dma_start3A = tpu.memref_slice %arg7[%rem3A_87] : memref<6x!tpu.dma_semaphore, #tpu.memory_space<semaphore_mem>> -> memref<1x!tpu.dma_semaphore, #tpu.memory_space<semaphore_mem>>
        %dma_start3A_91 = tpu.memref_squeeze %dma_start3A : memref<1x!tpu.dma_semaphore, #tpu.memory_space<semaphore_mem>> -> memref<!tpu.dma_semaphore, #tpu.memory_space<semaphore_mem>>
        %dma_start3A_92 = arith.constant 0 : i32
        %dma_start3A_93 = arith.constant 0 : i32
        %dma_start3A_94 = tpu.memref_slice %arg6[%rem3A_87, %dma_start3A_92, %dma_start3A_93] : memref<6x768x768xf32, #tpu.memory_space<vmem>> -> memref<1x768x768xf32, #tpu.memory_space<vmem>>
        %dma_start3A_95 = tpu.memref_squeeze %dma_start3A_94 : memref<1x768x768xf32, #tpu.memory_space<vmem>> -> memref<768x768xf32, #tpu.memory_space<vmem>>
        %dma_start3A_96 = arith.constant 0 : i32
        %dma_start3A_97 = arith.constant 0 : i32
        %dma_start3A_98 = tpu.memref_slice %arg3[%get3A_90, %dma_start3A_96, %dma_start3A_97] : memref<64x768x768xf32, #tpu.memory_space<any>> -> memref<1x768x768xf32, #tpu.memory_space<any>>
        %dma_start3A_99 = tpu.memref_squeeze %dma_start3A_98 : memref<1x768x768xf32, #tpu.memory_space<any>> -> memref<768x768xf32, #tpu.memory_space<any>>
        tpu.enqueue_dma source(%dma_start3A_99 : memref<768x768xf32, #tpu.memory_space<any>>) target(%dma_start3A_95 : memref<768x768xf32, #tpu.memory_space<vmem>>) target_semaphore(%dma_start3A_91 : memref<!tpu.dma_semaphore, #tpu.memory_space<semaphore_mem>>)
      } else {
      }
      %get3A_71 = arith.constant 2 : index
      %get3A_72 = arith.index_cast %add3A_58 : i32 to index
      %get3A_73 = memref.load %arg1[%get3A_71, %get3A_72] : memref<3x128xi32, #tpu.memory_space<smem>>
      %sub3A_74 = arith.constant 1 : i32
      %sub3A_75 = arith.subi %add3A_58, %sub3A_74 : i32
      %get3A_76 = arith.constant 2 : index
      %get3A_77 = arith.index_cast %sub3A_75 : i32 to index
      %get3A_78 = memref.load %arg1[%get3A_76, %get3A_77] : memref<3x128xi32, #tpu.memory_space<smem>>
      %gt3A_79 = arith.cmpi sgt, %get3A_73, %get3A_78 : i32
      %convert_element_type3A_80 = arith.extui %gt3A_79 : i1 to i32
      %cond3A_81 = arith.constant 0 : i32
      %cond3A_82 = arith.cmpi ne, %convert_element_type3A_80, %cond3A_81 : i32
      scf.if %cond3A_82 {
        %get3A_83 = arith.constant 2 : index
        %get3A_84 = arith.index_cast %add3A_58 : i32 to index
        %get3A_85 = memref.load %arg1[%get3A_83, %get3A_84] : memref<3x128xi32, #tpu.memory_space<smem>>
        %rem3A_86 = arith.constant 6 : i32
        %rem3A_87 = arith.remsi %get3A_85, %rem3A_86 : i32
        %get3A_88 = arith.constant 0 : index
        %get3A_89 = arith.index_cast %add3A_58 : i32 to index
        %get3A_90 = memref.load %arg1[%get3A_88, %get3A_89] : memref<3x128xi32, #tpu.memory_space<smem>>
        %dma_start3A = tpu.memref_slice %arg7[%rem3A_87] : memref<6x!tpu.dma_semaphore, #tpu.memory_space<semaphore_mem>> -> memref<1x!tpu.dma_semaphore, #tpu.memory_space<semaphore_mem>>
        %dma_start3A_91 = tpu.memref_squeeze %dma_start3A : memref<1x!tpu.dma_semaphore, #tpu.memory_space<semaphore_mem>> -> memref<!tpu.dma_semaphore, #tpu.memory_space<semaphore_mem>>
        %dma_start3A_92 = arith.constant 0 : i32
        %dma_start3A_93 = arith.constant 0 : i32
        %dma_start3A_94 = tpu.memref_slice %arg6[%rem3A_87, %dma_start3A_92, %dma_start3A_93] : memref<6x768x768xf32, #tpu.memory_space<vmem>> -> memref<1x768x768xf32, #tpu.memory_space<vmem>>
        %dma_start3A_95 = tpu.memref_squeeze %dma_start3A_94 : memref<1x768x768xf32, #tpu.memory_space<vmem>> -> memref<768x768xf32, #tpu.memory_space<vmem>>
        %dma_start3A_96 = arith.constant 0 : i32
        %dma_start3A_97 = arith.constant 0 : i32
        %dma_start3A_98 = tpu.memref_slice %arg3[%get3A_90, %dma_start3A_96, %dma_start3A_97] : memref<64x768x768xf32, #tpu.memory_space<any>> -> memref<1x768x768xf32, #tpu.memory_space<any>>
        %dma_start3A_99 = tpu.memref_squeeze %dma_start3A_98 : memref<1x768x768xf32, #tpu.memory_space<any>> -> memref<768x768xf32, #tpu.memory_space<any>>
        tpu.enqueue_dma source(%dma_start3A_99 : memref<768x768xf32, #tpu.memory_space<any>>) target(%dma_start3A_95 : memref<768x768xf32, #tpu.memory_space<vmem>>) target_semaphore(%dma_start3A_91 : memref<!tpu.dma_semaphore, #tpu.memory_space<semaphore_mem>>)
      } else {
      }
    } else {
    }
    %mul3A_21 = arith.constant 2 : i32
    %mul3A_22 = arith.muli %mul3A_21, %arg0 : i32
    %sub3A = arith.constant 1 : i32
    %sub3A_23 = arith.subi %mul3A_22, %sub3A : i32
    %max3A = arith.constant 0 : i32
    %max3A_24 = arith.maxsi %sub3A_23, %max3A : i32
    %get3A_25 = arith.constant 2 : index
    %get3A_26 = arith.index_cast %max3A_24 : i32 to index
    %get3A_27 = memref.load %arg1[%get3A_25, %get3A_26] : memref<3x128xi32, #tpu.memory_space<smem>>
    %eq3A_28 = arith.constant 0 : i32
    %eq3A_29 = arith.cmpi eq, %arg0, %eq3A_28 : i32
    %gt3A_30 = arith.cmpi sgt, %get3A_2, %get3A_27 : i32
    %or3A = arith.ori %eq3A_29, %gt3A_30 : i1
    %convert_element_type3A_31 = arith.extui %or3A : i1 to i32
    %cond3A_32 = arith.constant 0 : i32
    %cond3A_33 = arith.cmpi ne, %convert_element_type3A_31, %cond3A_32 : i32
    scf.if %cond3A_33 {
      %mul3A_51 = arith.constant 2 : i32
      %mul3A_52 = arith.muli %mul3A_51, %arg0 : i32
      %get3A_53 = arith.constant 0 : index
      %get3A_54 = arith.index_cast %mul3A_52 : i32 to index
      %get3A_55 = memref.load %arg1[%get3A_53, %get3A_54] : memref<3x128xi32, #tpu.memory_space<smem>>
      %dma_wait3A = tpu.memref_slice %arg7[%rem3A_9] : memref<6x!tpu.dma_semaphore, #tpu.memory_space<semaphore_mem>> -> memref<1x!tpu.dma_semaphore, #tpu.memory_space<semaphore_mem>>
      %dma_wait3A_56 = tpu.memref_squeeze %dma_wait3A : memref<1x!tpu.dma_semaphore, #tpu.memory_space<semaphore_mem>> -> memref<!tpu.dma_semaphore, #tpu.memory_space<semaphore_mem>>
      %dma_wait3A_57 = arith.constant 0 : i32
      %dma_wait3A_58 = arith.constant 0 : i32
      %dma_wait3A_59 = tpu.memref_slice %arg6[%rem3A_9, %dma_wait3A_57, %dma_wait3A_58] : memref<6x768x768xf32, #tpu.memory_space<vmem>> -> memref<1x768x768xf32, #tpu.memory_space<vmem>>
      %dma_wait3A_60 = tpu.memref_squeeze %dma_wait3A_59 : memref<1x768x768xf32, #tpu.memory_space<vmem>> -> memref<768x768xf32, #tpu.memory_space<vmem>>
      %dma_wait3A_61 = arith.constant 0 : i32
      %dma_wait3A_62 = arith.constant 0 : i32
      %dma_wait3A_63 = tpu.memref_slice %arg3[%get3A_55, %dma_wait3A_61, %dma_wait3A_62] : memref<64x768x768xf32, #tpu.memory_space<any>> -> memref<1x768x768xf32, #tpu.memory_space<any>>
      %dma_wait3A_64 = tpu.memref_squeeze %dma_wait3A_63 : memref<1x768x768xf32, #tpu.memory_space<any>> -> memref<768x768xf32, #tpu.memory_space<any>>
      tpu.wait_dma2 semaphore(%dma_wait3A_56 : memref<!tpu.dma_semaphore, #tpu.memory_space<semaphore_mem>>) src(%dma_wait3A_64 : memref<768x768xf32, #tpu.memory_space<any>>) dst(%dma_wait3A_60 : memref<768x768xf32, #tpu.memory_space<vmem>>)
    } else {
    }
    %gt3A_34 = arith.cmpi sgt, %get3A_8, %get3A_2 : i32
    %convert_element_type3A_35 = arith.extui %gt3A_34 : i1 to i32
    %cond3A_36 = arith.constant 0 : i32
    %cond3A_37 = arith.cmpi ne, %convert_element_type3A_35, %cond3A_36 : i32
    scf.if %cond3A_37 {
      %mul3A_51 = arith.constant 2 : i32
      %mul3A_52 = arith.muli %mul3A_51, %arg0 : i32
      %add3A_53 = arith.constant 1 : i32
      %add3A_54 = arith.addi %mul3A_52, %add3A_53 : i32
      %get3A_55 = arith.constant 0 : index
      %get3A_56 = arith.index_cast %add3A_54 : i32 to index
      %get3A_57 = memref.load %arg1[%get3A_55, %get3A_56] : memref<3x128xi32, #tpu.memory_space<smem>>
      %dma_wait3A = tpu.memref_slice %arg7[%rem3A_11] : memref<6x!tpu.dma_semaphore, #tpu.memory_space<semaphore_mem>> -> memref<1x!tpu.dma_semaphore, #tpu.memory_space<semaphore_mem>>
      %dma_wait3A_58 = tpu.memref_squeeze %dma_wait3A : memref<1x!tpu.dma_semaphore, #tpu.memory_space<semaphore_mem>> -> memref<!tpu.dma_semaphore, #tpu.memory_space<semaphore_mem>>
      %dma_wait3A_59 = arith.constant 0 : i32
      %dma_wait3A_60 = arith.constant 0 : i32
      %dma_wait3A_61 = tpu.memref_slice %arg6[%rem3A_11, %dma_wait3A_59, %dma_wait3A_60] : memref<6x768x768xf32, #tpu.memory_space<vmem>> -> memref<1x768x768xf32, #tpu.memory_space<vmem>>
      %dma_wait3A_62 = tpu.memref_squeeze %dma_wait3A_61 : memref<1x768x768xf32, #tpu.memory_space<vmem>> -> memref<768x768xf32, #tpu.memory_space<vmem>>
      %dma_wait3A_63 = arith.constant 0 : i32
      %dma_wait3A_64 = arith.constant 0 : i32
      %dma_wait3A_65 = tpu.memref_slice %arg3[%get3A_57, %dma_wait3A_63, %dma_wait3A_64] : memref<64x768x768xf32, #tpu.memory_space<any>> -> memref<1x768x768xf32, #tpu.memory_space<any>>
      %dma_wait3A_66 = tpu.memref_squeeze %dma_wait3A_65 : memref<1x768x768xf32, #tpu.memory_space<any>> -> memref<768x768xf32, #tpu.memory_space<any>>
      tpu.wait_dma2 semaphore(%dma_wait3A_58 : memref<!tpu.dma_semaphore, #tpu.memory_space<semaphore_mem>>) src(%dma_wait3A_66 : memref<768x768xf32, #tpu.memory_space<any>>) dst(%dma_wait3A_62 : memref<768x768xf32, #tpu.memory_space<vmem>>)
    } else {
    }
    %get3A_38 = arith.constant 0 : index
    %get3A_39 = arith.constant 0 : index
    %get3A_40 = vector.load %arg2[%get3A_38, %get3A_39] : memref<256x768xf32, #tpu.memory_space<vmem>>, vector<256x768xf32>
    %get3A_41 = arith.constant 0 : index
    %get3A_42 = arith.constant 0 : index
    %get3A_43 = vector.load %arg4[%get3A_41, %get3A_42] : memref<1x768xf32, #tpu.memory_space<vmem>>, vector<1x768xf32>
    %eq3A_44 = arith.cmpi eq, %get3A_2, %get3A_8 : i32
    %convert_element_type3A_45 = arith.extui %eq3A_44 : i1 to i32
    %cond3A_46 = arith.constant 0 : i32
    %cond3A_47 = arith.cmpi ne, %convert_element_type3A_45, %cond3A_46 : i32
    scf.if %cond3A_47 {
      %get3A_51 = arith.index_cast %rem3A_9 : i32 to index
      %get3A_52 = arith.constant 0 : index
      %get3A_53 = arith.constant 0 : index
      %get3A_54 = vector.load %arg6[%get3A_51, %get3A_52, %get3A_53] : memref<6x768x768xf32, #tpu.memory_space<vmem>>, vector<1x768x768xf32>
      %get3A_55 = vector.shape_cast %get3A_54 : vector<1x768x768xf32> to vector<768x768xf32>
      %dot_general3A = arith.constant dense<0.000000e+00> : vector<256x768xf32>
      %dot_general3A_56 = tpu.matmul %get3A_40, %get3A_55, %dot_general3A {dimension_numbers = #tpu.dot_dimension_numbers<[1], [1], [0], [0], [0, 0, 1, 0], [], []>, transpose_lhs_hint = false} : vector<256x768xf32>, vector<768x768xf32>, vector<256x768xf32> -> vector<256x768xf32>
      %add3A_57 = vector.broadcast %get3A_43 : vector<1x768xf32> to vector<256x768xf32>
      %add3A_58 = arith.addf %dot_general3A_56, %add3A_57 : vector<256x768xf32>
      %ge3A = arith.constant 0.000000e+00 : f32
      %ge3A_59 = vector.broadcast %ge3A : f32 to vector<256x768xf32>
      %ge3A_60 = arith.cmpf oge, %add3A_58, %ge3A_59 : vector<256x768xf32>
      %mul3A_61 = arith.constant 2.000000e-01 : f32
      %mul3A_62 = vector.broadcast %mul3A_61 : f32 to vector<256x768xf32>
      %mul3A_63 = arith.mulf %mul3A_62, %add3A_58 : vector<256x768xf32>
      %select_n3A = arith.select %ge3A_60, %add3A_58, %mul3A_63 : vector<256x768xi1>, vector<256x768xf32>
      %swap3A = arith.constant 0 : index
      %swap3A_64 = arith.constant 0 : index
      %swap3A_65 = vector.load %arg5[%swap3A, %swap3A_64] : memref<256x768xf32, #tpu.memory_space<vmem>>, vector<256x768xf32>
      tpu.vector_store %arg5[%swap3A, %swap3A_64], %select_n3A {strides = array<i32>} : memref<256x768xf32, #tpu.memory_space<vmem>>, vector<256x768xf32>,
    } else {
    }
    %ne3A = arith.cmpi ne, %get3A_2, %get3A_8 : i32
    %convert_element_type3A_48 = arith.extui %ne3A : i1 to i32
    %cond3A_49 = arith.constant 0 : i32
    %cond3A_50 = arith.cmpi ne, %convert_element_type3A_48, %cond3A_49 : i32
    scf.if %cond3A_50 {
      %slice3A = vector.extract_strided_slice %get3A_40 {offsets = [0, 0], sizes = [128, 768], strides = [1, 1]} : vector<256x768xf32> to vector<128x768xf32>
      %get3A_51 = arith.index_cast %rem3A_9 : i32 to index
      %get3A_52 = arith.constant 0 : index
      %get3A_53 = arith.constant 0 : index
      %get3A_54 = vector.load %arg6[%get3A_51, %get3A_52, %get3A_53] : memref<6x768x768xf32, #tpu.memory_space<vmem>>, vector<1x768x768xf32>
      %get3A_55 = vector.shape_cast %get3A_54 : vector<1x768x768xf32> to vector<768x768xf32>
      %dot_general3A = arith.constant dense<0.000000e+00> : vector<128x768xf32>
      %dot_general3A_56 = tpu.matmul %slice3A, %get3A_55, %dot_general3A {dimension_numbers = #tpu.dot_dimension_numbers<[1], [1], [0], [0], [0, 0, 1, 0], [], []>, transpose_lhs_hint = false} : vector<128x768xf32>, vector<768x768xf32>, vector<128x768xf32> -> vector<128x768xf32>
      %add3A_57 = vector.broadcast %get3A_43 : vector<1x768xf32> to vector<128x768xf32>
      %add3A_58 = arith.addf %dot_general3A_56, %add3A_57 : vector<128x768xf32>
      %ge3A = arith.constant 0.000000e+00 : f32
      %ge3A_59 = vector.broadcast %ge3A : f32 to vector<128x768xf32>
      %ge3A_60 = arith.cmpf oge, %add3A_58, %ge3A_59 : vector<128x768xf32>
      %mul3A_61 = arith.constant 2.000000e-01 : f32
      %mul3A_62 = vector.broadcast %mul3A_61 : f32 to vector<128x768xf32>
      %mul3A_63 = arith.mulf %mul3A_62, %add3A_58 : vector<128x768xf32>
      %select_n3A = arith.select %ge3A_60, %add3A_58, %mul3A_63 : vector<128x768xi1>, vector<128x768xf32>
      %swap3A = arith.constant 0 : index
      %swap3A_64 = arith.constant 0 : index
      %swap3A_65 = vector.load %arg5[%swap3A, %swap3A_64] : memref<256x768xf32, #tpu.memory_space<vmem>>, vector<128x768xf32>
      tpu.vector_store %arg5[%swap3A, %swap3A_64], %select_n3A {strides = array<i32>} : memref<256x768xf32, #tpu.memory_space<vmem>>, vector<128x768xf32>,
      %slice3A_66 = vector.extract_strided_slice %get3A_40 {offsets = [128, 0], sizes = [128, 768], strides = [1, 1]} : vector<256x768xf32> to vector<128x768xf32>
      %get3A_67 = arith.index_cast %rem3A_11 : i32 to index
      %get3A_68 = arith.constant 0 : index
      %get3A_69 = arith.constant 0 : index
      %get3A_70 = vector.load %arg6[%get3A_67, %get3A_68, %get3A_69] : memref<6x768x768xf32, #tpu.memory_space<vmem>>, vector<1x768x768xf32>
      %get3A_71 = vector.shape_cast %get3A_70 : vector<1x768x768xf32> to vector<768x768xf32>
      %dot_general3A_72 = arith.constant dense<0.000000e+00> : vector<128x768xf32>
      %dot_general3A_73 = tpu.matmul %slice3A_66, %get3A_71, %dot_general3A_72 {dimension_numbers = #tpu.dot_dimension_numbers<[1], [1], [0], [0], [0, 0, 1, 0], [], []>, transpose_lhs_hint = false} : vector<128x768xf32>, vector<768x768xf32>, vector<128x768xf32> -> vector<128x768xf32>
      %add3A_74 = vector.broadcast %get3A_43 : vector<1x768xf32> to vector<128x768xf32>
      %add3A_75 = arith.addf %dot_general3A_73, %add3A_74 : vector<128x768xf32>
      %ge3A_76 = arith.constant 0.000000e+00 : f32
      %ge3A_77 = vector.broadcast %ge3A_76 : f32 to vector<128x768xf32>
      %ge3A_78 = arith.cmpf oge, %add3A_75, %ge3A_77 : vector<128x768xf32>
      %mul3A_79 = arith.constant 2.000000e-01 : f32
      %mul3A_80 = vector.broadcast %mul3A_79 : f32 to vector<128x768xf32>
      %mul3A_81 = arith.mulf %mul3A_80, %add3A_75 : vector<128x768xf32>
      %select_n3A_82 = arith.select %ge3A_78, %add3A_75, %mul3A_81 : vector<128x768xi1>, vector<128x768xf32>
      %swap3A_83 = arith.constant 128 : index
      %swap3A_84 = arith.constant 0 : index
      %swap3A_85 = vector.load %arg5[%swap3A_83, %swap3A_84] : memref<256x768xf32, #tpu.memory_space<vmem>>, vector<128x768xf32>
      tpu.vector_store %arg5[%swap3A_83, %swap3A_84], %select_n3A_82 {strides = array<i32>} : memref<256x768xf32, #tpu.memory_space<vmem>>, vector<128x768xf32>,
    } else {
    }
    return
  }
  func.func @transform_0(%arg0: i32, %arg1: memref<3x128xi32, #tpu.memory_space<smem>>) -> (i32, i32) {
    %get3A = arith.constant 1 : index
    %get3A_0 = arith.index_cast %arg0 : i32 to index
    %get3A_1 = memref.load %arg1[%get3A, %get3A_0] : memref<3x128xi32, #tpu.memory_space<smem>>
    %c0_i32 = arith.constant 0 : i32
    %c0_i32_2 = arith.constant 0 : i32
    return %get3A_1, %c0_i32 : i32, i32
  }
  func.func @transform_2(%arg0: i32, %arg1: memref<3x128xi32, #tpu.memory_space<smem>>) -> (i32, i32) {
    %c0_i32 = arith.constant 0 : i32
    %c0_i32_0 = arith.constant 0 : i32
    %c0_i32_1 = arith.constant 0 : i32
    return %c0_i32, %c0_i32_0 : i32, i32
  }
  func.func @transform_3(%arg0: i32, %arg1: memref<3x128xi32, #tpu.memory_space<smem>>) -> (i32, i32) {
    %get3A = arith.constant 1 : index
    %get3A_0 = arith.index_cast %arg0 : i32 to index
    %get3A_1 = memref.load %arg1[%get3A, %get3A_0] : memref<3x128xi32, #tpu.memory_space<smem>>
    %c0_i32 = arith.constant 0 : i32
    %c0_i32_2 = arith.constant 0 : i32
    return %get3A_1, %c0_i32 : i32, i32
  }
}

</mosaic_0001>

<sc_bundles>
// kernel: kernel.12.cloned.1.call-start
scs
__scs_entry_jumppad:
0x0: {  	(pc) =	sbr.rel $0x88, $3  }
0x1: {  	(tag) =	ssettag $0x0;
	lr =	simm.s32 $0x1  }
0x2: {  	[smem:$0x3F9D] =	sst lr;
	_ =	strace $0xD0000000  }
0x3: {  	_ = 	snop  }
0x4: {  	_ = 	snop  }
0x5: {  	_ = 	snop  }
0x6: {  	_ = 	snop  }
0x7: {  	_ = 	snop  }
__scs_overlays_trampoline_lowered:
0x8: {  	[smem:$0x3FAC] =	sst s0  }
0x9: {  	[smem:$0x3FAD] =	sst s1  }
0xa: {  	[smem:$0x3FAE] =	sst s2  }
0xb: {  	[smem:$0x3FAF] =	sst s3  }
0xc: {  	[smem:$0x3FB0] =	sst s4  }
0xd: {  	[smem:$0x3FB1] =	sst s5  }
0xe: {  	[smem:$0x3FB2] =	sst s6  }
0xf: {  	[smem:$0x3FB3] =	sst s7  }
0x10: {  	[smem:$0x3FB4] =	sst s8  }
0x11: {  	[smem:$0x3FB5] =	sst s9;
	s0 =	simm.s32 @!p0 $0x0  }
0x12: {  	s1 =	sld [smem:$0x3F9B];
	s0 =	simm.s32 @p0 $0x1  }
0x13: {  	[smem:$0x3FB6] =	sst s0;
	s0 =	simm.s32 @!p1 $0x0  }
0x14: {  	s2 =	sld [smem:$0x3F9A];
	s0 =	simm.s32 @p1 $0x1  }
0x15: {  	[smem:$0x3FB7] =	sst s0;
	s0 =	simm.s32 @!p2 $0x0  }
0x16: {  	s3 =	sld [smem:$0x3FDB];
	s0 =	simm.s32 @p2 $0x1  }
0x17: {  	s4 =	simm.s32 $0x1BF5;
	[smem:$0x3FB9] =	sst s0  }
0x18: {  	s0 =	sld [smem:$0x3F9C];
	_ =	swait.ge [sflag:s4], $0x0  }
0x19: {  	s7 =	sld [smem:$0x3F9D]  }
0x1a: {  	s8 =	sadd.s32 $0xFFFFE003, lr  }
0x1b: {  	s9 =	sadd.s32 $0xFFFFFEF7, lr;
	s5 =	simm.s32 $0xFFFFFFFF;
	p2 =	slt.u32 s8, $0xFFFFF086  }
0x1c: {  	p1 =	slt.u32 s9, $0xF7A;
	s5 =	simm.s32 @!p2 $0x0  }
0x1d: {  	s5 =	simm.s32 @p1 $0x1;
	p0 =	seq.s32 s7, s2  }
0x1e: {  	s7 =	smul.u32 @!p0 $0xF7A, s2;
	p2 =	seq.s32 @!p0 s5, $0x0  }
0x1f: {  	s9 =	smul.u32 $0xF7A, s1;
	s8 =	simm.s32 @!p0 $0x1BF5;
	p2 =	por !p2, p0  }
0x20: {  	[sflag:s8] =	ssyncset.s32 @!p0 $0xFFFFF086;
	s6 =	sadd.s32 @!p0 s3, s7;
	s7 =	simm.s32 @!p0 $0x108  }
0x21: {  	s3 =	sadd.s32 s3, s9;
	s6 =	sadd.s32 @!p0 $0x88, s6;
	s7 =	simm.s32 @p2 $0x1082  }
0x22: {  	[simem:s7], [sflag:s8] =	dma.local @!p0 [hbm:s6], $0xF7A  }
0x23: {  	s9 =	sor.u32 $0xD0000000, s2;
	s6 =	simm.s32 $0x108;
	_ =	swait.ge @!p0 [sflag:s8], $0x0  }
0x24: {  	s3 =	sadd.s32 $0x88, s3;
	s6 =	simm.s32 @!p1 $0x1082;
	[sflag:s4] =	ssyncset.s32 $0xFFFFF086  }
0x25: {  	[simem:s6], [sflag:s4] =	dma.local [hbm:s3], $0xF7A  }
0x26: {  	[smem:$0x3F9D] =	sst s1;
	(tag) =	ssettag s2;
	_ =	strace s9  }
0x27: {  	s1 =	sld [smem:$0x3FAD]  }
0x28: {  	s2 =	sld [smem:$0x3FAE]  }
0x29: {  	s4 =	sld [smem:$0x3FB0]  }
0x2a: {  	p0 =	seq.s32 s5, $0x0;
	s5 =	sld [smem:$0x3FB1]  }
0x2b: {  	s6 =	sld [smem:$0x3FB2]  }
0x2c: {  	s7 =	sld [smem:$0x3FB3]  }
0x2d: {  	s3 =	simm.s32 $0x108;
	s8 =	sld [smem:$0x3FB4]  }
0x2e: {  	s3 =	simm.s32 @!p0 $0x1082;
	s9 =	sld [smem:$0x3FB5]  }
0x2f: {  	lr =	sadd.s32 s0, s3;
	s0 =	sld [smem:$0x3FAC]  }
0x30: {  	s3 =	sld [smem:$0x3FAF]  }
0x31: {  	[smem:$0x3FB8] =	sst s10  }
0x32: {  	s10 =	sld [smem:$0x3FB6];
	_ =	sdelay $0x3  }
0x33: {  	p0 =	seq.s32 s10, $0x1;
	s10 =	sld [smem:$0x3FB8];
	_ =	sdelay $0x3  }
0x34: {  	[smem:$0x3FB8] =	sst s10  }
0x35: {  	s10 =	sld [smem:$0x3FB7];
	_ =	sdelay $0x3  }
0x36: {  	p1 =	seq.s32 s10, $0x1;
	s10 =	sld [smem:$0x3FB8];
	_ =	sdelay $0x3  }
0x37: {  	[smem:$0x3FB8] =	sst s10  }
0x38: {  	s10 =	sld [smem:$0x3FB9]  }
0x39: {  	_ = 	snop;
	(pc) =	sbr.ind lr, $3  }
0x3a: {  	_ = 	snop  }
0x3b: {  	_ = 	snop  }
0x3c: {  	p2 =	seq.s32 s10, $0x1;
	s10 =	sld [smem:$0x3FB8]  }
0x3d: {  	_ =	shalt  }
0x3e: {  	_ =	shalt  }
0x3f: {  	_ =	shalt  }
0x40: {  	_ =	shalt  }
0x41: {  	_ =	shalt  }
0x42: {  	_ =	shalt  }
0x43: {  	_ =	shalt  }
0x44: {  	_ =	shalt  }
0x45: {  	_ =	shalt  }
0x46: {  	_ =	shalt  }
0x47: {  	_ =	shalt  }
0x48: {  	_ =	shalt  }
0x49: {  	_ =	shalt  }
0x4a: {  	_ =	shalt  }
0x4b: {  	_ =	shalt  }
0x4c: {  	_ =	shalt  }
0x4d: {  	_ =	shalt  }
0x4e: {  	_ =	shalt  }
0x4f: {  	_ =	shalt  }
0x50: {  	_ =	shalt  }
0x51: {  	_ =	shalt  }
0x52: {  	_ =	shalt  }
0x53: {  	_ =	shalt  }
0x54: {  	_ =	shalt  }
0x55: {  	_ =	shalt  }
0x56: {  	_ =	shalt  }
0x57: {  	_ =	shalt  }
0x58: {  	_ =	shalt  }
0x59: {  	_ =	shalt  }
0x5a: {  	_ =	shalt  }
0x5b: {  	_ =	shalt  }
0x5c: {  	_ =	shalt  }
0x5d: {  	_ =	shalt  }
0x5e: {  	_ =	shalt  }
0x5f: {  	_ =	shalt  }
0x60: {  	_ =	shalt  }
0x61: {  	_ =	shalt  }
0x62: {  	_ =	shalt  }
0x63: {  	_ =	shalt  }
0x64: {  	_ =	shalt  }
0x65: {  	_ =	shalt  }
0x66: {  	_ =	shalt  }
0x67: {  	_ =	shalt  }
0x68: {  	_ =	shalt  }
0x69: {  	_ =	shalt  }
0x6a: {  	_ =	shalt  }
0x6b: {  	_ =	shalt  }
0x6c: {  	_ =	shalt  }
0x6d: {  	_ =	shalt  }
0x6e: {  	_ =	shalt  }
0x6f: {  	_ =	shalt  }
0x70: {  	_ =	shalt  }
0x71: {  	_ =	shalt  }
0x72: {  	_ =	shalt  }
0x73: {  	_ =	shalt  }
0x74: {  	_ =	shalt  }
0x75: {  	_ =	shalt  }
0x76: {  	_ =	shalt  }
0x77: {  	_ =	shalt  }
0x78: {  	_ =	shalt  }
0x79: {  	_ =	shalt  }
0x7a: {  	_ =	shalt  }
0x7b: {  	_ =	shalt  }
0x7c: {  	_ =	shalt  }
0x7d: {  	_ =	shalt  }
0x7e: {  	_ =	shalt  }
0x7f: {  	_ =	shalt  }
0x80: {  	_ =	shalt  }
0x81: {  	_ =	shalt  }
0x82: {  	_ =	shalt  }
0x83: {  	_ =	shalt  }
0x84: {  	_ =	shalt  }
0x85: {  	_ =	shalt  }
0x86: {  	_ =	shalt  }
0x87: {  	_ =	shalt  }
.Lfunc_end0:
.L_simem_size_0:
called_computation.2_lowered:
.L_overlay_start_0:
0x88: {  	s2 =	sld [smem:$0x3FD9]  }
0x89: {  	s3 =	sld [smem:$0x3FFE];
	_ =	sdelay $0x1  }
0x8a: {  	s1 =	srdreg.scid  }
0x8b: {  	s0 =	sand.u32 $0x1, s1  }
0x8c: {  	s17 =	sshll.u32 s0, $0xA;
	s2 =	sadd.s32 s3, s2  }
0x8d: {  	s2 =	sadd.s32 s2, s17  }
0x8e: {  	[smem:$0x3FC4] =	sst s2  }
0x8f: {  	_ = 	snop  }
0x90: {  	s2 =	sld [smem:$0x3FD0];
	(tm) =	ssettm $0x1  }
0x91: {  	s18 =	sld [smem:$0x3FFB];
	_ =	sdelay $0x3  }
0x92: {  	_ =	strace s18  }
0x93: {  	s3 =	sld [smem:$0x3FFC];
	_ =	sdelay $0x3  }
0x94: {  	_ =	strace s3  }
0x95: {  	s3 =	sld [smem:$0x3FFD];
	_ =	sdelay $0x3  }
0x96: {  	_ =	strace s3  }
0x97: {  	_ =	strace $0x8FFFFFFF  }
0x98: {  	s19 =	sld [smem:$0x3FDB];
	_ =	sdelay $0x1  }
0x99: {  	s4 =	simm.s32 $_scs_section_size  }
0x9a: {  	s5 =	simm.s32 $_size__tile_overlayer_lowered;
	s6 =	simm.s32 $_tile_overlayer_lowered  }
0x9b: {  	s22 =	simm.s32 $0x1BFF;
	s21 =	sshll.u32 s6, $0x1;
	s3 =	sadd.s32 s4, s19  }
0x9c: {  	s7 =	simm.s32 $0x0;
	s20 =	sshll.u32 s5, $0x1;
	s5 =	sadd.s32 s21, s3  }
0x9d: {  	[timem:s7], [sflag:s22] =	dma.local [hbm:s5], s20  }
0x9e: {  	_ =	swait.ge [sflag:s22], s20  }
0x9f: {  	s4 =	ssub.s32 $0x0, s20;
	[sflag:s22] =	ssyncset.done $0x0  }
0xa0: {  	[sflag:s22] =	ssyncadd.s32 s4;
	_ =	sdelay $0x1  }
0xa1: {  	s23 =	simm.s32 $0x1B8B  }
0xa2: {  	_ =	swait.ge [sflag:s23], $0x1  }
0xa3: {  	[sflag:s23] =	ssyncset.done $0x0  }
0xa4: {  	s25 =	simm.s32 $0x1B8E;
	s24 =	sld [smem:$0x3FFE];
	[sflag:s23] =	ssyncadd.s32 $0xFFFFFFFF  }
0xa5: {  	s26 =	simm.s32 $execute0_lowered;
	[smem:$0x3FD2] =	sst s25  }
0xa6: {  	s5 =	sshll.u32 s26, $0x1;
	_ =	strace $0x8000004C;
	[dreg:$0x1] =	wrdreg $0xFFFFFFFF  }
0xa7: {  	s28 =	simm.s32 $_size_execute0_lowered;
	s3 =	sadd.s32 s3, s5;
	[dreg:$0x0] =	wrdreg $0x0  }
0xa8: {  	s5 =	sshll.u32 s28, $0x1;
	[dreg:$0x2] =	wrdreg s3  }
0xa9: {  	[dreg:$0x3] =	wrdreg s5  }
0xaa: {  	[dreg:$0x4] =	wrdreg $0xC0  }
0xab: {  	_ =	task [dreg:s7], $0x5FFFF  }
0xac: {  	[dreg:$0x1] =	wrdreg $0xFFFFFFFF  }
0xad: {  	[dreg:$0x0] =	wrdreg $0x60  }
0xae: {  	[dreg:$0x2] =	wrdreg s24  }
0xaf: {  	[dreg:$0x3] =	wrdreg s2  }
0xb0: {  	[dreg:$0x4] =	wrdreg $0x9  }
0xb1: {  	_ =	task.clear_ibuf [dreg:s7], $0x5FFFF;
	_ =	strace $0x9000004C  }
0xb2: {  	s29 =	simm.s32 $0x9;
	_ =	strace $0x8000004E  }
0xb3: {  	_ =	swait.ge [sflag:s29], $0x1  }
0xb4: {  	[sflag:s29] =	ssyncadd.s32 $0xFFFFFFFF  }
0xb5: {  	_ =	strace $0x9000004E  }
0xb6: {  	_ =	sfence  }
0xb7: {  	s30 =	sld [smem:$0x0];
	_ =	sdelay $0x2  }
0xb8: {  	s31 =	sshll.u32 s1, $0xD;
	s1 =	sshrl.u32 s1, $0x2  }
0xb9: {  	s3 =	sand.u32 $0x4000, s31;
	s1 =	sadd.s32 s1, s30  }
0xba: {  	s0 =	sor.u32 s3, s0;
	s1 =	sshll.u32 s1, $0x11  }
0xbb: {  	s0 =	sor.u32 s1, s0  }
0xbc: {  	s0 =	sadd.s32 $0x8F2B, s0  }
0xbd: {  	[sflag:s0] =	ssyncadd.remote.s32 $0x1  }
0xbe: {  	_ =	sfence.sel $0xFFFF  }
0xbf: {  	[dreg:$0x0] =	wrdreg $0xFFFFFFFF;
	(pc) =	sbr.abs _section_cstart, $3  }
0xc0: {  	[dreg:$0x1] =	wrdreg $0xFFFFFFFF  }
0xc1: {  	_ =	task.clear_ibuf [dreg:s7], $0x2FFFF;
	_ =	strace $0x9FFFFFFF  }
0xc2: {  	(tm) =	ssettm $0x7FFFFFFF  }
0xc3: {  	_ =	shalt  }
tec
execute0_lowered:
.L_overlay_start_1:
0x0: {  	(tag) =	ssettag $0x1  }
0x1: {  	s0 =	rddreg [dreg:$0x0]  }
0x2: {  	s1 =	rddreg [dreg:$0x1]  }
0x3: {  	s2 =	simm.s32 $0x0;
	s3 =	srdreg.scid;
	s5 =	stileid.u32  }
0x4: {  	s10 =	simm.s32 $0x900;
	s11 =	simm.s32 $0x1100;
	s12 =	simm.s32 $0x1900  }
0x5: {  	s13 =	simm.s32 $0x2100;
	s14 =	simm.s32 $0x2900;
	s15 =	simm.s32 $0x3100  }
0x6: {  	s16 =	simm.s32 $0x3900;
	s17 =	simm.s32 $0x4100;
	s18 =	simm.s32 $0x4900  }
0x7: {  	s19 =	simm.s32 $0x5100;
	s20 =	simm.s32 $0x5900;
	s21 =	simm.s32 $0x6100  }
0x8: {  	s22 =	simm.s32 $0x6900;
	s23 =	simm.s32 $0x7100;
	s24 =	simm.s32 $0x7900  }
0x9: {  	s28 =	simm.s32 $0x9100;
	s29 =	simm.s32 $0x9900;
	s30 =	simm.s32 $0xA100  }
0xa: {  	s31 =	simm.s32 $0xA900;
	s4 =	sand.u32 $0x1, s3;
	s25 =	sshll.u32 s5, $0x1  }
0xb: {  	[smem:$0x7FF] =	sst s2;
	s3 =	sadd.s32 $0x182600, s0;
	s5 =	sor.u32 s4, s25  }
0xc: {  	_ =	strace $0x8000004D;
	s4 =	ssub.s32 $0x2, s4;
	s7 =	smul.u32 $0x30000, s5  }
0xd: {  	s6 =	sshll.u32 s5, $0x5;
	s5 =	smul.u32 $0x6000, s5;
	s8 =	sshrl.u32 s4, $0x1  }
0xe: {  	s6 =	sadd.s32 s6, s0;
	s26 =	ssub.s32 s4, s8;
	s4 =	sadd.s32 $0x182700, s0  }
0xf: {  	s25 =	simm.s32 $0x8100;
	s8 =	simm.s32 $0xB900;
	s6 =	sadd.s32 $0x182200, s6  }
0x10: {  	s7 =	sshrl.u32 s7, $0x3;
	s5 =	sadd.s32 s1, s5;
	[dreg:$0x3] =	wrdreg s6  }
0x11: {  	v2 =	vlaneseq.u32;
	s1 =	sadd.s32 s1, s7;
	[dreg:$0x4] =	wrdreg s5;
	s5 =	sadd.s32 $0x182800, s0  }
0x12: {  	vm0 =	vmmov $0xffff;
	v1 =	vshrl.u32 v2, $0x3;
	s6 =	smax.u32 s26, $0x1;
	s7 =	simm.s32 $0x2;
	s1 =	sadd.s32 $0x3000, s1  }
0x13: {  	v0 =	vand.u32 $0x7, v2;
	v2 =	vor.u32 $0x8, v2;
	v1 =	vmul.u32 $0x8, v1;
	s26 =	simm.s32 $0x8900;
	[dreg:$0x5] =	wrdreg s1;
	s1 =	simm.s32 $0x1  }
.LBB2_1:
0x14: {  	s9 =	rddreg [dreg:$0x3]  }
0x15: {  	[tilespmem:s2], [sflag:$0x2] =	stream.linear.gather [hbm4b:s9+s2], $0x100, $0x38;
	[tilespmem:$0x18100] =	vst v63  }
0x16: {  	_ =	swait.ge [sflag:s7], $0x100  }
0x17: {  	[sflag:s7] =	ssyncset.done $0x0  }
0x18: {  	[sflag:s7] =	ssyncadd.s32 $0xFFFFFF00  }
0x19: {  	v3 =	vld [tilespmem:$0x0];
	_ =	sdelay $0x4  }
0x1a: {  	v4 =	vshrl.u32 v3, $0x3  }
0x1b: {  	v4 =	vmul.u32 $0x30, v4  }
0x1c: {  	v3 =	vand.u32 $0x7, v3  }
0x1d: {  	v3 =	vor.u32 v3, v4  }
0x1e: {  	v4 =	vperm.xlane v3, v0;
	_ =	sdelay $0x1  }
0x1f: {  	v4 =	vadd.s32 v1, v4;
	_ =	sdelay $0x3  }
0x20: {  	s0 =	simm.s32 $0x100;
	v3 =	vperm.xlane v3, v2  }
0x21: {  	[tilespmem:s0], [sflag:$0x1] =	stream.indirect_vreg.gather [hbm4b:s3+s2], $0x80, v4, vm0, $0xb8;
	[tilespmem:$0x18100] =	vst v63  }
0x22: {  	v3 =	vadd.s32 v1, v3  }
0x23: {  	[tilespmem:s10], [sflag:$0x1] =	stream.indirect_vreg.gather [hbm4b:s4+s2], $0x80, v4, vm0, $0xb8;
	[tilespmem:$0x18100] =	vst v63  }
0x24: {  	_ = 	snop  }
0x25: {  	[tilespmem:s11], [sflag:$0x1] =	stream.indirect_vreg.gather [hbm4b:s5+s2], $0x80, v4, vm0, $0xb8;
	[tilespmem:$0x18100] =	vst v63  }
0x26: {  	_ = 	snop  }
0x27: {  	[tilespmem:s12], [sflag:$0x1] =	stream.indirect_vreg.gather [hbm4b:s3+s2], $0x80, v3, vm0, $0xb8;
	[tilespmem:$0x18100] =	vst v63  }
0x28: {  	_ = 	snop  }
0x29: {  	[tilespmem:s13], [sflag:$0x1] =	stream.indirect_vreg.gather [hbm4b:s4+s2], $0x80, v3, vm0, $0xb8;
	[tilespmem:$0x18100] =	vst v63  }
0x2a: {  	_ = 	snop  }
0x2b: {  	[tilespmem:s14], [sflag:$0x1] =	stream.indirect_vreg.gather [hbm4b:s5+s2], $0x80, v3, vm0, $0xb8;
	[tilespmem:$0x18100] =	vst v63  }
0x2c: {  	v3 =	vld [tilespmem:$0x10];
	_ =	sdelay $0x4  }
0x2d: {  	v49 =	vshrl.u32 v3, $0x3  }
0x2e: {  	v4 =	vmul.u32 $0x30, v49  }
0x2f: {  	v3 =	vand.u32 $0x7, v3  }
0x30: {  	v3 =	vor.u32 v3, v4  }
0x31: {  	v4 =	vperm.xlane v3, v0;
	_ =	sdelay $0x1  }
0x32: {  	v4 =	vadd.s32 v1, v4;
	_ =	sdelay $0x3  }
0x33: {  	v3 =	vperm.xlane v3, v2  }
0x34: {  	[tilespmem:s15], [sflag:$0x1] =	stream.indirect_vreg.gather [hbm4b:s3+s2], $0x80, v4, vm0, $0xb8;
	[tilespmem:$0x18100] =	vst v63  }
0x35: {  	v3 =	vadd.s32 v1, v3  }
0x36: {  	[tilespmem:s16], [sflag:$0x1] =	stream.indirect_vreg.gather [hbm4b:s4+s2], $0x80, v4, vm0, $0xb8;
	[tilespmem:$0x18100] =	vst v63  }
0x37: {  	_ = 	snop  }
0x38: {  	[tilespmem:s17], [sflag:$0x1] =	stream.indirect_vreg.gather [hbm4b:s5+s2], $0x80, v4, vm0, $0xb8;
	[tilespmem:$0x18100] =	vst v63  }
0x39: {  	_ = 	snop  }
0x3a: {  	[tilespmem:s18], [sflag:$0x1] =	stream.indirect_vreg.gather [hbm4b:s3+s2], $0x80, v3, vm0, $0xb8;
	[tilespmem:$0x18100] =	vst v63  }
0x3b: {  	_ = 	snop  }
0x3c: {  	[tilespmem:s19], [sflag:$0x1] =	stream.indirect_vreg.gather [hbm4b:s4+s2], $0x80, v3, vm0, $0xb8;
	[tilespmem:$0x18100] =	vst v63  }
0x3d: {  	_ = 	snop  }
0x3e: {  	[tilespmem:s20], [sflag:$0x1] =	stream.indirect_vreg.gather [hbm4b:s5+s2], $0x80, v3, vm0, $0xb8;
	[tilespmem:$0x18100] =	vst v63  }
0x3f: {  	v3 =	vld [tilespmem:$0x20];
	_ =	sdelay $0x4  }
0x40: {  	v50 =	vshrl.u32 v3, $0x3  }
0x41: {  	v4 =	vmul.u32 $0x30, v50  }
0x42: {  	v3 =	vand.u32 $0x7, v3  }
0x43: {  	v3 =	vor.u32 v3, v4  }
0x44: {  	v4 =	vperm.xlane v3, v0;
	_ =	sdelay $0x1  }
0x45: {  	v4 =	vadd.s32 v1, v4;
	_ =	sdelay $0x3  }
0x46: {  	v3 =	vperm.xlane v3, v2  }
0x47: {  	[tilespmem:s21], [sflag:$0x1] =	stream.indirect_vreg.gather [hbm4b:s3+s2], $0x80, v4, vm0, $0xb8;
	[tilespmem:$0x18100] =	vst v63  }
0x48: {  	v3 =	vadd.s32 v1, v3  }
0x49: {  	[tilespmem:s22], [sflag:$0x1] =	stream.indirect_vreg.gather [hbm4b:s4+s2], $0x80, v4, vm0, $0xb8;
	[tilespmem:$0x18100] =	vst v63  }
0x4a: {  	_ = 	snop  }
0x4b: {  	[tilespmem:s23], [sflag:$0x1] =	stream.indirect_vreg.gather [hbm4b:s5+s2], $0x80, v4, vm0, $0xb8;
	[tilespmem:$0x18100] =	vst v63  }
0x4c: {  	_ = 	snop  }
0x4d: {  	[tilespmem:s24], [sflag:$0x1] =	stream.indirect_vreg.gather [hbm4b:s3+s2], $0x80, v3, vm0, $0xb8;
	[tilespmem:$0x18100] =	vst v63  }
0x4e: {  	_ = 	snop  }
0x4f: {  	[tilespmem:s25], [sflag:$0x1] =	stream.indirect_vreg.gather [hbm4b:s4+s2], $0x80, v3, vm0, $0xb8;
	[tilespmem:$0x18100] =	vst v63  }
0x50: {  	_ = 	snop  }
0x51: {  	[tilespmem:s26], [sflag:$0x1] =	stream.indirect_vreg.gather [hbm4b:s5+s2], $0x80, v3, vm0, $0xb8;
	[tilespmem:$0x18100] =	vst v63  }
0x52: {  	v3 =	vld [tilespmem:$0x30];
	_ =	sdelay $0x4  }
0x53: {  	v51 =	vshrl.u32 v3, $0x3  }
0x54: {  	v4 =	vmul.u32 $0x30, v51  }
0x55: {  	v3 =	vand.u32 $0x7, v3  }
0x56: {  	v3 =	vor.u32 v3, v4  }
0x57: {  	v4 =	vperm.xlane v3, v0;
	_ =	sdelay $0x1  }
0x58: {  	v4 =	vadd.s32 v1, v4;
	_ =	sdelay $0x3  }
0x59: {  	v3 =	vperm.xlane v3, v2  }
0x5a: {  	[tilespmem:s28], [sflag:$0x1] =	stream.indirect_vreg.gather [hbm4b:s3+s2], $0x80, v4, vm0, $0xb8;
	[tilespmem:$0x18100] =	vst v63  }
0x5b: {  	v3 =	vadd.s32 v1, v3  }
0x5c: {  	[tilespmem:s29], [sflag:$0x1] =	stream.indirect_vreg.gather [hbm4b:s4+s2], $0x80, v4, vm0, $0xb8;
	[tilespmem:$0x18100] =	vst v63  }
0x5d: {  	_ = 	snop  }
0x5e: {  	[tilespmem:s30], [sflag:$0x1] =	stream.indirect_vreg.gather [hbm4b:s5+s2], $0x80, v4, vm0, $0xb8;
	[tilespmem:$0x18100] =	vst v63  }
0x5f: {  	_ = 	snop  }
0x60: {  	[tilespmem:s31], [sflag:$0x1] =	stream.indirect_vreg.gather [hbm4b:s3+s2], $0x80, v3, vm0, $0xb8;
	[tilespmem:$0x18100] =	vst v63  }
0x61: {  	s9 =	simm.s32 $0xB100  }
0x62: {  	[tilespmem:s9], [sflag:$0x1] =	stream.indirect_vreg.gather [hbm4b:s4+s2], $0x80, v3, vm0, $0xb8;
	[tilespmem:$0x18100] =	vst v63  }
0x63: {  	_ = 	snop  }
0x64: {  	[tilespmem:s8], [sflag:$0x1] =	stream.indirect_vreg.gather [hbm4b:s5+s2], $0x80, v3, vm0, $0xb8;
	[tilespmem:$0x18100] =	vst v63  }
0x65: {  	v3 =	vld [tilespmem:$0x40];
	_ =	sdelay $0x4  }
0x66: {  	v52 =	vshrl.u32 v3, $0x3  }
0x67: {  	v4 =	vmul.u32 $0x30, v52  }
0x68: {  	v3 =	vand.u32 $0x7, v3  }
0x69: {  	v3 =	vor.u32 v3, v4  }
0x6a: {  	v4 =	vperm.xlane v3, v0;
	_ =	sdelay $0x1  }
0x6b: {  	v4 =	vadd.s32 v1, v4;
	_ =	sdelay $0x3  }
0x6c: {  	s9 =	simm.s32 $0xC100;
	v3 =	vperm.xlane v3, v2  }
0x6d: {  	[tilespmem:s9], [sflag:$0x1] =	stream.indirect_vreg.gather [hbm4b:s3+s2], $0x80, v4, vm0, $0xb8;
	[tilespmem:$0x18100] =	vst v63  }
0x6e: {  	v3 =	vadd.s32 v1, v3;
	s9 =	simm.s32 $0xC900  }
0x6f: {  	[tilespmem:s9], [sflag:$0x1] =	stream.indirect_vreg.gather [hbm4b:s4+s2], $0x80, v4, vm0, $0xb8;
	[tilespmem:$0x18100] =	vst v63  }
0x70: {  	s9 =	simm.s32 $0xD100  }
0x71: {  	[tilespmem:s9], [sflag:$0x1] =	stream.indirect_vreg.gather [hbm4b:s5+s2], $0x80, v4, vm0, $0xb8;
	[tilespmem:$0x18100] =	vst v63  }
0x72: {  	s9 =	simm.s32 $0xD900  }
0x73: {  	[tilespmem:s9], [sflag:$0x1] =	stream.indirect_vreg.gather [hbm4b:s3+s2], $0x80, v3, vm0, $0xb8;
	[tilespmem:$0x18100] =	vst v63  }
0x74: {  	s9 =	simm.s32 $0xE100  }
0x75: {  	[tilespmem:s9], [sflag:$0x1] =	stream.indirect_vreg.gather [hbm4b:s4+s2], $0x80, v3, vm0, $0xb8;
	[tilespmem:$0x18100] =	vst v63  }
0x76: {  	s9 =	simm.s32 $0xE900  }
0x77: {  	[tilespmem:s9], [sflag:$0x1] =	stream.indirect_vreg.gather [hbm4b:s5+s2], $0x80, v3, vm0, $0xb8;
	[tilespmem:$0x18100] =	vst v63  }
0x78: {  	v3 =	vld [tilespmem:$0x50];
	_ =	sdelay $0x4  }
0x79: {  	v53 =	vshrl.u32 v3, $0x3  }
0x7a: {  	v4 =	vmul.u32 $0x30, v53  }
0x7b: {  	v3 =	vand.u32 $0x7, v3  }
0x7c: {  	v3 =	vor.u32 v3, v4  }
0x7d: {  	v4 =	vperm.xlane v3, v0;
	_ =	sdelay $0x1  }
0x7e: {  	v4 =	vadd.s32 v1, v4;
	_ =	sdelay $0x3  }
0x7f: {  	s9 =	simm.s32 $0xF100;
	v3 =	vperm.xlane v3, v2  }
0x80: {  	[tilespmem:s9], [sflag:$0x1] =	stream.indirect_vreg.gather [hbm4b:s3+s2], $0x80, v4, vm0, $0xb8;
	[tilespmem:$0x18100] =	vst v63  }
0x81: {  	v3 =	vadd.s32 v1, v3;
	s9 =	simm.s32 $0xF900  }
0x82: {  	[tilespmem:s9], [sflag:$0x1] =	stream.indirect_vreg.gather [hbm4b:s4+s2], $0x80, v4, vm0, $0xb8;
	[tilespmem:$0x18100] =	vst v63  }
0x83: {  	s9 =	simm.s32 $0x10100  }
0x84: {  	[tilespmem:s9], [sflag:$0x1] =	stream.indirect_vreg.gather [hbm4b:s5+s2], $0x80, v4, vm0, $0xb8;
	[tilespmem:$0x18100] =	vst v63  }
0x85: {  	s9 =	simm.s32 $0x10900  }
0x86: {  	[tilespmem:s9], [sflag:$0x1] =	stream.indirect_vreg.gather [hbm4b:s3+s2], $0x80, v3, vm0, $0xb8;
	[tilespmem:$0x18100] =	vst v63  }
0x87: {  	s9 =	simm.s32 $0x11100  }
0x88: {  	[tilespmem:s9], [sflag:$0x1] =	stream.indirect_vreg.gather [hbm4b:s4+s2], $0x80, v3, vm0, $0xb8;
	[tilespmem:$0x18100] =	vst v63  }
0x89: {  	s9 =	simm.s32 $0x11900  }
0x8a: {  	[tilespmem:s9], [sflag:$0x1] =	stream.indirect_vreg.gather [hbm4b:s5+s2], $0x80, v3, vm0, $0xb8;
	[tilespmem:$0x18100] =	vst v63  }
0x8b: {  	v3 =	vld [tilespmem:$0x60];
	_ =	sdelay $0x4  }
0x8c: {  	v54 =	vshrl.u32 v3, $0x3  }
0x8d: {  	v4 =	vmul.u32 $0x30, v54  }
0x8e: {  	v3 =	vand.u32 $0x7, v3  }
0x8f: {  	v3 =	vor.u32 v3, v4  }
0x90: {  	v4 =	vperm.xlane v3, v0;
	_ =	sdelay $0x1  }
0x91: {  	v4 =	vadd.s32 v1, v4;
	_ =	sdelay $0x3  }
0x92: {  	s9 =	simm.s32 $0x12100;
	v3 =	vperm.xlane v3, v2  }
0x93: {  	[tilespmem:s9], [sflag:$0x1] =	stream.indirect_vreg.gather [hbm4b:s3+s2], $0x80, v4, vm0, $0xb8;
	[tilespmem:$0x18100] =	vst v63  }
0x94: {  	v3 =	vadd.s32 v1, v3;
	s9 =	simm.s32 $0x12900  }
0x95: {  	[tilespmem:s9], [sflag:$0x1] =	stream.indirect_vreg.gather [hbm4b:s4+s2], $0x80, v4, vm0, $0xb8;
	[tilespmem:$0x18100] =	vst v63  }
0x96: {  	s9 =	simm.s32 $0x13100  }
0x97: {  	[tilespmem:s9], [sflag:$0x1] =	stream.indirect_vreg.gather [hbm4b:s5+s2], $0x80, v4, vm0, $0xb8;
	[tilespmem:$0x18100] =	vst v63  }
0x98: {  	s9 =	simm.s32 $0x13900  }
0x99: {  	[tilespmem:s9], [sflag:$0x1] =	stream.indirect_vreg.gather [hbm4b:s3+s2], $0x80, v3, vm0, $0xb8;
	[tilespmem:$0x18100] =	vst v63  }
0x9a: {  	s9 =	simm.s32 $0x14100  }
0x9b: {  	[tilespmem:s9], [sflag:$0x1] =	stream.indirect_vreg.gather [hbm4b:s4+s2], $0x80, v3, vm0, $0xb8;
	[tilespmem:$0x18100] =	vst v63  }
0x9c: {  	s9 =	simm.s32 $0x14900  }
0x9d: {  	[tilespmem:s9], [sflag:$0x1] =	stream.indirect_vreg.gather [hbm4b:s5+s2], $0x80, v3, vm0, $0xb8;
	[tilespmem:$0x18100] =	vst v63  }
0x9e: {  	v3 =	vld [tilespmem:$0x70];
	_ =	sdelay $0x4  }
0x9f: {  	v55 =	vshrl.u32 v3, $0x3  }
0xa0: {  	v4 =	vmul.u32 $0x30, v55  }
0xa1: {  	v3 =	vand.u32 $0x7, v3  }
0xa2: {  	v3 =	vor.u32 v3, v4  }
0xa3: {  	v4 =	vperm.xlane v3, v0;
	_ =	sdelay $0x1  }
0xa4: {  	v4 =	vadd.s32 v1, v4;
	_ =	sdelay $0x3  }
0xa5: {  	s9 =	simm.s32 $0x15100;
	v3 =	vperm.xlane v3, v2  }
0xa6: {  	[tilespmem:s9], [sflag:$0x1] =	stream.indirect_vreg.gather [hbm4b:s3+s2], $0x80, v4, vm0, $0xb8;
	[tilespmem:$0x18100] =	vst v63  }
0xa7: {  	v3 =	vadd.s32 v1, v3;
	s9 =	simm.s32 $0x15900  }
0xa8: {  	[tilespmem:s9], [sflag:$0x1] =	stream.indirect_vreg.gather [hbm4b:s4+s2], $0x80, v4, vm0, $0xb8;
	[tilespmem:$0x18100] =	vst v63  }
0xa9: {  	s9 =	simm.s32 $0x16100  }
0xaa: {  	[tilespmem:s9], [sflag:$0x1] =	stream.indirect_vreg.gather [hbm4b:s5+s2], $0x80, v4, vm0, $0xb8;
	[tilespmem:$0x18100] =	vst v63  }
0xab: {  	s9 =	simm.s32 $0x16900  }
0xac: {  	[tilespmem:s9], [sflag:$0x1] =	stream.indirect_vreg.gather [hbm4b:s3+s2], $0x80, v3, vm0, $0xb8;
	[tilespmem:$0x18100] =	vst v63  }
0xad: {  	s9 =	simm.s32 $0x17100  }
0xae: {  	[tilespmem:s9], [sflag:$0x1] =	stream.indirect_vreg.gather [hbm4b:s4+s2], $0x80, v3, vm0, $0xb8;
	[tilespmem:$0x18100] =	vst v63  }
0xaf: {  	s9 =	simm.s32 $0x17900  }
0xb0: {  	[tilespmem:s9], [sflag:$0x1] =	stream.indirect_vreg.gather [hbm4b:s5+s2], $0x80, v3, vm0, $0xb8;
	[tilespmem:$0x18100] =	vst v63  }
0xb1: {  	_ =	swait.ge [sflag:s1], $0x18000  }
0xb2: {  	[sflag:s1] =	ssyncset.done $0x0  }
0xb3: {  	s0 =	simm.s32 $0x100;
	s9 =	rddreg [dreg:$0x4];
	[sflag:s1] =	ssyncadd.s32 $0xFFFE8000  }
0xb4: {  	[hbm4b:s9+s2] =	stream.linear.scatter [tilespmem:s0], [sflag:$0x2], $0x18000, $0x38;
	[tilespmem:$0x18100] =	vst v63  }
0xb5: {  	_ =	swait.ge [sflag:s7], $0x18000  }
0xb6: {  	[sflag:s7] =	ssyncset.done $0x0  }
0xb7: {  	[sflag:s7] =	ssyncadd.s32 $0xFFFE8000  }
0xb8: {  	v3 =	vld [tilespmem:$0x80];
	_ =	sdelay $0x4  }
0xb9: {  	v56 =	vshrl.u32 v3, $0x3  }
0xba: {  	v4 =	vmul.u32 $0x30, v56  }
0xbb: {  	v3 =	vand.u32 $0x7, v3  }
0xbc: {  	v3 =	vor.u32 v3, v4  }
0xbd: {  	v4 =	vperm.xlane v3, v0;
	_ =	sdelay $0x1  }
0xbe: {  	v4 =	vadd.s32 v1, v4;
	_ =	sdelay $0x3  }
0xbf: {  	v3 =	vperm.xlane v3, v2  }
0xc0: {  	[tilespmem:s0], [sflag:$0x1] =	stream.indirect_vreg.gather [hbm4b:s3+s2], $0x80, v4, vm0, $0xb8;
	[tilespmem:$0x18100] =	vst v63  }
0xc1: {  	v3 =	vadd.s32 v1, v3  }
0xc2: {  	[tilespmem:s10], [sflag:$0x1] =	stream.indirect_vreg.gather [hbm4b:s4+s2], $0x80, v4, vm0, $0xb8;
	[tilespmem:$0x18100] =	vst v63  }
0xc3: {  	_ = 	snop  }
0xc4: {  	[tilespmem:s11], [sflag:$0x1] =	stream.indirect_vreg.gather [hbm4b:s5+s2], $0x80, v4, vm0, $0xb8;
	[tilespmem:$0x18100] =	vst v63  }
0xc5: {  	_ = 	snop  }
0xc6: {  	[tilespmem:s12], [sflag:$0x1] =	stream.indirect_vreg.gather [hbm4b:s3+s2], $0x80, v3, vm0, $0xb8;
	[tilespmem:$0x18100] =	vst v63  }
0xc7: {  	_ = 	snop  }
0xc8: {  	[tilespmem:s13], [sflag:$0x1] =	stream.indirect_vreg.gather [hbm4b:s4+s2], $0x80, v3, vm0, $0xb8;
	[tilespmem:$0x18100] =	vst v63  }
0xc9: {  	_ = 	snop  }
0xca: {  	[tilespmem:s14], [sflag:$0x1] =	stream.indirect_vreg.gather [hbm4b:s5+s2], $0x80, v3, vm0, $0xb8;
	[tilespmem:$0x18100] =	vst v63  }
0xcb: {  	v3 =	vld [tilespmem:$0x90];
	_ =	sdelay $0x4  }
0xcc: {  	v57 =	vshrl.u32 v3, $0x3  }
0xcd: {  	v4 =	vmul.u32 $0x30, v57  }
0xce: {  	v3 =	vand.u32 $0x7, v3  }
0xcf: {  	v3 =	vor.u32 v3, v4  }
0xd0: {  	v4 =	vperm.xlane v3, v0;
	_ =	sdelay $0x1  }
0xd1: {  	v4 =	vadd.s32 v1, v4;
	_ =	sdelay $0x3  }
0xd2: {  	v3 =	vperm.xlane v3, v2  }
0xd3: {  	[tilespmem:s15], [sflag:$0x1] =	stream.indirect_vreg.gather [hbm4b:s3+s2], $0x80, v4, vm0, $0xb8;
	[tilespmem:$0x18100] =	vst v63  }
0xd4: {  	v3 =	vadd.s32 v1, v3  }
0xd5: {  	[tilespmem:s16], [sflag:$0x1] =	stream.indirect_vreg.gather [hbm4b:s4+s2], $0x80, v4, vm0, $0xb8;
	[tilespmem:$0x18100] =	vst v63  }
0xd6: {  	_ = 	snop  }
0xd7: {  	[tilespmem:s17], [sflag:$0x1] =	stream.indirect_vreg.gather [hbm4b:s5+s2], $0x80, v4, vm0, $0xb8;
	[tilespmem:$0x18100] =	vst v63  }
0xd8: {  	_ = 	snop  }
0xd9: {  	[tilespmem:s18], [sflag:$0x1] =	stream.indirect_vreg.gather [hbm4b:s3+s2], $0x80, v3, vm0, $0xb8;
	[tilespmem:$0x18100] =	vst v63  }
0xda: {  	_ = 	snop  }
0xdb: {  	[tilespmem:s19], [sflag:$0x1] =	stream.indirect_vreg.gather [hbm4b:s4+s2], $0x80, v3, vm0, $0xb8;
	[tilespmem:$0x18100] =	vst v63  }
0xdc: {  	_ = 	snop  }
0xdd: {  	[tilespmem:s20], [sflag:$0x1] =	stream.indirect_vreg.gather [hbm4b:s5+s2], $0x80, v3, vm0, $0xb8;
	[tilespmem:$0x18100] =	vst v63  }
0xde: {  	v3 =	vld [tilespmem:$0xA0];
	_ =	sdelay $0x4  }
0xdf: {  	v58 =	vshrl.u32 v3, $0x3  }
0xe0: {  	v4 =	vmul.u32 $0x30, v58  }
0xe1: {  	v3 =	vand.u32 $0x7, v3  }
0xe2: {  	v3 =	vor.u32 v3, v4  }
0xe3: {  	v4 =	vperm.xlane v3, v0;
	_ =	sdelay $0x1  }
0xe4: {  	v4 =	vadd.s32 v1, v4;
	_ =	sdelay $0x3  }
0xe5: {  	v3 =	vperm.xlane v3, v2  }
0xe6: {  	[tilespmem:s21], [sflag:$0x1] =	stream.indirect_vreg.gather [hbm4b:s3+s2], $0x80, v4, vm0, $0xb8;
	[tilespmem:$0x18100] =	vst v63  }
0xe7: {  	v3 =	vadd.s32 v1, v3  }
0xe8: {  	[tilespmem:s22], [sflag:$0x1] =	stream.indirect_vreg.gather [hbm4b:s4+s2], $0x80, v4, vm0, $0xb8;
	[tilespmem:$0x18100] =	vst v63  }
0xe9: {  	_ = 	snop  }
0xea: {  	[tilespmem:s23], [sflag:$0x1] =	stream.indirect_vreg.gather [hbm4b:s5+s2], $0x80, v4, vm0, $0xb8;
	[tilespmem:$0x18100] =	vst v63  }
0xeb: {  	_ = 	snop  }
0xec: {  	[tilespmem:s24], [sflag:$0x1] =	stream.indirect_vreg.gather [hbm4b:s3+s2], $0x80, v3, vm0, $0xb8;
	[tilespmem:$0x18100] =	vst v63  }
0xed: {  	_ = 	snop  }
0xee: {  	[tilespmem:s25], [sflag:$0x1] =	stream.indirect_vreg.gather [hbm4b:s4+s2], $0x80, v3, vm0, $0xb8;
	[tilespmem:$0x18100] =	vst v63  }
0xef: {  	_ = 	snop  }
0xf0: {  	[tilespmem:s26], [sflag:$0x1] =	stream.indirect_vreg.gather [hbm4b:s5+s2], $0x80, v3, vm0, $0xb8;
	[tilespmem:$0x18100] =	vst v63  }
0xf1: {  	v3 =	vld [tilespmem:$0xB0];
	_ =	sdelay $0x4  }
0xf2: {  	v59 =	vshrl.u32 v3, $0x3  }
0xf3: {  	v4 =	vmul.u32 $0x30, v59  }
0xf4: {  	v3 =	vand.u32 $0x7, v3  }
0xf5: {  	v3 =	vor.u32 v3, v4  }
0xf6: {  	v4 =	vperm.xlane v3, v0;
	_ =	sdelay $0x1  }
0xf7: {  	v4 =	vadd.s32 v1, v4;
	_ =	sdelay $0x3  }
0xf8: {  	v3 =	vperm.xlane v3, v2  }
0xf9: {  	[tilespmem:s28], [sflag:$0x1] =	stream.indirect_vreg.gather [hbm4b:s3+s2], $0x80, v4, vm0, $0xb8;
	[tilespmem:$0x18100] =	vst v63  }
0xfa: {  	v3 =	vadd.s32 v1, v3  }
0xfb: {  	[tilespmem:s29], [sflag:$0x1] =	stream.indirect_vreg.gather [hbm4b:s4+s2], $0x80, v4, vm0, $0xb8;
	[tilespmem:$0x18100] =	vst v63  }
0xfc: {  	_ = 	snop  }
0xfd: {  	[tilespmem:s30], [sflag:$0x1] =	stream.indirect_vreg.gather [hbm4b:s5+s2], $0x80, v4, vm0, $0xb8;
	[tilespmem:$0x18100] =	vst v63  }
0xfe: {  	_ = 	snop  }
0xff: {  	[tilespmem:s31], [sflag:$0x1] =	stream.indirect_vreg.gather [hbm4b:s3+s2], $0x80, v3, vm0, $0xb8;
	[tilespmem:$0x18100] =	vst v63  }
0x100: {  	s9 =	simm.s32 $0xB100  }
0x101: {  	[tilespmem:s9], [sflag:$0x1] =	stream.indirect_vreg.gather [hbm4b:s4+s2], $0x80, v3, vm0, $0xb8;
	[tilespmem:$0x18100] =	vst v63  }
0x102: {  	_ = 	snop  }
0x103: {  	[tilespmem:s8], [sflag:$0x1] =	stream.indirect_vreg.gather [hbm4b:s5+s2], $0x80, v3, vm0, $0xb8;
	[tilespmem:$0x18100] =	vst v63  }
0x104: {  	v3 =	vld [tilespmem:$0xC0];
	_ =	sdelay $0x4  }
0x105: {  	v60 =	vshrl.u32 v3, $0x3  }
0x106: {  	v4 =	vmul.u32 $0x30, v60  }
0x107: {  	v3 =	vand.u32 $0x7, v3  }
0x108: {  	v3 =	vor.u32 v3, v4  }
0x109: {  	v4 =	vperm.xlane v3, v0;
	_ =	sdelay $0x1  }
0x10a: {  	v4 =	vadd.s32 v1, v4;
	_ =	sdelay $0x3  }
0x10b: {  	s9 =	simm.s32 $0xC100;
	v3 =	vperm.xlane v3, v2  }
0x10c: {  	[tilespmem:s9], [sflag:$0x1] =	stream.indirect_vreg.gather [hbm4b:s3+s2], $0x80, v4, vm0, $0xb8;
	[tilespmem:$0x18100] =	vst v63  }
0x10d: {  	v3 =	vadd.s32 v1, v3;
	s9 =	simm.s32 $0xC900  }
0x10e: {  	[tilespmem:s9], [sflag:$0x1] =	stream.indirect_vreg.gather [hbm4b:s4+s2], $0x80, v4, vm0, $0xb8;
	[tilespmem:$0x18100] =	vst v63  }
0x10f: {  	s9 =	simm.s32 $0xD100  }
0x110: {  	[tilespmem:s9], [sflag:$0x1] =	stream.indirect_vreg.gather [hbm4b:s5+s2], $0x80, v4, vm0, $0xb8;
	[tilespmem:$0x18100] =	vst v63  }
0x111: {  	s9 =	simm.s32 $0xD900  }
0x112: {  	[tilespmem:s9], [sflag:$0x1] =	stream.indirect_vreg.gather [hbm4b:s3+s2], $0x80, v3, vm0, $0xb8;
	[tilespmem:$0x18100] =	vst v63  }
0x113: {  	s9 =	simm.s32 $0xE100  }
0x114: {  	[tilespmem:s9], [sflag:$0x1] =	stream.indirect_vreg.gather [hbm4b:s4+s2], $0x80, v3, vm0, $0xb8;
	[tilespmem:$0x18100] =	vst v63  }
0x115: {  	s9 =	simm.s32 $0xE900  }
0x116: {  	[tilespmem:s9], [sflag:$0x1] =	stream.indirect_vreg.gather [hbm4b:s5+s2], $0x80, v3, vm0, $0xb8;
	[tilespmem:$0x18100] =	vst v63  }
0x117: {  	v3 =	vld [tilespmem:$0xD0];
	_ =	sdelay $0x4  }
0x118: {  	v61 =	vshrl.u32 v3, $0x3  }
0x119: {  	v4 =	vmul.u32 $0x30, v61  }
0x11a: {  	v3 =	vand.u32 $0x7, v3  }
0x11b: {  	v3 =	vor.u32 v3, v4  }
0x11c: {  	v4 =	vperm.xlane v3, v0;
	_ =	sdelay $0x1  }
0x11d: {  	v4 =	vadd.s32 v1, v4;
	_ =	sdelay $0x3  }
0x11e: {  	s9 =	simm.s32 $0xF100;
	v3 =	vperm.xlane v3, v2  }
0x11f: {  	[tilespmem:s9], [sflag:$0x1] =	stream.indirect_vreg.gather [hbm4b:s3+s2], $0x80, v4, vm0, $0xb8;
	[tilespmem:$0x18100] =	vst v63  }
0x120: {  	v3 =	vadd.s32 v1, v3;
	s9 =	simm.s32 $0xF900  }
0x121: {  	[tilespmem:s9], [sflag:$0x1] =	stream.indirect_vreg.gather [hbm4b:s4+s2], $0x80, v4, vm0, $0xb8;
	[tilespmem:$0x18100] =	vst v63  }
0x122: {  	s9 =	simm.s32 $0x10100  }
0x123: {  	[tilespmem:s9], [sflag:$0x1] =	stream.indirect_vreg.gather [hbm4b:s5+s2], $0x80, v4, vm0, $0xb8;
	[tilespmem:$0x18100] =	vst v63  }
0x124: {  	s9 =	simm.s32 $0x10900  }
0x125: {  	[tilespmem:s9], [sflag:$0x1] =	stream.indirect_vreg.gather [hbm4b:s3+s2], $0x80, v3, vm0, $0xb8;
	[tilespmem:$0x18100] =	vst v63  }
0x126: {  	s9 =	simm.s32 $0x11100  }
0x127: {  	[tilespmem:s9], [sflag:$0x1] =	stream.indirect_vreg.gather [hbm4b:s4+s2], $0x80, v3, vm0, $0xb8;
	[tilespmem:$0x18100] =	vst v63  }
0x128: {  	s9 =	simm.s32 $0x11900  }
0x129: {  	[tilespmem:s9], [sflag:$0x1] =	stream.indirect_vreg.gather [hbm4b:s5+s2], $0x80, v3, vm0, $0xb8;
	[tilespmem:$0x18100] =	vst v63  }
0x12a: {  	v3 =	vld [tilespmem:$0xE0];
	_ =	sdelay $0x4  }
0x12b: {  	v62 =	vshrl.u32 v3, $0x3  }
0x12c: {  	v4 =	vmul.u32 $0x30, v62  }
0x12d: {  	v3 =	vand.u32 $0x7, v3  }
0x12e: {  	v3 =	vor.u32 v3, v4  }
0x12f: {  	v4 =	vperm.xlane v3, v0;
	_ =	sdelay $0x1  }
0x130: {  	v4 =	vadd.s32 v1, v4;
	_ =	sdelay $0x3  }
0x131: {  	s9 =	simm.s32 $0x12100;
	v3 =	vperm.xlane v3, v2  }
0x132: {  	[tilespmem:s9], [sflag:$0x1] =	stream.indirect_vreg.gather [hbm4b:s3+s2], $0x80, v4, vm0, $0xb8;
	[tilespmem:$0x18100] =	vst v63  }
0x133: {  	v3 =	vadd.s32 v1, v3;
	s9 =	simm.s32 $0x12900  }
0x134: {  	[tilespmem:s9], [sflag:$0x1] =	stream.indirect_vreg.gather [hbm4b:s4+s2], $0x80, v4, vm0, $0xb8;
	[tilespmem:$0x18100] =	vst v63  }
0x135: {  	s9 =	simm.s32 $0x13100  }
0x136: {  	[tilespmem:s9], [sflag:$0x1] =	stream.indirect_vreg.gather [hbm4b:s5+s2], $0x80, v4, vm0, $0xb8;
	[tilespmem:$0x18100] =	vst v63  }
0x137: {  	s9 =	simm.s32 $0x13900  }
0x138: {  	[tilespmem:s9], [sflag:$0x1] =	stream.indirect_vreg.gather [hbm4b:s3+s2], $0x80, v3, vm0, $0xb8;
	[tilespmem:$0x18100] =	vst v63  }
0x139: {  	s9 =	simm.s32 $0x14100  }
0x13a: {  	[tilespmem:s9], [sflag:$0x1] =	stream.indirect_vreg.gather [hbm4b:s4+s2], $0x80, v3, vm0, $0xb8;
	[tilespmem:$0x18100] =	vst v63  }
0x13b: {  	s9 =	simm.s32 $0x14900  }
0x13c: {  	[tilespmem:s9], [sflag:$0x1] =	stream.indirect_vreg.gather [hbm4b:s5+s2], $0x80, v3, vm0, $0xb8;
	[tilespmem:$0x18100] =	vst v63  }
0x13d: {  	v3 =	vld [tilespmem:$0xF0];
	_ =	sdelay $0x4  }
0x13e: {  	v63 =	vshrl.u32 v3, $0x3  }
0x13f: {  	v4 =	vmul.u32 $0x30, v63  }
0x140: {  	v3 =	vand.u32 $0x7, v3  }
0x141: {  	v3 =	vor.u32 v3, v4  }
0x142: {  	v4 =	vperm.xlane v3, v0;
	_ =	sdelay $0x1  }
0x143: {  	v4 =	vadd.s32 v1, v4;
	_ =	sdelay $0x3  }
0x144: {  	s9 =	simm.s32 $0x15100;
	v3 =	vperm.xlane v3, v2  }
0x145: {  	[tilespmem:s9], [sflag:$0x1] =	stream.indirect_vreg.gather [hbm4b:s3+s2], $0x80, v4, vm0, $0xb8;
	[tilespmem:$0x18100] =	vst v63  }
0x146: {  	v3 =	vadd.s32 v1, v3;
	s9 =	simm.s32 $0x15900  }
0x147: {  	[tilespmem:s9], [sflag:$0x1] =	stream.indirect_vreg.gather [hbm4b:s4+s2], $0x80, v4, vm0, $0xb8;
	[tilespmem:$0x18100] =	vst v63  }
0x148: {  	s9 =	simm.s32 $0x16100  }
0x149: {  	[tilespmem:s9], [sflag:$0x1] =	stream.indirect_vreg.gather [hbm4b:s5+s2], $0x80, v4, vm0, $0xb8;
	[tilespmem:$0x18100] =	vst v63  }
0x14a: {  	s9 =	simm.s32 $0x16900  }
0x14b: {  	[tilespmem:s9], [sflag:$0x1] =	stream.indirect_vreg.gather [hbm4b:s3+s2], $0x80, v3, vm0, $0xb8;
	[tilespmem:$0x18100] =	vst v63  }
0x14c: {  	s9 =	simm.s32 $0x17100  }
0x14d: {  	[tilespmem:s9], [sflag:$0x1] =	stream.indirect_vreg.gather [hbm4b:s4+s2], $0x80, v3, vm0, $0xb8;
	[tilespmem:$0x18100] =	vst v63  }
0x14e: {  	s9 =	simm.s32 $0x17900  }
0x14f: {  	[tilespmem:s9], [sflag:$0x1] =	stream.indirect_vreg.gather [hbm4b:s5+s2], $0x80, v3, vm0, $0xb8;
	[tilespmem:$0x18100] =	vst v63  }
0x150: {  	_ =	swait.ge [sflag:s1], $0x18000  }
0x151: {  	p0 =	sne.s32 s6, $0x1;
	s0 =	simm.s32 $0x100;
	[sflag:s1] =	ssyncset.done $0x0  }
.Ltmp0:
0x152: {  	s9 =	rddreg [dreg:$0x5];
	[sflag:s1] =	ssyncadd.s32 $0xFFFE8000;
	(pc) =	sbr.rel @p0 .LBB2_1-.Ltmp0, $4  }
0x153: {  	[hbm4b:s9+s2] =	stream.linear.scatter [tilespmem:s0], [sflag:$0x2], $0x18000, $0x38;
	[tilespmem:$0x18100] =	vst v63  }
0x154: {  	_ =	swait.ge [sflag:s7], $0x18000  }
0x155: {  	[sflag:s7] =	ssyncset.done $0x0  }
0x156: {  	s6 =	sadd.s32 $0xFFFFFFFF, s6;
	[sflag:s7] =	ssyncadd.s32 $0xFFFE8000  }
0x157: {  	_ =	sfence.sel $0x180000  }
0x158: {  	[bflag:$0x0] =	sbarrier.arrive $0xFFFF  }
0x159: {  	_ =	strace $0x9000004D  }
0x15a: {  	s0 =	stileid.u32;
	[bflag:$0x2] =	sbarrier.arrive $0xFFFF  }
0x15b: {  	p0 =	sne.s32 s0, $0x0;
	s0 =	rddreg [dreg:$0x2]  }
0x15c: {  	s0 =	sadd.s32 @!p0 $0x100000, s0  }
0x15d: {  	[sflag:s0] =	ssyncadd.tile.s32 @!p0 $0x1;
	_ =	shalt  }
.Lfunc_end2:
_tile_overlayer_lowered:
.L_overlay_start_2:
0x15e: {  	(tag) =	ssettag $0x2  }
0x15f: {  	s0 =	rddreg [dreg:$0x0];
	s2 =	stileid.u32  }
0x160: {  	s1 =	rddreg [dreg:$0x1];
	p0 =	sne.s32 s2, $0x0  }
0x161: {  	s3 =	rddreg [dreg:$0x2];
	[bflag:$0x3] =	sbarrier.arrive $0xFFFF;
	s2 =	simm.s32 @!p0 $0x1C02  }
0x162: {  	[timem:s3], [sflag:s2] =	dma.local @!p0 [hbm:s0], s1  }
0x163: {  	s0 =	simm.s32 @!p0 $0x2  }
0x164: {  	_ =	swait.ge @!p0 [sflag:s0], s1  }
0x165: {  	s1 =	ssub.s32 @!p0 $0x0, s1;
	[sflag:s0] =	ssyncset.done @!p0 $0x0  }
0x166: {  	[sflag:s0] =	ssyncadd.s32 @!p0 s1  }
0x167: {  	[bflag:$0x3] =	sbarrier.arrive $0xFFFF  }
0x168: {  	_ =	shalt  }

// kernel: kernel.6.cloned.1.call-start
scs
__scs_entry_jumppad:
0x0: {  	(pc) =	sbr.rel $0x88, $3  }
0x1: {  	(tag) =	ssettag $0x0;
	lr =	simm.s32 $0x1  }
0x2: {  	[smem:$0x3F9D] =	sst lr;
	_ =	strace $0xD0000000  }
0x3: {  	_ = 	snop  }
0x4: {  	_ = 	snop  }
0x5: {  	_ = 	snop  }
0x6: {  	_ = 	snop  }
0x7: {  	_ = 	snop  }
__scs_overlays_trampoline_lowered:
0x8: {  	[smem:$0x3FAC] =	sst s0  }
0x9: {  	[smem:$0x3FAD] =	sst s1  }
0xa: {  	[smem:$0x3FAE] =	sst s2  }
0xb: {  	[smem:$0x3FAF] =	sst s3  }
0xc: {  	[smem:$0x3FB0] =	sst s4  }
0xd: {  	[smem:$0x3FB1] =	sst s5  }
0xe: {  	[smem:$0x3FB2] =	sst s6  }
0xf: {  	[smem:$0x3FB3] =	sst s7  }
0x10: {  	[smem:$0x3FB4] =	sst s8  }
0x11: {  	[smem:$0x3FB5] =	sst s9;
	s0 =	simm.s32 @!p0 $0x0  }
0x12: {  	s1 =	sld [smem:$0x3F9B];
	s0 =	simm.s32 @p0 $0x1  }
0x13: {  	[smem:$0x3FB6] =	sst s0;
	s0 =	simm.s32 @!p1 $0x0  }
0x14: {  	s2 =	sld [smem:$0x3F9A];
	s0 =	simm.s32 @p1 $0x1  }
0x15: {  	[smem:$0x3FB7] =	sst s0;
	s0 =	simm.s32 @!p2 $0x0  }
0x16: {  	s3 =	sld [smem:$0x3FDB];
	s0 =	simm.s32 @p2 $0x1  }
0x17: {  	s4 =	simm.s32 $0x1BF5;
	[smem:$0x3FB9] =	sst s0  }
0x18: {  	s0 =	sld [smem:$0x3F9C];
	_ =	swait.ge [sflag:s4], $0x0  }
0x19: {  	s7 =	sld [smem:$0x3F9D]  }
0x1a: {  	s8 =	sadd.s32 $0xFFFFE003, lr  }
0x1b: {  	s9 =	sadd.s32 $0xFFFFFEF7, lr;
	s5 =	simm.s32 $0xFFFFFFFF;
	p2 =	slt.u32 s8, $0xFFFFF086  }
0x1c: {  	p1 =	slt.u32 s9, $0xF7A;
	s5 =	simm.s32 @!p2 $0x0  }
0x1d: {  	s5 =	simm.s32 @p1 $0x1;
	p0 =	seq.s32 s7, s2  }
0x1e: {  	s7 =	smul.u32 @!p0 $0xF7A, s2;
	p2 =	seq.s32 @!p0 s5, $0x0  }
0x1f: {  	s9 =	smul.u32 $0xF7A, s1;
	s8 =	simm.s32 @!p0 $0x1BF5;
	p2 =	por !p2, p0  }
0x20: {  	[sflag:s8] =	ssyncset.s32 @!p0 $0xFFFFF086;
	s6 =	sadd.s32 @!p0 s3, s7;
	s7 =	simm.s32 @!p0 $0x108  }
0x21: {  	s3 =	sadd.s32 s3, s9;
	s6 =	sadd.s32 @!p0 $0x88, s6;
	s7 =	simm.s32 @p2 $0x1082  }
0x22: {  	[simem:s7], [sflag:s8] =	dma.local @!p0 [hbm:s6], $0xF7A  }
0x23: {  	s9 =	sor.u32 $0xD0000000, s2;
	s6 =	simm.s32 $0x108;
	_ =	swait.ge @!p0 [sflag:s8], $0x0  }
0x24: {  	s3 =	sadd.s32 $0x88, s3;
	s6 =	simm.s32 @!p1 $0x1082;
	[sflag:s4] =	ssyncset.s32 $0xFFFFF086  }
0x25: {  	[simem:s6], [sflag:s4] =	dma.local [hbm:s3], $0xF7A  }
0x26: {  	[smem:$0x3F9D] =	sst s1;
	(tag) =	ssettag s2;
	_ =	strace s9  }
0x27: {  	s1 =	sld [smem:$0x3FAD]  }
0x28: {  	s2 =	sld [smem:$0x3FAE]  }
0x29: {  	s4 =	sld [smem:$0x3FB0]  }
0x2a: {  	p0 =	seq.s32 s5, $0x0;
	s5 =	sld [smem:$0x3FB1]  }
0x2b: {  	s6 =	sld [smem:$0x3FB2]  }
0x2c: {  	s7 =	sld [smem:$0x3FB3]  }
0x2d: {  	s3 =	simm.s32 $0x108;
	s8 =	sld [smem:$0x3FB4]  }
0x2e: {  	s3 =	simm.s32 @!p0 $0x1082;
	s9 =	sld [smem:$0x3FB5]  }
0x2f: {  	lr =	sadd.s32 s0, s3;
	s0 =	sld [smem:$0x3FAC]  }
0x30: {  	s3 =	sld [smem:$0x3FAF]  }
0x31: {  	[smem:$0x3FB8] =	sst s10  }
0x32: {  	s10 =	sld [smem:$0x3FB6];
	_ =	sdelay $0x3  }
0x33: {  	p0 =	seq.s32 s10, $0x1;
	s10 =	sld [smem:$0x3FB8];
	_ =	sdelay $0x3  }
0x34: {  	[smem:$0x3FB8] =	sst s10  }
0x35: {  	s10 =	sld [smem:$0x3FB7];
	_ =	sdelay $0x3  }
0x36: {  	p1 =	seq.s32 s10, $0x1;
	s10 =	sld [smem:$0x3FB8];
	_ =	sdelay $0x3  }
0x37: {  	[smem:$0x3FB8] =	sst s10  }
0x38: {  	s10 =	sld [smem:$0x3FB9]  }
0x39: {  	_ = 	snop;
	(pc) =	sbr.ind lr, $3  }
0x3a: {  	_ = 	snop  }
0x3b: {  	_ = 	snop  }
0x3c: {  	p2 =	seq.s32 s10, $0x1;
	s10 =	sld [smem:$0x3FB8]  }
0x3d: {  	_ =	shalt  }
0x3e: {  	_ =	shalt  }
0x3f: {  	_ =	shalt  }
0x40: {  	_ =	shalt  }
0x41: {  	_ =	shalt  }
0x42: {  	_ =	shalt  }
0x43: {  	_ =	shalt  }
0x44: {  	_ =	shalt  }
0x45: {  	_ =	shalt  }
0x46: {  	_ =	shalt  }
0x47: {  	_ =	shalt  }
0x48: {  	_ =	shalt  }
0x49: {  	_ =	shalt  }
0x4a: {  	_ =	shalt  }
0x4b: {  	_ =	shalt  }
0x4c: {  	_ =	shalt  }
0x4d: {  	_ =	shalt  }
0x4e: {  	_ =	shalt  }
0x4f: {  	_ =	shalt  }
0x50: {  	_ =	shalt  }
0x51: {  	_ =	shalt  }
0x52: {  	_ =	shalt  }
0x53: {  	_ =	shalt  }
0x54: {  	_ =	shalt  }
0x55: {  	_ =	shalt  }
0x56: {  	_ =	shalt  }
0x57: {  	_ =	shalt  }
0x58: {  	_ =	shalt  }
0x59: {  	_ =	shalt  }
0x5a: {  	_ =	shalt  }
0x5b: {  	_ =	shalt  }
0x5c: {  	_ =	shalt  }
0x5d: {  	_ =	shalt  }
0x5e: {  	_ =	shalt  }
0x5f: {  	_ =	shalt  }
0x60: {  	_ =	shalt  }
0x61: {  	_ =	shalt  }
0x62: {  	_ =	shalt  }
0x63: {  	_ =	shalt  }
0x64: {  	_ =	shalt  }
0x65: {  	_ =	shalt  }
0x66: {  	_ =	shalt  }
0x67: {  	_ =	shalt  }
0x68: {  	_ =	shalt  }
0x69: {  	_ =	shalt  }
0x6a: {  	_ =	shalt  }
0x6b: {  	_ =	shalt  }
0x6c: {  	_ =	shalt  }
0x6d: {  	_ =	shalt  }
0x6e: {  	_ =	shalt  }
0x6f: {  	_ =	shalt  }
0x70: {  	_ =	shalt  }
0x71: {  	_ =	shalt  }
0x72: {  	_ =	shalt  }
0x73: {  	_ =	shalt  }
0x74: {  	_ =	shalt  }
0x75: {  	_ =	shalt  }
0x76: {  	_ =	shalt  }
0x77: {  	_ =	shalt  }
0x78: {  	_ =	shalt  }
0x79: {  	_ =	shalt  }
0x7a: {  	_ =	shalt  }
0x7b: {  	_ =	shalt  }
0x7c: {  	_ =	shalt  }
0x7d: {  	_ =	shalt  }
0x7e: {  	_ =	shalt  }
0x7f: {  	_ =	shalt  }
0x80: {  	_ =	shalt  }
0x81: {  	_ =	shalt  }
0x82: {  	_ =	shalt  }
0x83: {  	_ =	shalt  }
0x84: {  	_ =	shalt  }
0x85: {  	_ =	shalt  }
0x86: {  	_ =	shalt  }
0x87: {  	_ =	shalt  }
.Lfunc_end0:
.L_simem_size_0:
called_computation_lowered:
.L_overlay_start_0:
0x88: {  	s2 =	sld [smem:$0x3FD9]  }
0x89: {  	s3 =	sld [smem:$0x3FFE];
	_ =	sdelay $0x1  }
0x8a: {  	s1 =	srdreg.scid  }
0x8b: {  	s0 =	sand.u32 $0x1, s1  }
0x8c: {  	s17 =	sshll.u32 s0, $0xA;
	s2 =	sadd.s32 s3, s2  }
0x8d: {  	s2 =	sadd.s32 s2, s17  }
0x8e: {  	[smem:$0x3FC4] =	sst s2  }
0x8f: {  	_ = 	snop  }
0x90: {  	s2 =	sld [smem:$0x3FD0];
	(tm) =	ssettm $0x1  }
0x91: {  	s18 =	sld [smem:$0x3FFB];
	_ =	sdelay $0x3  }
0x92: {  	_ =	strace s18  }
0x93: {  	s3 =	sld [smem:$0x3FFC];
	_ =	sdelay $0x3  }
0x94: {  	_ =	strace s3  }
0x95: {  	s3 =	sld [smem:$0x3FFD];
	_ =	sdelay $0x3  }
0x96: {  	_ =	strace s3  }
0x97: {  	_ =	strace $0x8FFFFFFF  }
0x98: {  	s19 =	sld [smem:$0x3FDB];
	_ =	sdelay $0x1  }
0x99: {  	s4 =	simm.s32 $_scs_section_size  }
0x9a: {  	s5 =	simm.s32 $_size__tile_overlayer_lowered;
	s6 =	simm.s32 $_tile_overlayer_lowered  }
0x9b: {  	s22 =	simm.s32 $0x1BFF;
	s21 =	sshll.u32 s6, $0x1;
	s3 =	sadd.s32 s4, s19  }
0x9c: {  	s7 =	simm.s32 $0x0;
	s20 =	sshll.u32 s5, $0x1;
	s5 =	sadd.s32 s21, s3  }
0x9d: {  	[timem:s7], [sflag:s22] =	dma.local [hbm:s5], s20  }
0x9e: {  	_ =	swait.ge [sflag:s22], s20  }
0x9f: {  	s4 =	ssub.s32 $0x0, s20;
	[sflag:s22] =	ssyncset.done $0x0  }
0xa0: {  	[sflag:s22] =	ssyncadd.s32 s4;
	_ =	sdelay $0x1  }
0xa1: {  	s23 =	simm.s32 $0x1B8B  }
0xa2: {  	_ =	swait.ge [sflag:s23], $0x1  }
0xa3: {  	[sflag:s23] =	ssyncset.done $0x0  }
0xa4: {  	s25 =	simm.s32 $0x1B8E;
	s24 =	sld [smem:$0x3FFE];
	[sflag:s23] =	ssyncadd.s32 $0xFFFFFFFF  }
0xa5: {  	s26 =	simm.s32 $execute0_lowered;
	[smem:$0x3FD2] =	sst s25  }
0xa6: {  	s5 =	sshll.u32 s26, $0x1;
	_ =	strace $0x80000046;
	[dreg:$0x1] =	wrdreg $0xFFFFFFFF  }
0xa7: {  	s28 =	simm.s32 $_size_execute0_lowered;
	s3 =	sadd.s32 s3, s5;
	[dreg:$0x0] =	wrdreg $0x0  }
0xa8: {  	s5 =	sshll.u32 s28, $0x1;
	[dreg:$0x2] =	wrdreg s3  }
0xa9: {  	[dreg:$0x3] =	wrdreg s5  }
0xaa: {  	[dreg:$0x4] =	wrdreg $0xC0  }
0xab: {  	_ =	task [dreg:s7], $0x5FFFF  }
0xac: {  	[dreg:$0x1] =	wrdreg $0xFFFFFFFF  }
0xad: {  	[dreg:$0x0] =	wrdreg $0x60  }
0xae: {  	[dreg:$0x2] =	wrdreg s2  }
0xaf: {  	[dreg:$0x3] =	wrdreg s24  }
0xb0: {  	[dreg:$0x4] =	wrdreg $0x9  }
0xb1: {  	_ =	task.clear_ibuf [dreg:s7], $0x5FFFF;
	_ =	strace $0x90000046  }
0xb2: {  	s29 =	simm.s32 $0x9;
	_ =	strace $0x80000048  }
0xb3: {  	_ =	swait.ge [sflag:s29], $0x1  }
0xb4: {  	[sflag:s29] =	ssyncadd.s32 $0xFFFFFFFF  }
0xb5: {  	_ =	strace $0x90000048  }
0xb6: {  	_ =	sfence  }
0xb7: {  	s30 =	sld [smem:$0x0];
	_ =	sdelay $0x2  }
0xb8: {  	s31 =	sshll.u32 s1, $0xD;
	s1 =	sshrl.u32 s1, $0x2  }
0xb9: {  	s3 =	sand.u32 $0x4000, s31;
	s1 =	sadd.s32 s1, s30  }
0xba: {  	s0 =	sor.u32 s3, s0;
	s1 =	sshll.u32 s1, $0x11  }
0xbb: {  	s0 =	sor.u32 s1, s0  }
0xbc: {  	s0 =	sadd.s32 $0x8F2B, s0  }
0xbd: {  	[sflag:s0] =	ssyncadd.remote.s32 $0x1  }
0xbe: {  	_ =	sfence.sel $0xFFFF  }
0xbf: {  	[dreg:$0x0] =	wrdreg $0xFFFFFFFF;
	(pc) =	sbr.abs _section_cstart, $3  }
0xc0: {  	[dreg:$0x1] =	wrdreg $0xFFFFFFFF  }
0xc1: {  	_ =	task.clear_ibuf [dreg:s7], $0x2FFFF;
	_ =	strace $0x9FFFFFFF  }
0xc2: {  	(tm) =	ssettm $0x7FFFFFFF  }
0xc3: {  	_ =	shalt  }
tec
execute0_lowered:
.L_overlay_start_1:
0x0: {  	(tag) =	ssettag $0x1  }
0x1: {  	s3 =	rddreg [dreg:$0x0];
	s1 =	srdreg.scid  }
0x2: {  	s0 =	stileid.u32;
	s4 =	rddreg [dreg:$0x1];
	s2 =	simm.s32 $0x0  }
0x3: {  	v1 =	vlaneseq.u32;
	s10 =	simm.s32 $0x8000;
	s11 =	simm.s32 $0x8100;
	s12 =	simm.s32 $0x0  }
0x4: {  	v0 =	vimm.s32 $0x0;
	vm11 =	vmmov $0x1;
	vm5 =	vcmask $0x3F04;
	s5 =	sand.u32 $0x1, s1;
	s6 =	sshll.u32 s0, $0x1;
	[smem:$0x7FF] =	sst s2  }
0x5: {  	vm6 =	vcmask $0x308;
	vm7 =	vcmask $0x3F08;
	vm8 =	vcmask $0x70C;
	s1 =	rddreg [dreg:$0x2];
	s6 =	sor.u32 s5, s6;
	_ =	strace $0x80000047  }
0x6: {  	vm9 =	vcmask $0x3F0C;
	vm1 =	vmmov $0x7fff;
	v2 =	vimm.s32 $0x0;
	s5 =	ssub.s32 $0x2, s5;
	s7 =	sshll.u32 s6, $0x5;
	s8 =	sshll.u32 s6, $0x4  }
0x7: {  	vm10 =	vcmask $0xB10;
	vm12 =	vcmask $0x3F10;
	v2 =	vsel vm1, $0xFFFFFFFF, v2;
	s9 =	sshrl.u32 s5, $0x1;
	s6 =	sshll.u32 s6, $0xC;
	s7 =	sadd.s32 s7, s4  }
0x8: {  	vm4 =	vcmask $0xF14;
	vm13 =	vcmask $0x3F14;
	[tilespmem:$0x1FFE0] =	vst v2;
	v2 =	vimm.s32 $0x0;
	s8 =	sadd.s32 s8, s4;
	s9 =	ssub.s32 s5, s9;
	s3 =	sadd.s32 s3, s6  }
0x9: {  	vm14 =	vcmask $0x1318;
	vm15 =	vcmask $0x3F18;
	v2 =	vsel vm11, $0xFFFFFFFF, v2;
	s4 =	sadd.s32 $0x1800, s7;
	s5 =	sadd.s32 $0x1C00, s7;
	s6 =	sadd.s32 $0x2000, s8  }
0xa: {  	vm0 =	vcmask $0x171C;
	vm2 =	vcmask $0x1B20;
	v1 =	vmul.u32 $0x80, v1;
	[tilespmem:$0x1FFF0] =	vst v2;
	s7 =	smax.u32 s9, $0x1;
	s8 =	simm.s32 $0x1;
	s9 =	simm.s32 $0x8200  }
.LBB2_1:
0xb: {  	[tilespmem:s2], [sflag:$0x1] =	stream.linear.gather [hbm4b:s3+s2], $0x8000, $0x38;
	[tilespmem:$0x8280] =	vst v63  }
0xc: {  	v2 =	vmov s2;
	_ =	swait.ge [sflag:s8], $0x8000  }
0xd: {  	v2 =	vshll.u32 v2, $0x7;
	[sflag:s8] =	ssyncset.done $0x0  }
0xe: {  	v2 =	vor.u32 v1, v2;
	[sflag:s8] =	ssyncadd.s32 $0xFFFF8000  }
0xf: {  	v3 =	vor.u32 $0x1, v2;
	[tilespmem:$0x8200] =	vst v0  }
0x10: {  	[tilespmem:$0x8210] =	vst v0  }
0x11: {  	[tilespmem:$0x8220] =	vst v0  }
0x12: {  	[tilespmem:$0x8230] =	vst v0  }
0x13: {  	v2 =	vld.idx.msk [tilespmem:v2+s2+$0x0], $0xffff  }
0x14: {  	v3 =	vld.idx.msk [tilespmem:v3+s2+$0x0], $0xffff;
	_ =	sdelay $0x3  }
0x15: {  	v2 =	vmul.f32 $1.600000000e+01, v2  }
0x16: {  	v3 =	vmul.f32 $1.600000000e+01, v3  }
0x17: {  	v2 =	vadd.f32 $5.000000000e-01, v2  }
0x18: {  	v3 =	vadd.f32 $5.000000000e-01, v3  }
0x19: {  	v4 =	vtrunc.f32 v2  }
0x1a: {  	v5 =	vcvt.f32.s32 v4;
	vm1 =	vlt.f32 v2, v4;
	v2 =	vtrunc.f32 v3  }
0x1b: {  	v4 =	vsel vm1, $0xFFFFFFFF, v0;
	v6 =	vcvt.f32.s32 v2;
	vm1 =	vlt.f32 v3, v2  }
0x1c: {  	v2 =	vadd.s32 v5, v4;
	v3 =	vsel vm1, $0xFFFFFFFF, v0  }
0x1d: {  	v3 =	vadd.s32 v6, v3;
	v2 =	vshll.u32 v2, $0x3  }
0x1e: {  	v3 =	vand.u32 $0x7, v3;
	v2 =	vand.u32 $0x38, v2  }
0x1f: {  	v2 =	vor.u32 v3, v2  }
0x20: {  	v3 =	vsel vm6, $0x0, v2  }
0x21: {  	v4 =	vnsel vm11, $0x0, v2;
	(xrf0) =	vadd.scan.msk.s32 $0xffff, v3  }
0x22: {  	(xrf0) =	vadd.scan.msk.s32 $0xffff, v4  }
0x23: {  	v3 =	vsel vm8, $0x0, v2  }
0x24: {  	v4 =	vsel vm4, $0x0, v2;
	(xrf0) =	vadd.scan.msk.s32 $0xffff, v3;
	v3 =	vsel vm10, $0x0, v2  }
0x25: {  	(xrf0) =	vadd.scan.msk.s32 $0xffff, v3  }
0x26: {  	v3 =	vsel vm14, $0x0, v2;
	(xrf0) =	vadd.scan.msk.s32 $0xffff, v4  }
0x27: {  	v5 =	vsel vm0, $0x0, v2;
	v4, _, _ =	vpop (xrf0);
	(xrf0) =	vadd.scan.msk.s32 $0xffff, v3  }
0x28: {  	v6 =	vsel vm2, $0x0, v2;
	vm6 =	vcmask $0x1F24;
	v3 =	vbroadcast v4, $0xF;
	v4, _, _ =	vpop (xrf0);
	(xrf0) =	vadd.scan.msk.s32 $0xffff, v5  }
0x29: {  	v7 =	vsel vm6, $0x0, v2;
	vm4 =	vcmask $0x2328;
	v4 =	vbroadcast v4, $0xF;
	(xrf0) =	vadd.scan.msk.s32 $0xffff, v6  }
0x2a: {  	vm2 =	vcmask $0x2B30;
	vm6 =	vcmask $0x272C;
	v8 =	vsel vm4, $0x0, v2;
	v5, _, _ =	vpop (xrf0);
	(xrf0) =	vadd.scan.msk.s32 $0xffff, v7  }
0x2b: {  	v9 =	vsel vm6, $0x0, v2;
	vm1 =	veq.s32 v2, v3;
	v3 =	vbroadcast v5, $0xF;
	(xrf0) =	vadd.scan.msk.s32 $0xffff, v8  }
0x2c: {  	vm4 =	vcmask $0x2F34;
	v6 =	vsel vm2, $0x0, v2;
	(xrf0) =	vadd.scan.msk.s32 $0xffff, v9  }
0x2d: {  	v10 =	vld.idx.msk [tilespmem:v2+s9+$0x0], $0xffff;
	vm2 =	veq.s32 v2, v4;
	vm6 =	veq.s32 v2, v3;
	v3 =	vsel vm4, $0x0, v2;
	v4, _, _ =	vpop (xrf0);
	(xrf0) =	vadd.scan.msk.s32 $0xffff, v6  }
0x2e: {  	v14, _, _ =	vpop (xrf0);
	(xrf0) =	vadd.scan.msk.s32 $0xffff, v3;
	v3 =	vld [tilespmem:$0x1FFE0]  }
0x2f: {  	vm3 =	vmand vm1, vm7  }
0x30: {  	v13 =	vsel vm1, $0x1, v0;
	v11 =	vsel vm3, $0x1, v0;
	vm7 =	vmand vm2, vm5  }
0x31: {  	vm5 =	vcmask $0x3338;
	v7 =	vsel vm6, $0x1, v0;
	vm1 =	vmand vm6, vm9  }
0x32: {  	v8 =	vsel vm7, $0x1, v0;
	v6 =	vsel vm5, $0x0, v2;
	vm6 =	vcmask $0x373C;
	v9, _, _ =	vpop (xrf0)  }
0x33: {  	[tilespmem:s10+$0x0] =	vst v2;
	v17, _, _ =	vpop (xrf0);
	vm7 =	vnez.u8 v3;
	v3 =	vbroadcast v4, $0xF;
	v4 =	vadd.s32 v13, v10  }
0x34: {  	v15 =	vsel vm2, $0x1, v0;
	v11 =	vadd.s32 v11, v10;
	v16 =	vsel vm6, $0x0, v2;
	v12, _, _ =	vpop (xrf0);
	(xrf0) =	vadd.scan.msk.s32 $0xffff, v6  }
0x35: {  	s14 =	simm.s32 $0x10;
	v5 =	vsel vm1, $0x1, v0;
	v9 =	vbroadcast v9, $0xF;
	v6, _, _ =	vpop (xrf0);
	(xrf0) =	vadd.scan.msk.s32 $0xffff, v16;
	v18 =	vsel vm7, $0x0, v2  }
0x36: {  	s15 =	simm.s32 $0x8000;
	s16 =	simm.s32 $0x8100;
	s13 =	simm.s32 $0x8100;
	v13 =	vbroadcast v14, $0xF;
	v10 =	vbroadcast v17, $0xF;
	v14 =	vadd.s32 v15, v4;
	(xrf0) =	vadd.scan.msk.s32 $0xffff, v18;
	v4, _, _ =	vpop (xrf0)  }
.LBB2_2:
0x37: {  	v12 =	vbroadcast v12, $0xF;
	v15 =	vadd.s32 v8, v11;
	v7 =	vadd.s32 v7, v14  }
0x38: {  	vm5 =	vmmov vm10;
	v6 =	vbroadcast v6, $0xF;
	vm4 =	vmmov vm12  }
0x39: {  	vm3 =	vmmov vm13;
	v4 =	vbroadcast v4, $0xF;
	vm8 =	veq.s32 v2, v13  }
0x3a: {  	v11, _, _ =	vpop (xrf0);
	s17 =	smov.u32 s14;
	vm1 =	veq.s32 v2, v9;
	v5 =	vadd.s32 v5, v15;
	vm2 =	veq.s32 v2, v10  }
0x3b: {  	v13 =	vimm.s32 $0x0;
	v11 =	vbroadcast v11, $0xF;
	v18 =	vmov s17  }
0x3c: {  	v8, _, _ =	vpop (xrf0);
	vm9 =	vmand vm8, vm13;
	v9 =	vsel vm1, $0x1, v0;
	vm0 =	vmand vm1, vm15  }
0x3d: {  	vm10 =	veq.s32 v2, v12;
	v8 =	vbroadcast v8, $0xF;
	vm11 =	veq.s32 v2, v6  }
0x3e: {  	vm1 =	vcmask $0x3F34;
	v17 =	vsel vm8, $0x1, v0;
	v18 =	vshll.u32 v18, $0x7  }
0x3f: {  	v10, _, _ =	vpop (xrf0);
	vm8 =	veq.s32 v2, v4;
	v13 =	vsel vm0, $0xFFFFFFFF, v13;
	vm0 =	vcmask $0x3F1C  }
0x40: {  	v10 =	vbroadcast v10, $0xF;
	vm12 =	veq.s32 v2, v11;
	v11 =	vimm.s32 $0x0  }
0x41: {  	v16 =	vsel vm9, $0x1, v0;
	[tilespmem:$0x1FF90] =	vst v13;
	vm0 =	vmand vm2, vm0;
	v13 =	vimm.s32 $0x0  }
0x42: {  	v14, _, _ =	vpop (xrf0);
	v19 =	vsel vm10, $0x1, v0;
	v13 =	vsel vm0, $0xFFFFFFFF, v13;
	vm0 =	vcmask $0x3F20  }
0x43: {  	v6 =	vbroadcast v14, $0xF;
	vm6 =	vmand vm10, vm0;
	vm0 =	vcmask $0x3F24  }
0x44: {  	vm13 =	veq.s32 v2, v8;
	vm7 =	vmand vm11, vm0;
	vm0 =	vcmask $0x3F2C  }
0x45: {  	[tilespmem:$0x1FFA0] =	vst v13;
	v13 =	vsel vm2, $0x1, v0;
	vm2 =	vmmov vm14;
	vm0 =	vmand vm12, vm0  }
0x46: {  	vm14 =	veq.s32 v2, v10;
	v11 =	vsel vm0, $0xFFFFFFFF, v11;
	vm0 =	vcmask $0x3F30  }
0x47: {  	v8 =	vimm.s32 $0x0;
	vm1 =	vmand vm14, vm1;
	vm0 =	vmand vm13, vm0  }
0x48: {  	v57 =	vld [tilespmem:$0x1FF90];
	v8 =	vsel vm0, $0xFFFFFFFF, v8;
	vm0 =	veq.s32 v2, v6;
	v6 =	vimm.s32 $0x0  }
0x49: {  	v6 =	vsel vm1, $0xFFFFFFFF, v6;
	vm1 =	vmmov vm15;
	vm15 =	vcmask $0x3F38  }
0x4a: {  	v20 =	vsel vm11, $0x1, v0;
	v4 =	vsel vm8, $0x1, v0;
	v59 =	vld [tilespmem:$0x1FFA0];
	vm15 =	vmand vm0, vm15  }
0x4b: {  	[tilespmem:$0x1FFC0] =	vst v8;
	v10 =	vsel vm0, $0x1, v0;
	vm0 =	veq.s32 v2, v3;
	v8 =	vsel vm15, $0x1, v0  }
0x4c: {  	vm15 =	vmmov vm1;
	vm9 =	vmand vm0, vm4;
	v22 =	vsel vm0, $0x1, v0  }
0x4d: {  	vm0 =	vcmask $0x3F28;
	vm1 =	vnez.u8 v57;
	v21 =	vsel vm9, $0x1, v0  }
0x4e: {  	v7 =	vadd.s32 v22, v7;
	v5 =	vadd.s32 v21, v5;
	v21 =	vsel vm1, $0x1, v0  }
0x4f: {  	v7 =	vadd.s32 v17, v7;
	vm1 =	vnez.u8 v59;
	v5 =	vadd.s32 v16, v5  }
0x50: {  	v16 =	vsel vm1, $0x1, v0;
	v7 =	vadd.s32 v9, v7;
	v5 =	vadd.s32 v21, v5  }
0x51: {  	v9 =	vsel vm6, $0x1, v0;
	v7 =	vadd.s32 v13, v7;
	v5 =	vadd.s32 v16, v5  }
0x52: {  	[tilespmem:$0x1FFB0] =	vst v11;
	v13 =	vsel vm7, $0x1, v0;
	v7 =	vadd.s32 v19, v7;
	v5 =	vadd.s32 v9, v5  }
0x53: {  	vm0 =	vmand vm8, vm0;
	v7 =	vadd.s32 v20, v7;
	v5 =	vadd.s32 v13, v5;
	v13 =	vld [tilespmem:$0x1FFB0]  }
0x54: {  	v12, _, _ =	vpop (xrf0);
	v14 =	vsel vm13, $0x1, v0;
	[tilespmem:$0x1FFD0] =	vst v6;
	v9 =	vsel vm0, $0x1, v0;
	v4 =	vadd.s32 v4, v7;
	v7 =	vld [tilespmem:$0x1FFC0]  }
0x55: {  	v15, _, _ =	vpop (xrf0);
	v6 =	vbroadcast v12, $0xF;
	v12 =	vsel vm12, $0x1, v0;
	v5 =	vadd.s32 v9, v5;
	v9 =	vld [tilespmem:$0x1FFD0]  }
0x56: {  	v11 =	vbroadcast v15, $0xF;
	v3 =	vor.u32 v1, v18;
	v4 =	vadd.s32 v12, v4  }
0x57: {  	v15 =	vsel vm14, $0x1, v0;
	v18 =	vor.u32 $0x1, v3;
	v4 =	vadd.s32 v14, v4  }
0x58: {  	vm1 =	vcmask $0x3F3C;
	v4 =	vadd.s32 v15, v4;
	vm0 =	vnez.u8 v13  }
0x59: {  	v4 =	vadd.s32 v10, v4;
	v13 =	vsel vm0, $0x1, v0;
	vm0 =	vnez.u8 v7  }
0x5a: {  	v7 =	vsel vm0, $0x1, v0;
	v5 =	vadd.s32 v13, v5;
	vm0 =	vnez.u8 v9  }
0x5b: {  	v9 =	vsel vm0, $0x1, v0;
	v5 =	vadd.s32 v7, v5;
	vm0 =	veq.s32 v2, v6  }
0x5c: {  	v5 =	vadd.s32 v9, v5;
	vm1 =	vmand vm0, vm1;
	v7 =	vsel vm0, $0x1, v0  }
0x5d: {  	vm0 =	veq.s32 v2, v11;
	v5 =	vadd.s32 v8, v5;
	v6 =	vsel vm1, $0x1, v0  }
0x5e: {  	v8 =	vsel vm0, $0x1, v0;
	v4 =	vadd.s32 v7, v4;
	v5 =	vadd.s32 v6, v5  }
0x5f: {  	v4 =	vadd.s32 v8, v4;
	[tilespmem:s13+$0x0] =	vst v5  }
0x60: {  	[tilespmem:v2+s9+$0x0] =	vst.idx.msk $0xffff, v4  }
0x61: {  	v2 =	vld.idx.msk [tilespmem:v3+s2+$0x0], $0xffff  }
0x62: {  	v3 =	vld.idx.msk [tilespmem:v18+s2+$0x0], $0xffff;
	_ =	sdelay $0x3  }
0x63: {  	v2 =	vmul.f32 $1.600000000e+01, v2  }
0x64: {  	v3 =	vmul.f32 $1.600000000e+01, v3  }
0x65: {  	v2 =	vadd.f32 $5.000000000e-01, v2  }
0x66: {  	v3 =	vadd.f32 $5.000000000e-01, v3  }
0x67: {  	v4 =	vtrunc.f32 v2  }
0x68: {  	v58 =	vld [tilespmem:$0x1FFF0];
	v5 =	vcvt.f32.s32 v4;
	vm0 =	vlt.f32 v2, v4;
	v2 =	vtrunc.f32 v3  }
0x69: {  	v4 =	vsel vm0, $0xFFFFFFFF, v0;
	v6 =	vcvt.f32.s32 v2;
	vm0 =	vlt.f32 v3, v2  }
0x6a: {  	v2 =	vadd.s32 v5, v4;
	v3 =	vsel vm0, $0xFFFFFFFF, v0  }
0x6b: {  	v3 =	vadd.s32 v6, v3;
	v2 =	vshll.u32 v2, $0x3  }
0x6c: {  	vm10 =	vmmov vm5;
	v3 =	vand.u32 $0x7, v3;
	v2 =	vand.u32 $0x38, v2  }
0x6d: {  	vm11 =	vnez.u8 v58;
	vm6 =	vcmask $0x308;
	v2 =	vor.u32 v3, v2  }
0x6e: {  	vm8 =	vcmask $0x70C;
	vm0 =	vcmask $0x171C;
	v4 =	vsel vm6, $0x0, v2  }
0x6f: {  	v3 =	vnsel vm11, $0x0, v2;
	v8 =	vsel vm0, $0x0, v2;
	vm0 =	vcmask $0x1B20;
	(xrf0) =	vadd.scan.msk.s32 $0xffff, v4  }
0x70: {  	v5 =	vsel vm8, $0x0, v2;
	v4 =	vsel vm0, $0x0, v2;
	vm0 =	vcmask $0x1F24;
	(xrf0) =	vadd.scan.msk.s32 $0xffff, v3  }
0x71: {  	v9 =	vsel vm0, $0x0, v2;
	vm0 =	vcmask $0x2328;
	v3 =	vsel vm10, $0x0, v2;
	(xrf0) =	vadd.scan.msk.s32 $0xffff, v5  }
0x72: {  	vm12 =	vmmov vm4;
	v10 =	vsel vm0, $0x0, v2;
	vm0 =	vcmask $0x272C;
	(xrf0) =	vadd.scan.msk.s32 $0xffff, v3;
	v3 =	vld [tilespmem:$0x1FFE0]  }
0x73: {  	vm4 =	vcmask $0xF14;
	v11 =	vsel vm0, $0x0, v2;
	vm0 =	vcmask $0x2B30  }
0x74: {  	v6 =	vsel vm4, $0x0, v2;
	v12 =	vsel vm0, $0x0, v2;
	vm0 =	vcmask $0x2F34  }
0x75: {  	v7 =	vsel vm2, $0x0, v2;
	(xrf0) =	vadd.scan.msk.s32 $0xffff, v6;
	v5 =	vsel vm0, $0x0, v2;
	vm0 =	vcmask $0x3338  }
0x76: {  	vm5 =	vcmask $0x3F04;
	(xrf0) =	vadd.scan.msk.s32 $0xffff, v7;
	v13 =	vsel vm0, $0x0, v2;
	vm0 =	vcmask $0x373C  }
0x77: {  	vm13 =	vmmov vm3;
	v14 =	vsel vm0, $0x0, v2;
	vm0 =	vnez.u8 v3;
	v3, _, _ =	vpop (xrf0);
	(xrf0) =	vadd.scan.msk.s32 $0xffff, v8  }
0x78: {  	s15 =	sadd.s32 $0x10, s15;
	vm14 =	vmmov vm2;
	vm9 =	vcmask $0x3F0C;
	v6 =	vld.idx.msk [tilespmem:v2+s9+$0x0], $0xffff;
	v3 =	vbroadcast v3, $0xF;
	v7, _, _ =	vpop (xrf0);
	(xrf0) =	vadd.scan.msk.s32 $0xffff, v4  }
0x79: {  	vm7 =	vcmask $0x3F08;
	[tilespmem:s15+$0x0] =	vst v2;
	v4 =	vbroadcast v7, $0xF;
	v7, _, _ =	vpop (xrf0);
	(xrf0) =	vadd.scan.msk.s32 $0xffff, v9  }
0x7a: {  	v15 =	vsel vm0, $0x0, v2;
	vm0 =	veq.s32 v2, v3;
	v7 =	vbroadcast v7, $0xF;
	v60, _, _ =	vpop (xrf0);
	(xrf0) =	vadd.scan.msk.s32 $0xffff, v10  }
0x7b: {  	p0 =	sne.s32 s14, $0xF0;
	vm1 =	veq.s32 v2, v4;
	vm2 =	vmand vm0, vm7;
	v4 =	vsel vm0, $0x1, v0;
	v10, _, _ =	vpop (xrf0);
	(xrf0) =	vadd.scan.msk.s32 $0xffff, v11  }
.Ltmp0:
0x7c: {  	vm0 =	vmand vm1, vm5;
	v8 =	vsel vm2, $0x1, v0;
	vm2 =	veq.s32 v2, v7;
	v3, _, _ =	vpop (xrf0);
	(xrf0) =	vadd.scan.msk.s32 $0xffff, v12;
	(pc) =	sbr.rel @p0 .LBB2_2-.Ltmp0, $4  }
0x7d: {  	v62 =	vsel vm1, $0x1, v0;
	v63 =	vadd.s32 v4, v6;
	vm3 =	vmand vm2, vm9;
	v61, _, _ =	vpop (xrf0);
	(xrf0) =	vadd.scan.msk.s32 $0xffff, v5  }
0x7e: {  	v7 =	vsel vm2, $0x1, v0;
	v11 =	vadd.s32 v8, v6;
	v8 =	vsel vm0, $0x1, v0;
	v12, _, _ =	vpop (xrf0);
	(xrf0) =	vadd.scan.msk.s32 $0xffff, v13  }
0x7f: {  	s16 =	sadd.s32 $0x10, s16;
	v9 =	vbroadcast v3, $0xF;
	v3 =	vbroadcast v60, $0xF;
	v5 =	vsel vm3, $0x1, v0;
	v6, _, _ =	vpop (xrf0);
	(xrf0) =	vadd.scan.msk.s32 $0xffff, v14  }
0x80: {  	s14 =	sadd.s32 $0x10, s14;
	s13 =	smov.u32 s16;
	v13 =	vbroadcast v10, $0xF;
	v10 =	vbroadcast v61, $0xF;
	v14 =	vadd.s32 v62, v63;
	v4, _, _ =	vpop (xrf0);
	(xrf0) =	vadd.scan.msk.s32 $0xffff, v15  }
0x81: {  	v15, _, _ =	vpop (xrf0)  }
0x82: {  	v16, _, _ =	vpop (xrf0)  }
0x83: {  	v17, _, _ =	vpop (xrf0)  }
0x84: {  	vm1 =	vcmask $0x3F38;
	v12 =	vbroadcast v12, $0xF;
	v18, _, _ =	vpop (xrf0)  }
0x85: {  	v8 =	vadd.s32 v8, v11;
	vm2 =	vcmask $0x3F1C;
	v18 =	vbroadcast v18, $0xF  }
0x86: {  	v6 =	vbroadcast v6, $0xF;
	v4 =	vbroadcast v4, $0xF;
	v5 =	vadd.s32 v5, v8  }
0x87: {  	v47 =	vbroadcast v15, $0xF;
	v49 =	vbroadcast v16, $0xF;
	v57, _, _ =	vpop (xrf0);
	vm0 =	veq.s32 v2, v18  }
0x88: {  	v53 =	vbroadcast v17, $0xF;
	v58, _, _ =	vpop (xrf0);
	v8 =	vbroadcast v57, $0xF;
	vm1 =	vmand vm0, vm1  }
0x89: {  	v59 =	vbroadcast v58, $0xF;
	v40 =	vsel vm1, $0x1, v0;
	vm1 =	veq.s32 v2, v13  }
0x8a: {  	v41 =	vsel vm0, $0x1, v0;
	vm0 =	vmand vm1, vm13;
	v43 =	vsel vm1, $0x1, v0  }
0x8b: {  	v42 =	vsel vm0, $0x1, v0;
	vm0 =	veq.s32 v2, v3;
	v3 =	vadd.s32 v7, v14  }
0x8c: {  	vm1 =	vmand vm0, vm12;
	v46 =	vsel vm0, $0x1, v0;
	vm0 =	veq.s32 v2, v10  }
0x8d: {  	v44 =	vsel vm1, $0x1, v0;
	vm1 =	veq.s32 v2, v9;
	v10 =	vsel vm0, $0x1, v0  }
0x8e: {  	vm0 =	vmand vm0, vm2;
	vm2 =	vcmask $0x3F20;
	v3 =	vadd.s32 v46, v3  }
0x8f: {  	v45 =	vsel vm1, $0x1, v0;
	vm1 =	vmand vm1, vm15;
	v20 =	vsel vm0, $0x1, v0  }
0x90: {  	vm0 =	veq.s32 v2, v6;
	v5 =	vadd.s32 v44, v5;
	v3 =	vadd.s32 v43, v3  }
0x91: {  	v19 =	vsel vm1, $0x1, v0;
	vm1 =	veq.s32 v2, v12;
	v50 =	vsel vm0, $0x1, v0  }
0x92: {  	v5 =	vadd.s32 v42, v5;
	v3 =	vadd.s32 v45, v3;
	v48 =	vsel vm1, $0x1, v0  }
0x93: {  	vm1 =	vmand vm1, vm2;
	vm2 =	vcmask $0x3F24;
	v5 =	vadd.s32 v19, v5  }
0x94: {  	v3 =	vadd.s32 v10, v3;
	vm0 =	vmand vm0, vm2;
	v21 =	vsel vm1, $0x1, v0  }
0x95: {  	vm1 =	veq.s32 v2, v4;
	vm2 =	vcmask $0x3F28;
	v5 =	vadd.s32 v20, v5  }
0x96: {  	v3 =	vadd.s32 v48, v3;
	v51 =	vsel vm0, $0x1, v0;
	vm0 =	veq.s32 v2, v47  }
0x97: {  	v52 =	vsel vm1, $0x1, v0;
	vm1 =	vmand vm1, vm2;
	vm2 =	vcmask $0x3F2C  }
0x98: {  	v5 =	vadd.s32 v21, v5;
	v3 =	vadd.s32 v50, v3;
	v22 =	vsel vm1, $0x1, v0  }
0x99: {  	vm1 =	veq.s32 v2, v49;
	v54 =	vsel vm0, $0x1, v0;
	vm0 =	vmand vm0, vm2  }
0x9a: {  	vm2 =	vcmask $0x3F30;
	v4 =	vadd.s32 v51, v5;
	v3 =	vadd.s32 v52, v3  }
0x9b: {  	v55 =	vsel vm1, $0x1, v0;
	vm1 =	vmand vm1, vm2;
	v56 =	vsel vm0, $0x1, v0  }
0x9c: {  	vm0 =	veq.s32 v2, v53;
	vm2 =	vcmask $0x3F34;
	v4 =	vadd.s32 v22, v4  }
0x9d: {  	v3 =	vadd.s32 v54, v3;
	v6 =	vsel vm0, $0x1, v0;
	vm0 =	vmand vm0, vm2  }
0x9e: {  	v60 =	vsel vm1, $0x1, v0;
	v4 =	vadd.s32 v56, v4;
	v3 =	vadd.s32 v55, v3  }
0x9f: {  	vm1 =	vcmask $0x3F3C;
	v61 =	vsel vm0, $0x1, v0;
	v4 =	vadd.s32 v60, v4  }
0xa0: {  	vm0 =	veq.s32 v2, v8;
	v3 =	vadd.s32 v6, v3;
	v4 =	vadd.s32 v61, v4  }
0xa1: {  	vm1 =	vmand vm0, vm1;
	v3 =	vadd.s32 v41, v3;
	v63 =	vsel vm0, $0x1, v0  }
0xa2: {  	vm0 =	veq.s32 v2, v59;
	v62 =	vsel vm1, $0x1, v0;
	v4 =	vadd.s32 v40, v4  }
0xa3: {  	v5 =	vsel vm0, $0x1, v0;
	v3 =	vadd.s32 v63, v3;
	v4 =	vadd.s32 v62, v4  }
0xa4: {  	v3 =	vadd.s32 v5, v3;
	[tilespmem:s13+$0x0] =	vst v4  }
0xa5: {  	[tilespmem:v2+s9+$0x0] =	vst.idx.msk $0xffff, v3  }
0xa6: {  	[hbm4b:s4+s2] =	stream.linear.scatter [tilespmem:s10], [sflag:$0x1], $0x100, $0x38;
	[tilespmem:$0x8280] =	vst v63  }
0xa7: {  	_ =	swait.ge [sflag:s8], $0x100  }
0xa8: {  	[sflag:s8] =	ssyncset.done $0x0  }
0xa9: {  	[sflag:s8] =	ssyncadd.s32 $0xFFFFFF00  }
0xaa: {  	[hbm4b:s5+s2] =	stream.linear.scatter [tilespmem:s11], [sflag:$0x1], $0x100, $0x38;
	[tilespmem:$0x8280] =	vst v63  }
0xab: {  	s12 =	sadd.s32 $0x1, s12;
	_ =	swait.ge [sflag:s8], $0x100  }
0xac: {  	p0 =	sne.s32 s12, s7;
	[sflag:s8] =	ssyncset.done $0x0  }
.Ltmp1:
0xad: {  	[sflag:s8] =	ssyncadd.s32 $0xFFFFFF00;
	(pc) =	sbr.rel @p0 .LBB2_1-.Ltmp1, $4  }
0xae: {  	[hbm4b:s6+s2] =	stream.linear.scatter [tilespmem:s9], [sflag:$0x1], $0x80, $0x38;
	[tilespmem:$0x8280] =	vst v63  }
0xaf: {  	_ =	swait.ge [sflag:s8], $0x80  }
0xb0: {  	[sflag:s8] =	ssyncset.done $0x0  }
0xb1: {  	vm2 =	vcmask $0x1B20;
	vm0 =	vcmask $0x171C;
	[sflag:s8] =	ssyncadd.s32 $0xFFFFFF80  }
0xb2: {  	_ =	sfence.sel $0x180000  }
0xb3: {  	[bflag:$0x0] =	sbarrier.arrive $0xFFFF  }
0xb4: {  	p0 =	sne.s32 s0, $0x0;
	_ =	strace $0x90000047  }
0xb5: {  	s0 =	sadd.s32 @!p0 $0x100000, s1;
	[bflag:$0x2] =	sbarrier.arrive $0xFFFF  }
0xb6: {  	[sflag:s0] =	ssyncadd.tile.s32 @!p0 $0x1;
	_ =	shalt  }
.Lfunc_end2:
_tile_overlayer_lowered:
.L_overlay_start_2:
0xb7: {  	(tag) =	ssettag $0x2  }
0xb8: {  	s0 =	rddreg [dreg:$0x0];
	s2 =	stileid.u32  }
0xb9: {  	s1 =	rddreg [dreg:$0x1];
	p0 =	sne.s32 s2, $0x0  }
0xba: {  	s3 =	rddreg [dreg:$0x2];
	[bflag:$0x3] =	sbarrier.arrive $0xFFFF;
	s2 =	simm.s32 @!p0 $0x1C01  }
0xbb: {  	[timem:s3], [sflag:s2] =	dma.local @!p0 [hbm:s0], s1  }
0xbc: {  	s0 =	simm.s32 @!p0 $0x1  }
0xbd: {  	_ =	swait.ge @!p0 [sflag:s0], s1  }
0xbe: {  	s1 =	ssub.s32 @!p0 $0x0, s1;
	[sflag:s0] =	ssyncset.done @!p0 $0x0  }
0xbf: {  	[sflag:s0] =	ssyncadd.s32 @!p0 s1  }
0xc0: {  	[bflag:$0x3] =	sbarrier.arrive $0xFFFF  }
0xc1: {  	_ =	shalt  }

// kernel: kernel.9.cloned.1.call-start
scs
__scs_entry_jumppad:
0x0: {  	(pc) =	sbr.rel $0x88, $3  }
0x1: {  	(tag) =	ssettag $0x0;
	lr =	simm.s32 $0x1  }
0x2: {  	[smem:$0x3F9D] =	sst lr;
	_ =	strace $0xD0000000  }
0x3: {  	_ = 	snop  }
0x4: {  	_ = 	snop  }
0x5: {  	_ = 	snop  }
0x6: {  	_ = 	snop  }
0x7: {  	_ = 	snop  }
__scs_overlays_trampoline_lowered:
0x8: {  	[smem:$0x3FAC] =	sst s0  }
0x9: {  	[smem:$0x3FAD] =	sst s1  }
0xa: {  	[smem:$0x3FAE] =	sst s2  }
0xb: {  	[smem:$0x3FAF] =	sst s3  }
0xc: {  	[smem:$0x3FB0] =	sst s4  }
0xd: {  	[smem:$0x3FB1] =	sst s5  }
0xe: {  	[smem:$0x3FB2] =	sst s6  }
0xf: {  	[smem:$0x3FB3] =	sst s7  }
0x10: {  	[smem:$0x3FB4] =	sst s8  }
0x11: {  	[smem:$0x3FB5] =	sst s9;
	s0 =	simm.s32 @!p0 $0x0  }
0x12: {  	s1 =	sld [smem:$0x3F9B];
	s0 =	simm.s32 @p0 $0x1  }
0x13: {  	[smem:$0x3FB6] =	sst s0;
	s0 =	simm.s32 @!p1 $0x0  }
0x14: {  	s2 =	sld [smem:$0x3F9A];
	s0 =	simm.s32 @p1 $0x1  }
0x15: {  	[smem:$0x3FB7] =	sst s0;
	s0 =	simm.s32 @!p2 $0x0  }
0x16: {  	s3 =	sld [smem:$0x3FDB];
	s0 =	simm.s32 @p2 $0x1  }
0x17: {  	s4 =	simm.s32 $0x1BF5;
	[smem:$0x3FB9] =	sst s0  }
0x18: {  	s0 =	sld [smem:$0x3F9C];
	_ =	swait.ge [sflag:s4], $0x0  }
0x19: {  	s7 =	sld [smem:$0x3F9D]  }
0x1a: {  	s8 =	sadd.s32 $0xFFFFE003, lr  }
0x1b: {  	s9 =	sadd.s32 $0xFFFFFEF7, lr;
	s5 =	simm.s32 $0xFFFFFFFF;
	p2 =	slt.u32 s8, $0xFFFFF086  }
0x1c: {  	p1 =	slt.u32 s9, $0xF7A;
	s5 =	simm.s32 @!p2 $0x0  }
0x1d: {  	s5 =	simm.s32 @p1 $0x1;
	p0 =	seq.s32 s7, s2  }
0x1e: {  	s7 =	smul.u32 @!p0 $0xF7A, s2;
	p2 =	seq.s32 @!p0 s5, $0x0  }
0x1f: {  	s9 =	smul.u32 $0xF7A, s1;
	s8 =	simm.s32 @!p0 $0x1BF5;
	p2 =	por !p2, p0  }
0x20: {  	[sflag:s8] =	ssyncset.s32 @!p0 $0xFFFFF086;
	s6 =	sadd.s32 @!p0 s3, s7;
	s7 =	simm.s32 @!p0 $0x108  }
0x21: {  	s3 =	sadd.s32 s3, s9;
	s6 =	sadd.s32 @!p0 $0x88, s6;
	s7 =	simm.s32 @p2 $0x1082  }
0x22: {  	[simem:s7], [sflag:s8] =	dma.local @!p0 [hbm:s6], $0xF7A  }
0x23: {  	s9 =	sor.u32 $0xD0000000, s2;
	s6 =	simm.s32 $0x108;
	_ =	swait.ge @!p0 [sflag:s8], $0x0  }
0x24: {  	s3 =	sadd.s32 $0x88, s3;
	s6 =	simm.s32 @!p1 $0x1082;
	[sflag:s4] =	ssyncset.s32 $0xFFFFF086  }
0x25: {  	[simem:s6], [sflag:s4] =	dma.local [hbm:s3], $0xF7A  }
0x26: {  	[smem:$0x3F9D] =	sst s1;
	(tag) =	ssettag s2;
	_ =	strace s9  }
0x27: {  	s1 =	sld [smem:$0x3FAD]  }
0x28: {  	s2 =	sld [smem:$0x3FAE]  }
0x29: {  	s4 =	sld [smem:$0x3FB0]  }
0x2a: {  	p0 =	seq.s32 s5, $0x0;
	s5 =	sld [smem:$0x3FB1]  }
0x2b: {  	s6 =	sld [smem:$0x3FB2]  }
0x2c: {  	s7 =	sld [smem:$0x3FB3]  }
0x2d: {  	s3 =	simm.s32 $0x108;
	s8 =	sld [smem:$0x3FB4]  }
0x2e: {  	s3 =	simm.s32 @!p0 $0x1082;
	s9 =	sld [smem:$0x3FB5]  }
0x2f: {  	lr =	sadd.s32 s0, s3;
	s0 =	sld [smem:$0x3FAC]  }
0x30: {  	s3 =	sld [smem:$0x3FAF]  }
0x31: {  	[smem:$0x3FB8] =	sst s10  }
0x32: {  	s10 =	sld [smem:$0x3FB6];
	_ =	sdelay $0x3  }
0x33: {  	p0 =	seq.s32 s10, $0x1;
	s10 =	sld [smem:$0x3FB8];
	_ =	sdelay $0x3  }
0x34: {  	[smem:$0x3FB8] =	sst s10  }
0x35: {  	s10 =	sld [smem:$0x3FB7];
	_ =	sdelay $0x3  }
0x36: {  	p1 =	seq.s32 s10, $0x1;
	s10 =	sld [smem:$0x3FB8];
	_ =	sdelay $0x3  }
0x37: {  	[smem:$0x3FB8] =	sst s10  }
0x38: {  	s10 =	sld [smem:$0x3FB9]  }
0x39: {  	_ = 	snop;
	(pc) =	sbr.ind lr, $3  }
0x3a: {  	_ = 	snop  }
0x3b: {  	_ = 	snop  }
0x3c: {  	p2 =	seq.s32 s10, $0x1;
	s10 =	sld [smem:$0x3FB8]  }
0x3d: {  	_ =	shalt  }
0x3e: {  	_ =	shalt  }
0x3f: {  	_ =	shalt  }
0x40: {  	_ =	shalt  }
0x41: {  	_ =	shalt  }
0x42: {  	_ =	shalt  }
0x43: {  	_ =	shalt  }
0x44: {  	_ =	shalt  }
0x45: {  	_ =	shalt  }
0x46: {  	_ =	shalt  }
0x47: {  	_ =	shalt  }
0x48: {  	_ =	shalt  }
0x49: {  	_ =	shalt  }
0x4a: {  	_ =	shalt  }
0x4b: {  	_ =	shalt  }
0x4c: {  	_ =	shalt  }
0x4d: {  	_ =	shalt  }
0x4e: {  	_ =	shalt  }
0x4f: {  	_ =	shalt  }
0x50: {  	_ =	shalt  }
0x51: {  	_ =	shalt  }
0x52: {  	_ =	shalt  }
0x53: {  	_ =	shalt  }
0x54: {  	_ =	shalt  }
0x55: {  	_ =	shalt  }
0x56: {  	_ =	shalt  }
0x57: {  	_ =	shalt  }
0x58: {  	_ =	shalt  }
0x59: {  	_ =	shalt  }
0x5a: {  	_ =	shalt  }
0x5b: {  	_ =	shalt  }
0x5c: {  	_ =	shalt  }
0x5d: {  	_ =	shalt  }
0x5e: {  	_ =	shalt  }
0x5f: {  	_ =	shalt  }
0x60: {  	_ =	shalt  }
0x61: {  	_ =	shalt  }
0x62: {  	_ =	shalt  }
0x63: {  	_ =	shalt  }
0x64: {  	_ =	shalt  }
0x65: {  	_ =	shalt  }
0x66: {  	_ =	shalt  }
0x67: {  	_ =	shalt  }
0x68: {  	_ =	shalt  }
0x69: {  	_ =	shalt  }
0x6a: {  	_ =	shalt  }
0x6b: {  	_ =	shalt  }
0x6c: {  	_ =	shalt  }
0x6d: {  	_ =	shalt  }
0x6e: {  	_ =	shalt  }
0x6f: {  	_ =	shalt  }
0x70: {  	_ =	shalt  }
0x71: {  	_ =	shalt  }
0x72: {  	_ =	shalt  }
0x73: {  	_ =	shalt  }
0x74: {  	_ =	shalt  }
0x75: {  	_ =	shalt  }
0x76: {  	_ =	shalt  }
0x77: {  	_ =	shalt  }
0x78: {  	_ =	shalt  }
0x79: {  	_ =	shalt  }
0x7a: {  	_ =	shalt  }
0x7b: {  	_ =	shalt  }
0x7c: {  	_ =	shalt  }
0x7d: {  	_ =	shalt  }
0x7e: {  	_ =	shalt  }
0x7f: {  	_ =	shalt  }
0x80: {  	_ =	shalt  }
0x81: {  	_ =	shalt  }
0x82: {  	_ =	shalt  }
0x83: {  	_ =	shalt  }
0x84: {  	_ =	shalt  }
0x85: {  	_ =	shalt  }
0x86: {  	_ =	shalt  }
0x87: {  	_ =	shalt  }
.Lfunc_end0:
.L_simem_size_0:
called_computation.1_lowered:
.L_overlay_start_0:
0x88: {  	s2 =	sld [smem:$0x3FD9]  }
0x89: {  	s3 =	sld [smem:$0x3FFE];
	_ =	sdelay $0x1  }
0x8a: {  	s1 =	srdreg.scid  }
0x8b: {  	s0 =	sand.u32 $0x1, s1  }
0x8c: {  	s17 =	sshll.u32 s0, $0xA;
	s2 =	sadd.s32 s3, s2  }
0x8d: {  	s2 =	sadd.s32 s2, s17  }
0x8e: {  	[smem:$0x3FC4] =	sst s2  }
0x8f: {  	_ = 	snop  }
0x90: {  	s2 =	sld [smem:$0x3FC9]  }
0x91: {  	s18 =	sld [smem:$0x3FD0];
	(tm) =	ssettm $0x1  }
0x92: {  	s4 =	sld [smem:$0x3FFB];
	_ =	sdelay $0x3  }
0x93: {  	_ =	strace s4  }
0x94: {  	s4 =	sld [smem:$0x3FFC];
	_ =	sdelay $0x3  }
0x95: {  	_ =	strace s4  }
0x96: {  	s4 =	sld [smem:$0x3FFD];
	_ =	sdelay $0x3  }
0x97: {  	_ =	strace s4  }
0x98: {  	_ =	strace $0x8FFFFFFF  }
0x99: {  	s19 =	sld [smem:$0x3FDB];
	_ =	sdelay $0x1  }
0x9a: {  	s5 =	simm.s32 $_scs_section_size  }
0x9b: {  	s6 =	simm.s32 $_size__tile_overlayer_lowered;
	s7 =	simm.s32 $_tile_overlayer_lowered  }
0x9c: {  	s22 =	simm.s32 $0x1BFF;
	s21 =	sshll.u32 s7, $0x1;
	s4 =	sadd.s32 s5, s19  }
0x9d: {  	s8 =	simm.s32 $0x0;
	s20 =	sshll.u32 s6, $0x1;
	s6 =	sadd.s32 s21, s4  }
0x9e: {  	[timem:s8], [sflag:s22] =	dma.local [hbm:s6], s20  }
0x9f: {  	_ =	swait.ge [sflag:s22], s20  }
0xa0: {  	s5 =	ssub.s32 $0x0, s20;
	[sflag:s22] =	ssyncset.done $0x0  }
0xa1: {  	[sflag:s22] =	ssyncadd.s32 s5;
	_ =	sdelay $0x1  }
0xa2: {  	s23 =	simm.s32 $0x1B8B  }
0xa3: {  	_ =	swait.ge [sflag:s23], $0x1  }
0xa4: {  	[sflag:s23] =	ssyncset.done $0x0  }
0xa5: {  	s25 =	simm.s32 $0x1B8E;
	s24 =	sld [smem:$0x3FFE];
	[sflag:s23] =	ssyncadd.s32 $0xFFFFFFFF  }
0xa6: {  	s26 =	simm.s32 $execute0_lowered;
	[smem:$0x3FD2] =	sst s25  }
0xa7: {  	s6 =	sshll.u32 s26, $0x1;
	_ =	strace $0x80000049;
	[dreg:$0x1] =	wrdreg $0xFFFFFFFF  }
0xa8: {  	s28 =	simm.s32 $_size_execute0_lowered;
	s4 =	sadd.s32 s4, s6;
	[dreg:$0x0] =	wrdreg $0x0  }
0xa9: {  	s6 =	sshll.u32 s28, $0x1;
	[dreg:$0x2] =	wrdreg s4  }
0xaa: {  	[dreg:$0x3] =	wrdreg s6  }
0xab: {  	[dreg:$0x4] =	wrdreg $0xC0  }
0xac: {  	_ =	task [dreg:s8], $0x5FFFF  }
0xad: {  	[dreg:$0x1] =	wrdreg $0xFFFFFFFF  }
0xae: {  	[dreg:$0x0] =	wrdreg $0x60  }
0xaf: {  	[dreg:$0x2] =	wrdreg s2  }
0xb0: {  	[dreg:$0x3] =	wrdreg s24  }
0xb1: {  	[dreg:$0x4] =	wrdreg s18  }
0xb2: {  	[dreg:$0x5] =	wrdreg $0x9  }
0xb3: {  	_ =	task.clear_ibuf [dreg:s8], $0x6FFFF;
	_ =	strace $0x90000049  }
0xb4: {  	s29 =	simm.s32 $0x9;
	_ =	strace $0x8000004B  }
0xb5: {  	_ =	swait.ge [sflag:s29], $0x1  }
0xb6: {  	[sflag:s29] =	ssyncadd.s32 $0xFFFFFFFF  }
0xb7: {  	_ =	strace $0x9000004B  }
0xb8: {  	_ =	sfence  }
0xb9: {  	s30 =	sld [smem:$0x0];
	_ =	sdelay $0x2  }
0xba: {  	s31 =	sshll.u32 s1, $0xD;
	s1 =	sshrl.u32 s1, $0x2  }
0xbb: {  	s3 =	sand.u32 $0x4000, s31;
	s1 =	sadd.s32 s1, s30  }
0xbc: {  	s0 =	sor.u32 s3, s0;
	s1 =	sshll.u32 s1, $0x11  }
0xbd: {  	s0 =	sor.u32 s1, s0  }
0xbe: {  	s0 =	sadd.s32 $0x8F2B, s0  }
0xbf: {  	[sflag:s0] =	ssyncadd.remote.s32 $0x1  }
0xc0: {  	_ =	sfence.sel $0xFFFF  }
0xc1: {  	[dreg:$0x0] =	wrdreg $0xFFFFFFFF;
	(pc) =	sbr.abs _section_cstart, $3  }
0xc2: {  	[dreg:$0x1] =	wrdreg $0xFFFFFFFF  }
0xc3: {  	_ =	task.clear_ibuf [dreg:s8], $0x2FFFF;
	_ =	strace $0x9FFFFFFF  }
0xc4: {  	(tm) =	ssettm $0x7FFFFFFF  }
0xc5: {  	_ =	shalt  }
tec
execute0_lowered:
.L_overlay_start_1:
0x0: {  	(tag) =	ssettag $0x1  }
0x1: {  	s0 =	rddreg [dreg:$0x0]  }
0x2: {  	s1 =	rddreg [dreg:$0x1];
	s3 =	simm.s32 $0x0;
	s2 =	srdreg.scid  }
0x3: {  	s4 =	stileid.u32;
	s16 =	simm.s32 $0x2;
	s28 =	simm.s32 $0x1380  }
0x4: {  	s17 =	simm.s32 $0x4600;
	s18 =	simm.s32 $0x4E00;
	s22 =	simm.s32 $0x7600  }
0x5: {  	s23 =	simm.s32 $0x7E00;
	s11 =	simm.s32 $0x8600;
	s13 =	simm.s32 $0xA600  }
0x6: {  	s21 =	simm.s32 $0xAE00;
	s19 =	simm.s32 $0xB600;
	s14 =	simm.s32 $0xC600  }
0x7: {  	s20 =	simm.s32 $0xCE00;
	[smem:$0x7FF] =	sst s3;
	s2 =	sand.u32 $0x1, s2  }
0x8: {  	s4 =	sshll.u32 s4, $0x1;
	s5 =	sadd.s32 $0x2000, s1;
	s6 =	sadd.s32 $0x2200, s1  }
0x9: {  	s10 =	sadd.s32 $0x2300, s1;
	s12 =	sadd.s32 $0x2400, s1;
	_ =	strace $0x8000004A  }
0xa: {  	[dreg:$0x4] =	wrdreg s5;
	s5 =	sor.u32 s2, s4;
	s2 =	ssub.s32 $0x2, s2  }
0xb: {  	s4 =	sshll.u32 s5, $0x5;
	s7 =	smul.u32 $0x6000, s5;
	s8 =	sshrl.u32 s2, $0x1  }
0xc: {  	s9 =	smul.u32 $0x30000, s5;
	p0 =	sne.s32 s5, $0x0;
	s4 =	sadd.s32 s4, s1  }
0xd: {  	s2 =	ssub.s32 s2, s8;
	s1 =	simm.s32 $0x0;
	s24 =	sadd.s32 $0x1800, s4  }
0xe: {  	s8 =	simm.s32 $0x6600;
	s25 =	sadd.s32 $0x1C00, s4;
	[dreg:$0x5] =	wrdreg s24  }
0xf: {  	v1 =	vimm.s32 $0xEDCBA987;
	s7 =	sadd.s32 s0, s7;
	s26 =	sshrl.u32 s9, $0x3;
	[dreg:$0x6] =	wrdreg s25  }
0x10: {  	v0 =	vlaneseq.u32;
	v3 =	vimm.s32 $0x65432100;
	v4 =	vunpack.c.l.s4.s8 v1;
	s29 =	sadd.s32 $0x182200, s4;
	s30 =	sadd.s32 $0x182210, s4;
	[dreg:$0x7] =	wrdreg s7  }
.Ltmp0:
0x11: {  	vm0 =	vmmov $0xffff;
	vm1 =	vcmask $0x3F04;
	v5 =	vunpack.c.l.s4.s8 v3;
	s31 =	smax.u32 s2, $0x1;
	[dreg:$0x8] =	wrdreg s29;
	(pc) =	sbr.rel .LBB2_1-.Ltmp0, $4  }
0x12: {  	v1 =	vimm.s32 $0x0;
	v2 =	vor.u32 $0x10, v0;
	v7 =	vunpack.c.0.s8.s32 v4;
	s2 =	simm.s32 $0x3E00;
	s4 =	simm.s32 $0x5600;
	[dreg:$0xa] =	wrdreg s30  }
0x13: {  	v3 =	vor.u32 $0x20, v0;
	v6 =	vshrl.u32 v0, $0x3;
	v8 =	vunpack.c.0.s8.s32 v5;
	s9 =	simm.s32 $0x6E00;
	s0 =	sadd.s32 s0, s26;
	[dreg:$0xb] =	wrdreg s31  }
0x14: {  	v6 =	vmul.u32 $0x8, v6;
	v4 =	vor.u32 $0x30, v0;
	v9 =	vand.u32 $0xF, v7;
	s7 =	simm.s32 $0x5E00;
	s24 =	simm.s32 $0x8E00;
	s0 =	sadd.s32 $0x3000, s0  }
0x15: {  	v5 =	vand.u32 $0x7, v0;
	v7 =	vor.u32 $0x8, v0;
	v8 =	vcombine.low v8, v9;
	s25 =	simm.s32 $0x9600;
	s26 =	simm.s32 $0x9E00;
	[dreg:$0x9] =	wrdreg s0  }
.LBB2_11:
0x16: {  	s1 =	sadd.s32 $0x1, s1;
	s15 =	rddreg [dreg:$0xb]  }
0x17: {  	p1 =	sne.s32 s1, s15  }
.Ltmp1:
0x18: {  	_ = 	snop;
	(pc) =	sbr.rel @!p1 .LBB2_12-.Ltmp1, $1  }
0x19: {  	_ =	sdelay $0x3  }
.LBB2_1:
0x1a: {  	s15 =	rddreg [dreg:$0x4]  }
0x1b: {  	[tilespmem:s3], [sflag:$0x2] =	stream.linear.gather [hbm4b:s15+s3], $0x1000, $0x38;
	[tilespmem:$0x19600] =	vst v63  }
0x1c: {  	_ =	swait.ge [sflag:s16], $0x1000  }
0x1d: {  	[sflag:s16] =	ssyncset.done $0x0  }
0x1e: {  	s29 =	simm.s32 $0x1080;
	s30 =	rddreg [dreg:$0x5];
	[sflag:s16] =	ssyncadd.s32 $0xFFFFF000  }
0x1f: {  	[tilespmem:s29], [sflag:$0x2] =	stream.linear.gather [hbm4b:s30+s3], $0x100, $0x38;
	[tilespmem:$0x19600] =	vst v63  }
0x20: {  	_ =	swait.ge [sflag:s16], $0x100  }
0x21: {  	[sflag:s16] =	ssyncset.done $0x0  }
0x22: {  	s29 =	simm.s32 $0x1180;
	s31 =	rddreg [dreg:$0x6];
	[sflag:s16] =	ssyncadd.s32 $0xFFFFFF00  }
0x23: {  	[tilespmem:s29], [sflag:$0x2] =	stream.linear.gather [hbm4b:s31+s3], $0x100, $0x38;
	[tilespmem:$0x19600] =	vst v63  }
0x24: {  	_ =	swait.ge [sflag:s16], $0x100  }
0x25: {  	[sflag:s16] =	ssyncset.done $0x0  }
0x26: {  	[sflag:s16] =	ssyncadd.s32 $0xFFFFFF00  }
0x27: {  	[tilespmem:$0x1380] =	vst v1  }
0x28: {  	[tilespmem:$0x1390] =	vst v1  }
0x29: {  	[tilespmem:$0x13A0] =	vst v1  }
0x2a: {  	[tilespmem:$0x13B0] =	vst v1  }
0x2b: {  	[tilespmem:$0x13C0] =	vst v1  }
0x2c: {  	[tilespmem:$0x13D0] =	vst v1  }
0x2d: {  	[tilespmem:$0x13E0] =	vst v1  }
0x2e: {  	[tilespmem:$0x13F0] =	vst v1  }
0x2f: {  	v10 =	vld [tilespmem:s3+$0x0];
	_ =	sdelay $0x3  }
0x30: {  	p1 =	sgt.u32 s5, $0x0  }
0x31: {  	s15 =	simm.s32 $0x1;
	s29 =	simm.s32 $0x80;
	v9 =	vadd.s32 v1, v10;
	v11 =	vpsel !p1, $0x0, v10;
	v10 =	vimm.s32 $0x0  }
.LBB2_2:
0x32: {  	v12 =	vld [tilespmem:s29+$0x0];
	p1 =	sne.s32 s15, $0x1F;
	v10 =	vadd.s32 v10, v11;
	s30 =	smov.u32 s15;
	s15 =	sadd.s32 $0x1, s15  }
.Ltmp2:
0x33: {  	(pc) =	sbr.rel @p1 .LBB2_2-.Ltmp2, $3  }
0x34: {  	_ =	sdelay $0x1  }
0x35: {  	p2 =	slt.u32 s30, s5  }
0x36: {  	s29 =	sadd.s32 $0x80, s29;
	v9 =	vadd.s32 v9, v12;
	v11 =	vpsel !p2, $0x0, v12  }
0x37: {  	v9 =	vadd.s32 $0x7F, v9  }
0x38: {  	v12 =	vshra.s32 v9, $0x1F;
	v13 =	vand.u32 $0x7F, v9  }
0x39: {  	vm2 =	vlt.s32 v9, $0x1;
	v12 =	vshrl.u32 v12, $0x19;
	vm3 =	vne.s32 v13, $0x0  }
0x3a: {  	v9 =	vadd.s32 v12, v9;
	vm2 =	vmand vm2, vm3  }
0x3b: {  	v9 =	vshra.s32 v9, $0x7;
	v12 =	vsel vm2, $0xFFFFFFFF, v1  }
0x3c: {  	v12 =	vadd.s32 v12, v9  }
0x3d: {  	(xrf0) =	vadd.scan.msk.s32 $0xffff, v12;
	_ =	sdelay $0x5  }
0x3e: {  	v9, _, _ =	vpop (xrf0)  }
0x3f: {  	v13 =	vsub.s32 v9, v12  }
0x40: {  	vm3 =	vgt.s32 v12, $0x0;
	vm2 =	vlt.s32 v13, $0x7F  }
0x41: {  	v12 =	vnsel vm2, $0x7F, v13;
	_ =	sdelay $0x1  }
0x42: {  	v10 =	vadd.s32 v10, v11;
	v11 =	vshll.u32 v13, $0x7  }
0x43: {  	v10 =	vadd.s32 v10, v11  }
0x44: {  	[tilespmem:$0x1000] =	vst v10  }
0x45: {  	s15 =	simm.s32 $0x10;
	[tilespmem:v12+s28+$0x0] =	vst.idx.msk vm3, v0  }
0x46: {  	v12 =	vld [tilespmem:s15+$0x0];
	_ =	sdelay $0x3  }
0x47: {  	p1 =	sgt.u32 s5, $0x0;
	v10 =	vimm.s32 $0x0  }
0x48: {  	s29 =	simm.s32 $0x90;
	s15 =	simm.s32 $0x1;
	v11 =	vadd.s32 v10, v12;
	v12 =	vpsel !p1, $0x0, v12  }
.LBB2_4:
0x49: {  	v13 =	vld [tilespmem:s29+$0x0];
	p1 =	sne.s32 s15, $0x1F;
	v10 =	vadd.s32 v10, v12;
	s30 =	smov.u32 s15;
	s15 =	sadd.s32 $0x1, s15  }
.Ltmp3:
0x4a: {  	(pc) =	sbr.rel @p1 .LBB2_4-.Ltmp3, $3  }
0x4b: {  	_ =	sdelay $0x1  }
0x4c: {  	p2 =	slt.u32 s30, s5  }
0x4d: {  	s29 =	sadd.s32 $0x80, s29;
	v11 =	vadd.s32 v11, v13;
	v12 =	vpsel !p2, $0x0, v13  }
0x4e: {  	v11 =	vadd.s32 $0x7F, v11  }
0x4f: {  	v13 =	vshra.s32 v11, $0x1F;
	v14 =	vand.u32 $0x7F, v11  }
0x50: {  	vm2 =	vlt.s32 v11, $0x1;
	v13 =	vshrl.u32 v13, $0x19;
	vm3 =	vne.s32 v14, $0x0  }
0x51: {  	v11 =	vadd.s32 v13, v11;
	vm2 =	vmand vm2, vm3  }
0x52: {  	v11 =	vshra.s32 v11, $0x7;
	v13 =	vsel vm2, $0xFFFFFFFF, v1  }
0x53: {  	v13 =	vadd.s32 v13, v11  }
0x54: {  	(xrf0) =	vadd.scan.msk.s32 $0xffff, v13;
	_ =	sdelay $0x5  }
0x55: {  	v14 =	vbroadcast v9, $0xF;
	v11, _, _ =	vpop (xrf0)  }
0x56: {  	v15 =	vsub.s32 v11, v13  }
0x57: {  	v14 =	vadd.s32 v14, v15  }
0x58: {  	vm3 =	vgt.s32 v13, $0x0;
	vm2 =	vlt.s32 v14, $0x7F  }
0x59: {  	v13 =	vnsel vm2, $0x7F, v14;
	_ =	sdelay $0x1  }
0x5a: {  	v10 =	vadd.s32 v10, v12;
	v12 =	vshll.u32 v14, $0x7  }
0x5b: {  	v10 =	vadd.s32 v10, v12  }
0x5c: {  	[tilespmem:$0x1010] =	vst v10  }
0x5d: {  	s15 =	simm.s32 $0x20;
	[tilespmem:v13+s28+$0x0] =	vst.idx.msk vm3, v2  }
0x5e: {  	v12 =	vld [tilespmem:s15+$0x0];
	_ =	sdelay $0x3  }
0x5f: {  	p1 =	sgt.u32 s5, $0x0;
	v10 =	vimm.s32 $0x0  }
0x60: {  	s29 =	simm.s32 $0xA0;
	s15 =	simm.s32 $0x1;
	v13 =	vadd.s32 v10, v12;
	v12 =	vpsel !p1, $0x0, v12  }
.LBB2_6:
0x61: {  	v14 =	vld [tilespmem:s29+$0x0];
	p1 =	sne.s32 s15, $0x1F;
	v10 =	vadd.s32 v10, v12;
	s30 =	smov.u32 s15;
	s15 =	sadd.s32 $0x1, s15  }
.Ltmp4:
0x62: {  	(pc) =	sbr.rel @p1 .LBB2_6-.Ltmp4, $3  }
0x63: {  	_ =	sdelay $0x1  }
0x64: {  	p2 =	slt.u32 s30, s5  }
0x65: {  	s29 =	sadd.s32 $0x80, s29;
	v13 =	vadd.s32 v13, v14;
	v12 =	vpsel !p2, $0x0, v14  }
0x66: {  	(v2sf) =	vpush v9, $0xF  }
0x67: {  	(v2sf) =	vpush v11, $0xF;
	_ =	sdelay $0x2  }
0x68: {  	v9 =	vadd.s32 $0x7F, v13  }
0x69: {  	v11 =	vshra.s32 v9, $0x1F;
	v13 =	vand.u32 $0x7F, v9  }
0x6a: {  	vm2 =	vlt.s32 v9, $0x1;
	v11 =	vshrl.u32 v11, $0x19;
	vm3 =	vne.s32 v13, $0x0  }
0x6b: {  	v9 =	vadd.s32 v11, v9;
	vm2 =	vmand vm2, vm3  }
0x6c: {  	v9 =	vshra.s32 v9, $0x7;
	v11 =	vsel vm2, $0xFFFFFFFF, v1  }
0x6d: {  	v11 =	vadd.s32 v11, v9  }
0x6e: {  	(xrf0) =	vadd.scan.msk.s32 $0xffff, v11;
	_ =	sdelay $0x4  }
0x6f: {  	s15 =	spop (v2sf)  }
0x70: {  	v9, _, _ =	vpop (xrf0);
	s29 =	spop (v2sf)  }
0x71: {  	v13 =	vsub.s32 v9, v11;
	s15 =	sadd.s32 s15, s29  }
0x72: {  	v13 =	vadd.s32 s15, v13  }
0x73: {  	vm3 =	vgt.s32 v11, $0x0;
	vm2 =	vlt.s32 v13, $0x7F  }
0x74: {  	v11 =	vnsel vm2, $0x7F, v13;
	_ =	sdelay $0x1  }
0x75: {  	v10 =	vadd.s32 v10, v12;
	v12 =	vshll.u32 v13, $0x7  }
0x76: {  	v10 =	vadd.s32 v10, v12  }
0x77: {  	[tilespmem:$0x1020] =	vst v10  }
0x78: {  	s29 =	simm.s32 $0x30;
	[tilespmem:v11+s28+$0x0] =	vst.idx.msk vm3, v3  }
0x79: {  	v11 =	vld [tilespmem:s29+$0x0];
	_ =	sdelay $0x3  }
0x7a: {  	p1 =	sgt.u32 s5, $0x0;
	v10 =	vimm.s32 $0x0  }
0x7b: {  	[dreg:$0xc] =	wrdreg s1;
	s30 =	simm.s32 $0xB0;
	s29 =	simm.s32 $0x1;
	v12 =	vadd.s32 v10, v11;
	v11 =	vpsel !p1, $0x0, v11  }
.LBB2_8:
0x7c: {  	v13 =	vld [tilespmem:s30+$0x0];
	p1 =	sne.s32 s29, $0x1F;
	v10 =	vadd.s32 v10, v11;
	s31 =	smov.u32 s29;
	s29 =	sadd.s32 $0x1, s29  }
.Ltmp5:
0x7d: {  	(pc) =	sbr.rel @p1 .LBB2_8-.Ltmp5, $3  }
0x7e: {  	_ =	sdelay $0x1  }
0x7f: {  	p2 =	slt.u32 s31, s5  }
0x80: {  	s30 =	sadd.s32 $0x80, s30;
	v12 =	vadd.s32 v12, v13;
	v11 =	vpsel !p2, $0x0, v13  }
0x81: {  	(v2sf) =	vpush v9, $0xF;
	_ =	sdelay $0x2  }
0x82: {  	v9 =	vadd.s32 $0x7F, v12  }
0x83: {  	v12 =	vshra.s32 v9, $0x1F;
	v13 =	vand.u32 $0x7F, v9  }
0x84: {  	vm2 =	vlt.s32 v9, $0x1;
	v12 =	vshrl.u32 v12, $0x19;
	vm3 =	vne.s32 v13, $0x0  }
0x85: {  	v9 =	vadd.s32 v12, v9;
	vm2 =	vmand vm2, vm3  }
0x86: {  	v9 =	vshra.s32 v9, $0x7;
	v47 =	vsel vm2, $0xFFFFFFFF, v1  }
0x87: {  	v12 =	vadd.s32 v47, v9  }
0x88: {  	(xrf0) =	vadd.scan.msk.s32 $0xffff, v12;
	_ =	sdelay $0x5  }
0x89: {  	v9, _, _ =	vpop (xrf0);
	s29 =	spop (v2sf)  }
0x8a: {  	v48 =	vsub.s32 v9, v12;
	s0 =	sadd.s32 s15, s29  }
0x8b: {  	v13 =	vadd.s32 s0, v48  }
0x8c: {  	vm3 =	vgt.s32 v12, $0x0;
	vm2 =	vlt.s32 v13, $0x7F  }
0x8d: {  	v49 =	vnsel vm2, $0x7F, v13;
	_ =	sdelay $0x1  }
0x8e: {  	v10 =	vadd.s32 v10, v11;
	v11 =	vshll.u32 v13, $0x7  }
0x8f: {  	v10 =	vadd.s32 v10, v11  }
0x90: {  	[tilespmem:$0x1030] =	vst v10  }
0x91: {  	[tilespmem:v49+s28+$0x0] =	vst.idx.msk vm3, v4  }
0x92: {  	v10 =	vld [tilespmem:$0x1080];
	_ =	sdelay $0x5  }
0x93: {  	v11 =	vld [tilespmem:$0x1090]  }
0x94: {  	s31 =	simm.s32 $0x1000;
	v12 =	vld [tilespmem:$0x1180]  }
0x95: {  	v10 =	vld.idx.msk [tilespmem:v10+s31+$0x0], $0xffff;
	_ =	sdelay $0x4  }
0x96: {  	v10 =	vadd.s32 v10, v12  }
0x97: {  	[tilespmem:$0x1280] =	vst v10  }
0x98: {  	v10 =	vld.idx.msk [tilespmem:v11+s31+$0x0], $0xffff  }
0x99: {  	v11 =	vld [tilespmem:$0x10A0]  }
0x9a: {  	v50 =	vld [tilespmem:$0x1190];
	_ =	sdelay $0x4  }
0x9b: {  	v10 =	vadd.s32 v10, v50  }
0x9c: {  	[tilespmem:$0x1290] =	vst v10  }
0x9d: {  	v10 =	vld.idx.msk [tilespmem:v11+s31+$0x0], $0xffff  }
0x9e: {  	v11 =	vld [tilespmem:$0x10B0]  }
0x9f: {  	v51 =	vld [tilespmem:$0x11A0];
	_ =	sdelay $0x4  }
0xa0: {  	v10 =	vadd.s32 v10, v51  }
0xa1: {  	[tilespmem:$0x12A0] =	vst v10  }
0xa2: {  	v10 =	vld.idx.msk [tilespmem:v11+s31+$0x0], $0xffff  }
0xa3: {  	v11 =	vld [tilespmem:$0x10C0]  }
0xa4: {  	v52 =	vld [tilespmem:$0x11B0];
	_ =	sdelay $0x4  }
0xa5: {  	v10 =	vadd.s32 v10, v52  }
0xa6: {  	[tilespmem:$0x12B0] =	vst v10  }
0xa7: {  	v10 =	vld.idx.msk [tilespmem:v11+s31+$0x0], $0xffff  }
0xa8: {  	v11 =	vld [tilespmem:$0x10D0]  }
0xa9: {  	v53 =	vld [tilespmem:$0x11C0];
	_ =	sdelay $0x4  }
0xaa: {  	v10 =	vadd.s32 v10, v53  }
0xab: {  	[tilespmem:$0x12C0] =	vst v10  }
0xac: {  	v10 =	vld.idx.msk [tilespmem:v11+s31+$0x0], $0xffff  }
0xad: {  	v11 =	vld [tilespmem:$0x10E0]  }
0xae: {  	v54 =	vld [tilespmem:$0x11D0];
	_ =	sdelay $0x4  }
0xaf: {  	v10 =	vadd.s32 v10, v54  }
0xb0: {  	[tilespmem:$0x12D0] =	vst v10  }
0xb1: {  	v10 =	vld.idx.msk [tilespmem:v11+s31+$0x0], $0xffff  }
0xb2: {  	v11 =	vld [tilespmem:$0x10F0]  }
0xb3: {  	v55 =	vld [tilespmem:$0x11E0];
	_ =	sdelay $0x4  }
0xb4: {  	v10 =	vadd.s32 v10, v55  }
0xb5: {  	[tilespmem:$0x12E0] =	vst v10  }
0xb6: {  	v10 =	vld.idx.msk [tilespmem:v11+s31+$0x0], $0xffff  }
0xb7: {  	v11 =	vld [tilespmem:$0x1100]  }
0xb8: {  	v56 =	vld [tilespmem:$0x11F0];
	_ =	sdelay $0x4  }
0xb9: {  	v10 =	vadd.s32 v10, v56  }
0xba: {  	[tilespmem:$0x12F0] =	vst v10  }
0xbb: {  	v10 =	vld.idx.msk [tilespmem:v11+s31+$0x0], $0xffff  }
0xbc: {  	v11 =	vld [tilespmem:$0x1110]  }
0xbd: {  	v57 =	vld [tilespmem:$0x1200];
	_ =	sdelay $0x4  }
0xbe: {  	v10 =	vadd.s32 v10, v57  }
0xbf: {  	[tilespmem:$0x1300] =	vst v10  }
0xc0: {  	v10 =	vld.idx.msk [tilespmem:v11+s31+$0x0], $0xffff  }
0xc1: {  	v11 =	vld [tilespmem:$0x1120]  }
0xc2: {  	v58 =	vld [tilespmem:$0x1210];
	_ =	sdelay $0x4  }
0xc3: {  	v10 =	vadd.s32 v10, v58  }
0xc4: {  	[tilespmem:$0x1310] =	vst v10  }
0xc5: {  	v10 =	vld.idx.msk [tilespmem:v11+s31+$0x0], $0xffff  }
0xc6: {  	v11 =	vld [tilespmem:$0x1130]  }
0xc7: {  	v59 =	vld [tilespmem:$0x1220];
	_ =	sdelay $0x4  }
0xc8: {  	v10 =	vadd.s32 v10, v59  }
0xc9: {  	[tilespmem:$0x1320] =	vst v10  }
0xca: {  	v10 =	vld.idx.msk [tilespmem:v11+s31+$0x0], $0xffff  }
0xcb: {  	v11 =	vld [tilespmem:$0x1140]  }
0xcc: {  	v60 =	vld [tilespmem:$0x1230];
	_ =	sdelay $0x4  }
0xcd: {  	v10 =	vadd.s32 v10, v60  }
0xce: {  	[tilespmem:$0x1330] =	vst v10  }
0xcf: {  	v10 =	vld.idx.msk [tilespmem:v11+s31+$0x0], $0xffff  }
0xd0: {  	v11 =	vld [tilespmem:$0x1150]  }
0xd1: {  	v61 =	vld [tilespmem:$0x1240];
	_ =	sdelay $0x4  }
0xd2: {  	v10 =	vadd.s32 v10, v61  }
0xd3: {  	[tilespmem:$0x1340] =	vst v10  }
0xd4: {  	v10 =	vld.idx.msk [tilespmem:v11+s31+$0x0], $0xffff  }
0xd5: {  	v11 =	vld [tilespmem:$0x1160]  }
0xd6: {  	v62 =	vld [tilespmem:$0x1250];
	_ =	sdelay $0x4  }
0xd7: {  	v10 =	vadd.s32 v10, v62  }
0xd8: {  	[tilespmem:$0x1350] =	vst v10  }
0xd9: {  	v10 =	vld.idx.msk [tilespmem:v11+s31+$0x0], $0xffff  }
0xda: {  	v11 =	vld [tilespmem:$0x1170]  }
0xdb: {  	v63 =	vld [tilespmem:$0x1260];
	_ =	sdelay $0x4  }
0xdc: {  	v10 =	vadd.s32 v10, v63  }
0xdd: {  	[tilespmem:$0x1360] =	vst v10  }
0xde: {  	v10 =	vld.idx.msk [tilespmem:v11+s31+$0x0], $0xffff  }
0xdf: {  	v11 =	vld [tilespmem:$0x1270];
	_ =	sdelay $0x4  }
0xe0: {  	s1 =	rddreg [dreg:$0x7];
	v10 =	vadd.s32 v10, v11  }
0xe1: {  	[dreg:$0xd] =	wrdreg s0;
	s28 =	simm.s32 $0x1600;
	[tilespmem:$0x1370] =	vst v10  }
0xe2: {  	[tilespmem:s28], [sflag:$0x2] =	stream.linear.gather [hbm4b:s1+s3], $0x18000, $0x38;
	[tilespmem:$0x19600] =	vst v63  }
0xe3: {  	_ =	swait.ge [sflag:s16], $0x18000  }
0xe4: {  	[sflag:s16] =	ssyncset.done $0x0  }
0xe5: {  	[sflag:s16] =	ssyncadd.s32 $0xFFFE8000  }
0xe6: {  	v10 =	vld [tilespmem:$0x1280];
	_ =	sdelay $0x4  }
0xe7: {  	v11 =	vshrl.u32 v10, $0x3  }
0xe8: {  	v11 =	vmul.u32 $0x30, v11  }
0xe9: {  	v10 =	vand.u32 $0x7, v10  }
0xea: {  	v10 =	vor.u32 v10, v11  }
0xeb: {  	v11 =	vperm.xlane v10, v5;
	_ =	sdelay $0x1  }
0xec: {  	v11 =	vadd.s32 v6, v11;
	_ =	sdelay $0x3  }
0xed: {  	v10 =	vperm.xlane v10, v7  }
0xee: {  	[hbm4b:s6+s3] =	stream.indirect_vreg.scatter [tilespmem:s28], [sflag:$0x1], $0x80, v11, vm0, $0xb8;
	[tilespmem:$0x19600] =	vst v63  }
0xef: {  	s30 =	simm.s32 $0x1E00;
	v10 =	vadd.s32 v6, v10  }
0xf0: {  	[hbm4b:s10+s3] =	stream.indirect_vreg.scatter [tilespmem:s30], [sflag:$0x1], $0x80, v11, vm0, $0xb8;
	[tilespmem:$0x19600] =	vst v63  }
0xf1: {  	s31 =	simm.s32 $0x2600  }
0xf2: {  	[hbm4b:s12+s3] =	stream.indirect_vreg.scatter [tilespmem:s31], [sflag:$0x1], $0x80, v11, vm0, $0xb8;
	[tilespmem:$0x19600] =	vst v63  }
0xf3: {  	s15 =	simm.s32 $0x2E00  }
0xf4: {  	[hbm4b:s6+s3] =	stream.indirect_vreg.scatter [tilespmem:s15], [sflag:$0x1], $0x80, v10, vm0, $0xb8;
	[tilespmem:$0x19600] =	vst v63  }
0xf5: {  	s29 =	simm.s32 $0x3600  }
0xf6: {  	[hbm4b:s10+s3] =	stream.indirect_vreg.scatter [tilespmem:s29], [sflag:$0x1], $0x80, v10, vm0, $0xb8;
	[tilespmem:$0x19600] =	vst v63  }
0xf7: {  	_ = 	snop  }
0xf8: {  	[hbm4b:s12+s3] =	stream.indirect_vreg.scatter [tilespmem:s2], [sflag:$0x1], $0x80, v10, vm0, $0xb8;
	[tilespmem:$0x19600] =	vst v63  }
0xf9: {  	v10 =	vld [tilespmem:$0x1290];
	_ =	sdelay $0x4  }
0xfa: {  	v11 =	vshrl.u32 v10, $0x3  }
0xfb: {  	v11 =	vmul.u32 $0x30, v11  }
0xfc: {  	v10 =	vand.u32 $0x7, v10  }
0xfd: {  	v10 =	vor.u32 v10, v11  }
0xfe: {  	v11 =	vperm.xlane v10, v5;
	_ =	sdelay $0x1  }
0xff: {  	v11 =	vadd.s32 v6, v11;
	_ =	sdelay $0x3  }
0x100: {  	v10 =	vperm.xlane v10, v7  }
0x101: {  	[hbm4b:s6+s3] =	stream.indirect_vreg.scatter [tilespmem:s17], [sflag:$0x1], $0x80, v11, vm0, $0xb8;
	[tilespmem:$0x19600] =	vst v63  }
0x102: {  	v10 =	vadd.s32 v6, v10  }
0x103: {  	[hbm4b:s10+s3] =	stream.indirect_vreg.scatter [tilespmem:s18], [sflag:$0x1], $0x80, v11, vm0, $0xb8;
	[tilespmem:$0x19600] =	vst v63  }
0x104: {  	_ = 	snop  }
0x105: {  	[hbm4b:s12+s3] =	stream.indirect_vreg.scatter [tilespmem:s4], [sflag:$0x1], $0x80, v11, vm0, $0xb8;
	[tilespmem:$0x19600] =	vst v63  }
0x106: {  	_ = 	snop  }
0x107: {  	[hbm4b:s6+s3] =	stream.indirect_vreg.scatter [tilespmem:s7], [sflag:$0x1], $0x80, v10, vm0, $0xb8;
	[tilespmem:$0x19600] =	vst v63  }
0x108: {  	_ = 	snop  }
0x109: {  	[hbm4b:s10+s3] =	stream.indirect_vreg.scatter [tilespmem:s8], [sflag:$0x1], $0x80, v10, vm0, $0xb8;
	[tilespmem:$0x19600] =	vst v63  }
0x10a: {  	_ = 	snop  }
0x10b: {  	[hbm4b:s12+s3] =	stream.indirect_vreg.scatter [tilespmem:s9], [sflag:$0x1], $0x80, v10, vm0, $0xb8;
	[tilespmem:$0x19600] =	vst v63  }
0x10c: {  	v10 =	vld [tilespmem:$0x12A0];
	_ =	sdelay $0x4  }
0x10d: {  	v11 =	vshrl.u32 v10, $0x3  }
0x10e: {  	v11 =	vmul.u32 $0x30, v11  }
0x10f: {  	v10 =	vand.u32 $0x7, v10  }
0x110: {  	v10 =	vor.u32 v10, v11  }
0x111: {  	v11 =	vperm.xlane v10, v5;
	_ =	sdelay $0x1  }
0x112: {  	v11 =	vadd.s32 v6, v11;
	_ =	sdelay $0x3  }
0x113: {  	v10 =	vperm.xlane v10, v7  }
0x114: {  	[hbm4b:s6+s3] =	stream.indirect_vreg.scatter [tilespmem:s22], [sflag:$0x1], $0x80, v11, vm0, $0xb8;
	[tilespmem:$0x19600] =	vst v63  }
0x115: {  	v10 =	vadd.s32 v6, v10  }
0x116: {  	[hbm4b:s10+s3] =	stream.indirect_vreg.scatter [tilespmem:s23], [sflag:$0x1], $0x80, v11, vm0, $0xb8;
	[tilespmem:$0x19600] =	vst v63  }
0x117: {  	_ = 	snop  }
0x118: {  	[hbm4b:s12+s3] =	stream.indirect_vreg.scatter [tilespmem:s11], [sflag:$0x1], $0x80, v11, vm0, $0xb8;
	[tilespmem:$0x19600] =	vst v63  }
0x119: {  	_ = 	snop  }
0x11a: {  	[hbm4b:s6+s3] =	stream.indirect_vreg.scatter [tilespmem:s24], [sflag:$0x1], $0x80, v10, vm0, $0xb8;
	[tilespmem:$0x19600] =	vst v63  }
0x11b: {  	_ = 	snop  }
0x11c: {  	[hbm4b:s10+s3] =	stream.indirect_vreg.scatter [tilespmem:s25], [sflag:$0x1], $0x80, v10, vm0, $0xb8;
	[tilespmem:$0x19600] =	vst v63  }
0x11d: {  	_ = 	snop  }
0x11e: {  	[hbm4b:s12+s3] =	stream.indirect_vreg.scatter [tilespmem:s26], [sflag:$0x1], $0x80, v10, vm0, $0xb8;
	[tilespmem:$0x19600] =	vst v63  }
0x11f: {  	v10 =	vld [tilespmem:$0x12B0];
	_ =	sdelay $0x4  }
0x120: {  	v11 =	vshrl.u32 v10, $0x3  }
0x121: {  	v11 =	vmul.u32 $0x30, v11  }
0x122: {  	v10 =	vand.u32 $0x7, v10  }
0x123: {  	v10 =	vor.u32 v10, v11  }
0x124: {  	v11 =	vperm.xlane v10, v5;
	_ =	sdelay $0x1  }
0x125: {  	v11 =	vadd.s32 v6, v11;
	_ =	sdelay $0x3  }
0x126: {  	v10 =	vperm.xlane v10, v7  }
0x127: {  	[hbm4b:s6+s3] =	stream.indirect_vreg.scatter [tilespmem:s13], [sflag:$0x1], $0x80, v11, vm0, $0xb8;
	[tilespmem:$0x19600] =	vst v63  }
0x128: {  	v10 =	vadd.s32 v6, v10  }
0x129: {  	[hbm4b:s10+s3] =	stream.indirect_vreg.scatter [tilespmem:s21], [sflag:$0x1], $0x80, v11, vm0, $0xb8;
	[tilespmem:$0x19600] =	vst v63  }
0x12a: {  	_ = 	snop  }
0x12b: {  	[hbm4b:s12+s3] =	stream.indirect_vreg.scatter [tilespmem:s19], [sflag:$0x1], $0x80, v11, vm0, $0xb8;
	[tilespmem:$0x19600] =	vst v63  }
0x12c: {  	s29 =	simm.s32 $0xBE00  }
0x12d: {  	[hbm4b:s6+s3] =	stream.indirect_vreg.scatter [tilespmem:s29], [sflag:$0x1], $0x80, v10, vm0, $0xb8;
	[tilespmem:$0x19600] =	vst v63  }
0x12e: {  	_ = 	snop  }
0x12f: {  	[hbm4b:s10+s3] =	stream.indirect_vreg.scatter [tilespmem:s14], [sflag:$0x1], $0x80, v10, vm0, $0xb8;
	[tilespmem:$0x19600] =	vst v63  }
0x130: {  	_ = 	snop  }
0x131: {  	[hbm4b:s12+s3] =	stream.indirect_vreg.scatter [tilespmem:s20], [sflag:$0x1], $0x80, v10, vm0, $0xb8;
	[tilespmem:$0x19600] =	vst v63  }
0x132: {  	v10 =	vld [tilespmem:$0x12C0];
	_ =	sdelay $0x4  }
0x133: {  	v11 =	vshrl.u32 v10, $0x3  }
0x134: {  	v11 =	vmul.u32 $0x30, v11  }
0x135: {  	v10 =	vand.u32 $0x7, v10  }
0x136: {  	v10 =	vor.u32 v10, v11  }
0x137: {  	v11 =	vperm.xlane v10, v5;
	_ =	sdelay $0x1  }
0x138: {  	v11 =	vadd.s32 v6, v11;
	_ =	sdelay $0x3  }
0x139: {  	s1 =	simm.s32 $0xD600;
	v10 =	vperm.xlane v10, v7  }
0x13a: {  	[hbm4b:s6+s3] =	stream.indirect_vreg.scatter [tilespmem:s1], [sflag:$0x1], $0x80, v11, vm0, $0xb8;
	[tilespmem:$0x19600] =	vst v63  }
0x13b: {  	s15 =	simm.s32 $0xDE00;
	v10 =	vadd.s32 v6, v10  }
0x13c: {  	[hbm4b:s10+s3] =	stream.indirect_vreg.scatter [tilespmem:s15], [sflag:$0x1], $0x80, v11, vm0, $0xb8;
	[tilespmem:$0x19600] =	vst v63  }
0x13d: {  	s1 =	simm.s32 $0xE600  }
0x13e: {  	[hbm4b:s12+s3] =	stream.indirect_vreg.scatter [tilespmem:s1], [sflag:$0x1], $0x80, v11, vm0, $0xb8;
	[tilespmem:$0x19600] =	vst v63  }
0x13f: {  	s15 =	simm.s32 $0xEE00  }
0x140: {  	[hbm4b:s6+s3] =	stream.indirect_vreg.scatter [tilespmem:s15], [sflag:$0x1], $0x80, v10, vm0, $0xb8;
	[tilespmem:$0x19600] =	vst v63  }
0x141: {  	s1 =	simm.s32 $0xF600  }
0x142: {  	[hbm4b:s10+s3] =	stream.indirect_vreg.scatter [tilespmem:s1], [sflag:$0x1], $0x80, v10, vm0, $0xb8;
	[tilespmem:$0x19600] =	vst v63  }
0x143: {  	s15 =	simm.s32 $0xFE00  }
0x144: {  	[hbm4b:s12+s3] =	stream.indirect_vreg.scatter [tilespmem:s15], [sflag:$0x1], $0x80, v10, vm0, $0xb8;
	[tilespmem:$0x19600] =	vst v63  }
0x145: {  	v10 =	vld [tilespmem:$0x12D0];
	_ =	sdelay $0x4  }
0x146: {  	v11 =	vshrl.u32 v10, $0x3  }
0x147: {  	v11 =	vmul.u32 $0x30, v11  }
0x148: {  	v10 =	vand.u32 $0x7, v10  }
0x149: {  	v10 =	vor.u32 v10, v11  }
0x14a: {  	v11 =	vperm.xlane v10, v5;
	_ =	sdelay $0x1  }
0x14b: {  	v11 =	vadd.s32 v6, v11;
	_ =	sdelay $0x3  }
0x14c: {  	s1 =	simm.s32 $0x10600;
	v10 =	vperm.xlane v10, v7  }
0x14d: {  	[hbm4b:s6+s3] =	stream.indirect_vreg.scatter [tilespmem:s1], [sflag:$0x1], $0x80, v11, vm0, $0xb8;
	[tilespmem:$0x19600] =	vst v63  }
0x14e: {  	s15 =	simm.s32 $0x10E00;
	v10 =	vadd.s32 v6, v10  }
0x14f: {  	[hbm4b:s10+s3] =	stream.indirect_vreg.scatter [tilespmem:s15], [sflag:$0x1], $0x80, v11, vm0, $0xb8;
	[tilespmem:$0x19600] =	vst v63  }
0x150: {  	s1 =	simm.s32 $0x11600  }
0x151: {  	[hbm4b:s12+s3] =	stream.indirect_vreg.scatter [tilespmem:s1], [sflag:$0x1], $0x80, v11, vm0, $0xb8;
	[tilespmem:$0x19600] =	vst v63  }
0x152: {  	s15 =	simm.s32 $0x11E00  }
0x153: {  	[hbm4b:s6+s3] =	stream.indirect_vreg.scatter [tilespmem:s15], [sflag:$0x1], $0x80, v10, vm0, $0xb8;
	[tilespmem:$0x19600] =	vst v63  }
0x154: {  	s1 =	simm.s32 $0x12600  }
0x155: {  	[hbm4b:s10+s3] =	stream.indirect_vreg.scatter [tilespmem:s1], [sflag:$0x1], $0x80, v10, vm0, $0xb8;
	[tilespmem:$0x19600] =	vst v63  }
0x156: {  	s15 =	simm.s32 $0x12E00  }
0x157: {  	[hbm4b:s12+s3] =	stream.indirect_vreg.scatter [tilespmem:s15], [sflag:$0x1], $0x80, v10, vm0, $0xb8;
	[tilespmem:$0x19600] =	vst v63  }
0x158: {  	v10 =	vld [tilespmem:$0x12E0];
	_ =	sdelay $0x4  }
0x159: {  	v11 =	vshrl.u32 v10, $0x3  }
0x15a: {  	v11 =	vmul.u32 $0x30, v11  }
0x15b: {  	v10 =	vand.u32 $0x7, v10  }
0x15c: {  	v10 =	vor.u32 v10, v11  }
0x15d: {  	v11 =	vperm.xlane v10, v5;
	_ =	sdelay $0x1  }
0x15e: {  	v11 =	vadd.s32 v6, v11;
	_ =	sdelay $0x3  }
0x15f: {  	s1 =	simm.s32 $0x13600;
	v10 =	vperm.xlane v10, v7  }
0x160: {  	[hbm4b:s6+s3] =	stream.indirect_vreg.scatter [tilespmem:s1], [sflag:$0x1], $0x80, v11, vm0, $0xb8;
	[tilespmem:$0x19600] =	vst v63  }
0x161: {  	s15 =	simm.s32 $0x13E00;
	v10 =	vadd.s32 v6, v10  }
0x162: {  	[hbm4b:s10+s3] =	stream.indirect_vreg.scatter [tilespmem:s15], [sflag:$0x1], $0x80, v11, vm0, $0xb8;
	[tilespmem:$0x19600] =	vst v63  }
0x163: {  	s1 =	simm.s32 $0x14600  }
0x164: {  	[hbm4b:s12+s3] =	stream.indirect_vreg.scatter [tilespmem:s1], [sflag:$0x1], $0x80, v11, vm0, $0xb8;
	[tilespmem:$0x19600] =	vst v63  }
0x165: {  	s15 =	simm.s32 $0x14E00  }
0x166: {  	[hbm4b:s6+s3] =	stream.indirect_vreg.scatter [tilespmem:s15], [sflag:$0x1], $0x80, v10, vm0, $0xb8;
	[tilespmem:$0x19600] =	vst v63  }
0x167: {  	s1 =	simm.s32 $0x15600  }
0x168: {  	[hbm4b:s10+s3] =	stream.indirect_vreg.scatter [tilespmem:s1], [sflag:$0x1], $0x80, v10, vm0, $0xb8;
	[tilespmem:$0x19600] =	vst v63  }
0x169: {  	s15 =	simm.s32 $0x15E00  }
0x16a: {  	[hbm4b:s12+s3] =	stream.indirect_vreg.scatter [tilespmem:s15], [sflag:$0x1], $0x80, v10, vm0, $0xb8;
	[tilespmem:$0x19600] =	vst v63  }
0x16b: {  	v10 =	vld [tilespmem:$0x12F0];
	_ =	sdelay $0x4  }
0x16c: {  	v11 =	vshrl.u32 v10, $0x3  }
0x16d: {  	v11 =	vmul.u32 $0x30, v11  }
0x16e: {  	v10 =	vand.u32 $0x7, v10  }
0x16f: {  	v10 =	vor.u32 v10, v11  }
0x170: {  	v11 =	vperm.xlane v10, v5;
	_ =	sdelay $0x1  }
0x171: {  	v11 =	vadd.s32 v6, v11;
	_ =	sdelay $0x3  }
0x172: {  	s1 =	simm.s32 $0x16600;
	v10 =	vperm.xlane v10, v7  }
0x173: {  	[hbm4b:s6+s3] =	stream.indirect_vreg.scatter [tilespmem:s1], [sflag:$0x1], $0x80, v11, vm0, $0xb8;
	[tilespmem:$0x19600] =	vst v63  }
0x174: {  	s15 =	simm.s32 $0x16E00;
	v10 =	vadd.s32 v6, v10  }
0x175: {  	[hbm4b:s10+s3] =	stream.indirect_vreg.scatter [tilespmem:s15], [sflag:$0x1], $0x80, v11, vm0, $0xb8;
	[tilespmem:$0x19600] =	vst v63  }
0x176: {  	s1 =	simm.s32 $0x17600  }
0x177: {  	[hbm4b:s12+s3] =	stream.indirect_vreg.scatter [tilespmem:s1], [sflag:$0x1], $0x80, v11, vm0, $0xb8;
	[tilespmem:$0x19600] =	vst v63  }
0x178: {  	s15 =	simm.s32 $0x17E00  }
0x179: {  	[hbm4b:s6+s3] =	stream.indirect_vreg.scatter [tilespmem:s15], [sflag:$0x1], $0x80, v10, vm0, $0xb8;
	[tilespmem:$0x19600] =	vst v63  }
0x17a: {  	s1 =	simm.s32 $0x18600  }
0x17b: {  	[hbm4b:s10+s3] =	stream.indirect_vreg.scatter [tilespmem:s1], [sflag:$0x1], $0x80, v10, vm0, $0xb8;
	[tilespmem:$0x19600] =	vst v63  }
0x17c: {  	s0 =	simm.s32 $0x1;
	s15 =	simm.s32 $0x18E00  }
0x17d: {  	[hbm4b:s12+s3] =	stream.indirect_vreg.scatter [tilespmem:s15], [sflag:$0x1], $0x80, v10, vm0, $0xb8;
	[tilespmem:$0x19600] =	vst v63  }
0x17e: {  	_ =	swait.ge [sflag:s0], $0x18000  }
0x17f: {  	[sflag:s0] =	ssyncset.done $0x0  }
0x180: {  	s1 =	simm.s32 $0x1280;
	s15 =	rddreg [dreg:$0x8];
	[sflag:s0] =	ssyncadd.s32 $0xFFFE8000  }
0x181: {  	[hbm4b:s15+s3] =	stream.linear.scatter [tilespmem:s1], [sflag:$0x2], $0x80, $0x38;
	[tilespmem:$0x19600] =	vst v63  }
0x182: {  	_ =	swait.ge [sflag:s16], $0x80  }
0x183: {  	[sflag:s16] =	ssyncset.done $0x0  }
0x184: {  	s1 =	rddreg [dreg:$0x9];
	[sflag:s16] =	ssyncadd.s32 $0xFFFFFF80  }
0x185: {  	[tilespmem:s28], [sflag:$0x2] =	stream.linear.gather [hbm4b:s1+s3], $0x18000, $0x38;
	[tilespmem:$0x19600] =	vst v63  }
0x186: {  	_ =	swait.ge [sflag:s16], $0x18000  }
0x187: {  	[sflag:s16] =	ssyncset.done $0x0  }
0x188: {  	[sflag:s16] =	ssyncadd.s32 $0xFFFE8000  }
0x189: {  	v10 =	vld [tilespmem:$0x1300];
	_ =	sdelay $0x4  }
0x18a: {  	v11 =	vshrl.u32 v10, $0x3  }
0x18b: {  	v11 =	vmul.u32 $0x30, v11  }
0x18c: {  	v10 =	vand.u32 $0x7, v10  }
0x18d: {  	v10 =	vor.u32 v10, v11  }
0x18e: {  	v11 =	vperm.xlane v10, v5;
	_ =	sdelay $0x1  }
0x18f: {  	v11 =	vadd.s32 v6, v11;
	_ =	sdelay $0x3  }
0x190: {  	v10 =	vperm.xlane v10, v7  }
0x191: {  	[hbm4b:s6+s3] =	stream.indirect_vreg.scatter [tilespmem:s28], [sflag:$0x1], $0x80, v11, vm0, $0xb8;
	[tilespmem:$0x19600] =	vst v63  }
0x192: {  	v10 =	vadd.s32 v6, v10  }
0x193: {  	[hbm4b:s10+s3] =	stream.indirect_vreg.scatter [tilespmem:s30], [sflag:$0x1], $0x80, v11, vm0, $0xb8;
	[tilespmem:$0x19600] =	vst v63  }
0x194: {  	_ = 	snop  }
0x195: {  	[hbm4b:s12+s3] =	stream.indirect_vreg.scatter [tilespmem:s31], [sflag:$0x1], $0x80, v11, vm0, $0xb8;
	[tilespmem:$0x19600] =	vst v63  }
0x196: {  	s31 =	simm.s32 $0x2E00  }
0x197: {  	[hbm4b:s6+s3] =	stream.indirect_vreg.scatter [tilespmem:s31], [sflag:$0x1], $0x80, v10, vm0, $0xb8;
	[tilespmem:$0x19600] =	vst v63  }
0x198: {  	s15 =	simm.s32 $0x3600  }
0x199: {  	[hbm4b:s10+s3] =	stream.indirect_vreg.scatter [tilespmem:s15], [sflag:$0x1], $0x80, v10, vm0, $0xb8;
	[tilespmem:$0x19600] =	vst v63  }
0x19a: {  	_ = 	snop  }
0x19b: {  	[hbm4b:s12+s3] =	stream.indirect_vreg.scatter [tilespmem:s2], [sflag:$0x1], $0x80, v10, vm0, $0xb8;
	[tilespmem:$0x19600] =	vst v63  }
0x19c: {  	v10 =	vld [tilespmem:$0x1310];
	_ =	sdelay $0x4  }
0x19d: {  	v11 =	vshrl.u32 v10, $0x3  }
0x19e: {  	v11 =	vmul.u32 $0x30, v11  }
0x19f: {  	v10 =	vand.u32 $0x7, v10  }
0x1a0: {  	v10 =	vor.u32 v10, v11  }
0x1a1: {  	v11 =	vperm.xlane v10, v5;
	_ =	sdelay $0x1  }
0x1a2: {  	v11 =	vadd.s32 v6, v11;
	_ =	sdelay $0x3  }
0x1a3: {  	v10 =	vperm.xlane v10, v7  }
0x1a4: {  	[hbm4b:s6+s3] =	stream.indirect_vreg.scatter [tilespmem:s17], [sflag:$0x1], $0x80, v11, vm0, $0xb8;
	[tilespmem:$0x19600] =	vst v63  }
0x1a5: {  	v10 =	vadd.s32 v6, v10  }
0x1a6: {  	[hbm4b:s10+s3] =	stream.indirect_vreg.scatter [tilespmem:s18], [sflag:$0x1], $0x80, v11, vm0, $0xb8;
	[tilespmem:$0x19600] =	vst v63  }
0x1a7: {  	_ = 	snop  }
0x1a8: {  	[hbm4b:s12+s3] =	stream.indirect_vreg.scatter [tilespmem:s4], [sflag:$0x1], $0x80, v11, vm0, $0xb8;
	[tilespmem:$0x19600] =	vst v63  }
0x1a9: {  	_ = 	snop  }
0x1aa: {  	[hbm4b:s6+s3] =	stream.indirect_vreg.scatter [tilespmem:s7], [sflag:$0x1], $0x80, v10, vm0, $0xb8;
	[tilespmem:$0x19600] =	vst v63  }
0x1ab: {  	_ = 	snop  }
0x1ac: {  	[hbm4b:s10+s3] =	stream.indirect_vreg.scatter [tilespmem:s8], [sflag:$0x1], $0x80, v10, vm0, $0xb8;
	[tilespmem:$0x19600] =	vst v63  }
0x1ad: {  	_ = 	snop  }
0x1ae: {  	[hbm4b:s12+s3] =	stream.indirect_vreg.scatter [tilespmem:s9], [sflag:$0x1], $0x80, v10, vm0, $0xb8;
	[tilespmem:$0x19600] =	vst v63  }
0x1af: {  	v10 =	vld [tilespmem:$0x1320];
	_ =	sdelay $0x4  }
0x1b0: {  	v11 =	vshrl.u32 v10, $0x3  }
0x1b1: {  	v11 =	vmul.u32 $0x30, v11  }
0x1b2: {  	v10 =	vand.u32 $0x7, v10  }
0x1b3: {  	v10 =	vor.u32 v10, v11  }
0x1b4: {  	v11 =	vperm.xlane v10, v5;
	_ =	sdelay $0x1  }
0x1b5: {  	v11 =	vadd.s32 v6, v11;
	_ =	sdelay $0x3  }
0x1b6: {  	v10 =	vperm.xlane v10, v7  }
0x1b7: {  	[hbm4b:s6+s3] =	stream.indirect_vreg.scatter [tilespmem:s22], [sflag:$0x1], $0x80, v11, vm0, $0xb8;
	[tilespmem:$0x19600] =	vst v63  }
0x1b8: {  	v10 =	vadd.s32 v6, v10  }
0x1b9: {  	[hbm4b:s10+s3] =	stream.indirect_vreg.scatter [tilespmem:s23], [sflag:$0x1], $0x80, v11, vm0, $0xb8;
	[tilespmem:$0x19600] =	vst v63  }
0x1ba: {  	_ = 	snop  }
0x1bb: {  	[hbm4b:s12+s3] =	stream.indirect_vreg.scatter [tilespmem:s11], [sflag:$0x1], $0x80, v11, vm0, $0xb8;
	[tilespmem:$0x19600] =	vst v63  }
0x1bc: {  	_ = 	snop  }
0x1bd: {  	[hbm4b:s6+s3] =	stream.indirect_vreg.scatter [tilespmem:s24], [sflag:$0x1], $0x80, v10, vm0, $0xb8;
	[tilespmem:$0x19600] =	vst v63  }
0x1be: {  	_ = 	snop  }
0x1bf: {  	[hbm4b:s10+s3] =	stream.indirect_vreg.scatter [tilespmem:s25], [sflag:$0x1], $0x80, v10, vm0, $0xb8;
	[tilespmem:$0x19600] =	vst v63  }
0x1c0: {  	_ = 	snop  }
0x1c1: {  	[hbm4b:s12+s3] =	stream.indirect_vreg.scatter [tilespmem:s26], [sflag:$0x1], $0x80, v10, vm0, $0xb8;
	[tilespmem:$0x19600] =	vst v63  }
0x1c2: {  	v10 =	vld [tilespmem:$0x1330];
	_ =	sdelay $0x4  }
0x1c3: {  	v11 =	vshrl.u32 v10, $0x3  }
0x1c4: {  	v11 =	vmul.u32 $0x30, v11  }
0x1c5: {  	v10 =	vand.u32 $0x7, v10  }
0x1c6: {  	v10 =	vor.u32 v10, v11  }
0x1c7: {  	v11 =	vperm.xlane v10, v5;
	_ =	sdelay $0x1  }
0x1c8: {  	v11 =	vadd.s32 v6, v11;
	_ =	sdelay $0x3  }
0x1c9: {  	v10 =	vperm.xlane v10, v7  }
0x1ca: {  	[hbm4b:s6+s3] =	stream.indirect_vreg.scatter [tilespmem:s13], [sflag:$0x1], $0x80, v11, vm0, $0xb8;
	[tilespmem:$0x19600] =	vst v63  }
0x1cb: {  	v10 =	vadd.s32 v6, v10  }
0x1cc: {  	[hbm4b:s10+s3] =	stream.indirect_vreg.scatter [tilespmem:s21], [sflag:$0x1], $0x80, v11, vm0, $0xb8;
	[tilespmem:$0x19600] =	vst v63  }
0x1cd: {  	_ = 	snop  }
0x1ce: {  	[hbm4b:s12+s3] =	stream.indirect_vreg.scatter [tilespmem:s19], [sflag:$0x1], $0x80, v11, vm0, $0xb8;
	[tilespmem:$0x19600] =	vst v63  }
0x1cf: {  	_ = 	snop  }
0x1d0: {  	[hbm4b:s6+s3] =	stream.indirect_vreg.scatter [tilespmem:s29], [sflag:$0x1], $0x80, v10, vm0, $0xb8;
	[tilespmem:$0x19600] =	vst v63  }
0x1d1: {  	_ = 	snop  }
0x1d2: {  	[hbm4b:s10+s3] =	stream.indirect_vreg.scatter [tilespmem:s14], [sflag:$0x1], $0x80, v10, vm0, $0xb8;
	[tilespmem:$0x19600] =	vst v63  }
0x1d3: {  	_ = 	snop  }
0x1d4: {  	[hbm4b:s12+s3] =	stream.indirect_vreg.scatter [tilespmem:s20], [sflag:$0x1], $0x80, v10, vm0, $0xb8;
	[tilespmem:$0x19600] =	vst v63  }
0x1d5: {  	v10 =	vld [tilespmem:$0x1340];
	_ =	sdelay $0x4  }
0x1d6: {  	v11 =	vshrl.u32 v10, $0x3  }
0x1d7: {  	v11 =	vmul.u32 $0x30, v11  }
0x1d8: {  	v10 =	vand.u32 $0x7, v10  }
0x1d9: {  	v10 =	vor.u32 v10, v11  }
0x1da: {  	v11 =	vperm.xlane v10, v5;
	_ =	sdelay $0x1  }
0x1db: {  	v11 =	vadd.s32 v6, v11;
	_ =	sdelay $0x3  }
0x1dc: {  	s30 =	simm.s32 $0xD600;
	v10 =	vperm.xlane v10, v7  }
0x1dd: {  	[hbm4b:s6+s3] =	stream.indirect_vreg.scatter [tilespmem:s30], [sflag:$0x1], $0x80, v11, vm0, $0xb8;
	[tilespmem:$0x19600] =	vst v63  }
0x1de: {  	s31 =	simm.s32 $0xDE00;
	v10 =	vadd.s32 v6, v10  }
0x1df: {  	[hbm4b:s10+s3] =	stream.indirect_vreg.scatter [tilespmem:s31], [sflag:$0x1], $0x80, v11, vm0, $0xb8;
	[tilespmem:$0x19600] =	vst v63  }
0x1e0: {  	s15 =	simm.s32 $0xE600  }
0x1e1: {  	[hbm4b:s12+s3] =	stream.indirect_vreg.scatter [tilespmem:s15], [sflag:$0x1], $0x80, v11, vm0, $0xb8;
	[tilespmem:$0x19600] =	vst v63  }
0x1e2: {  	s29 =	simm.s32 $0xEE00  }
0x1e3: {  	[hbm4b:s6+s3] =	stream.indirect_vreg.scatter [tilespmem:s29], [sflag:$0x1], $0x80, v10, vm0, $0xb8;
	[tilespmem:$0x19600] =	vst v63  }
0x1e4: {  	s30 =	simm.s32 $0xF600  }
0x1e5: {  	[hbm4b:s10+s3] =	stream.indirect_vreg.scatter [tilespmem:s30], [sflag:$0x1], $0x80, v10, vm0, $0xb8;
	[tilespmem:$0x19600] =	vst v63  }
0x1e6: {  	s31 =	simm.s32 $0xFE00  }
0x1e7: {  	[hbm4b:s12+s3] =	stream.indirect_vreg.scatter [tilespmem:s31], [sflag:$0x1], $0x80, v10, vm0, $0xb8;
	[tilespmem:$0x19600] =	vst v63  }
0x1e8: {  	v10 =	vld [tilespmem:$0x1350];
	_ =	sdelay $0x4  }
0x1e9: {  	v11 =	vshrl.u32 v10, $0x3  }
0x1ea: {  	v11 =	vmul.u32 $0x30, v11  }
0x1eb: {  	v10 =	vand.u32 $0x7, v10  }
0x1ec: {  	v10 =	vor.u32 v10, v11  }
0x1ed: {  	v11 =	vperm.xlane v10, v5;
	_ =	sdelay $0x1  }
0x1ee: {  	v11 =	vadd.s32 v6, v11;
	_ =	sdelay $0x3  }
0x1ef: {  	s15 =	simm.s32 $0x10600;
	v10 =	vperm.xlane v10, v7  }
0x1f0: {  	[hbm4b:s6+s3] =	stream.indirect_vreg.scatter [tilespmem:s15], [sflag:$0x1], $0x80, v11, vm0, $0xb8;
	[tilespmem:$0x19600] =	vst v63  }
0x1f1: {  	s29 =	simm.s32 $0x10E00;
	v10 =	vadd.s32 v6, v10  }
0x1f2: {  	[hbm4b:s10+s3] =	stream.indirect_vreg.scatter [tilespmem:s29], [sflag:$0x1], $0x80, v11, vm0, $0xb8;
	[tilespmem:$0x19600] =	vst v63  }
0x1f3: {  	s30 =	simm.s32 $0x11600  }
0x1f4: {  	[hbm4b:s12+s3] =	stream.indirect_vreg.scatter [tilespmem:s30], [sflag:$0x1], $0x80, v11, vm0, $0xb8;
	[tilespmem:$0x19600] =	vst v63  }
0x1f5: {  	s31 =	simm.s32 $0x11E00  }
0x1f6: {  	[hbm4b:s6+s3] =	stream.indirect_vreg.scatter [tilespmem:s31], [sflag:$0x1], $0x80, v10, vm0, $0xb8;
	[tilespmem:$0x19600] =	vst v63  }
0x1f7: {  	s15 =	simm.s32 $0x12600  }
0x1f8: {  	[hbm4b:s10+s3] =	stream.indirect_vreg.scatter [tilespmem:s15], [sflag:$0x1], $0x80, v10, vm0, $0xb8;
	[tilespmem:$0x19600] =	vst v63  }
0x1f9: {  	s29 =	simm.s32 $0x12E00  }
0x1fa: {  	[hbm4b:s12+s3] =	stream.indirect_vreg.scatter [tilespmem:s29], [sflag:$0x1], $0x80, v10, vm0, $0xb8;
	[tilespmem:$0x19600] =	vst v63  }
0x1fb: {  	v10 =	vld [tilespmem:$0x1360];
	_ =	sdelay $0x4  }
0x1fc: {  	v11 =	vshrl.u32 v10, $0x3  }
0x1fd: {  	v11 =	vmul.u32 $0x30, v11  }
0x1fe: {  	v10 =	vand.u32 $0x7, v10  }
0x1ff: {  	v10 =	vor.u32 v10, v11  }
0x200: {  	v11 =	vperm.xlane v10, v5;
	_ =	sdelay $0x1  }
0x201: {  	v11 =	vadd.s32 v6, v11;
	_ =	sdelay $0x3  }
0x202: {  	s30 =	simm.s32 $0x13600;
	v10 =	vperm.xlane v10, v7  }
0x203: {  	[hbm4b:s6+s3] =	stream.indirect_vreg.scatter [tilespmem:s30], [sflag:$0x1], $0x80, v11, vm0, $0xb8;
	[tilespmem:$0x19600] =	vst v63  }
0x204: {  	s31 =	simm.s32 $0x13E00;
	v10 =	vadd.s32 v6, v10  }
0x205: {  	[hbm4b:s10+s3] =	stream.indirect_vreg.scatter [tilespmem:s31], [sflag:$0x1], $0x80, v11, vm0, $0xb8;
	[tilespmem:$0x19600] =	vst v63  }
0x206: {  	s15 =	simm.s32 $0x14600  }
0x207: {  	[hbm4b:s12+s3] =	stream.indirect_vreg.scatter [tilespmem:s15], [sflag:$0x1], $0x80, v11, vm0, $0xb8;
	[tilespmem:$0x19600] =	vst v63  }
0x208: {  	s29 =	simm.s32 $0x14E00  }
0x209: {  	[hbm4b:s6+s3] =	stream.indirect_vreg.scatter [tilespmem:s29], [sflag:$0x1], $0x80, v10, vm0, $0xb8;
	[tilespmem:$0x19600] =	vst v63  }
0x20a: {  	s30 =	simm.s32 $0x15600  }
0x20b: {  	[hbm4b:s10+s3] =	stream.indirect_vreg.scatter [tilespmem:s30], [sflag:$0x1], $0x80, v10, vm0, $0xb8;
	[tilespmem:$0x19600] =	vst v63  }
0x20c: {  	s31 =	simm.s32 $0x15E00  }
0x20d: {  	[hbm4b:s12+s3] =	stream.indirect_vreg.scatter [tilespmem:s31], [sflag:$0x1], $0x80, v10, vm0, $0xb8;
	[tilespmem:$0x19600] =	vst v63  }
0x20e: {  	v10 =	vld [tilespmem:$0x1370];
	_ =	sdelay $0x4  }
0x20f: {  	v11 =	vshrl.u32 v10, $0x3  }
0x210: {  	v11 =	vmul.u32 $0x30, v11  }
0x211: {  	v10 =	vand.u32 $0x7, v10  }
0x212: {  	v10 =	vor.u32 v10, v11  }
0x213: {  	v11 =	vperm.xlane v10, v5;
	_ =	sdelay $0x1  }
0x214: {  	v11 =	vadd.s32 v6, v11;
	_ =	sdelay $0x3  }
0x215: {  	s15 =	simm.s32 $0x16600;
	v10 =	vperm.xlane v10, v7  }
0x216: {  	[hbm4b:s6+s3] =	stream.indirect_vreg.scatter [tilespmem:s15], [sflag:$0x1], $0x80, v11, vm0, $0xb8;
	[tilespmem:$0x19600] =	vst v63  }
0x217: {  	s29 =	simm.s32 $0x16E00;
	v10 =	vadd.s32 v6, v10  }
0x218: {  	[hbm4b:s10+s3] =	stream.indirect_vreg.scatter [tilespmem:s29], [sflag:$0x1], $0x80, v11, vm0, $0xb8;
	[tilespmem:$0x19600] =	vst v63  }
0x219: {  	s30 =	simm.s32 $0x17600  }
0x21a: {  	[hbm4b:s12+s3] =	stream.indirect_vreg.scatter [tilespmem:s30], [sflag:$0x1], $0x80, v11, vm0, $0xb8;
	[tilespmem:$0x19600] =	vst v63  }
0x21b: {  	s31 =	simm.s32 $0x17E00  }
0x21c: {  	[hbm4b:s6+s3] =	stream.indirect_vreg.scatter [tilespmem:s31], [sflag:$0x1], $0x80, v10, vm0, $0xb8;
	[tilespmem:$0x19600] =	vst v63  }
0x21d: {  	s15 =	simm.s32 $0x18600  }
0x21e: {  	[hbm4b:s10+s3] =	stream.indirect_vreg.scatter [tilespmem:s15], [sflag:$0x1], $0x80, v10, vm0, $0xb8;
	[tilespmem:$0x19600] =	vst v63  }
0x21f: {  	s29 =	simm.s32 $0x18E00  }
0x220: {  	[hbm4b:s12+s3] =	stream.indirect_vreg.scatter [tilespmem:s29], [sflag:$0x1], $0x80, v10, vm0, $0xb8;
	[tilespmem:$0x19600] =	vst v63  }
0x221: {  	_ =	swait.ge [sflag:s0], $0x18000  }
0x222: {  	s31 =	simm.s32 $0x1300;
	[sflag:s0] =	ssyncset.done $0x0  }
.Ltmp6:
0x223: {  	s30 =	rddreg [dreg:$0xa];
	[sflag:s0] =	ssyncadd.s32 $0xFFFE8000;
	(pc) =	sbr.rel @p0 .LBB2_11-.Ltmp6, $4  }
0x224: {  	[hbm4b:s30+s3] =	stream.linear.scatter [tilespmem:s31], [sflag:$0x2], $0x80, $0x38;
	[tilespmem:$0x19600] =	vst v63  }
0x225: {  	_ =	swait.ge [sflag:s16], $0x80  }
0x226: {  	[sflag:s16] =	ssyncset.done $0x0  }
0x227: {  	s28 =	simm.s32 $0x1380;
	s1 =	rddreg [dreg:$0xc];
	[sflag:s16] =	ssyncadd.s32 $0xFFFFFF80  }
0x228: {  	v10 =	vld [tilespmem:$0x1380];
	_ =	sdelay $0x4  }
0x229: {  	v10 =	vxor.u32 $0x80000000, v10  }
0x22a: {  	(xrf0) =	vmax.scan.msk.u32 $0xffff, v10;
	_ =	sdelay $0x5  }
0x22b: {  	v10, _, _ =	vpop (xrf0)  }
0x22c: {  	v10 =	vxor.u32 $0x80000000, v10  }
0x22d: {  	vm2 =	vgt.s32 v10, $0x0  }
0x22e: {  	v10 =	vnsel vm2, $0x0, v10  }
0x22f: {  	v11 =	vor.u32 $0x80000000, v10  }
0x230: {  	(xrf0) =	vmax.scan.msk.u32 $0xffff, v11;
	_ =	sdelay $0x5  }
0x231: {  	(v2sf) =	vpush v9, $0xF;
	v9, _, _ =	vpop (xrf0)  }
0x232: {  	(v2sf) =	vpush v9, $0xF;
	_ =	sdelay $0x2  }
0x233: {  	v9 =	vld [tilespmem:$0x1390];
	_ =	sdelay $0x4  }
0x234: {  	v9 =	vxor.u32 $0x80000000, v9  }
0x235: {  	(xrf0) =	vmax.scan.msk.u32 $0xffff, v9;
	_ =	sdelay $0x4  }
0x236: {  	s15 =	spop (v2sf)  }
0x237: {  	v9, _, _ =	vpop (xrf0);
	s30 =	spop (v2sf)  }
0x238: {  	v9 =	vxor.u32 $0x80000000, v9;
	s30 =	sxor.u32 $0x80000000, s30  }
0x239: {  	vm2 =	vgt.s32 v9, s30  }
0x23a: {  	v9 =	vnsel vm2, s30, v9  }
0x23b: {  	v11 =	vxor.u32 $0x80000000, v9  }
0x23c: {  	(xrf0) =	vmax.scan.msk.u32 $0xffff, v11;
	_ =	sdelay $0x5  }
0x23d: {  	v11, _, _ =	vpop (xrf0)  }
0x23e: {  	(v2sf) =	vpush v11, $0xF;
	_ =	sdelay $0x2  }
0x23f: {  	v11 =	vld [tilespmem:$0x13A0];
	_ =	sdelay $0x4  }
0x240: {  	v11 =	vxor.u32 $0x80000000, v11  }
0x241: {  	(xrf0) =	vmax.scan.msk.u32 $0xffff, v11;
	_ =	sdelay $0x5  }
0x242: {  	v11, _, _ =	vpop (xrf0);
	s31 =	spop (v2sf)  }
0x243: {  	v11 =	vxor.u32 $0x80000000, v11;
	s30 =	sxor.u32 $0x80000000, s31  }
0x244: {  	vm2 =	vgt.s32 v11, s30  }
0x245: {  	v11 =	vnsel vm2, s30, v11  }
0x246: {  	v12 =	vxor.u32 $0x80000000, v11  }
0x247: {  	(xrf0) =	vmax.scan.msk.u32 $0xffff, v12;
	_ =	sdelay $0x5  }
0x248: {  	v12, _, _ =	vpop (xrf0)  }
0x249: {  	(v2sf) =	vpush v12, $0xF;
	_ =	sdelay $0x2  }
0x24a: {  	v57 =	vld [tilespmem:$0x13B0];
	_ =	sdelay $0x4  }
0x24b: {  	v12 =	vxor.u32 $0x80000000, v57  }
0x24c: {  	(xrf0) =	vmax.scan.msk.u32 $0xffff, v12;
	_ =	sdelay $0x5  }
0x24d: {  	v12, _, _ =	vpop (xrf0);
	s0 =	spop (v2sf)  }
0x24e: {  	v12 =	vxor.u32 $0x80000000, v12;
	s30 =	sxor.u32 $0x80000000, s0  }
0x24f: {  	vm2 =	vgt.s32 v12, s30  }
0x250: {  	v12 =	vnsel vm2, s30, v12  }
0x251: {  	v13 =	vxor.u32 $0x80000000, v12  }
0x252: {  	(xrf0) =	vmax.scan.msk.u32 $0xffff, v13;
	_ =	sdelay $0x5  }
0x253: {  	v13, _, _ =	vpop (xrf0)  }
0x254: {  	(v2sf) =	vpush v13, $0xF;
	_ =	sdelay $0x2  }
0x255: {  	v58 =	vld [tilespmem:$0x13C0];
	_ =	sdelay $0x4  }
0x256: {  	v13 =	vxor.u32 $0x80000000, v58  }
0x257: {  	(xrf0) =	vmax.scan.msk.u32 $0xffff, v13;
	_ =	sdelay $0x5  }
0x258: {  	v13, _, _ =	vpop (xrf0);
	s29 =	spop (v2sf)  }
0x259: {  	v13 =	vxor.u32 $0x80000000, v13;
	s30 =	sxor.u32 $0x80000000, s29  }
0x25a: {  	vm2 =	vgt.s32 v13, s30  }
0x25b: {  	v13 =	vnsel vm2, s30, v13  }
0x25c: {  	v14 =	vxor.u32 $0x80000000, v13  }
0x25d: {  	(xrf0) =	vmax.scan.msk.u32 $0xffff, v14;
	_ =	sdelay $0x5  }
0x25e: {  	v14, _, _ =	vpop (xrf0)  }
0x25f: {  	(v2sf) =	vpush v14, $0xF;
	_ =	sdelay $0x2  }
0x260: {  	v59 =	vld [tilespmem:$0x13D0];
	_ =	sdelay $0x4  }
0x261: {  	v14 =	vxor.u32 $0x80000000, v59  }
0x262: {  	(xrf0) =	vmax.scan.msk.u32 $0xffff, v14;
	_ =	sdelay $0x5  }
0x263: {  	v14, _, _ =	vpop (xrf0);
	s31 =	spop (v2sf)  }
0x264: {  	v14 =	vxor.u32 $0x80000000, v14;
	s30 =	sxor.u32 $0x80000000, s31  }
0x265: {  	vm2 =	vgt.s32 v14, s30  }
0x266: {  	v14 =	vnsel vm2, s30, v14  }
0x267: {  	v15 =	vxor.u32 $0x80000000, v14  }
0x268: {  	(xrf0) =	vmax.scan.msk.u32 $0xffff, v15;
	_ =	sdelay $0x5  }
0x269: {  	v15, _, _ =	vpop (xrf0)  }
0x26a: {  	(v2sf) =	vpush v15, $0xF;
	_ =	sdelay $0x2  }
0x26b: {  	v60 =	vld [tilespmem:$0x13E0];
	_ =	sdelay $0x4  }
0x26c: {  	v15 =	vxor.u32 $0x80000000, v60  }
0x26d: {  	(xrf0) =	vmax.scan.msk.u32 $0xffff, v15;
	_ =	sdelay $0x5  }
0x26e: {  	v15, _, _ =	vpop (xrf0);
	s0 =	spop (v2sf)  }
0x26f: {  	v15 =	vxor.u32 $0x80000000, v15;
	s30 =	sxor.u32 $0x80000000, s0  }
0x270: {  	vm2 =	vgt.s32 v15, s30  }
0x271: {  	v15 =	vnsel vm2, s30, v15  }
0x272: {  	v16 =	vxor.u32 $0x80000000, v15  }
0x273: {  	(xrf0) =	vmax.scan.msk.u32 $0xffff, v16;
	_ =	sdelay $0x5  }
0x274: {  	v16, _, _ =	vpop (xrf0)  }
0x275: {  	(v2sf) =	vpush v16, $0xF;
	_ =	sdelay $0x2  }
0x276: {  	v61 =	vld [tilespmem:$0x13F0];
	_ =	sdelay $0x1  }
0x277: {  	[tilespmem:$0x1400] =	vst v10  }
0x278: {  	[tilespmem:$0x1380] =	vst v10  }
0x279: {  	[tilespmem:$0x1410] =	vst v9  }
0x27a: {  	[tilespmem:$0x1390] =	vst v9;
	v9 =	vxor.u32 $0x80000000, v61  }
0x27b: {  	[tilespmem:$0x1420] =	vst v11;
	(xrf0) =	vmax.scan.msk.u32 $0xffff, v9  }
0x27c: {  	[tilespmem:$0x13A0] =	vst v11  }
0x27d: {  	[tilespmem:$0x1430] =	vst v12  }
0x27e: {  	[tilespmem:$0x13B0] =	vst v12  }
0x27f: {  	[tilespmem:$0x1440] =	vst v13  }
0x280: {  	[tilespmem:$0x13C0] =	vst v13  }
0x281: {  	[tilespmem:$0x1450] =	vst v14;
	v9, _, _ =	vpop (xrf0);
	s29 =	spop (v2sf)  }
0x282: {  	[tilespmem:$0x13D0] =	vst v14;
	s0 =	rddreg [dreg:$0xd];
	v9 =	vxor.u32 $0x80000000, v9;
	s30 =	sxor.u32 $0x80000000, s29  }
0x283: {  	v10 =	vmul.u32 $0x2, v0;
	s15 =	sadd.s32 s0, s15;
	[tilespmem:$0x1460] =	vst v15;
	vm2 =	vgt.s32 v9, s30  }
0x284: {  	v11 =	vmov s15;
	[tilespmem:$0x13E0] =	vst v15;
	v9 =	vnsel vm2, s30, v9  }
0x285: {  	v62 =	vor.u32 $0x20, v10;
	vm2 =	vgt.s32 v11, v10;
	[tilespmem:$0x1470] =	vst v9  }
0x286: {  	v63 =	vor.u32 $0x40, v10;
	[tilespmem:$0x13F0] =	vst v9;
	v9 =	vnsel vm2, $0x3F, v0;
	vm2 =	vgt.s32 v11, v62  }
0x287: {  	v10 =	vor.u32 $0x60, v10;
	[tilespmem:$0x1480] =	vst v9;
	v9 =	vnsel vm2, $0x3F, v2;
	vm2 =	vgt.s32 v11, v63  }
0x288: {  	[tilespmem:$0x1490] =	vst v9;
	v9 =	vnsel vm2, $0x3F, v3;
	vm2 =	vgt.s32 v11, v10  }
0x289: {  	[tilespmem:$0x14A0] =	vst v9;
	v9 =	vnsel vm2, $0x3F, v4  }
0x28a: {  	[tilespmem:$0x14B0] =	vst v9;
	v9 =	vld [tilespmem:$0x1380]  }
0x28b: {  	v10 =	vld.idx.msk [tilespmem:v8+s28+$0x0], $0xffff;
	_ =	sdelay $0x4  }
0x28c: {  	vm2 =	vne.s32 v9, v10  }
0x28d: {  	vm2 =	vmand vm2, vm1  }
0x28e: {  	v9 =	vsel vm2, $0x1, v1  }
0x28f: {  	(xrf0) =	vadd.scan.msk.s32 $0xffff, v9;
	_ =	sdelay $0x5  }
0x290: {  	v9, _, _ =	vpop (xrf0)  }
0x291: {  	v10 =	vxor.u32 $0x80000000, v9  }
0x292: {  	(xrf0) =	vmax.scan.msk.u32 $0xffff, v10;
	_ =	sdelay $0x4  }
0x293: {  	v10 =	vadd.s32 $0xF, v0  }
0x294: {  	v11, _, _ =	vpop (xrf0)  }
0x295: {  	(v2sf) =	vpush v11, $0xF;
	_ =	sdelay $0x1  }
0x296: {  	[tilespmem:$0x1500] =	vst v9;
	v9 =	vld [tilespmem:$0x1390]  }
0x297: {  	v10 =	vld.idx.msk [tilespmem:v10+s28+$0x0], $0xffff;
	_ =	sdelay $0x4  }
0x298: {  	vm2 =	vne.s32 v9, v10  }
0x299: {  	v9 =	vsel vm2, $0x1, v1  }
0x29a: {  	(xrf0) =	vadd.scan.msk.s32 $0xffff, v9;
	_ =	sdelay $0x4  }
0x29b: {  	s31 =	spop (v2sf)  }
0x29c: {  	v9, _, _ =	vpop (xrf0);
	s15 =	sxor.u32 $0x80000000, s31  }
0x29d: {  	v9 =	vadd.s32 s15, v9  }
0x29e: {  	v10 =	vxor.u32 $0x80000000, v9  }
0x29f: {  	(xrf0) =	vmax.scan.msk.u32 $0xffff, v10;
	_ =	sdelay $0x4  }
0x2a0: {  	v10 =	vadd.s32 $0x1F, v0  }
0x2a1: {  	v11, _, _ =	vpop (xrf0)  }
0x2a2: {  	(v2sf) =	vpush v11, $0xF;
	_ =	sdelay $0x1  }
0x2a3: {  	[tilespmem:$0x1510] =	vst v9;
	v9 =	vld [tilespmem:$0x13A0]  }
0x2a4: {  	v10 =	vld.idx.msk [tilespmem:v10+s28+$0x0], $0xffff;
	_ =	sdelay $0x4  }
0x2a5: {  	vm2 =	vne.s32 v9, v10  }
0x2a6: {  	v9 =	vsel vm2, $0x1, v1  }
0x2a7: {  	(xrf0) =	vadd.scan.msk.s32 $0xffff, v9;
	_ =	sdelay $0x4  }
0x2a8: {  	s0 =	spop (v2sf)  }
0x2a9: {  	v9, _, _ =	vpop (xrf0);
	s15 =	sxor.u32 $0x80000000, s0  }
0x2aa: {  	v9 =	vadd.s32 s15, v9  }
0x2ab: {  	v10 =	vxor.u32 $0x80000000, v9  }
0x2ac: {  	(xrf0) =	vmax.scan.msk.u32 $0xffff, v10;
	_ =	sdelay $0x4  }
0x2ad: {  	v10 =	vadd.s32 $0x2F, v0  }
0x2ae: {  	v11, _, _ =	vpop (xrf0)  }
0x2af: {  	(v2sf) =	vpush v11, $0xF;
	_ =	sdelay $0x1  }
0x2b0: {  	[tilespmem:$0x1520] =	vst v9;
	v9 =	vld [tilespmem:$0x13B0]  }
0x2b1: {  	v10 =	vld.idx.msk [tilespmem:v10+s28+$0x0], $0xffff;
	_ =	sdelay $0x4  }
0x2b2: {  	vm2 =	vne.s32 v9, v10  }
0x2b3: {  	v9 =	vsel vm2, $0x1, v1  }
0x2b4: {  	(xrf0) =	vadd.scan.msk.s32 $0xffff, v9;
	_ =	sdelay $0x4  }
0x2b5: {  	s29 =	spop (v2sf)  }
0x2b6: {  	v9, _, _ =	vpop (xrf0);
	s15 =	sxor.u32 $0x80000000, s29  }
0x2b7: {  	v9 =	vadd.s32 s15, v9  }
0x2b8: {  	v10 =	vxor.u32 $0x80000000, v9  }
0x2b9: {  	(xrf0) =	vmax.scan.msk.u32 $0xffff, v10;
	_ =	sdelay $0x4  }
0x2ba: {  	v10 =	vadd.s32 $0x3F, v0  }
0x2bb: {  	v11, _, _ =	vpop (xrf0)  }
0x2bc: {  	(v2sf) =	vpush v11, $0xF;
	_ =	sdelay $0x1  }
0x2bd: {  	[tilespmem:$0x1530] =	vst v9;
	v9 =	vld [tilespmem:$0x13C0]  }
0x2be: {  	v10 =	vld.idx.msk [tilespmem:v10+s28+$0x0], $0xffff;
	_ =	sdelay $0x4  }
0x2bf: {  	vm2 =	vne.s32 v9, v10  }
0x2c0: {  	v9 =	vsel vm2, $0x1, v1  }
0x2c1: {  	(xrf0) =	vadd.scan.msk.s32 $0xffff, v9;
	_ =	sdelay $0x4  }
0x2c2: {  	s30 =	spop (v2sf)  }
0x2c3: {  	v9, _, _ =	vpop (xrf0);
	s15 =	sxor.u32 $0x80000000, s30  }
0x2c4: {  	v9 =	vadd.s32 s15, v9  }
0x2c5: {  	v10 =	vxor.u32 $0x80000000, v9  }
0x2c6: {  	(xrf0) =	vmax.scan.msk.u32 $0xffff, v10;
	_ =	sdelay $0x4  }
0x2c7: {  	v10 =	vadd.s32 $0x4F, v0  }
0x2c8: {  	v11, _, _ =	vpop (xrf0)  }
0x2c9: {  	(v2sf) =	vpush v11, $0xF;
	_ =	sdelay $0x1  }
0x2ca: {  	[tilespmem:$0x1540] =	vst v9;
	v9 =	vld [tilespmem:$0x13D0]  }
0x2cb: {  	v10 =	vld.idx.msk [tilespmem:v10+s28+$0x0], $0xffff;
	_ =	sdelay $0x4  }
0x2cc: {  	vm2 =	vne.s32 v9, v10  }
0x2cd: {  	v9 =	vsel vm2, $0x1, v1  }
0x2ce: {  	(xrf0) =	vadd.scan.msk.s32 $0xffff, v9;
	_ =	sdelay $0x4  }
0x2cf: {  	s31 =	spop (v2sf)  }
0x2d0: {  	v9, _, _ =	vpop (xrf0);
	s15 =	sxor.u32 $0x80000000, s31  }
0x2d1: {  	v9 =	vadd.s32 s15, v9  }
0x2d2: {  	v10 =	vxor.u32 $0x80000000, v9  }
0x2d3: {  	(xrf0) =	vmax.scan.msk.u32 $0xffff, v10;
	_ =	sdelay $0x4  }
0x2d4: {  	v10 =	vadd.s32 $0x5F, v0  }
0x2d5: {  	v11, _, _ =	vpop (xrf0)  }
0x2d6: {  	(v2sf) =	vpush v11, $0xF;
	_ =	sdelay $0x1  }
0x2d7: {  	[tilespmem:$0x1550] =	vst v9;
	v9 =	vld [tilespmem:$0x13E0]  }
0x2d8: {  	v10 =	vld.idx.msk [tilespmem:v10+s28+$0x0], $0xffff;
	_ =	sdelay $0x4  }
0x2d9: {  	vm2 =	vne.s32 v9, v10  }
0x2da: {  	v9 =	vsel vm2, $0x1, v1  }
0x2db: {  	(xrf0) =	vadd.scan.msk.s32 $0xffff, v9;
	_ =	sdelay $0x4  }
0x2dc: {  	s0 =	spop (v2sf)  }
0x2dd: {  	v9, _, _ =	vpop (xrf0);
	s15 =	sxor.u32 $0x80000000, s0  }
0x2de: {  	v9 =	vadd.s32 s15, v9  }
0x2df: {  	v10 =	vxor.u32 $0x80000000, v9  }
0x2e0: {  	(xrf0) =	vmax.scan.msk.u32 $0xffff, v10;
	_ =	sdelay $0x4  }
0x2e1: {  	v10 =	vadd.s32 $0x6F, v0  }
0x2e2: {  	v11, _, _ =	vpop (xrf0)  }
0x2e3: {  	(v2sf) =	vpush v11, $0xF;
	_ =	sdelay $0x1  }
0x2e4: {  	[tilespmem:$0x1560] =	vst v9;
	v9 =	vld [tilespmem:$0x13F0]  }
0x2e5: {  	v10 =	vld.idx.msk [tilespmem:v10+s28+$0x0], $0xffff;
	_ =	sdelay $0x4  }
0x2e6: {  	vm2 =	vne.s32 v9, v10  }
0x2e7: {  	v9 =	vsel vm2, $0x1, v1  }
0x2e8: {  	(xrf0) =	vadd.scan.msk.s32 $0xffff, v9;
	_ =	sdelay $0x4  }
0x2e9: {  	s29 =	spop (v2sf)  }
0x2ea: {  	v9, _, _ =	vpop (xrf0);
	s15 =	sxor.u32 $0x80000000, s29  }
0x2eb: {  	v9 =	vadd.s32 s15, v9  }
.Ltmp7:
0x2ec: {  	s30 =	rddreg [dreg:$0x2];
	s31 =	simm.s32 $0x1400;
	[tilespmem:$0x1570] =	vst v9;
	(pc) =	sbr.rel .LBB2_11-.Ltmp7, $4  }
0x2ed: {  	[hbm4b:s30+s3] =	stream.linear.scatter [tilespmem:s31], [sflag:$0x2], $0x180, $0x38;
	[tilespmem:$0x19600] =	vst v63  }
0x2ee: {  	_ =	swait.ge [sflag:s16], $0x180  }
0x2ef: {  	[sflag:s16] =	ssyncset.done $0x0  }
0x2f0: {  	[sflag:s16] =	ssyncadd.s32 $0xFFFFFE80  }
.LBB2_12:
0x2f1: {  	_ =	sfence.sel $0x180000  }
0x2f2: {  	[bflag:$0x0] =	sbarrier.arrive $0xFFFF  }
0x2f3: {  	_ =	strace $0x9000004A  }
0x2f4: {  	s0 =	stileid.u32;
	[bflag:$0x2] =	sbarrier.arrive $0xFFFF  }
0x2f5: {  	p0 =	sne.s32 s0, $0x0;
	s0 =	rddreg [dreg:$0x3]  }
0x2f6: {  	s0 =	sadd.s32 @!p0 $0x100000, s0  }
0x2f7: {  	[sflag:s0] =	ssyncadd.tile.s32 @!p0 $0x1;
	_ =	shalt  }
.Lfunc_end2:
_tile_overlayer_lowered:
.L_overlay_start_2:
0x2f8: {  	(tag) =	ssettag $0x2  }
0x2f9: {  	s0 =	rddreg [dreg:$0x0];
	s2 =	stileid.u32  }
0x2fa: {  	s1 =	rddreg [dreg:$0x1];
	p0 =	sne.s32 s2, $0x0  }
0x2fb: {  	s3 =	rddreg [dreg:$0x2];
	[bflag:$0x3] =	sbarrier.arrive $0xFFFF;
	s2 =	simm.s32 @!p0 $0x1C02  }
0x2fc: {  	[timem:s3], [sflag:s2] =	dma.local @!p0 [hbm:s0], s1  }
0x2fd: {  	s0 =	simm.s32 @!p0 $0x2  }
0x2fe: {  	_ =	swait.ge @!p0 [sflag:s0], s1  }
0x2ff: {  	s1 =	ssub.s32 @!p0 $0x0, s1;
	[sflag:s0] =	ssyncset.done @!p0 $0x0  }
0x300: {  	[sflag:s0] =	ssyncadd.s32 @!p0 s1  }
0x301: {  	[bflag:$0x3] =	sbarrier.arrive $0xFFFF  }
0x302: {  	_ =	shalt  }

</sc_bundles>
